<compile_context>
chip_gen: v7x
topology: tpu7x:2x2x1
jax: 0.10.2.dev20260603
libtpu: 0.0.44.dev20260713+nightly
codegen_flags: <defaults>
</compile_context>

<pallas_src>
import functools

import jax
import jax.numpy as jnp
from jax import lax
from jax.experimental import pallas as pl
from jax.experimental.pallas import tpu as pltpu
from jax.experimental.pallas import tpu_sc as plsc

_DIM = 512
_L = 77
_XPOS = 5
_LPAD = 96
_NC = 2
_NS = 16
_NW = _NC * _NS
_REP = 128
_PLANES_PER_TILE = 3


def _sc_compose(idx_pad, s_star, table, bsz):
    parts = bsz // _REP
    rows_per_tile = bsz // _NW

    @functools.partial(
        pl.kernel,
        out_type=(
            jax.ShapeDtypeStruct((_L, bsz, _DIM), jnp.float32),
            jax.ShapeDtypeStruct((_L, bsz), jnp.int32),
        ),
        mesh=plsc.VectorSubcoreMesh(
            core_axis_name="c", subcore_axis_name="s",
            num_cores=_NC, num_subcores=_NS),
        scratch_types=[
            pltpu.VMEM((_LPAD,), jnp.int32),
            pltpu.VMEM((_LPAD, _DIM), jnp.float32),
            pltpu.VMEM((_REP, _DIM), jnp.float32),
            [pltpu.VMEM((bsz,), jnp.int32) for _ in range(_PLANES_PER_TILE)],
            pltpu.SemaphoreType.DMA,
            pltpu.SemaphoreType.DMA,
            pltpu.SemaphoreType.DMA,
            pltpu.SemaphoreType.DMA,
        ],
    )
    def k(idx_hbm, sstar_hbm, table_hbm, out_hbm, tokb_hbm,
          idx_v, stage, rep, tokreps, sem_g, sem_r, sem_m, sem_t):
        wid = lax.axis_index("s") * _NC + lax.axis_index("c")
        base = wid * rows_per_tile

        pltpu.sync_copy(idx_hbm, idx_v)
        c_emb = pltpu.async_copy(table_hbm.at[idx_v], stage, sem_g)
        pltpu.async_copy(
            sstar_hbm.at[pl.ds(base, _REP)], rep, sem_t).wait()
        relay = pltpu.async_copy(
            rep, out_hbm.at[_XPOS, pl.ds(base, _REP)], sem_r)
        c_emb.wait()

        def fill_rep(p, rep):
            vecs = [stage[p, pl.ds(16 * i, 16)] for i in range(_DIM // 16)]

            def body(r, carry):
                for i, v in enumerate(vecs):
                    rep[r, pl.ds(16 * i, 16)] = v
                return carry

            lax.fori_loop(0, _REP, body, 0)

        tok_state = []
        plane_state = {}
        for kk in range(_PLANES_PER_TILE):
            p = wid + _NW * kk
            pred = jnp.logical_and(p < _L, p != _XPOS)

            if kk == 0:
                relay.wait()
            else:
                prev_pred, prev_pend = plane_state[kk - 1]

                @pl.when(prev_pred)
                def _():
                    for d in prev_pend:
                        d.wait()

            pend = []

            @pl.when(pred)
            def _():
                fill_rep(p, rep)
                for j in range(parts):
                    pend.append(pltpu.async_copy(
                        rep, out_hbm.at[p, pl.ds(_REP * j, _REP)], sem_m))

            plane_state[kk] = (pred, pend)

            tpred = p < _L
            tpend = []

            @pl.when(tpred)
            def _():
                tvec = idx_v[pl.ds(p, 16)]
                tsplat = jnp.full((16,), tvec[0], dtype=jnp.int32)
                tokrep = tokreps[kk]

                def tbody(r, carry):
                    tokrep[pl.ds(16 * r, 16)] = tsplat
                    return carry

                lax.fori_loop(0, bsz // 16, tbody, 0)
                tpend.append(pltpu.async_copy(tokrep, tokb_hbm.at[p], sem_t))

            tok_state.append((tpred, tpend))

        for kk in range(_PLANES_PER_TILE - 1, _PLANES_PER_TILE):
            pred, pend = plane_state[kk]

            @pl.when(pred)
            def _():
                for d in pend:
                    d.wait()

        for tpred, tpend in tok_state:
            @pl.when(tpred)
            def _():
                for d in tpend:
                    d.wait()

    return k(idx_pad, s_star, table)


def kernel(s_star, table, tokenized):
    bsz = s_star.shape[0]
    tok = tokenized.reshape(_L).astype(jnp.int32)
    idx_pad = jnp.pad(tok, (0, _LPAD - _L))
    p77, t77 = _sc_compose(idx_pad, s_star.astype(jnp.float32), table, bsz)
    return jnp.transpose(p77, (1, 0, 2)), jnp.transpose(t77, (1, 0))

# --- scband reference (transcript-rebuilt; emitter-appended) ---
"""Pipeline reference for scband-prompt-composer-55576876810400 (READ-ONLY COPY).

The authoritative reference and input builder live on the scoring server;
editing this copy changes nothing except your own understanding.
"""

import jax, jax.numpy as jnp
import numpy as np

VOCAB = 49408
DIM = 512
L = 77
B = 4096
X_POS = 5  # position of placeholder token 'X' in 'a photo of a X person' (after SOT)


def setup_inputs(seed: int = 0) -> dict:
    key = jax.random.key(seed)
    k1, k2, k3 = jax.random.split(key, 3)
    s_star = jax.random.normal(k1, (B, DIM), dtype=jnp.float32)
    table = jax.random.normal(k2, (VOCAB, DIM), dtype=jnp.float32) * 0.02
    tokenized = jax.random.randint(k3, (1, L), 0, VOCAB, dtype=jnp.int32)
    return {"s_star": s_star, "table": table, "tokenized": tokenized}


def reference(s_star, table, tokenized):
    # embedding lookup of the tokenized composed prompt: (1, L, DIM)
    embed_composed = jnp.take(table, tokenized, axis=0)
    bsz = s_star.shape[0]
    s_star = s_star.astype(embed_composed.dtype)
    prefix = jnp.broadcast_to(embed_composed[:, :X_POS, :], (bsz, X_POS, DIM))
    suffix = jnp.broadcast_to(embed_composed[:, X_POS + 1:, :], (bsz, L - X_POS - 1, DIM))
    prompts = jnp.concatenate([prefix, s_star[:, None, :], suffix], axis=1)
    tokenized_b = jnp.broadcast_to(tokenized, (bsz, L))
    return prompts, tokenized_b

if __name__ == "__main__":
    import jax
    _d = setup_inputs()
    print(jax.jit(kernel)(*tuple(_d.values())))

</pallas_src>

<mosaic_0001>
#map = affine_map<(d0, d1) -> (0)>
#map1 = affine_map<(d0, d1) -> (0, 0)>
#map2 = affine_map<(d0, d1) -> (0, 0, 0)>
module attributes {stable_mosaic.version = 14 : i64} {
  func.func @k(%arg0: i32, %arg1: i32, %arg2: memref<96xi32, #tpu.memory_space<hbm>>, %arg3: memref<4096x512xf32, #tpu.memory_space<hbm>>, %arg4: memref<49408x512xf32, #tpu.memory_space<hbm>>, %arg5: memref<77x4096x512xf32, #tpu.memory_space<hbm>>, %arg6: memref<77x4096xi32, #tpu.memory_space<hbm>>, %arg7: memref<96xi32, #tpu.memory_space<vmem>>, %arg8: memref<96x512xf32, #tpu.memory_space<vmem>>, %arg9: memref<128x512xf32, #tpu.memory_space<vmem>>, %arg10: memref<4096xi32, #tpu.memory_space<vmem>>, %arg11: memref<4096xi32, #tpu.memory_space<vmem>>, %arg12: memref<4096xi32, #tpu.memory_space<vmem>>, %arg13: memref<!tpu.dma_semaphore, #tpu.memory_space<semaphore_mem>>, %arg14: memref<!tpu.dma_semaphore, #tpu.memory_space<semaphore_mem>>, %arg15: memref<!tpu.dma_semaphore, #tpu.memory_space<semaphore_mem>>, %arg16: memref<!tpu.dma_semaphore, #tpu.memory_space<semaphore_mem>>) attributes {dimension_semantics = [#tpu.dimension_semantics<core_parallel>, #tpu.dimension_semantics<subcore_parallel>], iteration_bounds = array<i64: 2, 16>, scalar_prefetch = 0 : i64, scratch_operands = 10 : i64, tpu.core_type = #tpu.core_type<sc_vector_subcore>, window_params = [{transform_indices = #map}, {transform_indices = #map1}, {transform_indices = #map1}, {transform_indices = #map2}, {transform_indices = #map1}]} {
    %mul3A = arith.constant 2 : i32
    %mul3A_0 = arith.muli %arg1, %mul3A : i32
    %add3A = arith.addi %mul3A_0, %arg0 : i32
    %mul3A_1 = arith.constant 128 : i32
    %mul3A_2 = arith.muli %add3A, %mul3A_1 : i32
    "tpu.region"() ({
      %run_scoped3A = tpu.sem_alloc : memref<!tpu.dma_semaphore, #tpu.memory_space<semaphore_mem>>
      tpu.enqueue_dma source(%arg2 : memref<96xi32, #tpu.memory_space<hbm>>) target(%arg7 : memref<96xi32, #tpu.memory_space<vmem>>) target_semaphore(%run_scoped3A : memref<!tpu.dma_semaphore, #tpu.memory_space<semaphore_mem>>)
      tpu.wait_dma2 semaphore(%run_scoped3A : memref<!tpu.dma_semaphore, #tpu.memory_space<semaphore_mem>>) src(%arg2 : memref<96xi32, #tpu.memory_space<hbm>>) dst(%arg7 : memref<96xi32, #tpu.memory_space<vmem>>)
      tpu.yield
    }) : () -> ()
    %dma_start3A = arith.constant 0 : i32
    %dma_start3A_3 = arith.constant 0 : i32
    %dma_start3A_4 = tpu.memref_slice %arg4[%dma_start3A, %dma_start3A_3] : memref<49408x512xf32, #tpu.memory_space<hbm>> -> memref<49408x512xf32, #tpu.memory_space<hbm>>
    tpu.enqueue_indirect_dma source(%dma_start3A_4 : memref<49408x512xf32, #tpu.memory_space<hbm>>) target(%arg8 : memref<96x512xf32, #tpu.memory_space<vmem>>) offsets(%arg7 : memref<96xi32, #tpu.memory_space<vmem>>) semaphore(%arg13 : memref<!tpu.dma_semaphore, #tpu.memory_space<semaphore_mem>>)
    %dma_start3A_5 = arith.constant 0 : i32
    %dma_start3A_6 = tpu.memref_slice %arg3[%mul3A_2, %dma_start3A_5] : memref<4096x512xf32, #tpu.memory_space<hbm>> -> memref<128x512xf32, #tpu.memory_space<hbm>>
    %dma_start3A_7 = arith.constant 0 : i32
    %dma_start3A_8 = tpu.memref_slice %arg3[%mul3A_2, %dma_start3A_7] : memref<4096x512xf32, #tpu.memory_space<hbm>> -> memref<128x512xf32, #tpu.memory_space<hbm>>
    tpu.enqueue_dma source(%dma_start3A_8 : memref<128x512xf32, #tpu.memory_space<hbm>>) target(%arg9 : memref<128x512xf32, #tpu.memory_space<vmem>>) target_semaphore(%arg16 : memref<!tpu.dma_semaphore, #tpu.memory_space<semaphore_mem>>)
    %dma_wait3A = arith.constant 0 : i32
    %dma_wait3A_9 = tpu.memref_slice %arg3[%mul3A_2, %dma_wait3A] : memref<4096x512xf32, #tpu.memory_space<hbm>> -> memref<128x512xf32, #tpu.memory_space<hbm>>
    %dma_wait3A_10 = arith.constant 0 : i32
    %dma_wait3A_11 = tpu.memref_slice %arg3[%mul3A_2, %dma_wait3A_10] : memref<4096x512xf32, #tpu.memory_space<hbm>> -> memref<128x512xf32, #tpu.memory_space<hbm>>
    tpu.wait_dma2 semaphore(%arg16 : memref<!tpu.dma_semaphore, #tpu.memory_space<semaphore_mem>>) src(%dma_wait3A_11 : memref<128x512xf32, #tpu.memory_space<hbm>>) dst(%arg9 : memref<128x512xf32, #tpu.memory_space<vmem>>)
    %dma_start3A_12 = arith.constant 5 : i32
    %dma_start3A_13 = arith.constant 0 : i32
    %dma_start3A_14 = tpu.memref_slice %arg5[%dma_start3A_12, %mul3A_2, %dma_start3A_13] : memref<77x4096x512xf32, #tpu.memory_space<hbm>> -> memref<1x128x512xf32, #tpu.memory_space<hbm>>
    %dma_start3A_15 = tpu.memref_squeeze %dma_start3A_14 : memref<1x128x512xf32, #tpu.memory_space<hbm>> -> memref<128x512xf32, #tpu.memory_space<hbm>>
    %dma_start3A_16 = arith.constant 0 : i32
    %dma_start3A_17 = tpu.memref_slice %arg5[%dma_start3A_12, %mul3A_2, %dma_start3A_16] : memref<77x4096x512xf32, #tpu.memory_space<hbm>> -> memref<1x128x512xf32, #tpu.memory_space<hbm>>
    %dma_start3A_18 = tpu.memref_squeeze %dma_start3A_17 : memref<1x128x512xf32, #tpu.memory_space<hbm>> -> memref<128x512xf32, #tpu.memory_space<hbm>>
    tpu.enqueue_dma source(%arg9 : memref<128x512xf32, #tpu.memory_space<vmem>>) target(%dma_start3A_18 : memref<128x512xf32, #tpu.memory_space<hbm>>) target_semaphore(%arg14 : memref<!tpu.dma_semaphore, #tpu.memory_space<semaphore_mem>>)
    %dma_wait3A_19 = arith.constant 0 : i32
    %dma_wait3A_20 = arith.constant 0 : i32
    %dma_wait3A_21 = tpu.memref_slice %arg4[%dma_wait3A_19, %dma_wait3A_20] : memref<49408x512xf32, #tpu.memory_space<hbm>> -> memref<49408x512xf32, #tpu.memory_space<hbm>>
    tpu.wait_indirect_dma semaphore(%arg13 : memref<!tpu.dma_semaphore, #tpu.memory_space<semaphore_mem>>) src(%dma_wait3A_21 : memref<49408x512xf32, #tpu.memory_space<hbm>>) dst(%arg8 : memref<96x512xf32, #tpu.memory_space<vmem>>)
    %add3A_22 = arith.constant 0 : i32
    %add3A_23 = arith.addi %add3A, %add3A_22 : i32
    %lt3A = arith.constant 77 : i32
    %lt3A_24 = arith.cmpi slt, %add3A_23, %lt3A : i32
    %ne3A = arith.constant 5 : i32
    %ne3A_25 = arith.cmpi ne, %add3A_23, %ne3A : i32
    %and3A = arith.andi %lt3A_24, %ne3A_25 : i1
    %dma_wait3A_26 = arith.constant 5 : i32
    %dma_wait3A_27 = arith.constant 0 : i32
    %dma_wait3A_28 = tpu.memref_slice %arg5[%dma_wait3A_26, %mul3A_2, %dma_wait3A_27] : memref<77x4096x512xf32, #tpu.memory_space<hbm>> -> memref<1x128x512xf32, #tpu.memory_space<hbm>>
    %dma_wait3A_29 = tpu.memref_squeeze %dma_wait3A_28 : memref<1x128x512xf32, #tpu.memory_space<hbm>> -> memref<128x512xf32, #tpu.memory_space<hbm>>
    %dma_wait3A_30 = arith.constant 0 : i32
    %dma_wait3A_31 = tpu.memref_slice %arg5[%dma_wait3A_26, %mul3A_2, %dma_wait3A_30] : memref<77x4096x512xf32, #tpu.memory_space<hbm>> -> memref<1x128x512xf32, #tpu.memory_space<hbm>>
    %dma_wait3A_32 = tpu.memref_squeeze %dma_wait3A_31 : memref<1x128x512xf32, #tpu.memory_space<hbm>> -> memref<128x512xf32, #tpu.memory_space<hbm>>
    tpu.wait_dma2 semaphore(%arg14 : memref<!tpu.dma_semaphore, #tpu.memory_space<semaphore_mem>>) src(%arg9 : memref<128x512xf32, #tpu.memory_space<vmem>>) dst(%dma_wait3A_32 : memref<128x512xf32, #tpu.memory_space<hbm>>)
    %convert_element_type3A = arith.extui %and3A : i1 to i32
    %cond3A = arith.constant 0 : i32
    %cond3A_33 = arith.cmpi ne, %convert_element_type3A, %cond3A : i32
    scf.if %cond3A_33 {
      %get3A = arith.index_cast %add3A_23 : i32 to index
      %get3A_87 = arith.constant 0 : index
      %get3A_88 = tpu.vector_load %arg8[%get3A, %get3A_87] {strides = array<i32>} : memref<96x512xf32, #tpu.memory_space<vmem>>, vector<1x16xf32>,
      %get3A_89 = vector.shape_cast %get3A_88 : vector<1x16xf32> to vector<16xf32>
      %get3A_90 = arith.index_cast %add3A_23 : i32 to index
      %get3A_91 = arith.constant 16 : index
      %get3A_92 = tpu.vector_load %arg8[%get3A_90, %get3A_91] {strides = array<i32>} : memref<96x512xf32, #tpu.memory_space<vmem>>, vector<1x16xf32>,
      %get3A_93 = vector.shape_cast %get3A_92 : vector<1x16xf32> to vector<16xf32>
      %get3A_94 = arith.index_cast %add3A_23 : i32 to index
      %get3A_95 = arith.constant 32 : index
      %get3A_96 = tpu.vector_load %arg8[%get3A_94, %get3A_95] {strides = array<i32>} : memref<96x512xf32, #tpu.memory_space<vmem>>, vector<1x16xf32>,
      %get3A_97 = vector.shape_cast %get3A_96 : vector<1x16xf32> to vector<16xf32>
      %get3A_98 = arith.index_cast %add3A_23 : i32 to index
      %get3A_99 = arith.constant 48 : index
      %get3A_100 = tpu.vector_load %arg8[%get3A_98, %get3A_99] {strides = array<i32>} : memref<96x512xf32, #tpu.memory_space<vmem>>, vector<1x16xf32>,
      %get3A_101 = vector.shape_cast %get3A_100 : vector<1x16xf32> to vector<16xf32>
      %get3A_102 = arith.index_cast %add3A_23 : i32 to index
      %get3A_103 = arith.constant 64 : index
      %get3A_104 = tpu.vector_load %arg8[%get3A_102, %get3A_103] {strides = array<i32>} : memref<96x512xf32, #tpu.memory_space<vmem>>, vector<1x16xf32>,
      %get3A_105 = vector.shape_cast %get3A_104 : vector<1x16xf32> to vector<16xf32>
      %get3A_106 = arith.index_cast %add3A_23 : i32 to index
      %get3A_107 = arith.constant 80 : index
      %get3A_108 = tpu.vector_load %arg8[%get3A_106, %get3A_107] {strides = array<i32>} : memref<96x512xf32, #tpu.memory_space<vmem>>, vector<1x16xf32>,
      %get3A_109 = vector.shape_cast %get3A_108 : vector<1x16xf32> to vector<16xf32>
      %get3A_110 = arith.index_cast %add3A_23 : i32 to index
      %get3A_111 = arith.constant 96 : index
      %get3A_112 = tpu.vector_load %arg8[%get3A_110, %get3A_111] {strides = array<i32>} : memref<96x512xf32, #tpu.memory_space<vmem>>, vector<1x16xf32>,
      %get3A_113 = vector.shape_cast %get3A_112 : vector<1x16xf32> to vector<16xf32>
      %get3A_114 = arith.index_cast %add3A_23 : i32 to index
      %get3A_115 = arith.constant 112 : index
      %get3A_116 = tpu.vector_load %arg8[%get3A_114, %get3A_115] {strides = array<i32>} : memref<96x512xf32, #tpu.memory_space<vmem>>, vector<1x16xf32>,
      %get3A_117 = vector.shape_cast %get3A_116 : vector<1x16xf32> to vector<16xf32>
      %get3A_118 = arith.index_cast %add3A_23 : i32 to index
      %get3A_119 = arith.constant 128 : index
      %get3A_120 = tpu.vector_load %arg8[%get3A_118, %get3A_119] {strides = array<i32>} : memref<96x512xf32, #tpu.memory_space<vmem>>, vector<1x16xf32>,
      %get3A_121 = vector.shape_cast %get3A_120 : vector<1x16xf32> to vector<16xf32>
      %get3A_122 = arith.index_cast %add3A_23 : i32 to index
      %get3A_123 = arith.constant 144 : index
      %get3A_124 = tpu.vector_load %arg8[%get3A_122, %get3A_123] {strides = array<i32>} : memref<96x512xf32, #tpu.memory_space<vmem>>, vector<1x16xf32>,
      %get3A_125 = vector.shape_cast %get3A_124 : vector<1x16xf32> to vector<16xf32>
      %get3A_126 = arith.index_cast %add3A_23 : i32 to index
      %get3A_127 = arith.constant 160 : index
      %get3A_128 = tpu.vector_load %arg8[%get3A_126, %get3A_127] {strides = array<i32>} : memref<96x512xf32, #tpu.memory_space<vmem>>, vector<1x16xf32>,
      %get3A_129 = vector.shape_cast %get3A_128 : vector<1x16xf32> to vector<16xf32>
      %get3A_130 = arith.index_cast %add3A_23 : i32 to index
      %get3A_131 = arith.constant 176 : index
      %get3A_132 = tpu.vector_load %arg8[%get3A_130, %get3A_131] {strides = array<i32>} : memref<96x512xf32, #tpu.memory_space<vmem>>, vector<1x16xf32>,
      %get3A_133 = vector.shape_cast %get3A_132 : vector<1x16xf32> to vector<16xf32>
      %get3A_134 = arith.index_cast %add3A_23 : i32 to index
      %get3A_135 = arith.constant 192 : index
      %get3A_136 = tpu.vector_load %arg8[%get3A_134, %get3A_135] {strides = array<i32>} : memref<96x512xf32, #tpu.memory_space<vmem>>, vector<1x16xf32>,
      %get3A_137 = vector.shape_cast %get3A_136 : vector<1x16xf32> to vector<16xf32>
      %get3A_138 = arith.index_cast %add3A_23 : i32 to index
      %get3A_139 = arith.constant 208 : index
      %get3A_140 = tpu.vector_load %arg8[%get3A_138, %get3A_139] {strides = array<i32>} : memref<96x512xf32, #tpu.memory_space<vmem>>, vector<1x16xf32>,
      %get3A_141 = vector.shape_cast %get3A_140 : vector<1x16xf32> to vector<16xf32>
      %get3A_142 = arith.index_cast %add3A_23 : i32 to index
      %get3A_143 = arith.constant 224 : index
      %get3A_144 = tpu.vector_load %arg8[%get3A_142, %get3A_143] {strides = array<i32>} : memref<96x512xf32, #tpu.memory_space<vmem>>, vector<1x16xf32>,
      %get3A_145 = vector.shape_cast %get3A_144 : vector<1x16xf32> to vector<16xf32>
      %get3A_146 = arith.index_cast %add3A_23 : i32 to index
      %get3A_147 = arith.constant 240 : index
      %get3A_148 = tpu.vector_load %arg8[%get3A_146, %get3A_147] {strides = array<i32>} : memref<96x512xf32, #tpu.memory_space<vmem>>, vector<1x16xf32>,
      %get3A_149 = vector.shape_cast %get3A_148 : vector<1x16xf32> to vector<16xf32>
      %get3A_150 = arith.index_cast %add3A_23 : i32 to index
      %get3A_151 = arith.constant 256 : index
      %get3A_152 = tpu.vector_load %arg8[%get3A_150, %get3A_151] {strides = array<i32>} : memref<96x512xf32, #tpu.memory_space<vmem>>, vector<1x16xf32>,
      %get3A_153 = vector.shape_cast %get3A_152 : vector<1x16xf32> to vector<16xf32>
      %get3A_154 = arith.index_cast %add3A_23 : i32 to index
      %get3A_155 = arith.constant 272 : index
      %get3A_156 = tpu.vector_load %arg8[%get3A_154, %get3A_155] {strides = array<i32>} : memref<96x512xf32, #tpu.memory_space<vmem>>, vector<1x16xf32>,
      %get3A_157 = vector.shape_cast %get3A_156 : vector<1x16xf32> to vector<16xf32>
      %get3A_158 = arith.index_cast %add3A_23 : i32 to index
      %get3A_159 = arith.constant 288 : index
      %get3A_160 = tpu.vector_load %arg8[%get3A_158, %get3A_159] {strides = array<i32>} : memref<96x512xf32, #tpu.memory_space<vmem>>, vector<1x16xf32>,
      %get3A_161 = vector.shape_cast %get3A_160 : vector<1x16xf32> to vector<16xf32>
      %get3A_162 = arith.index_cast %add3A_23 : i32 to index
      %get3A_163 = arith.constant 304 : index
      %get3A_164 = tpu.vector_load %arg8[%get3A_162, %get3A_163] {strides = array<i32>} : memref<96x512xf32, #tpu.memory_space<vmem>>, vector<1x16xf32>,
      %get3A_165 = vector.shape_cast %get3A_164 : vector<1x16xf32> to vector<16xf32>
      %get3A_166 = arith.index_cast %add3A_23 : i32 to index
      %get3A_167 = arith.constant 320 : index
      %get3A_168 = tpu.vector_load %arg8[%get3A_166, %get3A_167] {strides = array<i32>} : memref<96x512xf32, #tpu.memory_space<vmem>>, vector<1x16xf32>,
      %get3A_169 = vector.shape_cast %get3A_168 : vector<1x16xf32> to vector<16xf32>
      %get3A_170 = arith.index_cast %add3A_23 : i32 to index
      %get3A_171 = arith.constant 336 : index
      %get3A_172 = tpu.vector_load %arg8[%get3A_170, %get3A_171] {strides = array<i32>} : memref<96x512xf32, #tpu.memory_space<vmem>>, vector<1x16xf32>,
      %get3A_173 = vector.shape_cast %get3A_172 : vector<1x16xf32> to vector<16xf32>
      %get3A_174 = arith.index_cast %add3A_23 : i32 to index
      %get3A_175 = arith.constant 352 : index
      %get3A_176 = tpu.vector_load %arg8[%get3A_174, %get3A_175] {strides = array<i32>} : memref<96x512xf32, #tpu.memory_space<vmem>>, vector<1x16xf32>,
      %get3A_177 = vector.shape_cast %get3A_176 : vector<1x16xf32> to vector<16xf32>
      %get3A_178 = arith.index_cast %add3A_23 : i32 to index
      %get3A_179 = arith.constant 368 : index
      %get3A_180 = tpu.vector_load %arg8[%get3A_178, %get3A_179] {strides = array<i32>} : memref<96x512xf32, #tpu.memory_space<vmem>>, vector<1x16xf32>,
      %get3A_181 = vector.shape_cast %get3A_180 : vector<1x16xf32> to vector<16xf32>
      %get3A_182 = arith.index_cast %add3A_23 : i32 to index
      %get3A_183 = arith.constant 384 : index
      %get3A_184 = tpu.vector_load %arg8[%get3A_182, %get3A_183] {strides = array<i32>} : memref<96x512xf32, #tpu.memory_space<vmem>>, vector<1x16xf32>,
      %get3A_185 = vector.shape_cast %get3A_184 : vector<1x16xf32> to vector<16xf32>
      %get3A_186 = arith.index_cast %add3A_23 : i32 to index
      %get3A_187 = arith.constant 400 : index
      %get3A_188 = tpu.vector_load %arg8[%get3A_186, %get3A_187] {strides = array<i32>} : memref<96x512xf32, #tpu.memory_space<vmem>>, vector<1x16xf32>,
      %get3A_189 = vector.shape_cast %get3A_188 : vector<1x16xf32> to vector<16xf32>
      %get3A_190 = arith.index_cast %add3A_23 : i32 to index
      %get3A_191 = arith.constant 416 : index
      %get3A_192 = tpu.vector_load %arg8[%get3A_190, %get3A_191] {strides = array<i32>} : memref<96x512xf32, #tpu.memory_space<vmem>>, vector<1x16xf32>,
      %get3A_193 = vector.shape_cast %get3A_192 : vector<1x16xf32> to vector<16xf32>
      %get3A_194 = arith.index_cast %add3A_23 : i32 to index
      %get3A_195 = arith.constant 432 : index
      %get3A_196 = tpu.vector_load %arg8[%get3A_194, %get3A_195] {strides = array<i32>} : memref<96x512xf32, #tpu.memory_space<vmem>>, vector<1x16xf32>,
      %get3A_197 = vector.shape_cast %get3A_196 : vector<1x16xf32> to vector<16xf32>
      %get3A_198 = arith.index_cast %add3A_23 : i32 to index
      %get3A_199 = arith.constant 448 : index
      %get3A_200 = tpu.vector_load %arg8[%get3A_198, %get3A_199] {strides = array<i32>} : memref<96x512xf32, #tpu.memory_space<vmem>>, vector<1x16xf32>,
      %get3A_201 = vector.shape_cast %get3A_200 : vector<1x16xf32> to vector<16xf32>
      %get3A_202 = arith.index_cast %add3A_23 : i32 to index
      %get3A_203 = arith.constant 464 : index
      %get3A_204 = tpu.vector_load %arg8[%get3A_202, %get3A_203] {strides = array<i32>} : memref<96x512xf32, #tpu.memory_space<vmem>>, vector<1x16xf32>,
      %get3A_205 = vector.shape_cast %get3A_204 : vector<1x16xf32> to vector<16xf32>
      %get3A_206 = arith.index_cast %add3A_23 : i32 to index
      %get3A_207 = arith.constant 480 : index
      %get3A_208 = tpu.vector_load %arg8[%get3A_206, %get3A_207] {strides = array<i32>} : memref<96x512xf32, #tpu.memory_space<vmem>>, vector<1x16xf32>,
      %get3A_209 = vector.shape_cast %get3A_208 : vector<1x16xf32> to vector<16xf32>
      %get3A_210 = arith.index_cast %add3A_23 : i32 to index
      %get3A_211 = arith.constant 496 : index
      %get3A_212 = tpu.vector_load %arg8[%get3A_210, %get3A_211] {strides = array<i32>} : memref<96x512xf32, #tpu.memory_space<vmem>>, vector<1x16xf32>,
      %get3A_213 = vector.shape_cast %get3A_212 : vector<1x16xf32> to vector<16xf32>
      %scan3A = arith.constant 0 : i32
      %scan3A_214 = arith.constant 0 : i32
      %scan3A_215 = arith.constant 128 : i32
      %scan3A_216 = arith.addi %scan3A_214, %scan3A_215 : i32
      %scan3A_217 = arith.constant 1 : i32
      scf.for %scan3A_475 = %scan3A_214 to %scan3A_216 step %scan3A_217  : i32 {
        %swap3A = arith.index_cast %scan3A_475 : i32 to index
        %swap3A_476 = arith.constant 0 : index
        %swap3A_477 = tpu.vector_load %arg9[%swap3A, %swap3A_476] {strides = array<i32>} : memref<128x512xf32, #tpu.memory_space<vmem>>, vector<1x16xf32>,
        %swap3A_478 = vector.shape_cast %swap3A_477 : vector<1x16xf32> to vector<16xf32>
        %swap3A_479 = vector.shape_cast %get3A_89 : vector<16xf32> to vector<1x16xf32>
        tpu.vector_store %arg9[%swap3A, %swap3A_476], %swap3A_479 {strides = array<i32>} : memref<128x512xf32, #tpu.memory_space<vmem>>, vector<1x16xf32>,
        %swap3A_480 = arith.index_cast %scan3A_475 : i32 to index
        %swap3A_481 = arith.constant 16 : index
        %swap3A_482 = tpu.vector_load %arg9[%swap3A_480, %swap3A_481] {strides = array<i32>} : memref<128x512xf32, #tpu.memory_space<vmem>>, vector<1x16xf32>,
        %swap3A_483 = vector.shape_cast %swap3A_482 : vector<1x16xf32> to vector<16xf32>
        %swap3A_484 = vector.shape_cast %get3A_93 : vector<16xf32> to vector<1x16xf32>
        tpu.vector_store %arg9[%swap3A_480, %swap3A_481], %swap3A_484 {strides = array<i32>} : memref<128x512xf32, #tpu.memory_space<vmem>>, vector<1x16xf32>,
        %swap3A_485 = arith.index_cast %scan3A_475 : i32 to index
        %swap3A_486 = arith.constant 32 : index
        %swap3A_487 = tpu.vector_load %arg9[%swap3A_485, %swap3A_486] {strides = array<i32>} : memref<128x512xf32, #tpu.memory_space<vmem>>, vector<1x16xf32>,
        %swap3A_488 = vector.shape_cast %swap3A_487 : vector<1x16xf32> to vector<16xf32>
        %swap3A_489 = vector.shape_cast %get3A_97 : vector<16xf32> to vector<1x16xf32>
        tpu.vector_store %arg9[%swap3A_485, %swap3A_486], %swap3A_489 {strides = array<i32>} : memref<128x512xf32, #tpu.memory_space<vmem>>, vector<1x16xf32>,
        %swap3A_490 = arith.index_cast %scan3A_475 : i32 to index
        %swap3A_491 = arith.constant 48 : index
        %swap3A_492 = tpu.vector_load %arg9[%swap3A_490, %swap3A_491] {strides = array<i32>} : memref<128x512xf32, #tpu.memory_space<vmem>>, vector<1x16xf32>,
        %swap3A_493 = vector.shape_cast %swap3A_492 : vector<1x16xf32> to vector<16xf32>
        %swap3A_494 = vector.shape_cast %get3A_101 : vector<16xf32> to vector<1x16xf32>
        tpu.vector_store %arg9[%swap3A_490, %swap3A_491], %swap3A_494 {strides = array<i32>} : memref<128x512xf32, #tpu.memory_space<vmem>>, vector<1x16xf32>,
        %swap3A_495 = arith.index_cast %scan3A_475 : i32 to index
        %swap3A_496 = arith.constant 64 : index
        %swap3A_497 = tpu.vector_load %arg9[%swap3A_495, %swap3A_496] {strides = array<i32>} : memref<128x512xf32, #tpu.memory_space<vmem>>, vector<1x16xf32>,
        %swap3A_498 = vector.shape_cast %swap3A_497 : vector<1x16xf32> to vector<16xf32>
        %swap3A_499 = vector.shape_cast %get3A_105 : vector<16xf32> to vector<1x16xf32>
        tpu.vector_store %arg9[%swap3A_495, %swap3A_496], %swap3A_499 {strides = array<i32>} : memref<128x512xf32, #tpu.memory_space<vmem>>, vector<1x16xf32>,
        %swap3A_500 = arith.index_cast %scan3A_475 : i32 to index
        %swap3A_501 = arith.constant 80 : index
        %swap3A_502 = tpu.vector_load %arg9[%swap3A_500, %swap3A_501] {strides = array<i32>} : memref<128x512xf32, #tpu.memory_space<vmem>>, vector<1x16xf32>,
        %swap3A_503 = vector.shape_cast %swap3A_502 : vector<1x16xf32> to vector<16xf32>
        %swap3A_504 = vector.shape_cast %get3A_109 : vector<16xf32> to vector<1x16xf32>
        tpu.vector_store %arg9[%swap3A_500, %swap3A_501], %swap3A_504 {strides = array<i32>} : memref<128x512xf32, #tpu.memory_space<vmem>>, vector<1x16xf32>,
        %swap3A_505 = arith.index_cast %scan3A_475 : i32 to index
        %swap3A_506 = arith.constant 96 : index
        %swap3A_507 = tpu.vector_load %arg9[%swap3A_505, %swap3A_506] {strides = array<i32>} : memref<128x512xf32, #tpu.memory_space<vmem>>, vector<1x16xf32>,
        %swap3A_508 = vector.shape_cast %swap3A_507 : vector<1x16xf32> to vector<16xf32>
        %swap3A_509 = vector.shape_cast %get3A_113 : vector<16xf32> to vector<1x16xf32>
        tpu.vector_store %arg9[%swap3A_505, %swap3A_506], %swap3A_509 {strides = array<i32>} : memref<128x512xf32, #tpu.memory_space<vmem>>, vector<1x16xf32>,
        %swap3A_510 = arith.index_cast %scan3A_475 : i32 to index
        %swap3A_511 = arith.constant 112 : index
        %swap3A_512 = tpu.vector_load %arg9[%swap3A_510, %swap3A_511] {strides = array<i32>} : memref<128x512xf32, #tpu.memory_space<vmem>>, vector<1x16xf32>,
        %swap3A_513 = vector.shape_cast %swap3A_512 : vector<1x16xf32> to vector<16xf32>
        %swap3A_514 = vector.shape_cast %get3A_117 : vector<16xf32> to vector<1x16xf32>
        tpu.vector_store %arg9[%swap3A_510, %swap3A_511], %swap3A_514 {strides = array<i32>} : memref<128x512xf32, #tpu.memory_space<vmem>>, vector<1x16xf32>,
        %swap3A_515 = arith.index_cast %scan3A_475 : i32 to index
        %swap3A_516 = arith.constant 128 : index
        %swap3A_517 = tpu.vector_load %arg9[%swap3A_515, %swap3A_516] {strides = array<i32>} : memref<128x512xf32, #tpu.memory_space<vmem>>, vector<1x16xf32>,
        %swap3A_518 = vector.shape_cast %swap3A_517 : vector<1x16xf32> to vector<16xf32>
        %swap3A_519 = vector.shape_cast %get3A_121 : vector<16xf32> to vector<1x16xf32>
        tpu.vector_store %arg9[%swap3A_515, %swap3A_516], %swap3A_519 {strides = array<i32>} : memref<128x512xf32, #tpu.memory_space<vmem>>, vector<1x16xf32>,
        %swap3A_520 = arith.index_cast %scan3A_475 : i32 to index
        %swap3A_521 = arith.constant 144 : index
        %swap3A_522 = tpu.vector_load %arg9[%swap3A_520, %swap3A_521] {strides = array<i32>} : memref<128x512xf32, #tpu.memory_space<vmem>>, vector<1x16xf32>,
        %swap3A_523 = vector.shape_cast %swap3A_522 : vector<1x16xf32> to vector<16xf32>
        %swap3A_524 = vector.shape_cast %get3A_125 : vector<16xf32> to vector<1x16xf32>
        tpu.vector_store %arg9[%swap3A_520, %swap3A_521], %swap3A_524 {strides = array<i32>} : memref<128x512xf32, #tpu.memory_space<vmem>>, vector<1x16xf32>,
        %swap3A_525 = arith.index_cast %scan3A_475 : i32 to index
        %swap3A_526 = arith.constant 160 : index
        %swap3A_527 = tpu.vector_load %arg9[%swap3A_525, %swap3A_526] {strides = array<i32>} : memref<128x512xf32, #tpu.memory_space<vmem>>, vector<1x16xf32>,
        %swap3A_528 = vector.shape_cast %swap3A_527 : vector<1x16xf32> to vector<16xf32>
        %swap3A_529 = vector.shape_cast %get3A_129 : vector<16xf32> to vector<1x16xf32>
        tpu.vector_store %arg9[%swap3A_525, %swap3A_526], %swap3A_529 {strides = array<i32>} : memref<128x512xf32, #tpu.memory_space<vmem>>, vector<1x16xf32>,
        %swap3A_530 = arith.index_cast %scan3A_475 : i32 to index
        %swap3A_531 = arith.constant 176 : index
        %swap3A_532 = tpu.vector_load %arg9[%swap3A_530, %swap3A_531] {strides = array<i32>} : memref<128x512xf32, #tpu.memory_space<vmem>>, vector<1x16xf32>,
        %swap3A_533 = vector.shape_cast %swap3A_532 : vector<1x16xf32> to vector<16xf32>
        %swap3A_534 = vector.shape_cast %get3A_133 : vector<16xf32> to vector<1x16xf32>
        tpu.vector_store %arg9[%swap3A_530, %swap3A_531], %swap3A_534 {strides = array<i32>} : memref<128x512xf32, #tpu.memory_space<vmem>>, vector<1x16xf32>,
        %swap3A_535 = arith.index_cast %scan3A_475 : i32 to index
        %swap3A_536 = arith.constant 192 : index
        %swap3A_537 = tpu.vector_load %arg9[%swap3A_535, %swap3A_536] {strides = array<i32>} : memref<128x512xf32, #tpu.memory_space<vmem>>, vector<1x16xf32>,
        %swap3A_538 = vector.shape_cast %swap3A_537 : vector<1x16xf32> to vector<16xf32>
        %swap3A_539 = vector.shape_cast %get3A_137 : vector<16xf32> to vector<1x16xf32>
        tpu.vector_store %arg9[%swap3A_535, %swap3A_536], %swap3A_539 {strides = array<i32>} : memref<128x512xf32, #tpu.memory_space<vmem>>, vector<1x16xf32>,
        %swap3A_540 = arith.index_cast %scan3A_475 : i32 to index
        %swap3A_541 = arith.constant 208 : index
        %swap3A_542 = tpu.vector_load %arg9[%swap3A_540, %swap3A_541] {strides = array<i32>} : memref<128x512xf32, #tpu.memory_space<vmem>>, vector<1x16xf32>,
        %swap3A_543 = vector.shape_cast %swap3A_542 : vector<1x16xf32> to vector<16xf32>
        %swap3A_544 = vector.shape_cast %get3A_141 : vector<16xf32> to vector<1x16xf32>
        tpu.vector_store %arg9[%swap3A_540, %swap3A_541], %swap3A_544 {strides = array<i32>} : memref<128x512xf32, #tpu.memory_space<vmem>>, vector<1x16xf32>,
        %swap3A_545 = arith.index_cast %scan3A_475 : i32 to index
        %swap3A_546 = arith.constant 224 : index
        %swap3A_547 = tpu.vector_load %arg9[%swap3A_545, %swap3A_546] {strides = array<i32>} : memref<128x512xf32, #tpu.memory_space<vmem>>, vector<1x16xf32>,
        %swap3A_548 = vector.shape_cast %swap3A_547 : vector<1x16xf32> to vector<16xf32>
        %swap3A_549 = vector.shape_cast %get3A_145 : vector<16xf32> to vector<1x16xf32>
        tpu.vector_store %arg9[%swap3A_545, %swap3A_546], %swap3A_549 {strides = array<i32>} : memref<128x512xf32, #tpu.memory_space<vmem>>, vector<1x16xf32>,
        %swap3A_550 = arith.index_cast %scan3A_475 : i32 to index
        %swap3A_551 = arith.constant 240 : index
        %swap3A_552 = tpu.vector_load %arg9[%swap3A_550, %swap3A_551] {strides = array<i32>} : memref<128x512xf32, #tpu.memory_space<vmem>>, vector<1x16xf32>,
        %swap3A_553 = vector.shape_cast %swap3A_552 : vector<1x16xf32> to vector<16xf32>
        %swap3A_554 = vector.shape_cast %get3A_149 : vector<16xf32> to vector<1x16xf32>
        tpu.vector_store %arg9[%swap3A_550, %swap3A_551], %swap3A_554 {strides = array<i32>} : memref<128x512xf32, #tpu.memory_space<vmem>>, vector<1x16xf32>,
        %swap3A_555 = arith.index_cast %scan3A_475 : i32 to index
        %swap3A_556 = arith.constant 256 : index
        %swap3A_557 = tpu.vector_load %arg9[%swap3A_555, %swap3A_556] {strides = array<i32>} : memref<128x512xf32, #tpu.memory_space<vmem>>, vector<1x16xf32>,
        %swap3A_558 = vector.shape_cast %swap3A_557 : vector<1x16xf32> to vector<16xf32>
        %swap3A_559 = vector.shape_cast %get3A_153 : vector<16xf32> to vector<1x16xf32>
        tpu.vector_store %arg9[%swap3A_555, %swap3A_556], %swap3A_559 {strides = array<i32>} : memref<128x512xf32, #tpu.memory_space<vmem>>, vector<1x16xf32>,
        %swap3A_560 = arith.index_cast %scan3A_475 : i32 to index
        %swap3A_561 = arith.constant 272 : index
        %swap3A_562 = tpu.vector_load %arg9[%swap3A_560, %swap3A_561] {strides = array<i32>} : memref<128x512xf32, #tpu.memory_space<vmem>>, vector<1x16xf32>,
        %swap3A_563 = vector.shape_cast %swap3A_562 : vector<1x16xf32> to vector<16xf32>
        %swap3A_564 = vector.shape_cast %get3A_157 : vector<16xf32> to vector<1x16xf32>
        tpu.vector_store %arg9[%swap3A_560, %swap3A_561], %swap3A_564 {strides = array<i32>} : memref<128x512xf32, #tpu.memory_space<vmem>>, vector<1x16xf32>,
        %swap3A_565 = arith.index_cast %scan3A_475 : i32 to index
        %swap3A_566 = arith.constant 288 : index
        %swap3A_567 = tpu.vector_load %arg9[%swap3A_565, %swap3A_566] {strides = array<i32>} : memref<128x512xf32, #tpu.memory_space<vmem>>, vector<1x16xf32>,
        %swap3A_568 = vector.shape_cast %swap3A_567 : vector<1x16xf32> to vector<16xf32>
        %swap3A_569 = vector.shape_cast %get3A_161 : vector<16xf32> to vector<1x16xf32>
        tpu.vector_store %arg9[%swap3A_565, %swap3A_566], %swap3A_569 {strides = array<i32>} : memref<128x512xf32, #tpu.memory_space<vmem>>, vector<1x16xf32>,
        %swap3A_570 = arith.index_cast %scan3A_475 : i32 to index
        %swap3A_571 = arith.constant 304 : index
        %swap3A_572 = tpu.vector_load %arg9[%swap3A_570, %swap3A_571] {strides = array<i32>} : memref<128x512xf32, #tpu.memory_space<vmem>>, vector<1x16xf32>,
        %swap3A_573 = vector.shape_cast %swap3A_572 : vector<1x16xf32> to vector<16xf32>
        %swap3A_574 = vector.shape_cast %get3A_165 : vector<16xf32> to vector<1x16xf32>
        tpu.vector_store %arg9[%swap3A_570, %swap3A_571], %swap3A_574 {strides = array<i32>} : memref<128x512xf32, #tpu.memory_space<vmem>>, vector<1x16xf32>,
        %swap3A_575 = arith.index_cast %scan3A_475 : i32 to index
        %swap3A_576 = arith.constant 320 : index
        %swap3A_577 = tpu.vector_load %arg9[%swap3A_575, %swap3A_576] {strides = array<i32>} : memref<128x512xf32, #tpu.memory_space<vmem>>, vector<1x16xf32>,
        %swap3A_578 = vector.shape_cast %swap3A_577 : vector<1x16xf32> to vector<16xf32>
        %swap3A_579 = vector.shape_cast %get3A_169 : vector<16xf32> to vector<1x16xf32>
        tpu.vector_store %arg9[%swap3A_575, %swap3A_576], %swap3A_579 {strides = array<i32>} : memref<128x512xf32, #tpu.memory_space<vmem>>, vector<1x16xf32>,
        %swap3A_580 = arith.index_cast %scan3A_475 : i32 to index
        %swap3A_581 = arith.constant 336 : index
        %swap3A_582 = tpu.vector_load %arg9[%swap3A_580, %swap3A_581] {strides = array<i32>} : memref<128x512xf32, #tpu.memory_space<vmem>>, vector<1x16xf32>,
        %swap3A_583 = vector.shape_cast %swap3A_582 : vector<1x16xf32> to vector<16xf32>
        %swap3A_584 = vector.shape_cast %get3A_173 : vector<16xf32> to vector<1x16xf32>
        tpu.vector_store %arg9[%swap3A_580, %swap3A_581], %swap3A_584 {strides = array<i32>} : memref<128x512xf32, #tpu.memory_space<vmem>>, vector<1x16xf32>,
        %swap3A_585 = arith.index_cast %scan3A_475 : i32 to index
        %swap3A_586 = arith.constant 352 : index
        %swap3A_587 = tpu.vector_load %arg9[%swap3A_585, %swap3A_586] {strides = array<i32>} : memref<128x512xf32, #tpu.memory_space<vmem>>, vector<1x16xf32>,
        %swap3A_588 = vector.shape_cast %swap3A_587 : vector<1x16xf32> to vector<16xf32>
        %swap3A_589 = vector.shape_cast %get3A_177 : vector<16xf32> to vector<1x16xf32>
        tpu.vector_store %arg9[%swap3A_585, %swap3A_586], %swap3A_589 {strides = array<i32>} : memref<128x512xf32, #tpu.memory_space<vmem>>, vector<1x16xf32>,
        %swap3A_590 = arith.index_cast %scan3A_475 : i32 to index
        %swap3A_591 = arith.constant 368 : index
        %swap3A_592 = tpu.vector_load %arg9[%swap3A_590, %swap3A_591] {strides = array<i32>} : memref<128x512xf32, #tpu.memory_space<vmem>>, vector<1x16xf32>,
        %swap3A_593 = vector.shape_cast %swap3A_592 : vector<1x16xf32> to vector<16xf32>
        %swap3A_594 = vector.shape_cast %get3A_181 : vector<16xf32> to vector<1x16xf32>
        tpu.vector_store %arg9[%swap3A_590, %swap3A_591], %swap3A_594 {strides = array<i32>} : memref<128x512xf32, #tpu.memory_space<vmem>>, vector<1x16xf32>,
        %swap3A_595 = arith.index_cast %scan3A_475 : i32 to index
        %swap3A_596 = arith.constant 384 : index
        %swap3A_597 = tpu.vector_load %arg9[%swap3A_595, %swap3A_596] {strides = array<i32>} : memref<128x512xf32, #tpu.memory_space<vmem>>, vector<1x16xf32>,
        %swap3A_598 = vector.shape_cast %swap3A_597 : vector<1x16xf32> to vector<16xf32>
        %swap3A_599 = vector.shape_cast %get3A_185 : vector<16xf32> to vector<1x16xf32>
        tpu.vector_store %arg9[%swap3A_595, %swap3A_596], %swap3A_599 {strides = array<i32>} : memref<128x512xf32, #tpu.memory_space<vmem>>, vector<1x16xf32>,
        %swap3A_600 = arith.index_cast %scan3A_475 : i32 to index
        %swap3A_601 = arith.constant 400 : index
        %swap3A_602 = tpu.vector_load %arg9[%swap3A_600, %swap3A_601] {strides = array<i32>} : memref<128x512xf32, #tpu.memory_space<vmem>>, vector<1x16xf32>,
        %swap3A_603 = vector.shape_cast %swap3A_602 : vector<1x16xf32> to vector<16xf32>
        %swap3A_604 = vector.shape_cast %get3A_189 : vector<16xf32> to vector<1x16xf32>
        tpu.vector_store %arg9[%swap3A_600, %swap3A_601], %swap3A_604 {strides = array<i32>} : memref<128x512xf32, #tpu.memory_space<vmem>>, vector<1x16xf32>,
        %swap3A_605 = arith.index_cast %scan3A_475 : i32 to index
        %swap3A_606 = arith.constant 416 : index
        %swap3A_607 = tpu.vector_load %arg9[%swap3A_605, %swap3A_606] {strides = array<i32>} : memref<128x512xf32, #tpu.memory_space<vmem>>, vector<1x16xf32>,
        %swap3A_608 = vector.shape_cast %swap3A_607 : vector<1x16xf32> to vector<16xf32>
        %swap3A_609 = vector.shape_cast %get3A_193 : vector<16xf32> to vector<1x16xf32>
        tpu.vector_store %arg9[%swap3A_605, %swap3A_606], %swap3A_609 {strides = array<i32>} : memref<128x512xf32, #tpu.memory_space<vmem>>, vector<1x16xf32>,
        %swap3A_610 = arith.index_cast %scan3A_475 : i32 to index
        %swap3A_611 = arith.constant 432 : index
        %swap3A_612 = tpu.vector_load %arg9[%swap3A_610, %swap3A_611] {strides = array<i32>} : memref<128x512xf32, #tpu.memory_space<vmem>>, vector<1x16xf32>,
        %swap3A_613 = vector.shape_cast %swap3A_612 : vector<1x16xf32> to vector<16xf32>
        %swap3A_614 = vector.shape_cast %get3A_197 : vector<16xf32> to vector<1x16xf32>
        tpu.vector_store %arg9[%swap3A_610, %swap3A_611], %swap3A_614 {strides = array<i32>} : memref<128x512xf32, #tpu.memory_space<vmem>>, vector<1x16xf32>,
        %swap3A_615 = arith.index_cast %scan3A_475 : i32 to index
        %swap3A_616 = arith.constant 448 : index
        %swap3A_617 = tpu.vector_load %arg9[%swap3A_615, %swap3A_616] {strides = array<i32>} : memref<128x512xf32, #tpu.memory_space<vmem>>, vector<1x16xf32>,
        %swap3A_618 = vector.shape_cast %swap3A_617 : vector<1x16xf32> to vector<16xf32>
        %swap3A_619 = vector.shape_cast %get3A_201 : vector<16xf32> to vector<1x16xf32>
        tpu.vector_store %arg9[%swap3A_615, %swap3A_616], %swap3A_619 {strides = array<i32>} : memref<128x512xf32, #tpu.memory_space<vmem>>, vector<1x16xf32>,
        %swap3A_620 = arith.index_cast %scan3A_475 : i32 to index
        %swap3A_621 = arith.constant 464 : index
        %swap3A_622 = tpu.vector_load %arg9[%swap3A_620, %swap3A_621] {strides = array<i32>} : memref<128x512xf32, #tpu.memory_space<vmem>>, vector<1x16xf32>,
        %swap3A_623 = vector.shape_cast %swap3A_622 : vector<1x16xf32> to vector<16xf32>
        %swap3A_624 = vector.shape_cast %get3A_205 : vector<16xf32> to vector<1x16xf32>
        tpu.vector_store %arg9[%swap3A_620, %swap3A_621], %swap3A_624 {strides = array<i32>} : memref<128x512xf32, #tpu.memory_space<vmem>>, vector<1x16xf32>,
        %swap3A_625 = arith.index_cast %scan3A_475 : i32 to index
        %swap3A_626 = arith.constant 480 : index
        %swap3A_627 = tpu.vector_load %arg9[%swap3A_625, %swap3A_626] {strides = array<i32>} : memref<128x512xf32, #tpu.memory_space<vmem>>, vector<1x16xf32>,
        %swap3A_628 = vector.shape_cast %swap3A_627 : vector<1x16xf32> to vector<16xf32>
        %swap3A_629 = vector.shape_cast %get3A_209 : vector<16xf32> to vector<1x16xf32>
        tpu.vector_store %arg9[%swap3A_625, %swap3A_626], %swap3A_629 {strides = array<i32>} : memref<128x512xf32, #tpu.memory_space<vmem>>, vector<1x16xf32>,
        %swap3A_630 = arith.index_cast %scan3A_475 : i32 to index
        %swap3A_631 = arith.constant 496 : index
        %swap3A_632 = tpu.vector_load %arg9[%swap3A_630, %swap3A_631] {strides = array<i32>} : memref<128x512xf32, #tpu.memory_space<vmem>>, vector<1x16xf32>,
        %swap3A_633 = vector.shape_cast %swap3A_632 : vector<1x16xf32> to vector<16xf32>
        %swap3A_634 = vector.shape_cast %get3A_213 : vector<16xf32> to vector<1x16xf32>
        tpu.vector_store %arg9[%swap3A_630, %swap3A_631], %swap3A_634 {strides = array<i32>} : memref<128x512xf32, #tpu.memory_space<vmem>>, vector<1x16xf32>,
      }
      %scan3A_218 = arith.constant 128 : i32
      %dma_start3A_219 = arith.constant 0 : i32
      %dma_start3A_220 = arith.constant 0 : i32
      %dma_start3A_221 = tpu.memref_slice %arg5[%add3A_23, %dma_start3A_219, %dma_start3A_220] : memref<77x4096x512xf32, #tpu.memory_space<hbm>> -> memref<1x128x512xf32, #tpu.memory_space<hbm>>
      %dma_start3A_222 = tpu.memref_squeeze %dma_start3A_221 : memref<1x128x512xf32, #tpu.memory_space<hbm>> -> memref<128x512xf32, #tpu.memory_space<hbm>>
      %dma_start3A_223 = arith.constant 0 : i32
      %dma_start3A_224 = arith.constant 0 : i32
      %dma_start3A_225 = tpu.memref_slice %arg5[%add3A_23, %dma_start3A_223, %dma_start3A_224] : memref<77x4096x512xf32, #tpu.memory_space<hbm>> -> memref<1x128x512xf32, #tpu.memory_space<hbm>>
      %dma_start3A_226 = tpu.memref_squeeze %dma_start3A_225 : memref<1x128x512xf32, #tpu.memory_space<hbm>> -> memref<128x512xf32, #tpu.memory_space<hbm>>
      tpu.enqueue_dma source(%arg9 : memref<128x512xf32, #tpu.memory_space<vmem>>) target(%dma_start3A_226 : memref<128x512xf32, #tpu.memory_space<hbm>>) target_semaphore(%arg15 : memref<!tpu.dma_semaphore, #tpu.memory_space<semaphore_mem>>)
      %dma_start3A_227 = arith.constant 128 : i32
      %dma_start3A_228 = arith.constant 0 : i32
      %dma_start3A_229 = tpu.memref_slice %arg5[%add3A_23, %dma_start3A_227, %dma_start3A_228] : memref<77x4096x512xf32, #tpu.memory_space<hbm>> -> memref<1x128x512xf32, #tpu.memory_space<hbm>>
      %dma_start3A_230 = tpu.memref_squeeze %dma_start3A_229 : memref<1x128x512xf32, #tpu.memory_space<hbm>> -> memref<128x512xf32, #tpu.memory_space<hbm>>
      %dma_start3A_231 = arith.constant 128 : i32
      %dma_start3A_232 = arith.constant 0 : i32
      %dma_start3A_233 = tpu.memref_slice %arg5[%add3A_23, %dma_start3A_231, %dma_start3A_232] : memref<77x4096x512xf32, #tpu.memory_space<hbm>> -> memref<1x128x512xf32, #tpu.memory_space<hbm>>
      %dma_start3A_234 = tpu.memref_squeeze %dma_start3A_233 : memref<1x128x512xf32, #tpu.memory_space<hbm>> -> memref<128x512xf32, #tpu.memory_space<hbm>>
      tpu.enqueue_dma source(%arg9 : memref<128x512xf32, #tpu.memory_space<vmem>>) target(%dma_start3A_234 : memref<128x512xf32, #tpu.memory_space<hbm>>) target_semaphore(%arg15 : memref<!tpu.dma_semaphore, #tpu.memory_space<semaphore_mem>>)
      %dma_start3A_235 = arith.constant 256 : i32
      %dma_start3A_236 = arith.constant 0 : i32
      %dma_start3A_237 = tpu.memref_slice %arg5[%add3A_23, %dma_start3A_235, %dma_start3A_236] : memref<77x4096x512xf32, #tpu.memory_space<hbm>> -> memref<1x128x512xf32, #tpu.memory_space<hbm>>
      %dma_start3A_238 = tpu.memref_squeeze %dma_start3A_237 : memref<1x128x512xf32, #tpu.memory_space<hbm>> -> memref<128x512xf32, #tpu.memory_space<hbm>>
      %dma_start3A_239 = arith.constant 256 : i32
      %dma_start3A_240 = arith.constant 0 : i32
      %dma_start3A_241 = tpu.memref_slice %arg5[%add3A_23, %dma_start3A_239, %dma_start3A_240] : memref<77x4096x512xf32, #tpu.memory_space<hbm>> -> memref<1x128x512xf32, #tpu.memory_space<hbm>>
      %dma_start3A_242 = tpu.memref_squeeze %dma_start3A_241 : memref<1x128x512xf32, #tpu.memory_space<hbm>> -> memref<128x512xf32, #tpu.memory_space<hbm>>
      tpu.enqueue_dma source(%arg9 : memref<128x512xf32, #tpu.memory_space<vmem>>) target(%dma_start3A_242 : memref<128x512xf32, #tpu.memory_space<hbm>>) target_semaphore(%arg15 : memref<!tpu.dma_semaphore, #tpu.memory_space<semaphore_mem>>)
      %dma_start3A_243 = arith.constant 384 : i32
      %dma_start3A_244 = arith.constant 0 : i32
      %dma_start3A_245 = tpu.memref_slice %arg5[%add3A_23, %dma_start3A_243, %dma_start3A_244] : memref<77x4096x512xf32, #tpu.memory_space<hbm>> -> memref<1x128x512xf32, #tpu.memory_space<hbm>>
      %dma_start3A_246 = tpu.memref_squeeze %dma_start3A_245 : memref<1x128x512xf32, #tpu.memory_space<hbm>> -> memref<128x512xf32, #tpu.memory_space<hbm>>
      %dma_start3A_247 = arith.constant 384 : i32
      %dma_start3A_248 = arith.constant 0 : i32
      %dma_start3A_249 = tpu.memref_slice %arg5[%add3A_23, %dma_start3A_247, %dma_start3A_248] : memref<77x4096x512xf32, #tpu.memory_space<hbm>> -> memref<1x128x512xf32, #tpu.memory_space<hbm>>
      %dma_start3A_250 = tpu.memref_squeeze %dma_start3A_249 : memref<1x128x512xf32, #tpu.memory_space<hbm>> -> memref<128x512xf32, #tpu.memory_space<hbm>>
      tpu.enqueue_dma source(%arg9 : memref<128x512xf32, #tpu.memory_space<vmem>>) target(%dma_start3A_250 : memref<128x512xf32, #tpu.memory_space<hbm>>) target_semaphore(%arg15 : memref<!tpu.dma_semaphore, #tpu.memory_space<semaphore_mem>>)
      %dma_start3A_251 = arith.constant 512 : i32
      %dma_start3A_252 = arith.constant 0 : i32
      %dma_start3A_253 = tpu.memref_slice %arg5[%add3A_23, %dma_start3A_251, %dma_start3A_252] : memref<77x4096x512xf32, #tpu.memory_space<hbm>> -> memref<1x128x512xf32, #tpu.memory_space<hbm>>
      %dma_start3A_254 = tpu.memref_squeeze %dma_start3A_253 : memref<1x128x512xf32, #tpu.memory_space<hbm>> -> memref<128x512xf32, #tpu.memory_space<hbm>>
      %dma_start3A_255 = arith.constant 512 : i32
      %dma_start3A_256 = arith.constant 0 : i32
      %dma_start3A_257 = tpu.memref_slice %arg5[%add3A_23, %dma_start3A_255, %dma_start3A_256] : memref<77x4096x512xf32, #tpu.memory_space<hbm>> -> memref<1x128x512xf32, #tpu.memory_space<hbm>>
      %dma_start3A_258 = tpu.memref_squeeze %dma_start3A_257 : memref<1x128x512xf32, #tpu.memory_space<hbm>> -> memref<128x512xf32, #tpu.memory_space<hbm>>
      tpu.enqueue_dma source(%arg9 : memref<128x512xf32, #tpu.memory_space<vmem>>) target(%dma_start3A_258 : memref<128x512xf32, #tpu.memory_space<hbm>>) target_semaphore(%arg15 : memref<!tpu.dma_semaphore, #tpu.memory_space<semaphore_mem>>)
      %dma_start3A_259 = arith.constant 640 : i32
      %dma_start3A_260 = arith.constant 0 : i32
      %dma_start3A_261 = tpu.memref_slice %arg5[%add3A_23, %dma_start3A_259, %dma_start3A_260] : memref<77x4096x512xf32, #tpu.memory_space<hbm>> -> memref<1x128x512xf32, #tpu.memory_space<hbm>>
      %dma_start3A_262 = tpu.memref_squeeze %dma_start3A_261 : memref<1x128x512xf32, #tpu.memory_space<hbm>> -> memref<128x512xf32, #tpu.memory_space<hbm>>
      %dma_start3A_263 = arith.constant 640 : i32
      %dma_start3A_264 = arith.constant 0 : i32
      %dma_start3A_265 = tpu.memref_slice %arg5[%add3A_23, %dma_start3A_263, %dma_start3A_264] : memref<77x4096x512xf32, #tpu.memory_space<hbm>> -> memref<1x128x512xf32, #tpu.memory_space<hbm>>
      %dma_start3A_266 = tpu.memref_squeeze %dma_start3A_265 : memref<1x128x512xf32, #tpu.memory_space<hbm>> -> memref<128x512xf32, #tpu.memory_space<hbm>>
      tpu.enqueue_dma source(%arg9 : memref<128x512xf32, #tpu.memory_space<vmem>>) target(%dma_start3A_266 : memref<128x512xf32, #tpu.memory_space<hbm>>) target_semaphore(%arg15 : memref<!tpu.dma_semaphore, #tpu.memory_space<semaphore_mem>>)
      %dma_start3A_267 = arith.constant 768 : i32
      %dma_start3A_268 = arith.constant 0 : i32
      %dma_start3A_269 = tpu.memref_slice %arg5[%add3A_23, %dma_start3A_267, %dma_start3A_268] : memref<77x4096x512xf32, #tpu.memory_space<hbm>> -> memref<1x128x512xf32, #tpu.memory_space<hbm>>
      %dma_start3A_270 = tpu.memref_squeeze %dma_start3A_269 : memref<1x128x512xf32, #tpu.memory_space<hbm>> -> memref<128x512xf32, #tpu.memory_space<hbm>>
      %dma_start3A_271 = arith.constant 768 : i32
      %dma_start3A_272 = arith.constant 0 : i32
      %dma_start3A_273 = tpu.memref_slice %arg5[%add3A_23, %dma_start3A_271, %dma_start3A_272] : memref<77x4096x512xf32, #tpu.memory_space<hbm>> -> memref<1x128x512xf32, #tpu.memory_space<hbm>>
      %dma_start3A_274 = tpu.memref_squeeze %dma_start3A_273 : memref<1x128x512xf32, #tpu.memory_space<hbm>> -> memref<128x512xf32, #tpu.memory_space<hbm>>
      tpu.enqueue_dma source(%arg9 : memref<128x512xf32, #tpu.memory_space<vmem>>) target(%dma_start3A_274 : memref<128x512xf32, #tpu.memory_space<hbm>>) target_semaphore(%arg15 : memref<!tpu.dma_semaphore, #tpu.memory_space<semaphore_mem>>)
      %dma_start3A_275 = arith.constant 896 : i32
      %dma_start3A_276 = arith.constant 0 : i32
      %dma_start3A_277 = tpu.memref_slice %arg5[%add3A_23, %dma_start3A_275, %dma_start3A_276] : memref<77x4096x512xf32, #tpu.memory_space<hbm>> -> memref<1x128x512xf32, #tpu.memory_space<hbm>>
      %dma_start3A_278 = tpu.memref_squeeze %dma_start3A_277 : memref<1x128x512xf32, #tpu.memory_space<hbm>> -> memref<128x512xf32, #tpu.memory_space<hbm>>
      %dma_start3A_279 = arith.constant 896 : i32
      %dma_start3A_280 = arith.constant 0 : i32
      %dma_start3A_281 = tpu.memref_slice %arg5[%add3A_23, %dma_start3A_279, %dma_start3A_280] : memref<77x4096x512xf32, #tpu.memory_space<hbm>> -> memref<1x128x512xf32, #tpu.memory_space<hbm>>
      %dma_start3A_282 = tpu.memref_squeeze %dma_start3A_281 : memref<1x128x512xf32, #tpu.memory_space<hbm>> -> memref<128x512xf32, #tpu.memory_space<hbm>>
      tpu.enqueue_dma source(%arg9 : memref<128x512xf32, #tpu.memory_space<vmem>>) target(%dma_start3A_282 : memref<128x512xf32, #tpu.memory_space<hbm>>) target_semaphore(%arg15 : memref<!tpu.dma_semaphore, #tpu.memory_space<semaphore_mem>>)
      %dma_start3A_283 = arith.constant 1024 : i32
      %dma_start3A_284 = arith.constant 0 : i32
      %dma_start3A_285 = tpu.memref_slice %arg5[%add3A_23, %dma_start3A_283, %dma_start3A_284] : memref<77x4096x512xf32, #tpu.memory_space<hbm>> -> memref<1x128x512xf32, #tpu.memory_space<hbm>>
      %dma_start3A_286 = tpu.memref_squeeze %dma_start3A_285 : memref<1x128x512xf32, #tpu.memory_space<hbm>> -> memref<128x512xf32, #tpu.memory_space<hbm>>
      %dma_start3A_287 = arith.constant 1024 : i32
      %dma_start3A_288 = arith.constant 0 : i32
      %dma_start3A_289 = tpu.memref_slice %arg5[%add3A_23, %dma_start3A_287, %dma_start3A_288] : memref<77x4096x512xf32, #tpu.memory_space<hbm>> -> memref<1x128x512xf32, #tpu.memory_space<hbm>>
      %dma_start3A_290 = tpu.memref_squeeze %dma_start3A_289 : memref<1x128x512xf32, #tpu.memory_space<hbm>> -> memref<128x512xf32, #tpu.memory_space<hbm>>
      tpu.enqueue_dma source(%arg9 : memref<128x512xf32, #tpu.memory_space<vmem>>) target(%dma_start3A_290 : memref<128x512xf32, #tpu.memory_space<hbm>>) target_semaphore(%arg15 : memref<!tpu.dma_semaphore, #tpu.memory_space<semaphore_mem>>)
      %dma_start3A_291 = arith.constant 1152 : i32
      %dma_start3A_292 = arith.constant 0 : i32
      %dma_start3A_293 = tpu.memref_slice %arg5[%add3A_23, %dma_start3A_291, %dma_start3A_292] : memref<77x4096x512xf32, #tpu.memory_space<hbm>> -> memref<1x128x512xf32, #tpu.memory_space<hbm>>
      %dma_start3A_294 = tpu.memref_squeeze %dma_start3A_293 : memref<1x128x512xf32, #tpu.memory_space<hbm>> -> memref<128x512xf32, #tpu.memory_space<hbm>>
      %dma_start3A_295 = arith.constant 1152 : i32
      %dma_start3A_296 = arith.constant 0 : i32
      %dma_start3A_297 = tpu.memref_slice %arg5[%add3A_23, %dma_start3A_295, %dma_start3A_296] : memref<77x4096x512xf32, #tpu.memory_space<hbm>> -> memref<1x128x512xf32, #tpu.memory_space<hbm>>
      %dma_start3A_298 = tpu.memref_squeeze %dma_start3A_297 : memref<1x128x512xf32, #tpu.memory_space<hbm>> -> memref<128x512xf32, #tpu.memory_space<hbm>>
      tpu.enqueue_dma source(%arg9 : memref<128x512xf32, #tpu.memory_space<vmem>>) target(%dma_start3A_298 : memref<128x512xf32, #tpu.memory_space<hbm>>) target_semaphore(%arg15 : memref<!tpu.dma_semaphore, #tpu.memory_space<semaphore_mem>>)
      %dma_start3A_299 = arith.constant 1280 : i32
      %dma_start3A_300 = arith.constant 0 : i32
      %dma_start3A_301 = tpu.memref_slice %arg5[%add3A_23, %dma_start3A_299, %dma_start3A_300] : memref<77x4096x512xf32, #tpu.memory_space<hbm>> -> memref<1x128x512xf32, #tpu.memory_space<hbm>>
      %dma_start3A_302 = tpu.memref_squeeze %dma_start3A_301 : memref<1x128x512xf32, #tpu.memory_space<hbm>> -> memref<128x512xf32, #tpu.memory_space<hbm>>
      %dma_start3A_303 = arith.constant 1280 : i32
      %dma_start3A_304 = arith.constant 0 : i32
      %dma_start3A_305 = tpu.memref_slice %arg5[%add3A_23, %dma_start3A_303, %dma_start3A_304] : memref<77x4096x512xf32, #tpu.memory_space<hbm>> -> memref<1x128x512xf32, #tpu.memory_space<hbm>>
      %dma_start3A_306 = tpu.memref_squeeze %dma_start3A_305 : memref<1x128x512xf32, #tpu.memory_space<hbm>> -> memref<128x512xf32, #tpu.memory_space<hbm>>
      tpu.enqueue_dma source(%arg9 : memref<128x512xf32, #tpu.memory_space<vmem>>) target(%dma_start3A_306 : memref<128x512xf32, #tpu.memory_space<hbm>>) target_semaphore(%arg15 : memref<!tpu.dma_semaphore, #tpu.memory_space<semaphore_mem>>)
      %dma_start3A_307 = arith.constant 1408 : i32
      %dma_start3A_308 = arith.constant 0 : i32
      %dma_start3A_309 = tpu.memref_slice %arg5[%add3A_23, %dma_start3A_307, %dma_start3A_308] : memref<77x4096x512xf32, #tpu.memory_space<hbm>> -> memref<1x128x512xf32, #tpu.memory_space<hbm>>
      %dma_start3A_310 = tpu.memref_squeeze %dma_start3A_309 : memref<1x128x512xf32, #tpu.memory_space<hbm>> -> memref<128x512xf32, #tpu.memory_space<hbm>>
      %dma_start3A_311 = arith.constant 1408 : i32
      %dma_start3A_312 = arith.constant 0 : i32
      %dma_start3A_313 = tpu.memref_slice %arg5[%add3A_23, %dma_start3A_311, %dma_start3A_312] : memref<77x4096x512xf32, #tpu.memory_space<hbm>> -> memref<1x128x512xf32, #tpu.memory_space<hbm>>
      %dma_start3A_314 = tpu.memref_squeeze %dma_start3A_313 : memref<1x128x512xf32, #tpu.memory_space<hbm>> -> memref<128x512xf32, #tpu.memory_space<hbm>>
      tpu.enqueue_dma source(%arg9 : memref<128x512xf32, #tpu.memory_space<vmem>>) target(%dma_start3A_314 : memref<128x512xf32, #tpu.memory_space<hbm>>) target_semaphore(%arg15 : memref<!tpu.dma_semaphore, #tpu.memory_space<semaphore_mem>>)
      %dma_start3A_315 = arith.constant 1536 : i32
      %dma_start3A_316 = arith.constant 0 : i32
      %dma_start3A_317 = tpu.memref_slice %arg5[%add3A_23, %dma_start3A_315, %dma_start3A_316] : memref<77x4096x512xf32, #tpu.memory_space<hbm>> -> memref<1x128x512xf32, #tpu.memory_space<hbm>>
      %dma_start3A_318 = tpu.memref_squeeze %dma_start3A_317 : memref<1x128x512xf32, #tpu.memory_space<hbm>> -> memref<128x512xf32, #tpu.memory_space<hbm>>
      %dma_start3A_319 = arith.constant 1536 : i32
      %dma_start3A_320 = arith.constant 0 : i32
      %dma_start3A_321 = tpu.memref_slice %arg5[%add3A_23, %dma_start3A_319, %dma_start3A_320] : memref<77x4096x512xf32, #tpu.memory_space<hbm>> -> memref<1x128x512xf32, #tpu.memory_space<hbm>>
      %dma_start3A_322 = tpu.memref_squeeze %dma_start3A_321 : memref<1x128x512xf32, #tpu.memory_space<hbm>> -> memref<128x512xf32, #tpu.memory_space<hbm>>
      tpu.enqueue_dma source(%arg9 : memref<128x512xf32, #tpu.memory_space<vmem>>) target(%dma_start3A_322 : memref<128x512xf32, #tpu.memory_space<hbm>>) target_semaphore(%arg15 : memref<!tpu.dma_semaphore, #tpu.memory_space<semaphore_mem>>)
      %dma_start3A_323 = arith.constant 1664 : i32
      %dma_start3A_324 = arith.constant 0 : i32
      %dma_start3A_325 = tpu.memref_slice %arg5[%add3A_23, %dma_start3A_323, %dma_start3A_324] : memref<77x4096x512xf32, #tpu.memory_space<hbm>> -> memref<1x128x512xf32, #tpu.memory_space<hbm>>
      %dma_start3A_326 = tpu.memref_squeeze %dma_start3A_325 : memref<1x128x512xf32, #tpu.memory_space<hbm>> -> memref<128x512xf32, #tpu.memory_space<hbm>>
      %dma_start3A_327 = arith.constant 1664 : i32
      %dma_start3A_328 = arith.constant 0 : i32
      %dma_start3A_329 = tpu.memref_slice %arg5[%add3A_23, %dma_start3A_327, %dma_start3A_328] : memref<77x4096x512xf32, #tpu.memory_space<hbm>> -> memref<1x128x512xf32, #tpu.memory_space<hbm>>
      %dma_start3A_330 = tpu.memref_squeeze %dma_start3A_329 : memref<1x128x512xf32, #tpu.memory_space<hbm>> -> memref<128x512xf32, #tpu.memory_space<hbm>>
      tpu.enqueue_dma source(%arg9 : memref<128x512xf32, #tpu.memory_space<vmem>>) target(%dma_start3A_330 : memref<128x512xf32, #tpu.memory_space<hbm>>) target_semaphore(%arg15 : memref<!tpu.dma_semaphore, #tpu.memory_space<semaphore_mem>>)
      %dma_start3A_331 = arith.constant 1792 : i32
      %dma_start3A_332 = arith.constant 0 : i32
      %dma_start3A_333 = tpu.memref_slice %arg5[%add3A_23, %dma_start3A_331, %dma_start3A_332] : memref<77x4096x512xf32, #tpu.memory_space<hbm>> -> memref<1x128x512xf32, #tpu.memory_space<hbm>>
      %dma_start3A_334 = tpu.memref_squeeze %dma_start3A_333 : memref<1x128x512xf32, #tpu.memory_space<hbm>> -> memref<128x512xf32, #tpu.memory_space<hbm>>
      %dma_start3A_335 = arith.constant 1792 : i32
      %dma_start3A_336 = arith.constant 0 : i32
      %dma_start3A_337 = tpu.memref_slice %arg5[%add3A_23, %dma_start3A_335, %dma_start3A_336] : memref<77x4096x512xf32, #tpu.memory_space<hbm>> -> memref<1x128x512xf32, #tpu.memory_space<hbm>>
      %dma_start3A_338 = tpu.memref_squeeze %dma_start3A_337 : memref<1x128x512xf32, #tpu.memory_space<hbm>> -> memref<128x512xf32, #tpu.memory_space<hbm>>
      tpu.enqueue_dma source(%arg9 : memref<128x512xf32, #tpu.memory_space<vmem>>) target(%dma_start3A_338 : memref<128x512xf32, #tpu.memory_space<hbm>>) target_semaphore(%arg15 : memref<!tpu.dma_semaphore, #tpu.memory_space<semaphore_mem>>)
      %dma_start3A_339 = arith.constant 1920 : i32
      %dma_start3A_340 = arith.constant 0 : i32
      %dma_start3A_341 = tpu.memref_slice %arg5[%add3A_23, %dma_start3A_339, %dma_start3A_340] : memref<77x4096x512xf32, #tpu.memory_space<hbm>> -> memref<1x128x512xf32, #tpu.memory_space<hbm>>
      %dma_start3A_342 = tpu.memref_squeeze %dma_start3A_341 : memref<1x128x512xf32, #tpu.memory_space<hbm>> -> memref<128x512xf32, #tpu.memory_space<hbm>>
      %dma_start3A_343 = arith.constant 1920 : i32
      %dma_start3A_344 = arith.constant 0 : i32
      %dma_start3A_345 = tpu.memref_slice %arg5[%add3A_23, %dma_start3A_343, %dma_start3A_344] : memref<77x4096x512xf32, #tpu.memory_space<hbm>> -> memref<1x128x512xf32, #tpu.memory_space<hbm>>
      %dma_start3A_346 = tpu.memref_squeeze %dma_start3A_345 : memref<1x128x512xf32, #tpu.memory_space<hbm>> -> memref<128x512xf32, #tpu.memory_space<hbm>>
      tpu.enqueue_dma source(%arg9 : memref<128x512xf32, #tpu.memory_space<vmem>>) target(%dma_start3A_346 : memref<128x512xf32, #tpu.memory_space<hbm>>) target_semaphore(%arg15 : memref<!tpu.dma_semaphore, #tpu.memory_space<semaphore_mem>>)
      %dma_start3A_347 = arith.constant 2048 : i32
      %dma_start3A_348 = arith.constant 0 : i32
      %dma_start3A_349 = tpu.memref_slice %arg5[%add3A_23, %dma_start3A_347, %dma_start3A_348] : memref<77x4096x512xf32, #tpu.memory_space<hbm>> -> memref<1x128x512xf32, #tpu.memory_space<hbm>>
      %dma_start3A_350 = tpu.memref_squeeze %dma_start3A_349 : memref<1x128x512xf32, #tpu.memory_space<hbm>> -> memref<128x512xf32, #tpu.memory_space<hbm>>
      %dma_start3A_351 = arith.constant 2048 : i32
      %dma_start3A_352 = arith.constant 0 : i32
      %dma_start3A_353 = tpu.memref_slice %arg5[%add3A_23, %dma_start3A_351, %dma_start3A_352] : memref<77x4096x512xf32, #tpu.memory_space<hbm>> -> memref<1x128x512xf32, #tpu.memory_space<hbm>>
      %dma_start3A_354 = tpu.memref_squeeze %dma_start3A_353 : memref<1x128x512xf32, #tpu.memory_space<hbm>> -> memref<128x512xf32, #tpu.memory_space<hbm>>
      tpu.enqueue_dma source(%arg9 : memref<128x512xf32, #tpu.memory_space<vmem>>) target(%dma_start3A_354 : memref<128x512xf32, #tpu.memory_space<hbm>>) target_semaphore(%arg15 : memref<!tpu.dma_semaphore, #tpu.memory_space<semaphore_mem>>)
      %dma_start3A_355 = arith.constant 2176 : i32
      %dma_start3A_356 = arith.constant 0 : i32
      %dma_start3A_357 = tpu.memref_slice %arg5[%add3A_23, %dma_start3A_355, %dma_start3A_356] : memref<77x4096x512xf32, #tpu.memory_space<hbm>> -> memref<1x128x512xf32, #tpu.memory_space<hbm>>
      %dma_start3A_358 = tpu.memref_squeeze %dma_start3A_357 : memref<1x128x512xf32, #tpu.memory_space<hbm>> -> memref<128x512xf32, #tpu.memory_space<hbm>>
      %dma_start3A_359 = arith.constant 2176 : i32
      %dma_start3A_360 = arith.constant 0 : i32
      %dma_start3A_361 = tpu.memref_slice %arg5[%add3A_23, %dma_start3A_359, %dma_start3A_360] : memref<77x4096x512xf32, #tpu.memory_space<hbm>> -> memref<1x128x512xf32, #tpu.memory_space<hbm>>
      %dma_start3A_362 = tpu.memref_squeeze %dma_start3A_361 : memref<1x128x512xf32, #tpu.memory_space<hbm>> -> memref<128x512xf32, #tpu.memory_space<hbm>>
      tpu.enqueue_dma source(%arg9 : memref<128x512xf32, #tpu.memory_space<vmem>>) target(%dma_start3A_362 : memref<128x512xf32, #tpu.memory_space<hbm>>) target_semaphore(%arg15 : memref<!tpu.dma_semaphore, #tpu.memory_space<semaphore_mem>>)
      %dma_start3A_363 = arith.constant 2304 : i32
      %dma_start3A_364 = arith.constant 0 : i32
      %dma_start3A_365 = tpu.memref_slice %arg5[%add3A_23, %dma_start3A_363, %dma_start3A_364] : memref<77x4096x512xf32, #tpu.memory_space<hbm>> -> memref<1x128x512xf32, #tpu.memory_space<hbm>>
      %dma_start3A_366 = tpu.memref_squeeze %dma_start3A_365 : memref<1x128x512xf32, #tpu.memory_space<hbm>> -> memref<128x512xf32, #tpu.memory_space<hbm>>
      %dma_start3A_367 = arith.constant 2304 : i32
      %dma_start3A_368 = arith.constant 0 : i32
      %dma_start3A_369 = tpu.memref_slice %arg5[%add3A_23, %dma_start3A_367, %dma_start3A_368] : memref<77x4096x512xf32, #tpu.memory_space<hbm>> -> memref<1x128x512xf32, #tpu.memory_space<hbm>>
      %dma_start3A_370 = tpu.memref_squeeze %dma_start3A_369 : memref<1x128x512xf32, #tpu.memory_space<hbm>> -> memref<128x512xf32, #tpu.memory_space<hbm>>
      tpu.enqueue_dma source(%arg9 : memref<128x512xf32, #tpu.memory_space<vmem>>) target(%dma_start3A_370 : memref<128x512xf32, #tpu.memory_space<hbm>>) target_semaphore(%arg15 : memref<!tpu.dma_semaphore, #tpu.memory_space<semaphore_mem>>)
      %dma_start3A_371 = arith.constant 2432 : i32
      %dma_start3A_372 = arith.constant 0 : i32
      %dma_start3A_373 = tpu.memref_slice %arg5[%add3A_23, %dma_start3A_371, %dma_start3A_372] : memref<77x4096x512xf32, #tpu.memory_space<hbm>> -> memref<1x128x512xf32, #tpu.memory_space<hbm>>
      %dma_start3A_374 = tpu.memref_squeeze %dma_start3A_373 : memref<1x128x512xf32, #tpu.memory_space<hbm>> -> memref<128x512xf32, #tpu.memory_space<hbm>>
      %dma_start3A_375 = arith.constant 2432 : i32
      %dma_start3A_376 = arith.constant 0 : i32
      %dma_start3A_377 = tpu.memref_slice %arg5[%add3A_23, %dma_start3A_375, %dma_start3A_376] : memref<77x4096x512xf32, #tpu.memory_space<hbm>> -> memref<1x128x512xf32, #tpu.memory_space<hbm>>
      %dma_start3A_378 = tpu.memref_squeeze %dma_start3A_377 : memref<1x128x512xf32, #tpu.memory_space<hbm>> -> memref<128x512xf32, #tpu.memory_space<hbm>>
      tpu.enqueue_dma source(%arg9 : memref<128x512xf32, #tpu.memory_space<vmem>>) target(%dma_start3A_378 : memref<128x512xf32, #tpu.memory_space<hbm>>) target_semaphore(%arg15 : memref<!tpu.dma_semaphore, #tpu.memory_space<semaphore_mem>>)
      %dma_start3A_379 = arith.constant 2560 : i32
      %dma_start3A_380 = arith.constant 0 : i32
      %dma_start3A_381 = tpu.memref_slice %arg5[%add3A_23, %dma_start3A_379, %dma_start3A_380] : memref<77x4096x512xf32, #tpu.memory_space<hbm>> -> memref<1x128x512xf32, #tpu.memory_space<hbm>>
      %dma_start3A_382 = tpu.memref_squeeze %dma_start3A_381 : memref<1x128x512xf32, #tpu.memory_space<hbm>> -> memref<128x512xf32, #tpu.memory_space<hbm>>
      %dma_start3A_383 = arith.constant 2560 : i32
      %dma_start3A_384 = arith.constant 0 : i32
      %dma_start3A_385 = tpu.memref_slice %arg5[%add3A_23, %dma_start3A_383, %dma_start3A_384] : memref<77x4096x512xf32, #tpu.memory_space<hbm>> -> memref<1x128x512xf32, #tpu.memory_space<hbm>>
      %dma_start3A_386 = tpu.memref_squeeze %dma_start3A_385 : memref<1x128x512xf32, #tpu.memory_space<hbm>> -> memref<128x512xf32, #tpu.memory_space<hbm>>
      tpu.enqueue_dma source(%arg9 : memref<128x512xf32, #tpu.memory_space<vmem>>) target(%dma_start3A_386 : memref<128x512xf32, #tpu.memory_space<hbm>>) target_semaphore(%arg15 : memref<!tpu.dma_semaphore, #tpu.memory_space<semaphore_mem>>)
      %dma_start3A_387 = arith.constant 2688 : i32
      %dma_start3A_388 = arith.constant 0 : i32
      %dma_start3A_389 = tpu.memref_slice %arg5[%add3A_23, %dma_start3A_387, %dma_start3A_388] : memref<77x4096x512xf32, #tpu.memory_space<hbm>> -> memref<1x128x512xf32, #tpu.memory_space<hbm>>
      %dma_start3A_390 = tpu.memref_squeeze %dma_start3A_389 : memref<1x128x512xf32, #tpu.memory_space<hbm>> -> memref<128x512xf32, #tpu.memory_space<hbm>>
      %dma_start3A_391 = arith.constant 2688 : i32
      %dma_start3A_392 = arith.constant 0 : i32
      %dma_start3A_393 = tpu.memref_slice %arg5[%add3A_23, %dma_start3A_391, %dma_start3A_392] : memref<77x4096x512xf32, #tpu.memory_space<hbm>> -> memref<1x128x512xf32, #tpu.memory_space<hbm>>
      %dma_start3A_394 = tpu.memref_squeeze %dma_start3A_393 : memref<1x128x512xf32, #tpu.memory_space<hbm>> -> memref<128x512xf32, #tpu.memory_space<hbm>>
      tpu.enqueue_dma source(%arg9 : memref<128x512xf32, #tpu.memory_space<vmem>>) target(%dma_start3A_394 : memref<128x512xf32, #tpu.memory_space<hbm>>) target_semaphore(%arg15 : memref<!tpu.dma_semaphore, #tpu.memory_space<semaphore_mem>>)
      %dma_start3A_395 = arith.constant 2816 : i32
      %dma_start3A_396 = arith.constant 0 : i32
      %dma_start3A_397 = tpu.memref_slice %arg5[%add3A_23, %dma_start3A_395, %dma_start3A_396] : memref<77x4096x512xf32, #tpu.memory_space<hbm>> -> memref<1x128x512xf32, #tpu.memory_space<hbm>>
      %dma_start3A_398 = tpu.memref_squeeze %dma_start3A_397 : memref<1x128x512xf32, #tpu.memory_space<hbm>> -> memref<128x512xf32, #tpu.memory_space<hbm>>
      %dma_start3A_399 = arith.constant 2816 : i32
      %dma_start3A_400 = arith.constant 0 : i32
      %dma_start3A_401 = tpu.memref_slice %arg5[%add3A_23, %dma_start3A_399, %dma_start3A_400] : memref<77x4096x512xf32, #tpu.memory_space<hbm>> -> memref<1x128x512xf32, #tpu.memory_space<hbm>>
      %dma_start3A_402 = tpu.memref_squeeze %dma_start3A_401 : memref<1x128x512xf32, #tpu.memory_space<hbm>> -> memref<128x512xf32, #tpu.memory_space<hbm>>
      tpu.enqueue_dma source(%arg9 : memref<128x512xf32, #tpu.memory_space<vmem>>) target(%dma_start3A_402 : memref<128x512xf32, #tpu.memory_space<hbm>>) target_semaphore(%arg15 : memref<!tpu.dma_semaphore, #tpu.memory_space<semaphore_mem>>)
      %dma_start3A_403 = arith.constant 2944 : i32
      %dma_start3A_404 = arith.constant 0 : i32
      %dma_start3A_405 = tpu.memref_slice %arg5[%add3A_23, %dma_start3A_403, %dma_start3A_404] : memref<77x4096x512xf32, #tpu.memory_space<hbm>> -> memref<1x128x512xf32, #tpu.memory_space<hbm>>
      %dma_start3A_406 = tpu.memref_squeeze %dma_start3A_405 : memref<1x128x512xf32, #tpu.memory_space<hbm>> -> memref<128x512xf32, #tpu.memory_space<hbm>>
      %dma_start3A_407 = arith.constant 2944 : i32
      %dma_start3A_408 = arith.constant 0 : i32
      %dma_start3A_409 = tpu.memref_slice %arg5[%add3A_23, %dma_start3A_407, %dma_start3A_408] : memref<77x4096x512xf32, #tpu.memory_space<hbm>> -> memref<1x128x512xf32, #tpu.memory_space<hbm>>
      %dma_start3A_410 = tpu.memref_squeeze %dma_start3A_409 : memref<1x128x512xf32, #tpu.memory_space<hbm>> -> memref<128x512xf32, #tpu.memory_space<hbm>>
      tpu.enqueue_dma source(%arg9 : memref<128x512xf32, #tpu.memory_space<vmem>>) target(%dma_start3A_410 : memref<128x512xf32, #tpu.memory_space<hbm>>) target_semaphore(%arg15 : memref<!tpu.dma_semaphore, #tpu.memory_space<semaphore_mem>>)
      %dma_start3A_411 = arith.constant 3072 : i32
      %dma_start3A_412 = arith.constant 0 : i32
      %dma_start3A_413 = tpu.memref_slice %arg5[%add3A_23, %dma_start3A_411, %dma_start3A_412] : memref<77x4096x512xf32, #tpu.memory_space<hbm>> -> memref<1x128x512xf32, #tpu.memory_space<hbm>>
      %dma_start3A_414 = tpu.memref_squeeze %dma_start3A_413 : memref<1x128x512xf32, #tpu.memory_space<hbm>> -> memref<128x512xf32, #tpu.memory_space<hbm>>
      %dma_start3A_415 = arith.constant 3072 : i32
      %dma_start3A_416 = arith.constant 0 : i32
      %dma_start3A_417 = tpu.memref_slice %arg5[%add3A_23, %dma_start3A_415, %dma_start3A_416] : memref<77x4096x512xf32, #tpu.memory_space<hbm>> -> memref<1x128x512xf32, #tpu.memory_space<hbm>>
      %dma_start3A_418 = tpu.memref_squeeze %dma_start3A_417 : memref<1x128x512xf32, #tpu.memory_space<hbm>> -> memref<128x512xf32, #tpu.memory_space<hbm>>
      tpu.enqueue_dma source(%arg9 : memref<128x512xf32, #tpu.memory_space<vmem>>) target(%dma_start3A_418 : memref<128x512xf32, #tpu.memory_space<hbm>>) target_semaphore(%arg15 : memref<!tpu.dma_semaphore, #tpu.memory_space<semaphore_mem>>)
      %dma_start3A_419 = arith.constant 3200 : i32
      %dma_start3A_420 = arith.constant 0 : i32
      %dma_start3A_421 = tpu.memref_slice %arg5[%add3A_23, %dma_start3A_419, %dma_start3A_420] : memref<77x4096x512xf32, #tpu.memory_space<hbm>> -> memref<1x128x512xf32, #tpu.memory_space<hbm>>
      %dma_start3A_422 = tpu.memref_squeeze %dma_start3A_421 : memref<1x128x512xf32, #tpu.memory_space<hbm>> -> memref<128x512xf32, #tpu.memory_space<hbm>>
      %dma_start3A_423 = arith.constant 3200 : i32
      %dma_start3A_424 = arith.constant 0 : i32
      %dma_start3A_425 = tpu.memref_slice %arg5[%add3A_23, %dma_start3A_423, %dma_start3A_424] : memref<77x4096x512xf32, #tpu.memory_space<hbm>> -> memref<1x128x512xf32, #tpu.memory_space<hbm>>
      %dma_start3A_426 = tpu.memref_squeeze %dma_start3A_425 : memref<1x128x512xf32, #tpu.memory_space<hbm>> -> memref<128x512xf32, #tpu.memory_space<hbm>>
      tpu.enqueue_dma source(%arg9 : memref<128x512xf32, #tpu.memory_space<vmem>>) target(%dma_start3A_426 : memref<128x512xf32, #tpu.memory_space<hbm>>) target_semaphore(%arg15 : memref<!tpu.dma_semaphore, #tpu.memory_space<semaphore_mem>>)
      %dma_start3A_427 = arith.constant 3328 : i32
      %dma_start3A_428 = arith.constant 0 : i32
      %dma_start3A_429 = tpu.memref_slice %arg5[%add3A_23, %dma_start3A_427, %dma_start3A_428] : memref<77x4096x512xf32, #tpu.memory_space<hbm>> -> memref<1x128x512xf32, #tpu.memory_space<hbm>>
      %dma_start3A_430 = tpu.memref_squeeze %dma_start3A_429 : memref<1x128x512xf32, #tpu.memory_space<hbm>> -> memref<128x512xf32, #tpu.memory_space<hbm>>
      %dma_start3A_431 = arith.constant 3328 : i32
      %dma_start3A_432 = arith.constant 0 : i32
      %dma_start3A_433 = tpu.memref_slice %arg5[%add3A_23, %dma_start3A_431, %dma_start3A_432] : memref<77x4096x512xf32, #tpu.memory_space<hbm>> -> memref<1x128x512xf32, #tpu.memory_space<hbm>>
      %dma_start3A_434 = tpu.memref_squeeze %dma_start3A_433 : memref<1x128x512xf32, #tpu.memory_space<hbm>> -> memref<128x512xf32, #tpu.memory_space<hbm>>
      tpu.enqueue_dma source(%arg9 : memref<128x512xf32, #tpu.memory_space<vmem>>) target(%dma_start3A_434 : memref<128x512xf32, #tpu.memory_space<hbm>>) target_semaphore(%arg15 : memref<!tpu.dma_semaphore, #tpu.memory_space<semaphore_mem>>)
      %dma_start3A_435 = arith.constant 3456 : i32
      %dma_start3A_436 = arith.constant 0 : i32
      %dma_start3A_437 = tpu.memref_slice %arg5[%add3A_23, %dma_start3A_435, %dma_start3A_436] : memref<77x4096x512xf32, #tpu.memory_space<hbm>> -> memref<1x128x512xf32, #tpu.memory_space<hbm>>
      %dma_start3A_438 = tpu.memref_squeeze %dma_start3A_437 : memref<1x128x512xf32, #tpu.memory_space<hbm>> -> memref<128x512xf32, #tpu.memory_space<hbm>>
      %dma_start3A_439 = arith.constant 3456 : i32
      %dma_start3A_440 = arith.constant 0 : i32
      %dma_start3A_441 = tpu.memref_slice %arg5[%add3A_23, %dma_start3A_439, %dma_start3A_440] : memref<77x4096x512xf32, #tpu.memory_space<hbm>> -> memref<1x128x512xf32, #tpu.memory_space<hbm>>
      %dma_start3A_442 = tpu.memref_squeeze %dma_start3A_441 : memref<1x128x512xf32, #tpu.memory_space<hbm>> -> memref<128x512xf32, #tpu.memory_space<hbm>>
      tpu.enqueue_dma source(%arg9 : memref<128x512xf32, #tpu.memory_space<vmem>>) target(%dma_start3A_442 : memref<128x512xf32, #tpu.memory_space<hbm>>) target_semaphore(%arg15 : memref<!tpu.dma_semaphore, #tpu.memory_space<semaphore_mem>>)
      %dma_start3A_443 = arith.constant 3584 : i32
      %dma_start3A_444 = arith.constant 0 : i32
      %dma_start3A_445 = tpu.memref_slice %arg5[%add3A_23, %dma_start3A_443, %dma_start3A_444] : memref<77x4096x512xf32, #tpu.memory_space<hbm>> -> memref<1x128x512xf32, #tpu.memory_space<hbm>>
      %dma_start3A_446 = tpu.memref_squeeze %dma_start3A_445 : memref<1x128x512xf32, #tpu.memory_space<hbm>> -> memref<128x512xf32, #tpu.memory_space<hbm>>
      %dma_start3A_447 = arith.constant 3584 : i32
      %dma_start3A_448 = arith.constant 0 : i32
      %dma_start3A_449 = tpu.memref_slice %arg5[%add3A_23, %dma_start3A_447, %dma_start3A_448] : memref<77x4096x512xf32, #tpu.memory_space<hbm>> -> memref<1x128x512xf32, #tpu.memory_space<hbm>>
      %dma_start3A_450 = tpu.memref_squeeze %dma_start3A_449 : memref<1x128x512xf32, #tpu.memory_space<hbm>> -> memref<128x512xf32, #tpu.memory_space<hbm>>
      tpu.enqueue_dma source(%arg9 : memref<128x512xf32, #tpu.memory_space<vmem>>) target(%dma_start3A_450 : memref<128x512xf32, #tpu.memory_space<hbm>>) target_semaphore(%arg15 : memref<!tpu.dma_semaphore, #tpu.memory_space<semaphore_mem>>)
      %dma_start3A_451 = arith.constant 3712 : i32
      %dma_start3A_452 = arith.constant 0 : i32
      %dma_start3A_453 = tpu.memref_slice %arg5[%add3A_23, %dma_start3A_451, %dma_start3A_452] : memref<77x4096x512xf32, #tpu.memory_space<hbm>> -> memref<1x128x512xf32, #tpu.memory_space<hbm>>
      %dma_start3A_454 = tpu.memref_squeeze %dma_start3A_453 : memref<1x128x512xf32, #tpu.memory_space<hbm>> -> memref<128x512xf32, #tpu.memory_space<hbm>>
      %dma_start3A_455 = arith.constant 3712 : i32
      %dma_start3A_456 = arith.constant 0 : i32
      %dma_start3A_457 = tpu.memref_slice %arg5[%add3A_23, %dma_start3A_455, %dma_start3A_456] : memref<77x4096x512xf32, #tpu.memory_space<hbm>> -> memref<1x128x512xf32, #tpu.memory_space<hbm>>
      %dma_start3A_458 = tpu.memref_squeeze %dma_start3A_457 : memref<1x128x512xf32, #tpu.memory_space<hbm>> -> memref<128x512xf32, #tpu.memory_space<hbm>>
      tpu.enqueue_dma source(%arg9 : memref<128x512xf32, #tpu.memory_space<vmem>>) target(%dma_start3A_458 : memref<128x512xf32, #tpu.memory_space<hbm>>) target_semaphore(%arg15 : memref<!tpu.dma_semaphore, #tpu.memory_space<semaphore_mem>>)
      %dma_start3A_459 = arith.constant 3840 : i32
      %dma_start3A_460 = arith.constant 0 : i32
      %dma_start3A_461 = tpu.memref_slice %arg5[%add3A_23, %dma_start3A_459, %dma_start3A_460] : memref<77x4096x512xf32, #tpu.memory_space<hbm>> -> memref<1x128x512xf32, #tpu.memory_space<hbm>>
      %dma_start3A_462 = tpu.memref_squeeze %dma_start3A_461 : memref<1x128x512xf32, #tpu.memory_space<hbm>> -> memref<128x512xf32, #tpu.memory_space<hbm>>
      %dma_start3A_463 = arith.constant 3840 : i32
      %dma_start3A_464 = arith.constant 0 : i32
      %dma_start3A_465 = tpu.memref_slice %arg5[%add3A_23, %dma_start3A_463, %dma_start3A_464] : memref<77x4096x512xf32, #tpu.memory_space<hbm>> -> memref<1x128x512xf32, #tpu.memory_space<hbm>>
      %dma_start3A_466 = tpu.memref_squeeze %dma_start3A_465 : memref<1x128x512xf32, #tpu.memory_space<hbm>> -> memref<128x512xf32, #tpu.memory_space<hbm>>
      tpu.enqueue_dma source(%arg9 : memref<128x512xf32, #tpu.memory_space<vmem>>) target(%dma_start3A_466 : memref<128x512xf32, #tpu.memory_space<hbm>>) target_semaphore(%arg15 : memref<!tpu.dma_semaphore, #tpu.memory_space<semaphore_mem>>)
      %dma_start3A_467 = arith.constant 3968 : i32
      %dma_start3A_468 = arith.constant 0 : i32
      %dma_start3A_469 = tpu.memref_slice %arg5[%add3A_23, %dma_start3A_467, %dma_start3A_468] : memref<77x4096x512xf32, #tpu.memory_space<hbm>> -> memref<1x128x512xf32, #tpu.memory_space<hbm>>
      %dma_start3A_470 = tpu.memref_squeeze %dma_start3A_469 : memref<1x128x512xf32, #tpu.memory_space<hbm>> -> memref<128x512xf32, #tpu.memory_space<hbm>>
      %dma_start3A_471 = arith.constant 3968 : i32
      %dma_start3A_472 = arith.constant 0 : i32
      %dma_start3A_473 = tpu.memref_slice %arg5[%add3A_23, %dma_start3A_471, %dma_start3A_472] : memref<77x4096x512xf32, #tpu.memory_space<hbm>> -> memref<1x128x512xf32, #tpu.memory_space<hbm>>
      %dma_start3A_474 = tpu.memref_squeeze %dma_start3A_473 : memref<1x128x512xf32, #tpu.memory_space<hbm>> -> memref<128x512xf32, #tpu.memory_space<hbm>>
      tpu.enqueue_dma source(%arg9 : memref<128x512xf32, #tpu.memory_space<vmem>>) target(%dma_start3A_474 : memref<128x512xf32, #tpu.memory_space<hbm>>) target_semaphore(%arg15 : memref<!tpu.dma_semaphore, #tpu.memory_space<semaphore_mem>>)
    } else {
    }
    %lt3A_34 = arith.constant 77 : i32
    %lt3A_35 = arith.cmpi slt, %add3A_23, %lt3A_34 : i32
    %convert_element_type3A_36 = arith.extui %lt3A_35 : i1 to i32
    %cond3A_37 = arith.constant 0 : i32
    %cond3A_38 = arith.cmpi ne, %convert_element_type3A_36, %cond3A_37 : i32
    scf.if %cond3A_38 {
      %get3A = arith.index_cast %add3A_23 : i32 to index
      %get3A_87 = tpu.vector_load %arg7[%get3A] {strides = array<i32>} : memref<96xi32, #tpu.memory_space<vmem>>, vector<16xi32>,
      %get3A_88 = vector.shape_cast %get3A_87 : vector<16xi32> to vector<16xi32>
      %slice3A = vector.extract_strided_slice %get3A_88 {offsets = [0], sizes = [1], strides = [1]} : vector<16xi32> to vector<1xi32>
      %squeeze3A = vector.extract %slice3A[0] : i32 from vector<1xi32>
      %broadcast_in_dim3A = vector.broadcast %squeeze3A : i32 to vector<16xi32>
      %scan3A = arith.constant 0 : i32
      %scan3A_89 = arith.constant 0 : i32
      %scan3A_90 = arith.constant 256 : i32
      %scan3A_91 = arith.addi %scan3A_89, %scan3A_90 : i32
      %scan3A_92 = arith.constant 1 : i32
      scf.for %scan3A_100 = %scan3A_89 to %scan3A_91 step %scan3A_92  : i32 {
        %mul3A_101 = arith.constant 16 : i32
        %mul3A_102 = arith.muli %mul3A_101, %scan3A_100 : i32
        %swap3A = arith.index_cast %mul3A_102 : i32 to index
        %swap3A_103 = tpu.vector_load %arg10[%swap3A] {strides = array<i32>} : memref<4096xi32, #tpu.memory_space<vmem>>, vector<16xi32>,
        %swap3A_104 = vector.shape_cast %swap3A_103 : vector<16xi32> to vector<16xi32>
        %swap3A_105 = vector.shape_cast %broadcast_in_dim3A : vector<16xi32> to vector<16xi32>
        tpu.vector_store %arg10[%swap3A], %swap3A_105 {strides = array<i32>} : memref<4096xi32, #tpu.memory_space<vmem>>, vector<16xi32>,
      }
      %scan3A_93 = arith.constant 256 : i32
      %dma_start3A_94 = arith.constant 0 : i32
      %dma_start3A_95 = tpu.memref_slice %arg6[%add3A_23, %dma_start3A_94] : memref<77x4096xi32, #tpu.memory_space<hbm>> -> memref<1x4096xi32, #tpu.memory_space<hbm>>
      %dma_start3A_96 = tpu.memref_squeeze %dma_start3A_95 : memref<1x4096xi32, #tpu.memory_space<hbm>> -> memref<4096xi32, #tpu.memory_space<hbm>>
      %dma_start3A_97 = arith.constant 0 : i32
      %dma_start3A_98 = tpu.memref_slice %arg6[%add3A_23, %dma_start3A_97] : memref<77x4096xi32, #tpu.memory_space<hbm>> -> memref<1x4096xi32, #tpu.memory_space<hbm>>
      %dma_start3A_99 = tpu.memref_squeeze %dma_start3A_98 : memref<1x4096xi32, #tpu.memory_space<hbm>> -> memref<4096xi32, #tpu.memory_space<hbm>>
      tpu.enqueue_dma source(%arg10 : memref<4096xi32, #tpu.memory_space<vmem>>) target(%dma_start3A_99 : memref<4096xi32, #tpu.memory_space<hbm>>) target_semaphore(%arg16 : memref<!tpu.dma_semaphore, #tpu.memory_space<semaphore_mem>>)
    } else {
    }
    %add3A_39 = arith.constant 32 : i32
    %add3A_40 = arith.addi %add3A, %add3A_39 : i32
    %lt3A_41 = arith.constant 77 : i32
    %lt3A_42 = arith.cmpi slt, %add3A_40, %lt3A_41 : i32
    %ne3A_43 = arith.constant 5 : i32
    %ne3A_44 = arith.cmpi ne, %add3A_40, %ne3A_43 : i32
    %and3A_45 = arith.andi %lt3A_42, %ne3A_44 : i1
    %convert_element_type3A_46 = arith.extui %and3A : i1 to i32
    %cond3A_47 = arith.constant 0 : i32
    %cond3A_48 = arith.cmpi ne, %convert_element_type3A_46, %cond3A_47 : i32
    scf.if %cond3A_48 {
      %dma_wait3A_87 = arith.constant 0 : i32
      %dma_wait3A_88 = arith.constant 0 : i32
      %dma_wait3A_89 = tpu.memref_slice %arg5[%add3A_23, %dma_wait3A_87, %dma_wait3A_88] : memref<77x4096x512xf32, #tpu.memory_space<hbm>> -> memref<1x128x512xf32, #tpu.memory_space<hbm>>
      %dma_wait3A_90 = tpu.memref_squeeze %dma_wait3A_89 : memref<1x128x512xf32, #tpu.memory_space<hbm>> -> memref<128x512xf32, #tpu.memory_space<hbm>>
      %dma_wait3A_91 = arith.constant 0 : i32
      %dma_wait3A_92 = arith.constant 0 : i32
      %dma_wait3A_93 = tpu.memref_slice %arg5[%add3A_23, %dma_wait3A_91, %dma_wait3A_92] : memref<77x4096x512xf32, #tpu.memory_space<hbm>> -> memref<1x128x512xf32, #tpu.memory_space<hbm>>
      %dma_wait3A_94 = tpu.memref_squeeze %dma_wait3A_93 : memref<1x128x512xf32, #tpu.memory_space<hbm>> -> memref<128x512xf32, #tpu.memory_space<hbm>>
      tpu.wait_dma2 semaphore(%arg15 : memref<!tpu.dma_semaphore, #tpu.memory_space<semaphore_mem>>) src(%arg9 : memref<128x512xf32, #tpu.memory_space<vmem>>) dst(%dma_wait3A_94 : memref<128x512xf32, #tpu.memory_space<hbm>>)
      %dma_wait3A_95 = arith.constant 128 : i32
      %dma_wait3A_96 = arith.constant 0 : i32
      %dma_wait3A_97 = tpu.memref_slice %arg5[%add3A_23, %dma_wait3A_95, %dma_wait3A_96] : memref<77x4096x512xf32, #tpu.memory_space<hbm>> -> memref<1x128x512xf32, #tpu.memory_space<hbm>>
      %dma_wait3A_98 = tpu.memref_squeeze %dma_wait3A_97 : memref<1x128x512xf32, #tpu.memory_space<hbm>> -> memref<128x512xf32, #tpu.memory_space<hbm>>
      %dma_wait3A_99 = arith.constant 128 : i32
      %dma_wait3A_100 = arith.constant 0 : i32
      %dma_wait3A_101 = tpu.memref_slice %arg5[%add3A_23, %dma_wait3A_99, %dma_wait3A_100] : memref<77x4096x512xf32, #tpu.memory_space<hbm>> -> memref<1x128x512xf32, #tpu.memory_space<hbm>>
      %dma_wait3A_102 = tpu.memref_squeeze %dma_wait3A_101 : memref<1x128x512xf32, #tpu.memory_space<hbm>> -> memref<128x512xf32, #tpu.memory_space<hbm>>
      tpu.wait_dma2 semaphore(%arg15 : memref<!tpu.dma_semaphore, #tpu.memory_space<semaphore_mem>>) src(%arg9 : memref<128x512xf32, #tpu.memory_space<vmem>>) dst(%dma_wait3A_102 : memref<128x512xf32, #tpu.memory_space<hbm>>)
      %dma_wait3A_103 = arith.constant 256 : i32
      %dma_wait3A_104 = arith.constant 0 : i32
      %dma_wait3A_105 = tpu.memref_slice %arg5[%add3A_23, %dma_wait3A_103, %dma_wait3A_104] : memref<77x4096x512xf32, #tpu.memory_space<hbm>> -> memref<1x128x512xf32, #tpu.memory_space<hbm>>
      %dma_wait3A_106 = tpu.memref_squeeze %dma_wait3A_105 : memref<1x128x512xf32, #tpu.memory_space<hbm>> -> memref<128x512xf32, #tpu.memory_space<hbm>>
      %dma_wait3A_107 = arith.constant 256 : i32
      %dma_wait3A_108 = arith.constant 0 : i32
      %dma_wait3A_109 = tpu.memref_slice %arg5[%add3A_23, %dma_wait3A_107, %dma_wait3A_108] : memref<77x4096x512xf32, #tpu.memory_space<hbm>> -> memref<1x128x512xf32, #tpu.memory_space<hbm>>
      %dma_wait3A_110 = tpu.memref_squeeze %dma_wait3A_109 : memref<1x128x512xf32, #tpu.memory_space<hbm>> -> memref<128x512xf32, #tpu.memory_space<hbm>>
      tpu.wait_dma2 semaphore(%arg15 : memref<!tpu.dma_semaphore, #tpu.memory_space<semaphore_mem>>) src(%arg9 : memref<128x512xf32, #tpu.memory_space<vmem>>) dst(%dma_wait3A_110 : memref<128x512xf32, #tpu.memory_space<hbm>>)
      %dma_wait3A_111 = arith.constant 384 : i32
      %dma_wait3A_112 = arith.constant 0 : i32
      %dma_wait3A_113 = tpu.memref_slice %arg5[%add3A_23, %dma_wait3A_111, %dma_wait3A_112] : memref<77x4096x512xf32, #tpu.memory_space<hbm>> -> memref<1x128x512xf32, #tpu.memory_space<hbm>>
      %dma_wait3A_114 = tpu.memref_squeeze %dma_wait3A_113 : memref<1x128x512xf32, #tpu.memory_space<hbm>> -> memref<128x512xf32, #tpu.memory_space<hbm>>
      %dma_wait3A_115 = arith.constant 384 : i32
      %dma_wait3A_116 = arith.constant 0 : i32
      %dma_wait3A_117 = tpu.memref_slice %arg5[%add3A_23, %dma_wait3A_115, %dma_wait3A_116] : memref<77x4096x512xf32, #tpu.memory_space<hbm>> -> memref<1x128x512xf32, #tpu.memory_space<hbm>>
      %dma_wait3A_118 = tpu.memref_squeeze %dma_wait3A_117 : memref<1x128x512xf32, #tpu.memory_space<hbm>> -> memref<128x512xf32, #tpu.memory_space<hbm>>
      tpu.wait_dma2 semaphore(%arg15 : memref<!tpu.dma_semaphore, #tpu.memory_space<semaphore_mem>>) src(%arg9 : memref<128x512xf32, #tpu.memory_space<vmem>>) dst(%dma_wait3A_118 : memref<128x512xf32, #tpu.memory_space<hbm>>)
      %dma_wait3A_119 = arith.constant 512 : i32
      %dma_wait3A_120 = arith.constant 0 : i32
      %dma_wait3A_121 = tpu.memref_slice %arg5[%add3A_23, %dma_wait3A_119, %dma_wait3A_120] : memref<77x4096x512xf32, #tpu.memory_space<hbm>> -> memref<1x128x512xf32, #tpu.memory_space<hbm>>
      %dma_wait3A_122 = tpu.memref_squeeze %dma_wait3A_121 : memref<1x128x512xf32, #tpu.memory_space<hbm>> -> memref<128x512xf32, #tpu.memory_space<hbm>>
      %dma_wait3A_123 = arith.constant 512 : i32
      %dma_wait3A_124 = arith.constant 0 : i32
      %dma_wait3A_125 = tpu.memref_slice %arg5[%add3A_23, %dma_wait3A_123, %dma_wait3A_124] : memref<77x4096x512xf32, #tpu.memory_space<hbm>> -> memref<1x128x512xf32, #tpu.memory_space<hbm>>
      %dma_wait3A_126 = tpu.memref_squeeze %dma_wait3A_125 : memref<1x128x512xf32, #tpu.memory_space<hbm>> -> memref<128x512xf32, #tpu.memory_space<hbm>>
      tpu.wait_dma2 semaphore(%arg15 : memref<!tpu.dma_semaphore, #tpu.memory_space<semaphore_mem>>) src(%arg9 : memref<128x512xf32, #tpu.memory_space<vmem>>) dst(%dma_wait3A_126 : memref<128x512xf32, #tpu.memory_space<hbm>>)
      %dma_wait3A_127 = arith.constant 640 : i32
      %dma_wait3A_128 = arith.constant 0 : i32
      %dma_wait3A_129 = tpu.memref_slice %arg5[%add3A_23, %dma_wait3A_127, %dma_wait3A_128] : memref<77x4096x512xf32, #tpu.memory_space<hbm>> -> memref<1x128x512xf32, #tpu.memory_space<hbm>>
      %dma_wait3A_130 = tpu.memref_squeeze %dma_wait3A_129 : memref<1x128x512xf32, #tpu.memory_space<hbm>> -> memref<128x512xf32, #tpu.memory_space<hbm>>
      %dma_wait3A_131 = arith.constant 640 : i32
      %dma_wait3A_132 = arith.constant 0 : i32
      %dma_wait3A_133 = tpu.memref_slice %arg5[%add3A_23, %dma_wait3A_131, %dma_wait3A_132] : memref<77x4096x512xf32, #tpu.memory_space<hbm>> -> memref<1x128x512xf32, #tpu.memory_space<hbm>>
      %dma_wait3A_134 = tpu.memref_squeeze %dma_wait3A_133 : memref<1x128x512xf32, #tpu.memory_space<hbm>> -> memref<128x512xf32, #tpu.memory_space<hbm>>
      tpu.wait_dma2 semaphore(%arg15 : memref<!tpu.dma_semaphore, #tpu.memory_space<semaphore_mem>>) src(%arg9 : memref<128x512xf32, #tpu.memory_space<vmem>>) dst(%dma_wait3A_134 : memref<128x512xf32, #tpu.memory_space<hbm>>)
      %dma_wait3A_135 = arith.constant 768 : i32
      %dma_wait3A_136 = arith.constant 0 : i32
      %dma_wait3A_137 = tpu.memref_slice %arg5[%add3A_23, %dma_wait3A_135, %dma_wait3A_136] : memref<77x4096x512xf32, #tpu.memory_space<hbm>> -> memref<1x128x512xf32, #tpu.memory_space<hbm>>
      %dma_wait3A_138 = tpu.memref_squeeze %dma_wait3A_137 : memref<1x128x512xf32, #tpu.memory_space<hbm>> -> memref<128x512xf32, #tpu.memory_space<hbm>>
      %dma_wait3A_139 = arith.constant 768 : i32
      %dma_wait3A_140 = arith.constant 0 : i32
      %dma_wait3A_141 = tpu.memref_slice %arg5[%add3A_23, %dma_wait3A_139, %dma_wait3A_140] : memref<77x4096x512xf32, #tpu.memory_space<hbm>> -> memref<1x128x512xf32, #tpu.memory_space<hbm>>
      %dma_wait3A_142 = tpu.memref_squeeze %dma_wait3A_141 : memref<1x128x512xf32, #tpu.memory_space<hbm>> -> memref<128x512xf32, #tpu.memory_space<hbm>>
      tpu.wait_dma2 semaphore(%arg15 : memref<!tpu.dma_semaphore, #tpu.memory_space<semaphore_mem>>) src(%arg9 : memref<128x512xf32, #tpu.memory_space<vmem>>) dst(%dma_wait3A_142 : memref<128x512xf32, #tpu.memory_space<hbm>>)
      %dma_wait3A_143 = arith.constant 896 : i32
      %dma_wait3A_144 = arith.constant 0 : i32
      %dma_wait3A_145 = tpu.memref_slice %arg5[%add3A_23, %dma_wait3A_143, %dma_wait3A_144] : memref<77x4096x512xf32, #tpu.memory_space<hbm>> -> memref<1x128x512xf32, #tpu.memory_space<hbm>>
      %dma_wait3A_146 = tpu.memref_squeeze %dma_wait3A_145 : memref<1x128x512xf32, #tpu.memory_space<hbm>> -> memref<128x512xf32, #tpu.memory_space<hbm>>
      %dma_wait3A_147 = arith.constant 896 : i32
      %dma_wait3A_148 = arith.constant 0 : i32
      %dma_wait3A_149 = tpu.memref_slice %arg5[%add3A_23, %dma_wait3A_147, %dma_wait3A_148] : memref<77x4096x512xf32, #tpu.memory_space<hbm>> -> memref<1x128x512xf32, #tpu.memory_space<hbm>>
      %dma_wait3A_150 = tpu.memref_squeeze %dma_wait3A_149 : memref<1x128x512xf32, #tpu.memory_space<hbm>> -> memref<128x512xf32, #tpu.memory_space<hbm>>
      tpu.wait_dma2 semaphore(%arg15 : memref<!tpu.dma_semaphore, #tpu.memory_space<semaphore_mem>>) src(%arg9 : memref<128x512xf32, #tpu.memory_space<vmem>>) dst(%dma_wait3A_150 : memref<128x512xf32, #tpu.memory_space<hbm>>)
      %dma_wait3A_151 = arith.constant 1024 : i32
      %dma_wait3A_152 = arith.constant 0 : i32
      %dma_wait3A_153 = tpu.memref_slice %arg5[%add3A_23, %dma_wait3A_151, %dma_wait3A_152] : memref<77x4096x512xf32, #tpu.memory_space<hbm>> -> memref<1x128x512xf32, #tpu.memory_space<hbm>>
      %dma_wait3A_154 = tpu.memref_squeeze %dma_wait3A_153 : memref<1x128x512xf32, #tpu.memory_space<hbm>> -> memref<128x512xf32, #tpu.memory_space<hbm>>
      %dma_wait3A_155 = arith.constant 1024 : i32
      %dma_wait3A_156 = arith.constant 0 : i32
      %dma_wait3A_157 = tpu.memref_slice %arg5[%add3A_23, %dma_wait3A_155, %dma_wait3A_156] : memref<77x4096x512xf32, #tpu.memory_space<hbm>> -> memref<1x128x512xf32, #tpu.memory_space<hbm>>
      %dma_wait3A_158 = tpu.memref_squeeze %dma_wait3A_157 : memref<1x128x512xf32, #tpu.memory_space<hbm>> -> memref<128x512xf32, #tpu.memory_space<hbm>>
      tpu.wait_dma2 semaphore(%arg15 : memref<!tpu.dma_semaphore, #tpu.memory_space<semaphore_mem>>) src(%arg9 : memref<128x512xf32, #tpu.memory_space<vmem>>) dst(%dma_wait3A_158 : memref<128x512xf32, #tpu.memory_space<hbm>>)
      %dma_wait3A_159 = arith.constant 1152 : i32
      %dma_wait3A_160 = arith.constant 0 : i32
      %dma_wait3A_161 = tpu.memref_slice %arg5[%add3A_23, %dma_wait3A_159, %dma_wait3A_160] : memref<77x4096x512xf32, #tpu.memory_space<hbm>> -> memref<1x128x512xf32, #tpu.memory_space<hbm>>
      %dma_wait3A_162 = tpu.memref_squeeze %dma_wait3A_161 : memref<1x128x512xf32, #tpu.memory_space<hbm>> -> memref<128x512xf32, #tpu.memory_space<hbm>>
      %dma_wait3A_163 = arith.constant 1152 : i32
      %dma_wait3A_164 = arith.constant 0 : i32
      %dma_wait3A_165 = tpu.memref_slice %arg5[%add3A_23, %dma_wait3A_163, %dma_wait3A_164] : memref<77x4096x512xf32, #tpu.memory_space<hbm>> -> memref<1x128x512xf32, #tpu.memory_space<hbm>>
      %dma_wait3A_166 = tpu.memref_squeeze %dma_wait3A_165 : memref<1x128x512xf32, #tpu.memory_space<hbm>> -> memref<128x512xf32, #tpu.memory_space<hbm>>
      tpu.wait_dma2 semaphore(%arg15 : memref<!tpu.dma_semaphore, #tpu.memory_space<semaphore_mem>>) src(%arg9 : memref<128x512xf32, #tpu.memory_space<vmem>>) dst(%dma_wait3A_166 : memref<128x512xf32, #tpu.memory_space<hbm>>)
      %dma_wait3A_167 = arith.constant 1280 : i32
      %dma_wait3A_168 = arith.constant 0 : i32
      %dma_wait3A_169 = tpu.memref_slice %arg5[%add3A_23, %dma_wait3A_167, %dma_wait3A_168] : memref<77x4096x512xf32, #tpu.memory_space<hbm>> -> memref<1x128x512xf32, #tpu.memory_space<hbm>>
      %dma_wait3A_170 = tpu.memref_squeeze %dma_wait3A_169 : memref<1x128x512xf32, #tpu.memory_space<hbm>> -> memref<128x512xf32, #tpu.memory_space<hbm>>
      %dma_wait3A_171 = arith.constant 1280 : i32
      %dma_wait3A_172 = arith.constant 0 : i32
      %dma_wait3A_173 = tpu.memref_slice %arg5[%add3A_23, %dma_wait3A_171, %dma_wait3A_172] : memref<77x4096x512xf32, #tpu.memory_space<hbm>> -> memref<1x128x512xf32, #tpu.memory_space<hbm>>
      %dma_wait3A_174 = tpu.memref_squeeze %dma_wait3A_173 : memref<1x128x512xf32, #tpu.memory_space<hbm>> -> memref<128x512xf32, #tpu.memory_space<hbm>>
      tpu.wait_dma2 semaphore(%arg15 : memref<!tpu.dma_semaphore, #tpu.memory_space<semaphore_mem>>) src(%arg9 : memref<128x512xf32, #tpu.memory_space<vmem>>) dst(%dma_wait3A_174 : memref<128x512xf32, #tpu.memory_space<hbm>>)
      %dma_wait3A_175 = arith.constant 1408 : i32
      %dma_wait3A_176 = arith.constant 0 : i32
      %dma_wait3A_177 = tpu.memref_slice %arg5[%add3A_23, %dma_wait3A_175, %dma_wait3A_176] : memref<77x4096x512xf32, #tpu.memory_space<hbm>> -> memref<1x128x512xf32, #tpu.memory_space<hbm>>
      %dma_wait3A_178 = tpu.memref_squeeze %dma_wait3A_177 : memref<1x128x512xf32, #tpu.memory_space<hbm>> -> memref<128x512xf32, #tpu.memory_space<hbm>>
      %dma_wait3A_179 = arith.constant 1408 : i32
      %dma_wait3A_180 = arith.constant 0 : i32
      %dma_wait3A_181 = tpu.memref_slice %arg5[%add3A_23, %dma_wait3A_179, %dma_wait3A_180] : memref<77x4096x512xf32, #tpu.memory_space<hbm>> -> memref<1x128x512xf32, #tpu.memory_space<hbm>>
      %dma_wait3A_182 = tpu.memref_squeeze %dma_wait3A_181 : memref<1x128x512xf32, #tpu.memory_space<hbm>> -> memref<128x512xf32, #tpu.memory_space<hbm>>
      tpu.wait_dma2 semaphore(%arg15 : memref<!tpu.dma_semaphore, #tpu.memory_space<semaphore_mem>>) src(%arg9 : memref<128x512xf32, #tpu.memory_space<vmem>>) dst(%dma_wait3A_182 : memref<128x512xf32, #tpu.memory_space<hbm>>)
      %dma_wait3A_183 = arith.constant 1536 : i32
      %dma_wait3A_184 = arith.constant 0 : i32
      %dma_wait3A_185 = tpu.memref_slice %arg5[%add3A_23, %dma_wait3A_183, %dma_wait3A_184] : memref<77x4096x512xf32, #tpu.memory_space<hbm>> -> memref<1x128x512xf32, #tpu.memory_space<hbm>>
      %dma_wait3A_186 = tpu.memref_squeeze %dma_wait3A_185 : memref<1x128x512xf32, #tpu.memory_space<hbm>> -> memref<128x512xf32, #tpu.memory_space<hbm>>
      %dma_wait3A_187 = arith.constant 1536 : i32
      %dma_wait3A_188 = arith.constant 0 : i32
      %dma_wait3A_189 = tpu.memref_slice %arg5[%add3A_23, %dma_wait3A_187, %dma_wait3A_188] : memref<77x4096x512xf32, #tpu.memory_space<hbm>> -> memref<1x128x512xf32, #tpu.memory_space<hbm>>
      %dma_wait3A_190 = tpu.memref_squeeze %dma_wait3A_189 : memref<1x128x512xf32, #tpu.memory_space<hbm>> -> memref<128x512xf32, #tpu.memory_space<hbm>>
      tpu.wait_dma2 semaphore(%arg15 : memref<!tpu.dma_semaphore, #tpu.memory_space<semaphore_mem>>) src(%arg9 : memref<128x512xf32, #tpu.memory_space<vmem>>) dst(%dma_wait3A_190 : memref<128x512xf32, #tpu.memory_space<hbm>>)
      %dma_wait3A_191 = arith.constant 1664 : i32
      %dma_wait3A_192 = arith.constant 0 : i32
      %dma_wait3A_193 = tpu.memref_slice %arg5[%add3A_23, %dma_wait3A_191, %dma_wait3A_192] : memref<77x4096x512xf32, #tpu.memory_space<hbm>> -> memref<1x128x512xf32, #tpu.memory_space<hbm>>
      %dma_wait3A_194 = tpu.memref_squeeze %dma_wait3A_193 : memref<1x128x512xf32, #tpu.memory_space<hbm>> -> memref<128x512xf32, #tpu.memory_space<hbm>>
      %dma_wait3A_195 = arith.constant 1664 : i32
      %dma_wait3A_196 = arith.constant 0 : i32
      %dma_wait3A_197 = tpu.memref_slice %arg5[%add3A_23, %dma_wait3A_195, %dma_wait3A_196] : memref<77x4096x512xf32, #tpu.memory_space<hbm>> -> memref<1x128x512xf32, #tpu.memory_space<hbm>>
      %dma_wait3A_198 = tpu.memref_squeeze %dma_wait3A_197 : memref<1x128x512xf32, #tpu.memory_space<hbm>> -> memref<128x512xf32, #tpu.memory_space<hbm>>
      tpu.wait_dma2 semaphore(%arg15 : memref<!tpu.dma_semaphore, #tpu.memory_space<semaphore_mem>>) src(%arg9 : memref<128x512xf32, #tpu.memory_space<vmem>>) dst(%dma_wait3A_198 : memref<128x512xf32, #tpu.memory_space<hbm>>)
      %dma_wait3A_199 = arith.constant 1792 : i32
      %dma_wait3A_200 = arith.constant 0 : i32
      %dma_wait3A_201 = tpu.memref_slice %arg5[%add3A_23, %dma_wait3A_199, %dma_wait3A_200] : memref<77x4096x512xf32, #tpu.memory_space<hbm>> -> memref<1x128x512xf32, #tpu.memory_space<hbm>>
      %dma_wait3A_202 = tpu.memref_squeeze %dma_wait3A_201 : memref<1x128x512xf32, #tpu.memory_space<hbm>> -> memref<128x512xf32, #tpu.memory_space<hbm>>
      %dma_wait3A_203 = arith.constant 1792 : i32
      %dma_wait3A_204 = arith.constant 0 : i32
      %dma_wait3A_205 = tpu.memref_slice %arg5[%add3A_23, %dma_wait3A_203, %dma_wait3A_204] : memref<77x4096x512xf32, #tpu.memory_space<hbm>> -> memref<1x128x512xf32, #tpu.memory_space<hbm>>
      %dma_wait3A_206 = tpu.memref_squeeze %dma_wait3A_205 : memref<1x128x512xf32, #tpu.memory_space<hbm>> -> memref<128x512xf32, #tpu.memory_space<hbm>>
      tpu.wait_dma2 semaphore(%arg15 : memref<!tpu.dma_semaphore, #tpu.memory_space<semaphore_mem>>) src(%arg9 : memref<128x512xf32, #tpu.memory_space<vmem>>) dst(%dma_wait3A_206 : memref<128x512xf32, #tpu.memory_space<hbm>>)
      %dma_wait3A_207 = arith.constant 1920 : i32
      %dma_wait3A_208 = arith.constant 0 : i32
      %dma_wait3A_209 = tpu.memref_slice %arg5[%add3A_23, %dma_wait3A_207, %dma_wait3A_208] : memref<77x4096x512xf32, #tpu.memory_space<hbm>> -> memref<1x128x512xf32, #tpu.memory_space<hbm>>
      %dma_wait3A_210 = tpu.memref_squeeze %dma_wait3A_209 : memref<1x128x512xf32, #tpu.memory_space<hbm>> -> memref<128x512xf32, #tpu.memory_space<hbm>>
      %dma_wait3A_211 = arith.constant 1920 : i32
      %dma_wait3A_212 = arith.constant 0 : i32
      %dma_wait3A_213 = tpu.memref_slice %arg5[%add3A_23, %dma_wait3A_211, %dma_wait3A_212] : memref<77x4096x512xf32, #tpu.memory_space<hbm>> -> memref<1x128x512xf32, #tpu.memory_space<hbm>>
      %dma_wait3A_214 = tpu.memref_squeeze %dma_wait3A_213 : memref<1x128x512xf32, #tpu.memory_space<hbm>> -> memref<128x512xf32, #tpu.memory_space<hbm>>
      tpu.wait_dma2 semaphore(%arg15 : memref<!tpu.dma_semaphore, #tpu.memory_space<semaphore_mem>>) src(%arg9 : memref<128x512xf32, #tpu.memory_space<vmem>>) dst(%dma_wait3A_214 : memref<128x512xf32, #tpu.memory_space<hbm>>)
      %dma_wait3A_215 = arith.constant 2048 : i32
      %dma_wait3A_216 = arith.constant 0 : i32
      %dma_wait3A_217 = tpu.memref_slice %arg5[%add3A_23, %dma_wait3A_215, %dma_wait3A_216] : memref<77x4096x512xf32, #tpu.memory_space<hbm>> -> memref<1x128x512xf32, #tpu.memory_space<hbm>>
      %dma_wait3A_218 = tpu.memref_squeeze %dma_wait3A_217 : memref<1x128x512xf32, #tpu.memory_space<hbm>> -> memref<128x512xf32, #tpu.memory_space<hbm>>
      %dma_wait3A_219 = arith.constant 2048 : i32
      %dma_wait3A_220 = arith.constant 0 : i32
      %dma_wait3A_221 = tpu.memref_slice %arg5[%add3A_23, %dma_wait3A_219, %dma_wait3A_220] : memref<77x4096x512xf32, #tpu.memory_space<hbm>> -> memref<1x128x512xf32, #tpu.memory_space<hbm>>
      %dma_wait3A_222 = tpu.memref_squeeze %dma_wait3A_221 : memref<1x128x512xf32, #tpu.memory_space<hbm>> -> memref<128x512xf32, #tpu.memory_space<hbm>>
      tpu.wait_dma2 semaphore(%arg15 : memref<!tpu.dma_semaphore, #tpu.memory_space<semaphore_mem>>) src(%arg9 : memref<128x512xf32, #tpu.memory_space<vmem>>) dst(%dma_wait3A_222 : memref<128x512xf32, #tpu.memory_space<hbm>>)
      %dma_wait3A_223 = arith.constant 2176 : i32
      %dma_wait3A_224 = arith.constant 0 : i32
      %dma_wait3A_225 = tpu.memref_slice %arg5[%add3A_23, %dma_wait3A_223, %dma_wait3A_224] : memref<77x4096x512xf32, #tpu.memory_space<hbm>> -> memref<1x128x512xf32, #tpu.memory_space<hbm>>
      %dma_wait3A_226 = tpu.memref_squeeze %dma_wait3A_225 : memref<1x128x512xf32, #tpu.memory_space<hbm>> -> memref<128x512xf32, #tpu.memory_space<hbm>>
      %dma_wait3A_227 = arith.constant 2176 : i32
      %dma_wait3A_228 = arith.constant 0 : i32
      %dma_wait3A_229 = tpu.memref_slice %arg5[%add3A_23, %dma_wait3A_227, %dma_wait3A_228] : memref<77x4096x512xf32, #tpu.memory_space<hbm>> -> memref<1x128x512xf32, #tpu.memory_space<hbm>>
      %dma_wait3A_230 = tpu.memref_squeeze %dma_wait3A_229 : memref<1x128x512xf32, #tpu.memory_space<hbm>> -> memref<128x512xf32, #tpu.memory_space<hbm>>
      tpu.wait_dma2 semaphore(%arg15 : memref<!tpu.dma_semaphore, #tpu.memory_space<semaphore_mem>>) src(%arg9 : memref<128x512xf32, #tpu.memory_space<vmem>>) dst(%dma_wait3A_230 : memref<128x512xf32, #tpu.memory_space<hbm>>)
      %dma_wait3A_231 = arith.constant 2304 : i32
      %dma_wait3A_232 = arith.constant 0 : i32
      %dma_wait3A_233 = tpu.memref_slice %arg5[%add3A_23, %dma_wait3A_231, %dma_wait3A_232] : memref<77x4096x512xf32, #tpu.memory_space<hbm>> -> memref<1x128x512xf32, #tpu.memory_space<hbm>>
      %dma_wait3A_234 = tpu.memref_squeeze %dma_wait3A_233 : memref<1x128x512xf32, #tpu.memory_space<hbm>> -> memref<128x512xf32, #tpu.memory_space<hbm>>
      %dma_wait3A_235 = arith.constant 2304 : i32
      %dma_wait3A_236 = arith.constant 0 : i32
      %dma_wait3A_237 = tpu.memref_slice %arg5[%add3A_23, %dma_wait3A_235, %dma_wait3A_236] : memref<77x4096x512xf32, #tpu.memory_space<hbm>> -> memref<1x128x512xf32, #tpu.memory_space<hbm>>
      %dma_wait3A_238 = tpu.memref_squeeze %dma_wait3A_237 : memref<1x128x512xf32, #tpu.memory_space<hbm>> -> memref<128x512xf32, #tpu.memory_space<hbm>>
      tpu.wait_dma2 semaphore(%arg15 : memref<!tpu.dma_semaphore, #tpu.memory_space<semaphore_mem>>) src(%arg9 : memref<128x512xf32, #tpu.memory_space<vmem>>) dst(%dma_wait3A_238 : memref<128x512xf32, #tpu.memory_space<hbm>>)
      %dma_wait3A_239 = arith.constant 2432 : i32
      %dma_wait3A_240 = arith.constant 0 : i32
      %dma_wait3A_241 = tpu.memref_slice %arg5[%add3A_23, %dma_wait3A_239, %dma_wait3A_240] : memref<77x4096x512xf32, #tpu.memory_space<hbm>> -> memref<1x128x512xf32, #tpu.memory_space<hbm>>
      %dma_wait3A_242 = tpu.memref_squeeze %dma_wait3A_241 : memref<1x128x512xf32, #tpu.memory_space<hbm>> -> memref<128x512xf32, #tpu.memory_space<hbm>>
      %dma_wait3A_243 = arith.constant 2432 : i32
      %dma_wait3A_244 = arith.constant 0 : i32
      %dma_wait3A_245 = tpu.memref_slice %arg5[%add3A_23, %dma_wait3A_243, %dma_wait3A_244] : memref<77x4096x512xf32, #tpu.memory_space<hbm>> -> memref<1x128x512xf32, #tpu.memory_space<hbm>>
      %dma_wait3A_246 = tpu.memref_squeeze %dma_wait3A_245 : memref<1x128x512xf32, #tpu.memory_space<hbm>> -> memref<128x512xf32, #tpu.memory_space<hbm>>
      tpu.wait_dma2 semaphore(%arg15 : memref<!tpu.dma_semaphore, #tpu.memory_space<semaphore_mem>>) src(%arg9 : memref<128x512xf32, #tpu.memory_space<vmem>>) dst(%dma_wait3A_246 : memref<128x512xf32, #tpu.memory_space<hbm>>)
      %dma_wait3A_247 = arith.constant 2560 : i32
      %dma_wait3A_248 = arith.constant 0 : i32
      %dma_wait3A_249 = tpu.memref_slice %arg5[%add3A_23, %dma_wait3A_247, %dma_wait3A_248] : memref<77x4096x512xf32, #tpu.memory_space<hbm>> -> memref<1x128x512xf32, #tpu.memory_space<hbm>>
      %dma_wait3A_250 = tpu.memref_squeeze %dma_wait3A_249 : memref<1x128x512xf32, #tpu.memory_space<hbm>> -> memref<128x512xf32, #tpu.memory_space<hbm>>
      %dma_wait3A_251 = arith.constant 2560 : i32
      %dma_wait3A_252 = arith.constant 0 : i32
      %dma_wait3A_253 = tpu.memref_slice %arg5[%add3A_23, %dma_wait3A_251, %dma_wait3A_252] : memref<77x4096x512xf32, #tpu.memory_space<hbm>> -> memref<1x128x512xf32, #tpu.memory_space<hbm>>
      %dma_wait3A_254 = tpu.memref_squeeze %dma_wait3A_253 : memref<1x128x512xf32, #tpu.memory_space<hbm>> -> memref<128x512xf32, #tpu.memory_space<hbm>>
      tpu.wait_dma2 semaphore(%arg15 : memref<!tpu.dma_semaphore, #tpu.memory_space<semaphore_mem>>) src(%arg9 : memref<128x512xf32, #tpu.memory_space<vmem>>) dst(%dma_wait3A_254 : memref<128x512xf32, #tpu.memory_space<hbm>>)
      %dma_wait3A_255 = arith.constant 2688 : i32
      %dma_wait3A_256 = arith.constant 0 : i32
      %dma_wait3A_257 = tpu.memref_slice %arg5[%add3A_23, %dma_wait3A_255, %dma_wait3A_256] : memref<77x4096x512xf32, #tpu.memory_space<hbm>> -> memref<1x128x512xf32, #tpu.memory_space<hbm>>
      %dma_wait3A_258 = tpu.memref_squeeze %dma_wait3A_257 : memref<1x128x512xf32, #tpu.memory_space<hbm>> -> memref<128x512xf32, #tpu.memory_space<hbm>>
      %dma_wait3A_259 = arith.constant 2688 : i32
      %dma_wait3A_260 = arith.constant 0 : i32
      %dma_wait3A_261 = tpu.memref_slice %arg5[%add3A_23, %dma_wait3A_259, %dma_wait3A_260] : memref<77x4096x512xf32, #tpu.memory_space<hbm>> -> memref<1x128x512xf32, #tpu.memory_space<hbm>>
      %dma_wait3A_262 = tpu.memref_squeeze %dma_wait3A_261 : memref<1x128x512xf32, #tpu.memory_space<hbm>> -> memref<128x512xf32, #tpu.memory_space<hbm>>
      tpu.wait_dma2 semaphore(%arg15 : memref<!tpu.dma_semaphore, #tpu.memory_space<semaphore_mem>>) src(%arg9 : memref<128x512xf32, #tpu.memory_space<vmem>>) dst(%dma_wait3A_262 : memref<128x512xf32, #tpu.memory_space<hbm>>)
      %dma_wait3A_263 = arith.constant 2816 : i32
      %dma_wait3A_264 = arith.constant 0 : i32
      %dma_wait3A_265 = tpu.memref_slice %arg5[%add3A_23, %dma_wait3A_263, %dma_wait3A_264] : memref<77x4096x512xf32, #tpu.memory_space<hbm>> -> memref<1x128x512xf32, #tpu.memory_space<hbm>>
      %dma_wait3A_266 = tpu.memref_squeeze %dma_wait3A_265 : memref<1x128x512xf32, #tpu.memory_space<hbm>> -> memref<128x512xf32, #tpu.memory_space<hbm>>
      %dma_wait3A_267 = arith.constant 2816 : i32
      %dma_wait3A_268 = arith.constant 0 : i32
      %dma_wait3A_269 = tpu.memref_slice %arg5[%add3A_23, %dma_wait3A_267, %dma_wait3A_268] : memref<77x4096x512xf32, #tpu.memory_space<hbm>> -> memref<1x128x512xf32, #tpu.memory_space<hbm>>
      %dma_wait3A_270 = tpu.memref_squeeze %dma_wait3A_269 : memref<1x128x512xf32, #tpu.memory_space<hbm>> -> memref<128x512xf32, #tpu.memory_space<hbm>>
      tpu.wait_dma2 semaphore(%arg15 : memref<!tpu.dma_semaphore, #tpu.memory_space<semaphore_mem>>) src(%arg9 : memref<128x512xf32, #tpu.memory_space<vmem>>) dst(%dma_wait3A_270 : memref<128x512xf32, #tpu.memory_space<hbm>>)
      %dma_wait3A_271 = arith.constant 2944 : i32
      %dma_wait3A_272 = arith.constant 0 : i32
      %dma_wait3A_273 = tpu.memref_slice %arg5[%add3A_23, %dma_wait3A_271, %dma_wait3A_272] : memref<77x4096x512xf32, #tpu.memory_space<hbm>> -> memref<1x128x512xf32, #tpu.memory_space<hbm>>
      %dma_wait3A_274 = tpu.memref_squeeze %dma_wait3A_273 : memref<1x128x512xf32, #tpu.memory_space<hbm>> -> memref<128x512xf32, #tpu.memory_space<hbm>>
      %dma_wait3A_275 = arith.constant 2944 : i32
      %dma_wait3A_276 = arith.constant 0 : i32
      %dma_wait3A_277 = tpu.memref_slice %arg5[%add3A_23, %dma_wait3A_275, %dma_wait3A_276] : memref<77x4096x512xf32, #tpu.memory_space<hbm>> -> memref<1x128x512xf32, #tpu.memory_space<hbm>>
      %dma_wait3A_278 = tpu.memref_squeeze %dma_wait3A_277 : memref<1x128x512xf32, #tpu.memory_space<hbm>> -> memref<128x512xf32, #tpu.memory_space<hbm>>
      tpu.wait_dma2 semaphore(%arg15 : memref<!tpu.dma_semaphore, #tpu.memory_space<semaphore_mem>>) src(%arg9 : memref<128x512xf32, #tpu.memory_space<vmem>>) dst(%dma_wait3A_278 : memref<128x512xf32, #tpu.memory_space<hbm>>)
      %dma_wait3A_279 = arith.constant 3072 : i32
      %dma_wait3A_280 = arith.constant 0 : i32
      %dma_wait3A_281 = tpu.memref_slice %arg5[%add3A_23, %dma_wait3A_279, %dma_wait3A_280] : memref<77x4096x512xf32, #tpu.memory_space<hbm>> -> memref<1x128x512xf32, #tpu.memory_space<hbm>>
      %dma_wait3A_282 = tpu.memref_squeeze %dma_wait3A_281 : memref<1x128x512xf32, #tpu.memory_space<hbm>> -> memref<128x512xf32, #tpu.memory_space<hbm>>
      %dma_wait3A_283 = arith.constant 3072 : i32
      %dma_wait3A_284 = arith.constant 0 : i32
      %dma_wait3A_285 = tpu.memref_slice %arg5[%add3A_23, %dma_wait3A_283, %dma_wait3A_284] : memref<77x4096x512xf32, #tpu.memory_space<hbm>> -> memref<1x128x512xf32, #tpu.memory_space<hbm>>
      %dma_wait3A_286 = tpu.memref_squeeze %dma_wait3A_285 : memref<1x128x512xf32, #tpu.memory_space<hbm>> -> memref<128x512xf32, #tpu.memory_space<hbm>>
      tpu.wait_dma2 semaphore(%arg15 : memref<!tpu.dma_semaphore, #tpu.memory_space<semaphore_mem>>) src(%arg9 : memref<128x512xf32, #tpu.memory_space<vmem>>) dst(%dma_wait3A_286 : memref<128x512xf32, #tpu.memory_space<hbm>>)
      %dma_wait3A_287 = arith.constant 3200 : i32
      %dma_wait3A_288 = arith.constant 0 : i32
      %dma_wait3A_289 = tpu.memref_slice %arg5[%add3A_23, %dma_wait3A_287, %dma_wait3A_288] : memref<77x4096x512xf32, #tpu.memory_space<hbm>> -> memref<1x128x512xf32, #tpu.memory_space<hbm>>
      %dma_wait3A_290 = tpu.memref_squeeze %dma_wait3A_289 : memref<1x128x512xf32, #tpu.memory_space<hbm>> -> memref<128x512xf32, #tpu.memory_space<hbm>>
      %dma_wait3A_291 = arith.constant 3200 : i32
      %dma_wait3A_292 = arith.constant 0 : i32
      %dma_wait3A_293 = tpu.memref_slice %arg5[%add3A_23, %dma_wait3A_291, %dma_wait3A_292] : memref<77x4096x512xf32, #tpu.memory_space<hbm>> -> memref<1x128x512xf32, #tpu.memory_space<hbm>>
      %dma_wait3A_294 = tpu.memref_squeeze %dma_wait3A_293 : memref<1x128x512xf32, #tpu.memory_space<hbm>> -> memref<128x512xf32, #tpu.memory_space<hbm>>
      tpu.wait_dma2 semaphore(%arg15 : memref<!tpu.dma_semaphore, #tpu.memory_space<semaphore_mem>>) src(%arg9 : memref<128x512xf32, #tpu.memory_space<vmem>>) dst(%dma_wait3A_294 : memref<128x512xf32, #tpu.memory_space<hbm>>)
      %dma_wait3A_295 = arith.constant 3328 : i32
      %dma_wait3A_296 = arith.constant 0 : i32
      %dma_wait3A_297 = tpu.memref_slice %arg5[%add3A_23, %dma_wait3A_295, %dma_wait3A_296] : memref<77x4096x512xf32, #tpu.memory_space<hbm>> -> memref<1x128x512xf32, #tpu.memory_space<hbm>>
      %dma_wait3A_298 = tpu.memref_squeeze %dma_wait3A_297 : memref<1x128x512xf32, #tpu.memory_space<hbm>> -> memref<128x512xf32, #tpu.memory_space<hbm>>
      %dma_wait3A_299 = arith.constant 3328 : i32
      %dma_wait3A_300 = arith.constant 0 : i32
      %dma_wait3A_301 = tpu.memref_slice %arg5[%add3A_23, %dma_wait3A_299, %dma_wait3A_300] : memref<77x4096x512xf32, #tpu.memory_space<hbm>> -> memref<1x128x512xf32, #tpu.memory_space<hbm>>
      %dma_wait3A_302 = tpu.memref_squeeze %dma_wait3A_301 : memref<1x128x512xf32, #tpu.memory_space<hbm>> -> memref<128x512xf32, #tpu.memory_space<hbm>>
      tpu.wait_dma2 semaphore(%arg15 : memref<!tpu.dma_semaphore, #tpu.memory_space<semaphore_mem>>) src(%arg9 : memref<128x512xf32, #tpu.memory_space<vmem>>) dst(%dma_wait3A_302 : memref<128x512xf32, #tpu.memory_space<hbm>>)
      %dma_wait3A_303 = arith.constant 3456 : i32
      %dma_wait3A_304 = arith.constant 0 : i32
      %dma_wait3A_305 = tpu.memref_slice %arg5[%add3A_23, %dma_wait3A_303, %dma_wait3A_304] : memref<77x4096x512xf32, #tpu.memory_space<hbm>> -> memref<1x128x512xf32, #tpu.memory_space<hbm>>
      %dma_wait3A_306 = tpu.memref_squeeze %dma_wait3A_305 : memref<1x128x512xf32, #tpu.memory_space<hbm>> -> memref<128x512xf32, #tpu.memory_space<hbm>>
      %dma_wait3A_307 = arith.constant 3456 : i32
      %dma_wait3A_308 = arith.constant 0 : i32
      %dma_wait3A_309 = tpu.memref_slice %arg5[%add3A_23, %dma_wait3A_307, %dma_wait3A_308] : memref<77x4096x512xf32, #tpu.memory_space<hbm>> -> memref<1x128x512xf32, #tpu.memory_space<hbm>>
      %dma_wait3A_310 = tpu.memref_squeeze %dma_wait3A_309 : memref<1x128x512xf32, #tpu.memory_space<hbm>> -> memref<128x512xf32, #tpu.memory_space<hbm>>
      tpu.wait_dma2 semaphore(%arg15 : memref<!tpu.dma_semaphore, #tpu.memory_space<semaphore_mem>>) src(%arg9 : memref<128x512xf32, #tpu.memory_space<vmem>>) dst(%dma_wait3A_310 : memref<128x512xf32, #tpu.memory_space<hbm>>)
      %dma_wait3A_311 = arith.constant 3584 : i32
      %dma_wait3A_312 = arith.constant 0 : i32
      %dma_wait3A_313 = tpu.memref_slice %arg5[%add3A_23, %dma_wait3A_311, %dma_wait3A_312] : memref<77x4096x512xf32, #tpu.memory_space<hbm>> -> memref<1x128x512xf32, #tpu.memory_space<hbm>>
      %dma_wait3A_314 = tpu.memref_squeeze %dma_wait3A_313 : memref<1x128x512xf32, #tpu.memory_space<hbm>> -> memref<128x512xf32, #tpu.memory_space<hbm>>
      %dma_wait3A_315 = arith.constant 3584 : i32
      %dma_wait3A_316 = arith.constant 0 : i32
      %dma_wait3A_317 = tpu.memref_slice %arg5[%add3A_23, %dma_wait3A_315, %dma_wait3A_316] : memref<77x4096x512xf32, #tpu.memory_space<hbm>> -> memref<1x128x512xf32, #tpu.memory_space<hbm>>
      %dma_wait3A_318 = tpu.memref_squeeze %dma_wait3A_317 : memref<1x128x512xf32, #tpu.memory_space<hbm>> -> memref<128x512xf32, #tpu.memory_space<hbm>>
      tpu.wait_dma2 semaphore(%arg15 : memref<!tpu.dma_semaphore, #tpu.memory_space<semaphore_mem>>) src(%arg9 : memref<128x512xf32, #tpu.memory_space<vmem>>) dst(%dma_wait3A_318 : memref<128x512xf32, #tpu.memory_space<hbm>>)
      %dma_wait3A_319 = arith.constant 3712 : i32
      %dma_wait3A_320 = arith.constant 0 : i32
      %dma_wait3A_321 = tpu.memref_slice %arg5[%add3A_23, %dma_wait3A_319, %dma_wait3A_320] : memref<77x4096x512xf32, #tpu.memory_space<hbm>> -> memref<1x128x512xf32, #tpu.memory_space<hbm>>
      %dma_wait3A_322 = tpu.memref_squeeze %dma_wait3A_321 : memref<1x128x512xf32, #tpu.memory_space<hbm>> -> memref<128x512xf32, #tpu.memory_space<hbm>>
      %dma_wait3A_323 = arith.constant 3712 : i32
      %dma_wait3A_324 = arith.constant 0 : i32
      %dma_wait3A_325 = tpu.memref_slice %arg5[%add3A_23, %dma_wait3A_323, %dma_wait3A_324] : memref<77x4096x512xf32, #tpu.memory_space<hbm>> -> memref<1x128x512xf32, #tpu.memory_space<hbm>>
      %dma_wait3A_326 = tpu.memref_squeeze %dma_wait3A_325 : memref<1x128x512xf32, #tpu.memory_space<hbm>> -> memref<128x512xf32, #tpu.memory_space<hbm>>
      tpu.wait_dma2 semaphore(%arg15 : memref<!tpu.dma_semaphore, #tpu.memory_space<semaphore_mem>>) src(%arg9 : memref<128x512xf32, #tpu.memory_space<vmem>>) dst(%dma_wait3A_326 : memref<128x512xf32, #tpu.memory_space<hbm>>)
      %dma_wait3A_327 = arith.constant 3840 : i32
      %dma_wait3A_328 = arith.constant 0 : i32
      %dma_wait3A_329 = tpu.memref_slice %arg5[%add3A_23, %dma_wait3A_327, %dma_wait3A_328] : memref<77x4096x512xf32, #tpu.memory_space<hbm>> -> memref<1x128x512xf32, #tpu.memory_space<hbm>>
      %dma_wait3A_330 = tpu.memref_squeeze %dma_wait3A_329 : memref<1x128x512xf32, #tpu.memory_space<hbm>> -> memref<128x512xf32, #tpu.memory_space<hbm>>
      %dma_wait3A_331 = arith.constant 3840 : i32
      %dma_wait3A_332 = arith.constant 0 : i32
      %dma_wait3A_333 = tpu.memref_slice %arg5[%add3A_23, %dma_wait3A_331, %dma_wait3A_332] : memref<77x4096x512xf32, #tpu.memory_space<hbm>> -> memref<1x128x512xf32, #tpu.memory_space<hbm>>
      %dma_wait3A_334 = tpu.memref_squeeze %dma_wait3A_333 : memref<1x128x512xf32, #tpu.memory_space<hbm>> -> memref<128x512xf32, #tpu.memory_space<hbm>>
      tpu.wait_dma2 semaphore(%arg15 : memref<!tpu.dma_semaphore, #tpu.memory_space<semaphore_mem>>) src(%arg9 : memref<128x512xf32, #tpu.memory_space<vmem>>) dst(%dma_wait3A_334 : memref<128x512xf32, #tpu.memory_space<hbm>>)
      %dma_wait3A_335 = arith.constant 3968 : i32
      %dma_wait3A_336 = arith.constant 0 : i32
      %dma_wait3A_337 = tpu.memref_slice %arg5[%add3A_23, %dma_wait3A_335, %dma_wait3A_336] : memref<77x4096x512xf32, #tpu.memory_space<hbm>> -> memref<1x128x512xf32, #tpu.memory_space<hbm>>
      %dma_wait3A_338 = tpu.memref_squeeze %dma_wait3A_337 : memref<1x128x512xf32, #tpu.memory_space<hbm>> -> memref<128x512xf32, #tpu.memory_space<hbm>>
      %dma_wait3A_339 = arith.constant 3968 : i32
      %dma_wait3A_340 = arith.constant 0 : i32
      %dma_wait3A_341 = tpu.memref_slice %arg5[%add3A_23, %dma_wait3A_339, %dma_wait3A_340] : memref<77x4096x512xf32, #tpu.memory_space<hbm>> -> memref<1x128x512xf32, #tpu.memory_space<hbm>>
      %dma_wait3A_342 = tpu.memref_squeeze %dma_wait3A_341 : memref<1x128x512xf32, #tpu.memory_space<hbm>> -> memref<128x512xf32, #tpu.memory_space<hbm>>
      tpu.wait_dma2 semaphore(%arg15 : memref<!tpu.dma_semaphore, #tpu.memory_space<semaphore_mem>>) src(%arg9 : memref<128x512xf32, #tpu.memory_space<vmem>>) dst(%dma_wait3A_342 : memref<128x512xf32, #tpu.memory_space<hbm>>)
    } else {
    }
    %convert_element_type3A_49 = arith.extui %and3A_45 : i1 to i32
    %cond3A_50 = arith.constant 0 : i32
    %cond3A_51 = arith.cmpi ne, %convert_element_type3A_49, %cond3A_50 : i32
    scf.if %cond3A_51 {
      %get3A = arith.index_cast %add3A_40 : i32 to index
      %get3A_87 = arith.constant 0 : index
      %get3A_88 = tpu.vector_load %arg8[%get3A, %get3A_87] {strides = array<i32>} : memref<96x512xf32, #tpu.memory_space<vmem>>, vector<1x16xf32>,
      %get3A_89 = vector.shape_cast %get3A_88 : vector<1x16xf32> to vector<16xf32>
      %get3A_90 = arith.index_cast %add3A_40 : i32 to index
      %get3A_91 = arith.constant 16 : index
      %get3A_92 = tpu.vector_load %arg8[%get3A_90, %get3A_91] {strides = array<i32>} : memref<96x512xf32, #tpu.memory_space<vmem>>, vector<1x16xf32>,
      %get3A_93 = vector.shape_cast %get3A_92 : vector<1x16xf32> to vector<16xf32>
      %get3A_94 = arith.index_cast %add3A_40 : i32 to index
      %get3A_95 = arith.constant 32 : index
      %get3A_96 = tpu.vector_load %arg8[%get3A_94, %get3A_95] {strides = array<i32>} : memref<96x512xf32, #tpu.memory_space<vmem>>, vector<1x16xf32>,
      %get3A_97 = vector.shape_cast %get3A_96 : vector<1x16xf32> to vector<16xf32>
      %get3A_98 = arith.index_cast %add3A_40 : i32 to index
      %get3A_99 = arith.constant 48 : index
      %get3A_100 = tpu.vector_load %arg8[%get3A_98, %get3A_99] {strides = array<i32>} : memref<96x512xf32, #tpu.memory_space<vmem>>, vector<1x16xf32>,
      %get3A_101 = vector.shape_cast %get3A_100 : vector<1x16xf32> to vector<16xf32>
      %get3A_102 = arith.index_cast %add3A_40 : i32 to index
      %get3A_103 = arith.constant 64 : index
      %get3A_104 = tpu.vector_load %arg8[%get3A_102, %get3A_103] {strides = array<i32>} : memref<96x512xf32, #tpu.memory_space<vmem>>, vector<1x16xf32>,
      %get3A_105 = vector.shape_cast %get3A_104 : vector<1x16xf32> to vector<16xf32>
      %get3A_106 = arith.index_cast %add3A_40 : i32 to index
      %get3A_107 = arith.constant 80 : index
      %get3A_108 = tpu.vector_load %arg8[%get3A_106, %get3A_107] {strides = array<i32>} : memref<96x512xf32, #tpu.memory_space<vmem>>, vector<1x16xf32>,
      %get3A_109 = vector.shape_cast %get3A_108 : vector<1x16xf32> to vector<16xf32>
      %get3A_110 = arith.index_cast %add3A_40 : i32 to index
      %get3A_111 = arith.constant 96 : index
      %get3A_112 = tpu.vector_load %arg8[%get3A_110, %get3A_111] {strides = array<i32>} : memref<96x512xf32, #tpu.memory_space<vmem>>, vector<1x16xf32>,
      %get3A_113 = vector.shape_cast %get3A_112 : vector<1x16xf32> to vector<16xf32>
      %get3A_114 = arith.index_cast %add3A_40 : i32 to index
      %get3A_115 = arith.constant 112 : index
      %get3A_116 = tpu.vector_load %arg8[%get3A_114, %get3A_115] {strides = array<i32>} : memref<96x512xf32, #tpu.memory_space<vmem>>, vector<1x16xf32>,
      %get3A_117 = vector.shape_cast %get3A_116 : vector<1x16xf32> to vector<16xf32>
      %get3A_118 = arith.index_cast %add3A_40 : i32 to index
      %get3A_119 = arith.constant 128 : index
      %get3A_120 = tpu.vector_load %arg8[%get3A_118, %get3A_119] {strides = array<i32>} : memref<96x512xf32, #tpu.memory_space<vmem>>, vector<1x16xf32>,
      %get3A_121 = vector.shape_cast %get3A_120 : vector<1x16xf32> to vector<16xf32>
      %get3A_122 = arith.index_cast %add3A_40 : i32 to index
      %get3A_123 = arith.constant 144 : index
      %get3A_124 = tpu.vector_load %arg8[%get3A_122, %get3A_123] {strides = array<i32>} : memref<96x512xf32, #tpu.memory_space<vmem>>, vector<1x16xf32>,
      %get3A_125 = vector.shape_cast %get3A_124 : vector<1x16xf32> to vector<16xf32>
      %get3A_126 = arith.index_cast %add3A_40 : i32 to index
      %get3A_127 = arith.constant 160 : index
      %get3A_128 = tpu.vector_load %arg8[%get3A_126, %get3A_127] {strides = array<i32>} : memref<96x512xf32, #tpu.memory_space<vmem>>, vector<1x16xf32>,
      %get3A_129 = vector.shape_cast %get3A_128 : vector<1x16xf32> to vector<16xf32>
      %get3A_130 = arith.index_cast %add3A_40 : i32 to index
      %get3A_131 = arith.constant 176 : index
      %get3A_132 = tpu.vector_load %arg8[%get3A_130, %get3A_131] {strides = array<i32>} : memref<96x512xf32, #tpu.memory_space<vmem>>, vector<1x16xf32>,
      %get3A_133 = vector.shape_cast %get3A_132 : vector<1x16xf32> to vector<16xf32>
      %get3A_134 = arith.index_cast %add3A_40 : i32 to index
      %get3A_135 = arith.constant 192 : index
      %get3A_136 = tpu.vector_load %arg8[%get3A_134, %get3A_135] {strides = array<i32>} : memref<96x512xf32, #tpu.memory_space<vmem>>, vector<1x16xf32>,
      %get3A_137 = vector.shape_cast %get3A_136 : vector<1x16xf32> to vector<16xf32>
      %get3A_138 = arith.index_cast %add3A_40 : i32 to index
      %get3A_139 = arith.constant 208 : index
      %get3A_140 = tpu.vector_load %arg8[%get3A_138, %get3A_139] {strides = array<i32>} : memref<96x512xf32, #tpu.memory_space<vmem>>, vector<1x16xf32>,
      %get3A_141 = vector.shape_cast %get3A_140 : vector<1x16xf32> to vector<16xf32>
      %get3A_142 = arith.index_cast %add3A_40 : i32 to index
      %get3A_143 = arith.constant 224 : index
      %get3A_144 = tpu.vector_load %arg8[%get3A_142, %get3A_143] {strides = array<i32>} : memref<96x512xf32, #tpu.memory_space<vmem>>, vector<1x16xf32>,
      %get3A_145 = vector.shape_cast %get3A_144 : vector<1x16xf32> to vector<16xf32>
      %get3A_146 = arith.index_cast %add3A_40 : i32 to index
      %get3A_147 = arith.constant 240 : index
      %get3A_148 = tpu.vector_load %arg8[%get3A_146, %get3A_147] {strides = array<i32>} : memref<96x512xf32, #tpu.memory_space<vmem>>, vector<1x16xf32>,
      %get3A_149 = vector.shape_cast %get3A_148 : vector<1x16xf32> to vector<16xf32>
      %get3A_150 = arith.index_cast %add3A_40 : i32 to index
      %get3A_151 = arith.constant 256 : index
      %get3A_152 = tpu.vector_load %arg8[%get3A_150, %get3A_151] {strides = array<i32>} : memref<96x512xf32, #tpu.memory_space<vmem>>, vector<1x16xf32>,
      %get3A_153 = vector.shape_cast %get3A_152 : vector<1x16xf32> to vector<16xf32>
      %get3A_154 = arith.index_cast %add3A_40 : i32 to index
      %get3A_155 = arith.constant 272 : index
      %get3A_156 = tpu.vector_load %arg8[%get3A_154, %get3A_155] {strides = array<i32>} : memref<96x512xf32, #tpu.memory_space<vmem>>, vector<1x16xf32>,
      %get3A_157 = vector.shape_cast %get3A_156 : vector<1x16xf32> to vector<16xf32>
      %get3A_158 = arith.index_cast %add3A_40 : i32 to index
      %get3A_159 = arith.constant 288 : index
      %get3A_160 = tpu.vector_load %arg8[%get3A_158, %get3A_159] {strides = array<i32>} : memref<96x512xf32, #tpu.memory_space<vmem>>, vector<1x16xf32>,
      %get3A_161 = vector.shape_cast %get3A_160 : vector<1x16xf32> to vector<16xf32>
      %get3A_162 = arith.index_cast %add3A_40 : i32 to index
      %get3A_163 = arith.constant 304 : index
      %get3A_164 = tpu.vector_load %arg8[%get3A_162, %get3A_163] {strides = array<i32>} : memref<96x512xf32, #tpu.memory_space<vmem>>, vector<1x16xf32>,
      %get3A_165 = vector.shape_cast %get3A_164 : vector<1x16xf32> to vector<16xf32>
      %get3A_166 = arith.index_cast %add3A_40 : i32 to index
      %get3A_167 = arith.constant 320 : index
      %get3A_168 = tpu.vector_load %arg8[%get3A_166, %get3A_167] {strides = array<i32>} : memref<96x512xf32, #tpu.memory_space<vmem>>, vector<1x16xf32>,
      %get3A_169 = vector.shape_cast %get3A_168 : vector<1x16xf32> to vector<16xf32>
      %get3A_170 = arith.index_cast %add3A_40 : i32 to index
      %get3A_171 = arith.constant 336 : index
      %get3A_172 = tpu.vector_load %arg8[%get3A_170, %get3A_171] {strides = array<i32>} : memref<96x512xf32, #tpu.memory_space<vmem>>, vector<1x16xf32>,
      %get3A_173 = vector.shape_cast %get3A_172 : vector<1x16xf32> to vector<16xf32>
      %get3A_174 = arith.index_cast %add3A_40 : i32 to index
      %get3A_175 = arith.constant 352 : index
      %get3A_176 = tpu.vector_load %arg8[%get3A_174, %get3A_175] {strides = array<i32>} : memref<96x512xf32, #tpu.memory_space<vmem>>, vector<1x16xf32>,
      %get3A_177 = vector.shape_cast %get3A_176 : vector<1x16xf32> to vector<16xf32>
      %get3A_178 = arith.index_cast %add3A_40 : i32 to index
      %get3A_179 = arith.constant 368 : index
      %get3A_180 = tpu.vector_load %arg8[%get3A_178, %get3A_179] {strides = array<i32>} : memref<96x512xf32, #tpu.memory_space<vmem>>, vector<1x16xf32>,
      %get3A_181 = vector.shape_cast %get3A_180 : vector<1x16xf32> to vector<16xf32>
      %get3A_182 = arith.index_cast %add3A_40 : i32 to index
      %get3A_183 = arith.constant 384 : index
      %get3A_184 = tpu.vector_load %arg8[%get3A_182, %get3A_183] {strides = array<i32>} : memref<96x512xf32, #tpu.memory_space<vmem>>, vector<1x16xf32>,
      %get3A_185 = vector.shape_cast %get3A_184 : vector<1x16xf32> to vector<16xf32>
      %get3A_186 = arith.index_cast %add3A_40 : i32 to index
      %get3A_187 = arith.constant 400 : index
      %get3A_188 = tpu.vector_load %arg8[%get3A_186, %get3A_187] {strides = array<i32>} : memref<96x512xf32, #tpu.memory_space<vmem>>, vector<1x16xf32>,
      %get3A_189 = vector.shape_cast %get3A_188 : vector<1x16xf32> to vector<16xf32>
      %get3A_190 = arith.index_cast %add3A_40 : i32 to index
      %get3A_191 = arith.constant 416 : index
      %get3A_192 = tpu.vector_load %arg8[%get3A_190, %get3A_191] {strides = array<i32>} : memref<96x512xf32, #tpu.memory_space<vmem>>, vector<1x16xf32>,
      %get3A_193 = vector.shape_cast %get3A_192 : vector<1x16xf32> to vector<16xf32>
      %get3A_194 = arith.index_cast %add3A_40 : i32 to index
      %get3A_195 = arith.constant 432 : index
      %get3A_196 = tpu.vector_load %arg8[%get3A_194, %get3A_195] {strides = array<i32>} : memref<96x512xf32, #tpu.memory_space<vmem>>, vector<1x16xf32>,
      %get3A_197 = vector.shape_cast %get3A_196 : vector<1x16xf32> to vector<16xf32>
      %get3A_198 = arith.index_cast %add3A_40 : i32 to index
      %get3A_199 = arith.constant 448 : index
      %get3A_200 = tpu.vector_load %arg8[%get3A_198, %get3A_199] {strides = array<i32>} : memref<96x512xf32, #tpu.memory_space<vmem>>, vector<1x16xf32>,
      %get3A_201 = vector.shape_cast %get3A_200 : vector<1x16xf32> to vector<16xf32>
      %get3A_202 = arith.index_cast %add3A_40 : i32 to index
      %get3A_203 = arith.constant 464 : index
      %get3A_204 = tpu.vector_load %arg8[%get3A_202, %get3A_203] {strides = array<i32>} : memref<96x512xf32, #tpu.memory_space<vmem>>, vector<1x16xf32>,
      %get3A_205 = vector.shape_cast %get3A_204 : vector<1x16xf32> to vector<16xf32>
      %get3A_206 = arith.index_cast %add3A_40 : i32 to index
      %get3A_207 = arith.constant 480 : index
      %get3A_208 = tpu.vector_load %arg8[%get3A_206, %get3A_207] {strides = array<i32>} : memref<96x512xf32, #tpu.memory_space<vmem>>, vector<1x16xf32>,
      %get3A_209 = vector.shape_cast %get3A_208 : vector<1x16xf32> to vector<16xf32>
      %get3A_210 = arith.index_cast %add3A_40 : i32 to index
      %get3A_211 = arith.constant 496 : index
      %get3A_212 = tpu.vector_load %arg8[%get3A_210, %get3A_211] {strides = array<i32>} : memref<96x512xf32, #tpu.memory_space<vmem>>, vector<1x16xf32>,
      %get3A_213 = vector.shape_cast %get3A_212 : vector<1x16xf32> to vector<16xf32>
      %scan3A = arith.constant 0 : i32
      %scan3A_214 = arith.constant 0 : i32
      %scan3A_215 = arith.constant 128 : i32
      %scan3A_216 = arith.addi %scan3A_214, %scan3A_215 : i32
      %scan3A_217 = arith.constant 1 : i32
      scf.for %scan3A_475 = %scan3A_214 to %scan3A_216 step %scan3A_217  : i32 {
        %swap3A = arith.index_cast %scan3A_475 : i32 to index
        %swap3A_476 = arith.constant 0 : index
        %swap3A_477 = tpu.vector_load %arg9[%swap3A, %swap3A_476] {strides = array<i32>} : memref<128x512xf32, #tpu.memory_space<vmem>>, vector<1x16xf32>,
        %swap3A_478 = vector.shape_cast %swap3A_477 : vector<1x16xf32> to vector<16xf32>
        %swap3A_479 = vector.shape_cast %get3A_89 : vector<16xf32> to vector<1x16xf32>
        tpu.vector_store %arg9[%swap3A, %swap3A_476], %swap3A_479 {strides = array<i32>} : memref<128x512xf32, #tpu.memory_space<vmem>>, vector<1x16xf32>,
        %swap3A_480 = arith.index_cast %scan3A_475 : i32 to index
        %swap3A_481 = arith.constant 16 : index
        %swap3A_482 = tpu.vector_load %arg9[%swap3A_480, %swap3A_481] {strides = array<i32>} : memref<128x512xf32, #tpu.memory_space<vmem>>, vector<1x16xf32>,
        %swap3A_483 = vector.shape_cast %swap3A_482 : vector<1x16xf32> to vector<16xf32>
        %swap3A_484 = vector.shape_cast %get3A_93 : vector<16xf32> to vector<1x16xf32>
        tpu.vector_store %arg9[%swap3A_480, %swap3A_481], %swap3A_484 {strides = array<i32>} : memref<128x512xf32, #tpu.memory_space<vmem>>, vector<1x16xf32>,
        %swap3A_485 = arith.index_cast %scan3A_475 : i32 to index
        %swap3A_486 = arith.constant 32 : index
        %swap3A_487 = tpu.vector_load %arg9[%swap3A_485, %swap3A_486] {strides = array<i32>} : memref<128x512xf32, #tpu.memory_space<vmem>>, vector<1x16xf32>,
        %swap3A_488 = vector.shape_cast %swap3A_487 : vector<1x16xf32> to vector<16xf32>
        %swap3A_489 = vector.shape_cast %get3A_97 : vector<16xf32> to vector<1x16xf32>
        tpu.vector_store %arg9[%swap3A_485, %swap3A_486], %swap3A_489 {strides = array<i32>} : memref<128x512xf32, #tpu.memory_space<vmem>>, vector<1x16xf32>,
        %swap3A_490 = arith.index_cast %scan3A_475 : i32 to index
        %swap3A_491 = arith.constant 48 : index
        %swap3A_492 = tpu.vector_load %arg9[%swap3A_490, %swap3A_491] {strides = array<i32>} : memref<128x512xf32, #tpu.memory_space<vmem>>, vector<1x16xf32>,
        %swap3A_493 = vector.shape_cast %swap3A_492 : vector<1x16xf32> to vector<16xf32>
        %swap3A_494 = vector.shape_cast %get3A_101 : vector<16xf32> to vector<1x16xf32>
        tpu.vector_store %arg9[%swap3A_490, %swap3A_491], %swap3A_494 {strides = array<i32>} : memref<128x512xf32, #tpu.memory_space<vmem>>, vector<1x16xf32>,
        %swap3A_495 = arith.index_cast %scan3A_475 : i32 to index
        %swap3A_496 = arith.constant 64 : index
        %swap3A_497 = tpu.vector_load %arg9[%swap3A_495, %swap3A_496] {strides = array<i32>} : memref<128x512xf32, #tpu.memory_space<vmem>>, vector<1x16xf32>,
        %swap3A_498 = vector.shape_cast %swap3A_497 : vector<1x16xf32> to vector<16xf32>
        %swap3A_499 = vector.shape_cast %get3A_105 : vector<16xf32> to vector<1x16xf32>
        tpu.vector_store %arg9[%swap3A_495, %swap3A_496], %swap3A_499 {strides = array<i32>} : memref<128x512xf32, #tpu.memory_space<vmem>>, vector<1x16xf32>,
        %swap3A_500 = arith.index_cast %scan3A_475 : i32 to index
        %swap3A_501 = arith.constant 80 : index
        %swap3A_502 = tpu.vector_load %arg9[%swap3A_500, %swap3A_501] {strides = array<i32>} : memref<128x512xf32, #tpu.memory_space<vmem>>, vector<1x16xf32>,
        %swap3A_503 = vector.shape_cast %swap3A_502 : vector<1x16xf32> to vector<16xf32>
        %swap3A_504 = vector.shape_cast %get3A_109 : vector<16xf32> to vector<1x16xf32>
        tpu.vector_store %arg9[%swap3A_500, %swap3A_501], %swap3A_504 {strides = array<i32>} : memref<128x512xf32, #tpu.memory_space<vmem>>, vector<1x16xf32>,
        %swap3A_505 = arith.index_cast %scan3A_475 : i32 to index
        %swap3A_506 = arith.constant 96 : index
        %swap3A_507 = tpu.vector_load %arg9[%swap3A_505, %swap3A_506] {strides = array<i32>} : memref<128x512xf32, #tpu.memory_space<vmem>>, vector<1x16xf32>,
        %swap3A_508 = vector.shape_cast %swap3A_507 : vector<1x16xf32> to vector<16xf32>
        %swap3A_509 = vector.shape_cast %get3A_113 : vector<16xf32> to vector<1x16xf32>
        tpu.vector_store %arg9[%swap3A_505, %swap3A_506], %swap3A_509 {strides = array<i32>} : memref<128x512xf32, #tpu.memory_space<vmem>>, vector<1x16xf32>,
        %swap3A_510 = arith.index_cast %scan3A_475 : i32 to index
        %swap3A_511 = arith.constant 112 : index
        %swap3A_512 = tpu.vector_load %arg9[%swap3A_510, %swap3A_511] {strides = array<i32>} : memref<128x512xf32, #tpu.memory_space<vmem>>, vector<1x16xf32>,
        %swap3A_513 = vector.shape_cast %swap3A_512 : vector<1x16xf32> to vector<16xf32>
        %swap3A_514 = vector.shape_cast %get3A_117 : vector<16xf32> to vector<1x16xf32>
        tpu.vector_store %arg9[%swap3A_510, %swap3A_511], %swap3A_514 {strides = array<i32>} : memref<128x512xf32, #tpu.memory_space<vmem>>, vector<1x16xf32>,
        %swap3A_515 = arith.index_cast %scan3A_475 : i32 to index
        %swap3A_516 = arith.constant 128 : index
        %swap3A_517 = tpu.vector_load %arg9[%swap3A_515, %swap3A_516] {strides = array<i32>} : memref<128x512xf32, #tpu.memory_space<vmem>>, vector<1x16xf32>,
        %swap3A_518 = vector.shape_cast %swap3A_517 : vector<1x16xf32> to vector<16xf32>
        %swap3A_519 = vector.shape_cast %get3A_121 : vector<16xf32> to vector<1x16xf32>
        tpu.vector_store %arg9[%swap3A_515, %swap3A_516], %swap3A_519 {strides = array<i32>} : memref<128x512xf32, #tpu.memory_space<vmem>>, vector<1x16xf32>,
        %swap3A_520 = arith.index_cast %scan3A_475 : i32 to index
        %swap3A_521 = arith.constant 144 : index
        %swap3A_522 = tpu.vector_load %arg9[%swap3A_520, %swap3A_521] {strides = array<i32>} : memref<128x512xf32, #tpu.memory_space<vmem>>, vector<1x16xf32>,
        %swap3A_523 = vector.shape_cast %swap3A_522 : vector<1x16xf32> to vector<16xf32>
        %swap3A_524 = vector.shape_cast %get3A_125 : vector<16xf32> to vector<1x16xf32>
        tpu.vector_store %arg9[%swap3A_520, %swap3A_521], %swap3A_524 {strides = array<i32>} : memref<128x512xf32, #tpu.memory_space<vmem>>, vector<1x16xf32>,
        %swap3A_525 = arith.index_cast %scan3A_475 : i32 to index
        %swap3A_526 = arith.constant 160 : index
        %swap3A_527 = tpu.vector_load %arg9[%swap3A_525, %swap3A_526] {strides = array<i32>} : memref<128x512xf32, #tpu.memory_space<vmem>>, vector<1x16xf32>,
        %swap3A_528 = vector.shape_cast %swap3A_527 : vector<1x16xf32> to vector<16xf32>
        %swap3A_529 = vector.shape_cast %get3A_129 : vector<16xf32> to vector<1x16xf32>
        tpu.vector_store %arg9[%swap3A_525, %swap3A_526], %swap3A_529 {strides = array<i32>} : memref<128x512xf32, #tpu.memory_space<vmem>>, vector<1x16xf32>,
        %swap3A_530 = arith.index_cast %scan3A_475 : i32 to index
        %swap3A_531 = arith.constant 176 : index
        %swap3A_532 = tpu.vector_load %arg9[%swap3A_530, %swap3A_531] {strides = array<i32>} : memref<128x512xf32, #tpu.memory_space<vmem>>, vector<1x16xf32>,
        %swap3A_533 = vector.shape_cast %swap3A_532 : vector<1x16xf32> to vector<16xf32>
        %swap3A_534 = vector.shape_cast %get3A_133 : vector<16xf32> to vector<1x16xf32>
        tpu.vector_store %arg9[%swap3A_530, %swap3A_531], %swap3A_534 {strides = array<i32>} : memref<128x512xf32, #tpu.memory_space<vmem>>, vector<1x16xf32>,
        %swap3A_535 = arith.index_cast %scan3A_475 : i32 to index
        %swap3A_536 = arith.constant 192 : index
        %swap3A_537 = tpu.vector_load %arg9[%swap3A_535, %swap3A_536] {strides = array<i32>} : memref<128x512xf32, #tpu.memory_space<vmem>>, vector<1x16xf32>,
        %swap3A_538 = vector.shape_cast %swap3A_537 : vector<1x16xf32> to vector<16xf32>
        %swap3A_539 = vector.shape_cast %get3A_137 : vector<16xf32> to vector<1x16xf32>
        tpu.vector_store %arg9[%swap3A_535, %swap3A_536], %swap3A_539 {strides = array<i32>} : memref<128x512xf32, #tpu.memory_space<vmem>>, vector<1x16xf32>,
        %swap3A_540 = arith.index_cast %scan3A_475 : i32 to index
        %swap3A_541 = arith.constant 208 : index
        %swap3A_542 = tpu.vector_load %arg9[%swap3A_540, %swap3A_541] {strides = array<i32>} : memref<128x512xf32, #tpu.memory_space<vmem>>, vector<1x16xf32>,
        %swap3A_543 = vector.shape_cast %swap3A_542 : vector<1x16xf32> to vector<16xf32>
        %swap3A_544 = vector.shape_cast %get3A_141 : vector<16xf32> to vector<1x16xf32>
        tpu.vector_store %arg9[%swap3A_540, %swap3A_541], %swap3A_544 {strides = array<i32>} : memref<128x512xf32, #tpu.memory_space<vmem>>, vector<1x16xf32>,
        %swap3A_545 = arith.index_cast %scan3A_475 : i32 to index
        %swap3A_546 = arith.constant 224 : index
        %swap3A_547 = tpu.vector_load %arg9[%swap3A_545, %swap3A_546] {strides = array<i32>} : memref<128x512xf32, #tpu.memory_space<vmem>>, vector<1x16xf32>,
        %swap3A_548 = vector.shape_cast %swap3A_547 : vector<1x16xf32> to vector<16xf32>
        %swap3A_549 = vector.shape_cast %get3A_145 : vector<16xf32> to vector<1x16xf32>
        tpu.vector_store %arg9[%swap3A_545, %swap3A_546], %swap3A_549 {strides = array<i32>} : memref<128x512xf32, #tpu.memory_space<vmem>>, vector<1x16xf32>,
        %swap3A_550 = arith.index_cast %scan3A_475 : i32 to index
        %swap3A_551 = arith.constant 240 : index
        %swap3A_552 = tpu.vector_load %arg9[%swap3A_550, %swap3A_551] {strides = array<i32>} : memref<128x512xf32, #tpu.memory_space<vmem>>, vector<1x16xf32>,
        %swap3A_553 = vector.shape_cast %swap3A_552 : vector<1x16xf32> to vector<16xf32>
        %swap3A_554 = vector.shape_cast %get3A_149 : vector<16xf32> to vector<1x16xf32>
        tpu.vector_store %arg9[%swap3A_550, %swap3A_551], %swap3A_554 {strides = array<i32>} : memref<128x512xf32, #tpu.memory_space<vmem>>, vector<1x16xf32>,
        %swap3A_555 = arith.index_cast %scan3A_475 : i32 to index
        %swap3A_556 = arith.constant 256 : index
        %swap3A_557 = tpu.vector_load %arg9[%swap3A_555, %swap3A_556] {strides = array<i32>} : memref<128x512xf32, #tpu.memory_space<vmem>>, vector<1x16xf32>,
        %swap3A_558 = vector.shape_cast %swap3A_557 : vector<1x16xf32> to vector<16xf32>
        %swap3A_559 = vector.shape_cast %get3A_153 : vector<16xf32> to vector<1x16xf32>
        tpu.vector_store %arg9[%swap3A_555, %swap3A_556], %swap3A_559 {strides = array<i32>} : memref<128x512xf32, #tpu.memory_space<vmem>>, vector<1x16xf32>,
        %swap3A_560 = arith.index_cast %scan3A_475 : i32 to index
        %swap3A_561 = arith.constant 272 : index
        %swap3A_562 = tpu.vector_load %arg9[%swap3A_560, %swap3A_561] {strides = array<i32>} : memref<128x512xf32, #tpu.memory_space<vmem>>, vector<1x16xf32>,
        %swap3A_563 = vector.shape_cast %swap3A_562 : vector<1x16xf32> to vector<16xf32>
        %swap3A_564 = vector.shape_cast %get3A_157 : vector<16xf32> to vector<1x16xf32>
        tpu.vector_store %arg9[%swap3A_560, %swap3A_561], %swap3A_564 {strides = array<i32>} : memref<128x512xf32, #tpu.memory_space<vmem>>, vector<1x16xf32>,
        %swap3A_565 = arith.index_cast %scan3A_475 : i32 to index
        %swap3A_566 = arith.constant 288 : index
        %swap3A_567 = tpu.vector_load %arg9[%swap3A_565, %swap3A_566] {strides = array<i32>} : memref<128x512xf32, #tpu.memory_space<vmem>>, vector<1x16xf32>,
        %swap3A_568 = vector.shape_cast %swap3A_567 : vector<1x16xf32> to vector<16xf32>
        %swap3A_569 = vector.shape_cast %get3A_161 : vector<16xf32> to vector<1x16xf32>
        tpu.vector_store %arg9[%swap3A_565, %swap3A_566], %swap3A_569 {strides = array<i32>} : memref<128x512xf32, #tpu.memory_space<vmem>>, vector<1x16xf32>,
        %swap3A_570 = arith.index_cast %scan3A_475 : i32 to index
        %swap3A_571 = arith.constant 304 : index
        %swap3A_572 = tpu.vector_load %arg9[%swap3A_570, %swap3A_571] {strides = array<i32>} : memref<128x512xf32, #tpu.memory_space<vmem>>, vector<1x16xf32>,
        %swap3A_573 = vector.shape_cast %swap3A_572 : vector<1x16xf32> to vector<16xf32>
        %swap3A_574 = vector.shape_cast %get3A_165 : vector<16xf32> to vector<1x16xf32>
        tpu.vector_store %arg9[%swap3A_570, %swap3A_571], %swap3A_574 {strides = array<i32>} : memref<128x512xf32, #tpu.memory_space<vmem>>, vector<1x16xf32>,
        %swap3A_575 = arith.index_cast %scan3A_475 : i32 to index
        %swap3A_576 = arith.constant 320 : index
        %swap3A_577 = tpu.vector_load %arg9[%swap3A_575, %swap3A_576] {strides = array<i32>} : memref<128x512xf32, #tpu.memory_space<vmem>>, vector<1x16xf32>,
        %swap3A_578 = vector.shape_cast %swap3A_577 : vector<1x16xf32> to vector<16xf32>
        %swap3A_579 = vector.shape_cast %get3A_169 : vector<16xf32> to vector<1x16xf32>
        tpu.vector_store %arg9[%swap3A_575, %swap3A_576], %swap3A_579 {strides = array<i32>} : memref<128x512xf32, #tpu.memory_space<vmem>>, vector<1x16xf32>,
        %swap3A_580 = arith.index_cast %scan3A_475 : i32 to index
        %swap3A_581 = arith.constant 336 : index
        %swap3A_582 = tpu.vector_load %arg9[%swap3A_580, %swap3A_581] {strides = array<i32>} : memref<128x512xf32, #tpu.memory_space<vmem>>, vector<1x16xf32>,
        %swap3A_583 = vector.shape_cast %swap3A_582 : vector<1x16xf32> to vector<16xf32>
        %swap3A_584 = vector.shape_cast %get3A_173 : vector<16xf32> to vector<1x16xf32>
        tpu.vector_store %arg9[%swap3A_580, %swap3A_581], %swap3A_584 {strides = array<i32>} : memref<128x512xf32, #tpu.memory_space<vmem>>, vector<1x16xf32>,
        %swap3A_585 = arith.index_cast %scan3A_475 : i32 to index
        %swap3A_586 = arith.constant 352 : index
        %swap3A_587 = tpu.vector_load %arg9[%swap3A_585, %swap3A_586] {strides = array<i32>} : memref<128x512xf32, #tpu.memory_space<vmem>>, vector<1x16xf32>,
        %swap3A_588 = vector.shape_cast %swap3A_587 : vector<1x16xf32> to vector<16xf32>
        %swap3A_589 = vector.shape_cast %get3A_177 : vector<16xf32> to vector<1x16xf32>
        tpu.vector_store %arg9[%swap3A_585, %swap3A_586], %swap3A_589 {strides = array<i32>} : memref<128x512xf32, #tpu.memory_space<vmem>>, vector<1x16xf32>,
        %swap3A_590 = arith.index_cast %scan3A_475 : i32 to index
        %swap3A_591 = arith.constant 368 : index
        %swap3A_592 = tpu.vector_load %arg9[%swap3A_590, %swap3A_591] {strides = array<i32>} : memref<128x512xf32, #tpu.memory_space<vmem>>, vector<1x16xf32>,
        %swap3A_593 = vector.shape_cast %swap3A_592 : vector<1x16xf32> to vector<16xf32>
        %swap3A_594 = vector.shape_cast %get3A_181 : vector<16xf32> to vector<1x16xf32>
        tpu.vector_store %arg9[%swap3A_590, %swap3A_591], %swap3A_594 {strides = array<i32>} : memref<128x512xf32, #tpu.memory_space<vmem>>, vector<1x16xf32>,
        %swap3A_595 = arith.index_cast %scan3A_475 : i32 to index
        %swap3A_596 = arith.constant 384 : index
        %swap3A_597 = tpu.vector_load %arg9[%swap3A_595, %swap3A_596] {strides = array<i32>} : memref<128x512xf32, #tpu.memory_space<vmem>>, vector<1x16xf32>,
        %swap3A_598 = vector.shape_cast %swap3A_597 : vector<1x16xf32> to vector<16xf32>
        %swap3A_599 = vector.shape_cast %get3A_185 : vector<16xf32> to vector<1x16xf32>
        tpu.vector_store %arg9[%swap3A_595, %swap3A_596], %swap3A_599 {strides = array<i32>} : memref<128x512xf32, #tpu.memory_space<vmem>>, vector<1x16xf32>,
        %swap3A_600 = arith.index_cast %scan3A_475 : i32 to index
        %swap3A_601 = arith.constant 400 : index
        %swap3A_602 = tpu.vector_load %arg9[%swap3A_600, %swap3A_601] {strides = array<i32>} : memref<128x512xf32, #tpu.memory_space<vmem>>, vector<1x16xf32>,
        %swap3A_603 = vector.shape_cast %swap3A_602 : vector<1x16xf32> to vector<16xf32>
        %swap3A_604 = vector.shape_cast %get3A_189 : vector<16xf32> to vector<1x16xf32>
        tpu.vector_store %arg9[%swap3A_600, %swap3A_601], %swap3A_604 {strides = array<i32>} : memref<128x512xf32, #tpu.memory_space<vmem>>, vector<1x16xf32>,
        %swap3A_605 = arith.index_cast %scan3A_475 : i32 to index
        %swap3A_606 = arith.constant 416 : index
        %swap3A_607 = tpu.vector_load %arg9[%swap3A_605, %swap3A_606] {strides = array<i32>} : memref<128x512xf32, #tpu.memory_space<vmem>>, vector<1x16xf32>,
        %swap3A_608 = vector.shape_cast %swap3A_607 : vector<1x16xf32> to vector<16xf32>
        %swap3A_609 = vector.shape_cast %get3A_193 : vector<16xf32> to vector<1x16xf32>
        tpu.vector_store %arg9[%swap3A_605, %swap3A_606], %swap3A_609 {strides = array<i32>} : memref<128x512xf32, #tpu.memory_space<vmem>>, vector<1x16xf32>,
        %swap3A_610 = arith.index_cast %scan3A_475 : i32 to index
        %swap3A_611 = arith.constant 432 : index
        %swap3A_612 = tpu.vector_load %arg9[%swap3A_610, %swap3A_611] {strides = array<i32>} : memref<128x512xf32, #tpu.memory_space<vmem>>, vector<1x16xf32>,
        %swap3A_613 = vector.shape_cast %swap3A_612 : vector<1x16xf32> to vector<16xf32>
        %swap3A_614 = vector.shape_cast %get3A_197 : vector<16xf32> to vector<1x16xf32>
        tpu.vector_store %arg9[%swap3A_610, %swap3A_611], %swap3A_614 {strides = array<i32>} : memref<128x512xf32, #tpu.memory_space<vmem>>, vector<1x16xf32>,
        %swap3A_615 = arith.index_cast %scan3A_475 : i32 to index
        %swap3A_616 = arith.constant 448 : index
        %swap3A_617 = tpu.vector_load %arg9[%swap3A_615, %swap3A_616] {strides = array<i32>} : memref<128x512xf32, #tpu.memory_space<vmem>>, vector<1x16xf32>,
        %swap3A_618 = vector.shape_cast %swap3A_617 : vector<1x16xf32> to vector<16xf32>
        %swap3A_619 = vector.shape_cast %get3A_201 : vector<16xf32> to vector<1x16xf32>
        tpu.vector_store %arg9[%swap3A_615, %swap3A_616], %swap3A_619 {strides = array<i32>} : memref<128x512xf32, #tpu.memory_space<vmem>>, vector<1x16xf32>,
        %swap3A_620 = arith.index_cast %scan3A_475 : i32 to index
        %swap3A_621 = arith.constant 464 : index
        %swap3A_622 = tpu.vector_load %arg9[%swap3A_620, %swap3A_621] {strides = array<i32>} : memref<128x512xf32, #tpu.memory_space<vmem>>, vector<1x16xf32>,
        %swap3A_623 = vector.shape_cast %swap3A_622 : vector<1x16xf32> to vector<16xf32>
        %swap3A_624 = vector.shape_cast %get3A_205 : vector<16xf32> to vector<1x16xf32>
        tpu.vector_store %arg9[%swap3A_620, %swap3A_621], %swap3A_624 {strides = array<i32>} : memref<128x512xf32, #tpu.memory_space<vmem>>, vector<1x16xf32>,
        %swap3A_625 = arith.index_cast %scan3A_475 : i32 to index
        %swap3A_626 = arith.constant 480 : index
        %swap3A_627 = tpu.vector_load %arg9[%swap3A_625, %swap3A_626] {strides = array<i32>} : memref<128x512xf32, #tpu.memory_space<vmem>>, vector<1x16xf32>,
        %swap3A_628 = vector.shape_cast %swap3A_627 : vector<1x16xf32> to vector<16xf32>
        %swap3A_629 = vector.shape_cast %get3A_209 : vector<16xf32> to vector<1x16xf32>
        tpu.vector_store %arg9[%swap3A_625, %swap3A_626], %swap3A_629 {strides = array<i32>} : memref<128x512xf32, #tpu.memory_space<vmem>>, vector<1x16xf32>,
        %swap3A_630 = arith.index_cast %scan3A_475 : i32 to index
        %swap3A_631 = arith.constant 496 : index
        %swap3A_632 = tpu.vector_load %arg9[%swap3A_630, %swap3A_631] {strides = array<i32>} : memref<128x512xf32, #tpu.memory_space<vmem>>, vector<1x16xf32>,
        %swap3A_633 = vector.shape_cast %swap3A_632 : vector<1x16xf32> to vector<16xf32>
        %swap3A_634 = vector.shape_cast %get3A_213 : vector<16xf32> to vector<1x16xf32>
        tpu.vector_store %arg9[%swap3A_630, %swap3A_631], %swap3A_634 {strides = array<i32>} : memref<128x512xf32, #tpu.memory_space<vmem>>, vector<1x16xf32>,
      }
      %scan3A_218 = arith.constant 128 : i32
      %dma_start3A_219 = arith.constant 0 : i32
      %dma_start3A_220 = arith.constant 0 : i32
      %dma_start3A_221 = tpu.memref_slice %arg5[%add3A_40, %dma_start3A_219, %dma_start3A_220] : memref<77x4096x512xf32, #tpu.memory_space<hbm>> -> memref<1x128x512xf32, #tpu.memory_space<hbm>>
      %dma_start3A_222 = tpu.memref_squeeze %dma_start3A_221 : memref<1x128x512xf32, #tpu.memory_space<hbm>> -> memref<128x512xf32, #tpu.memory_space<hbm>>
      %dma_start3A_223 = arith.constant 0 : i32
      %dma_start3A_224 = arith.constant 0 : i32
      %dma_start3A_225 = tpu.memref_slice %arg5[%add3A_40, %dma_start3A_223, %dma_start3A_224] : memref<77x4096x512xf32, #tpu.memory_space<hbm>> -> memref<1x128x512xf32, #tpu.memory_space<hbm>>
      %dma_start3A_226 = tpu.memref_squeeze %dma_start3A_225 : memref<1x128x512xf32, #tpu.memory_space<hbm>> -> memref<128x512xf32, #tpu.memory_space<hbm>>
      tpu.enqueue_dma source(%arg9 : memref<128x512xf32, #tpu.memory_space<vmem>>) target(%dma_start3A_226 : memref<128x512xf32, #tpu.memory_space<hbm>>) target_semaphore(%arg15 : memref<!tpu.dma_semaphore, #tpu.memory_space<semaphore_mem>>)
      %dma_start3A_227 = arith.constant 128 : i32
      %dma_start3A_228 = arith.constant 0 : i32
      %dma_start3A_229 = tpu.memref_slice %arg5[%add3A_40, %dma_start3A_227, %dma_start3A_228] : memref<77x4096x512xf32, #tpu.memory_space<hbm>> -> memref<1x128x512xf32, #tpu.memory_space<hbm>>
      %dma_start3A_230 = tpu.memref_squeeze %dma_start3A_229 : memref<1x128x512xf32, #tpu.memory_space<hbm>> -> memref<128x512xf32, #tpu.memory_space<hbm>>
      %dma_start3A_231 = arith.constant 128 : i32
      %dma_start3A_232 = arith.constant 0 : i32
      %dma_start3A_233 = tpu.memref_slice %arg5[%add3A_40, %dma_start3A_231, %dma_start3A_232] : memref<77x4096x512xf32, #tpu.memory_space<hbm>> -> memref<1x128x512xf32, #tpu.memory_space<hbm>>
      %dma_start3A_234 = tpu.memref_squeeze %dma_start3A_233 : memref<1x128x512xf32, #tpu.memory_space<hbm>> -> memref<128x512xf32, #tpu.memory_space<hbm>>
      tpu.enqueue_dma source(%arg9 : memref<128x512xf32, #tpu.memory_space<vmem>>) target(%dma_start3A_234 : memref<128x512xf32, #tpu.memory_space<hbm>>) target_semaphore(%arg15 : memref<!tpu.dma_semaphore, #tpu.memory_space<semaphore_mem>>)
      %dma_start3A_235 = arith.constant 256 : i32
      %dma_start3A_236 = arith.constant 0 : i32
      %dma_start3A_237 = tpu.memref_slice %arg5[%add3A_40, %dma_start3A_235, %dma_start3A_236] : memref<77x4096x512xf32, #tpu.memory_space<hbm>> -> memref<1x128x512xf32, #tpu.memory_space<hbm>>
      %dma_start3A_238 = tpu.memref_squeeze %dma_start3A_237 : memref<1x128x512xf32, #tpu.memory_space<hbm>> -> memref<128x512xf32, #tpu.memory_space<hbm>>
      %dma_start3A_239 = arith.constant 256 : i32
      %dma_start3A_240 = arith.constant 0 : i32
      %dma_start3A_241 = tpu.memref_slice %arg5[%add3A_40, %dma_start3A_239, %dma_start3A_240] : memref<77x4096x512xf32, #tpu.memory_space<hbm>> -> memref<1x128x512xf32, #tpu.memory_space<hbm>>
      %dma_start3A_242 = tpu.memref_squeeze %dma_start3A_241 : memref<1x128x512xf32, #tpu.memory_space<hbm>> -> memref<128x512xf32, #tpu.memory_space<hbm>>
      tpu.enqueue_dma source(%arg9 : memref<128x512xf32, #tpu.memory_space<vmem>>) target(%dma_start3A_242 : memref<128x512xf32, #tpu.memory_space<hbm>>) target_semaphore(%arg15 : memref<!tpu.dma_semaphore, #tpu.memory_space<semaphore_mem>>)
      %dma_start3A_243 = arith.constant 384 : i32
      %dma_start3A_244 = arith.constant 0 : i32
      %dma_start3A_245 = tpu.memref_slice %arg5[%add3A_40, %dma_start3A_243, %dma_start3A_244] : memref<77x4096x512xf32, #tpu.memory_space<hbm>> -> memref<1x128x512xf32, #tpu.memory_space<hbm>>
      %dma_start3A_246 = tpu.memref_squeeze %dma_start3A_245 : memref<1x128x512xf32, #tpu.memory_space<hbm>> -> memref<128x512xf32, #tpu.memory_space<hbm>>
      %dma_start3A_247 = arith.constant 384 : i32
      %dma_start3A_248 = arith.constant 0 : i32
      %dma_start3A_249 = tpu.memref_slice %arg5[%add3A_40, %dma_start3A_247, %dma_start3A_248] : memref<77x4096x512xf32, #tpu.memory_space<hbm>> -> memref<1x128x512xf32, #tpu.memory_space<hbm>>
      %dma_start3A_250 = tpu.memref_squeeze %dma_start3A_249 : memref<1x128x512xf32, #tpu.memory_space<hbm>> -> memref<128x512xf32, #tpu.memory_space<hbm>>
      tpu.enqueue_dma source(%arg9 : memref<128x512xf32, #tpu.memory_space<vmem>>) target(%dma_start3A_250 : memref<128x512xf32, #tpu.memory_space<hbm>>) target_semaphore(%arg15 : memref<!tpu.dma_semaphore, #tpu.memory_space<semaphore_mem>>)
      %dma_start3A_251 = arith.constant 512 : i32
      %dma_start3A_252 = arith.constant 0 : i32
      %dma_start3A_253 = tpu.memref_slice %arg5[%add3A_40, %dma_start3A_251, %dma_start3A_252] : memref<77x4096x512xf32, #tpu.memory_space<hbm>> -> memref<1x128x512xf32, #tpu.memory_space<hbm>>
      %dma_start3A_254 = tpu.memref_squeeze %dma_start3A_253 : memref<1x128x512xf32, #tpu.memory_space<hbm>> -> memref<128x512xf32, #tpu.memory_space<hbm>>
      %dma_start3A_255 = arith.constant 512 : i32
      %dma_start3A_256 = arith.constant 0 : i32
      %dma_start3A_257 = tpu.memref_slice %arg5[%add3A_40, %dma_start3A_255, %dma_start3A_256] : memref<77x4096x512xf32, #tpu.memory_space<hbm>> -> memref<1x128x512xf32, #tpu.memory_space<hbm>>
      %dma_start3A_258 = tpu.memref_squeeze %dma_start3A_257 : memref<1x128x512xf32, #tpu.memory_space<hbm>> -> memref<128x512xf32, #tpu.memory_space<hbm>>
      tpu.enqueue_dma source(%arg9 : memref<128x512xf32, #tpu.memory_space<vmem>>) target(%dma_start3A_258 : memref<128x512xf32, #tpu.memory_space<hbm>>) target_semaphore(%arg15 : memref<!tpu.dma_semaphore, #tpu.memory_space<semaphore_mem>>)
      %dma_start3A_259 = arith.constant 640 : i32
      %dma_start3A_260 = arith.constant 0 : i32
      %dma_start3A_261 = tpu.memref_slice %arg5[%add3A_40, %dma_start3A_259, %dma_start3A_260] : memref<77x4096x512xf32, #tpu.memory_space<hbm>> -> memref<1x128x512xf32, #tpu.memory_space<hbm>>
      %dma_start3A_262 = tpu.memref_squeeze %dma_start3A_261 : memref<1x128x512xf32, #tpu.memory_space<hbm>> -> memref<128x512xf32, #tpu.memory_space<hbm>>
      %dma_start3A_263 = arith.constant 640 : i32
      %dma_start3A_264 = arith.constant 0 : i32
      %dma_start3A_265 = tpu.memref_slice %arg5[%add3A_40, %dma_start3A_263, %dma_start3A_264] : memref<77x4096x512xf32, #tpu.memory_space<hbm>> -> memref<1x128x512xf32, #tpu.memory_space<hbm>>
      %dma_start3A_266 = tpu.memref_squeeze %dma_start3A_265 : memref<1x128x512xf32, #tpu.memory_space<hbm>> -> memref<128x512xf32, #tpu.memory_space<hbm>>
      tpu.enqueue_dma source(%arg9 : memref<128x512xf32, #tpu.memory_space<vmem>>) target(%dma_start3A_266 : memref<128x512xf32, #tpu.memory_space<hbm>>) target_semaphore(%arg15 : memref<!tpu.dma_semaphore, #tpu.memory_space<semaphore_mem>>)
      %dma_start3A_267 = arith.constant 768 : i32
      %dma_start3A_268 = arith.constant 0 : i32
      %dma_start3A_269 = tpu.memref_slice %arg5[%add3A_40, %dma_start3A_267, %dma_start3A_268] : memref<77x4096x512xf32, #tpu.memory_space<hbm>> -> memref<1x128x512xf32, #tpu.memory_space<hbm>>
      %dma_start3A_270 = tpu.memref_squeeze %dma_start3A_269 : memref<1x128x512xf32, #tpu.memory_space<hbm>> -> memref<128x512xf32, #tpu.memory_space<hbm>>
      %dma_start3A_271 = arith.constant 768 : i32
      %dma_start3A_272 = arith.constant 0 : i32
      %dma_start3A_273 = tpu.memref_slice %arg5[%add3A_40, %dma_start3A_271, %dma_start3A_272] : memref<77x4096x512xf32, #tpu.memory_space<hbm>> -> memref<1x128x512xf32, #tpu.memory_space<hbm>>
      %dma_start3A_274 = tpu.memref_squeeze %dma_start3A_273 : memref<1x128x512xf32, #tpu.memory_space<hbm>> -> memref<128x512xf32, #tpu.memory_space<hbm>>
      tpu.enqueue_dma source(%arg9 : memref<128x512xf32, #tpu.memory_space<vmem>>) target(%dma_start3A_274 : memref<128x512xf32, #tpu.memory_space<hbm>>) target_semaphore(%arg15 : memref<!tpu.dma_semaphore, #tpu.memory_space<semaphore_mem>>)
      %dma_start3A_275 = arith.constant 896 : i32
      %dma_start3A_276 = arith.constant 0 : i32
      %dma_start3A_277 = tpu.memref_slice %arg5[%add3A_40, %dma_start3A_275, %dma_start3A_276] : memref<77x4096x512xf32, #tpu.memory_space<hbm>> -> memref<1x128x512xf32, #tpu.memory_space<hbm>>
      %dma_start3A_278 = tpu.memref_squeeze %dma_start3A_277 : memref<1x128x512xf32, #tpu.memory_space<hbm>> -> memref<128x512xf32, #tpu.memory_space<hbm>>
      %dma_start3A_279 = arith.constant 896 : i32
      %dma_start3A_280 = arith.constant 0 : i32
      %dma_start3A_281 = tpu.memref_slice %arg5[%add3A_40, %dma_start3A_279, %dma_start3A_280] : memref<77x4096x512xf32, #tpu.memory_space<hbm>> -> memref<1x128x512xf32, #tpu.memory_space<hbm>>
      %dma_start3A_282 = tpu.memref_squeeze %dma_start3A_281 : memref<1x128x512xf32, #tpu.memory_space<hbm>> -> memref<128x512xf32, #tpu.memory_space<hbm>>
      tpu.enqueue_dma source(%arg9 : memref<128x512xf32, #tpu.memory_space<vmem>>) target(%dma_start3A_282 : memref<128x512xf32, #tpu.memory_space<hbm>>) target_semaphore(%arg15 : memref<!tpu.dma_semaphore, #tpu.memory_space<semaphore_mem>>)
      %dma_start3A_283 = arith.constant 1024 : i32
      %dma_start3A_284 = arith.constant 0 : i32
      %dma_start3A_285 = tpu.memref_slice %arg5[%add3A_40, %dma_start3A_283, %dma_start3A_284] : memref<77x4096x512xf32, #tpu.memory_space<hbm>> -> memref<1x128x512xf32, #tpu.memory_space<hbm>>
      %dma_start3A_286 = tpu.memref_squeeze %dma_start3A_285 : memref<1x128x512xf32, #tpu.memory_space<hbm>> -> memref<128x512xf32, #tpu.memory_space<hbm>>
      %dma_start3A_287 = arith.constant 1024 : i32
      %dma_start3A_288 = arith.constant 0 : i32
      %dma_start3A_289 = tpu.memref_slice %arg5[%add3A_40, %dma_start3A_287, %dma_start3A_288] : memref<77x4096x512xf32, #tpu.memory_space<hbm>> -> memref<1x128x512xf32, #tpu.memory_space<hbm>>
      %dma_start3A_290 = tpu.memref_squeeze %dma_start3A_289 : memref<1x128x512xf32, #tpu.memory_space<hbm>> -> memref<128x512xf32, #tpu.memory_space<hbm>>
      tpu.enqueue_dma source(%arg9 : memref<128x512xf32, #tpu.memory_space<vmem>>) target(%dma_start3A_290 : memref<128x512xf32, #tpu.memory_space<hbm>>) target_semaphore(%arg15 : memref<!tpu.dma_semaphore, #tpu.memory_space<semaphore_mem>>)
      %dma_start3A_291 = arith.constant 1152 : i32
      %dma_start3A_292 = arith.constant 0 : i32
      %dma_start3A_293 = tpu.memref_slice %arg5[%add3A_40, %dma_start3A_291, %dma_start3A_292] : memref<77x4096x512xf32, #tpu.memory_space<hbm>> -> memref<1x128x512xf32, #tpu.memory_space<hbm>>
      %dma_start3A_294 = tpu.memref_squeeze %dma_start3A_293 : memref<1x128x512xf32, #tpu.memory_space<hbm>> -> memref<128x512xf32, #tpu.memory_space<hbm>>
      %dma_start3A_295 = arith.constant 1152 : i32
      %dma_start3A_296 = arith.constant 0 : i32
      %dma_start3A_297 = tpu.memref_slice %arg5[%add3A_40, %dma_start3A_295, %dma_start3A_296] : memref<77x4096x512xf32, #tpu.memory_space<hbm>> -> memref<1x128x512xf32, #tpu.memory_space<hbm>>
      %dma_start3A_298 = tpu.memref_squeeze %dma_start3A_297 : memref<1x128x512xf32, #tpu.memory_space<hbm>> -> memref<128x512xf32, #tpu.memory_space<hbm>>
      tpu.enqueue_dma source(%arg9 : memref<128x512xf32, #tpu.memory_space<vmem>>) target(%dma_start3A_298 : memref<128x512xf32, #tpu.memory_space<hbm>>) target_semaphore(%arg15 : memref<!tpu.dma_semaphore, #tpu.memory_space<semaphore_mem>>)
      %dma_start3A_299 = arith.constant 1280 : i32
      %dma_start3A_300 = arith.constant 0 : i32
      %dma_start3A_301 = tpu.memref_slice %arg5[%add3A_40, %dma_start3A_299, %dma_start3A_300] : memref<77x4096x512xf32, #tpu.memory_space<hbm>> -> memref<1x128x512xf32, #tpu.memory_space<hbm>>
      %dma_start3A_302 = tpu.memref_squeeze %dma_start3A_301 : memref<1x128x512xf32, #tpu.memory_space<hbm>> -> memref<128x512xf32, #tpu.memory_space<hbm>>
      %dma_start3A_303 = arith.constant 1280 : i32
      %dma_start3A_304 = arith.constant 0 : i32
      %dma_start3A_305 = tpu.memref_slice %arg5[%add3A_40, %dma_start3A_303, %dma_start3A_304] : memref<77x4096x512xf32, #tpu.memory_space<hbm>> -> memref<1x128x512xf32, #tpu.memory_space<hbm>>
      %dma_start3A_306 = tpu.memref_squeeze %dma_start3A_305 : memref<1x128x512xf32, #tpu.memory_space<hbm>> -> memref<128x512xf32, #tpu.memory_space<hbm>>
      tpu.enqueue_dma source(%arg9 : memref<128x512xf32, #tpu.memory_space<vmem>>) target(%dma_start3A_306 : memref<128x512xf32, #tpu.memory_space<hbm>>) target_semaphore(%arg15 : memref<!tpu.dma_semaphore, #tpu.memory_space<semaphore_mem>>)
      %dma_start3A_307 = arith.constant 1408 : i32
      %dma_start3A_308 = arith.constant 0 : i32
      %dma_start3A_309 = tpu.memref_slice %arg5[%add3A_40, %dma_start3A_307, %dma_start3A_308] : memref<77x4096x512xf32, #tpu.memory_space<hbm>> -> memref<1x128x512xf32, #tpu.memory_space<hbm>>
      %dma_start3A_310 = tpu.memref_squeeze %dma_start3A_309 : memref<1x128x512xf32, #tpu.memory_space<hbm>> -> memref<128x512xf32, #tpu.memory_space<hbm>>
      %dma_start3A_311 = arith.constant 1408 : i32
      %dma_start3A_312 = arith.constant 0 : i32
      %dma_start3A_313 = tpu.memref_slice %arg5[%add3A_40, %dma_start3A_311, %dma_start3A_312] : memref<77x4096x512xf32, #tpu.memory_space<hbm>> -> memref<1x128x512xf32, #tpu.memory_space<hbm>>
      %dma_start3A_314 = tpu.memref_squeeze %dma_start3A_313 : memref<1x128x512xf32, #tpu.memory_space<hbm>> -> memref<128x512xf32, #tpu.memory_space<hbm>>
      tpu.enqueue_dma source(%arg9 : memref<128x512xf32, #tpu.memory_space<vmem>>) target(%dma_start3A_314 : memref<128x512xf32, #tpu.memory_space<hbm>>) target_semaphore(%arg15 : memref<!tpu.dma_semaphore, #tpu.memory_space<semaphore_mem>>)
      %dma_start3A_315 = arith.constant 1536 : i32
      %dma_start3A_316 = arith.constant 0 : i32
      %dma_start3A_317 = tpu.memref_slice %arg5[%add3A_40, %dma_start3A_315, %dma_start3A_316] : memref<77x4096x512xf32, #tpu.memory_space<hbm>> -> memref<1x128x512xf32, #tpu.memory_space<hbm>>
      %dma_start3A_318 = tpu.memref_squeeze %dma_start3A_317 : memref<1x128x512xf32, #tpu.memory_space<hbm>> -> memref<128x512xf32, #tpu.memory_space<hbm>>
      %dma_start3A_319 = arith.constant 1536 : i32
      %dma_start3A_320 = arith.constant 0 : i32
      %dma_start3A_321 = tpu.memref_slice %arg5[%add3A_40, %dma_start3A_319, %dma_start3A_320] : memref<77x4096x512xf32, #tpu.memory_space<hbm>> -> memref<1x128x512xf32, #tpu.memory_space<hbm>>
      %dma_start3A_322 = tpu.memref_squeeze %dma_start3A_321 : memref<1x128x512xf32, #tpu.memory_space<hbm>> -> memref<128x512xf32, #tpu.memory_space<hbm>>
      tpu.enqueue_dma source(%arg9 : memref<128x512xf32, #tpu.memory_space<vmem>>) target(%dma_start3A_322 : memref<128x512xf32, #tpu.memory_space<hbm>>) target_semaphore(%arg15 : memref<!tpu.dma_semaphore, #tpu.memory_space<semaphore_mem>>)
      %dma_start3A_323 = arith.constant 1664 : i32
      %dma_start3A_324 = arith.constant 0 : i32
      %dma_start3A_325 = tpu.memref_slice %arg5[%add3A_40, %dma_start3A_323, %dma_start3A_324] : memref<77x4096x512xf32, #tpu.memory_space<hbm>> -> memref<1x128x512xf32, #tpu.memory_space<hbm>>
      %dma_start3A_326 = tpu.memref_squeeze %dma_start3A_325 : memref<1x128x512xf32, #tpu.memory_space<hbm>> -> memref<128x512xf32, #tpu.memory_space<hbm>>
      %dma_start3A_327 = arith.constant 1664 : i32
      %dma_start3A_328 = arith.constant 0 : i32
      %dma_start3A_329 = tpu.memref_slice %arg5[%add3A_40, %dma_start3A_327, %dma_start3A_328] : memref<77x4096x512xf32, #tpu.memory_space<hbm>> -> memref<1x128x512xf32, #tpu.memory_space<hbm>>
      %dma_start3A_330 = tpu.memref_squeeze %dma_start3A_329 : memref<1x128x512xf32, #tpu.memory_space<hbm>> -> memref<128x512xf32, #tpu.memory_space<hbm>>
      tpu.enqueue_dma source(%arg9 : memref<128x512xf32, #tpu.memory_space<vmem>>) target(%dma_start3A_330 : memref<128x512xf32, #tpu.memory_space<hbm>>) target_semaphore(%arg15 : memref<!tpu.dma_semaphore, #tpu.memory_space<semaphore_mem>>)
      %dma_start3A_331 = arith.constant 1792 : i32
      %dma_start3A_332 = arith.constant 0 : i32
      %dma_start3A_333 = tpu.memref_slice %arg5[%add3A_40, %dma_start3A_331, %dma_start3A_332] : memref<77x4096x512xf32, #tpu.memory_space<hbm>> -> memref<1x128x512xf32, #tpu.memory_space<hbm>>
      %dma_start3A_334 = tpu.memref_squeeze %dma_start3A_333 : memref<1x128x512xf32, #tpu.memory_space<hbm>> -> memref<128x512xf32, #tpu.memory_space<hbm>>
      %dma_start3A_335 = arith.constant 1792 : i32
      %dma_start3A_336 = arith.constant 0 : i32
      %dma_start3A_337 = tpu.memref_slice %arg5[%add3A_40, %dma_start3A_335, %dma_start3A_336] : memref<77x4096x512xf32, #tpu.memory_space<hbm>> -> memref<1x128x512xf32, #tpu.memory_space<hbm>>
      %dma_start3A_338 = tpu.memref_squeeze %dma_start3A_337 : memref<1x128x512xf32, #tpu.memory_space<hbm>> -> memref<128x512xf32, #tpu.memory_space<hbm>>
      tpu.enqueue_dma source(%arg9 : memref<128x512xf32, #tpu.memory_space<vmem>>) target(%dma_start3A_338 : memref<128x512xf32, #tpu.memory_space<hbm>>) target_semaphore(%arg15 : memref<!tpu.dma_semaphore, #tpu.memory_space<semaphore_mem>>)
      %dma_start3A_339 = arith.constant 1920 : i32
      %dma_start3A_340 = arith.constant 0 : i32
      %dma_start3A_341 = tpu.memref_slice %arg5[%add3A_40, %dma_start3A_339, %dma_start3A_340] : memref<77x4096x512xf32, #tpu.memory_space<hbm>> -> memref<1x128x512xf32, #tpu.memory_space<hbm>>
      %dma_start3A_342 = tpu.memref_squeeze %dma_start3A_341 : memref<1x128x512xf32, #tpu.memory_space<hbm>> -> memref<128x512xf32, #tpu.memory_space<hbm>>
      %dma_start3A_343 = arith.constant 1920 : i32
      %dma_start3A_344 = arith.constant 0 : i32
      %dma_start3A_345 = tpu.memref_slice %arg5[%add3A_40, %dma_start3A_343, %dma_start3A_344] : memref<77x4096x512xf32, #tpu.memory_space<hbm>> -> memref<1x128x512xf32, #tpu.memory_space<hbm>>
      %dma_start3A_346 = tpu.memref_squeeze %dma_start3A_345 : memref<1x128x512xf32, #tpu.memory_space<hbm>> -> memref<128x512xf32, #tpu.memory_space<hbm>>
      tpu.enqueue_dma source(%arg9 : memref<128x512xf32, #tpu.memory_space<vmem>>) target(%dma_start3A_346 : memref<128x512xf32, #tpu.memory_space<hbm>>) target_semaphore(%arg15 : memref<!tpu.dma_semaphore, #tpu.memory_space<semaphore_mem>>)
      %dma_start3A_347 = arith.constant 2048 : i32
      %dma_start3A_348 = arith.constant 0 : i32
      %dma_start3A_349 = tpu.memref_slice %arg5[%add3A_40, %dma_start3A_347, %dma_start3A_348] : memref<77x4096x512xf32, #tpu.memory_space<hbm>> -> memref<1x128x512xf32, #tpu.memory_space<hbm>>
      %dma_start3A_350 = tpu.memref_squeeze %dma_start3A_349 : memref<1x128x512xf32, #tpu.memory_space<hbm>> -> memref<128x512xf32, #tpu.memory_space<hbm>>
      %dma_start3A_351 = arith.constant 2048 : i32
      %dma_start3A_352 = arith.constant 0 : i32
      %dma_start3A_353 = tpu.memref_slice %arg5[%add3A_40, %dma_start3A_351, %dma_start3A_352] : memref<77x4096x512xf32, #tpu.memory_space<hbm>> -> memref<1x128x512xf32, #tpu.memory_space<hbm>>
      %dma_start3A_354 = tpu.memref_squeeze %dma_start3A_353 : memref<1x128x512xf32, #tpu.memory_space<hbm>> -> memref<128x512xf32, #tpu.memory_space<hbm>>
      tpu.enqueue_dma source(%arg9 : memref<128x512xf32, #tpu.memory_space<vmem>>) target(%dma_start3A_354 : memref<128x512xf32, #tpu.memory_space<hbm>>) target_semaphore(%arg15 : memref<!tpu.dma_semaphore, #tpu.memory_space<semaphore_mem>>)
      %dma_start3A_355 = arith.constant 2176 : i32
      %dma_start3A_356 = arith.constant 0 : i32
      %dma_start3A_357 = tpu.memref_slice %arg5[%add3A_40, %dma_start3A_355, %dma_start3A_356] : memref<77x4096x512xf32, #tpu.memory_space<hbm>> -> memref<1x128x512xf32, #tpu.memory_space<hbm>>
      %dma_start3A_358 = tpu.memref_squeeze %dma_start3A_357 : memref<1x128x512xf32, #tpu.memory_space<hbm>> -> memref<128x512xf32, #tpu.memory_space<hbm>>
      %dma_start3A_359 = arith.constant 2176 : i32
      %dma_start3A_360 = arith.constant 0 : i32
      %dma_start3A_361 = tpu.memref_slice %arg5[%add3A_40, %dma_start3A_359, %dma_start3A_360] : memref<77x4096x512xf32, #tpu.memory_space<hbm>> -> memref<1x128x512xf32, #tpu.memory_space<hbm>>
      %dma_start3A_362 = tpu.memref_squeeze %dma_start3A_361 : memref<1x128x512xf32, #tpu.memory_space<hbm>> -> memref<128x512xf32, #tpu.memory_space<hbm>>
      tpu.enqueue_dma source(%arg9 : memref<128x512xf32, #tpu.memory_space<vmem>>) target(%dma_start3A_362 : memref<128x512xf32, #tpu.memory_space<hbm>>) target_semaphore(%arg15 : memref<!tpu.dma_semaphore, #tpu.memory_space<semaphore_mem>>)
      %dma_start3A_363 = arith.constant 2304 : i32
      %dma_start3A_364 = arith.constant 0 : i32
      %dma_start3A_365 = tpu.memref_slice %arg5[%add3A_40, %dma_start3A_363, %dma_start3A_364] : memref<77x4096x512xf32, #tpu.memory_space<hbm>> -> memref<1x128x512xf32, #tpu.memory_space<hbm>>
      %dma_start3A_366 = tpu.memref_squeeze %dma_start3A_365 : memref<1x128x512xf32, #tpu.memory_space<hbm>> -> memref<128x512xf32, #tpu.memory_space<hbm>>
      %dma_start3A_367 = arith.constant 2304 : i32
      %dma_start3A_368 = arith.constant 0 : i32
      %dma_start3A_369 = tpu.memref_slice %arg5[%add3A_40, %dma_start3A_367, %dma_start3A_368] : memref<77x4096x512xf32, #tpu.memory_space<hbm>> -> memref<1x128x512xf32, #tpu.memory_space<hbm>>
      %dma_start3A_370 = tpu.memref_squeeze %dma_start3A_369 : memref<1x128x512xf32, #tpu.memory_space<hbm>> -> memref<128x512xf32, #tpu.memory_space<hbm>>
      tpu.enqueue_dma source(%arg9 : memref<128x512xf32, #tpu.memory_space<vmem>>) target(%dma_start3A_370 : memref<128x512xf32, #tpu.memory_space<hbm>>) target_semaphore(%arg15 : memref<!tpu.dma_semaphore, #tpu.memory_space<semaphore_mem>>)
      %dma_start3A_371 = arith.constant 2432 : i32
      %dma_start3A_372 = arith.constant 0 : i32
      %dma_start3A_373 = tpu.memref_slice %arg5[%add3A_40, %dma_start3A_371, %dma_start3A_372] : memref<77x4096x512xf32, #tpu.memory_space<hbm>> -> memref<1x128x512xf32, #tpu.memory_space<hbm>>
      %dma_start3A_374 = tpu.memref_squeeze %dma_start3A_373 : memref<1x128x512xf32, #tpu.memory_space<hbm>> -> memref<128x512xf32, #tpu.memory_space<hbm>>
      %dma_start3A_375 = arith.constant 2432 : i32
      %dma_start3A_376 = arith.constant 0 : i32
      %dma_start3A_377 = tpu.memref_slice %arg5[%add3A_40, %dma_start3A_375, %dma_start3A_376] : memref<77x4096x512xf32, #tpu.memory_space<hbm>> -> memref<1x128x512xf32, #tpu.memory_space<hbm>>
      %dma_start3A_378 = tpu.memref_squeeze %dma_start3A_377 : memref<1x128x512xf32, #tpu.memory_space<hbm>> -> memref<128x512xf32, #tpu.memory_space<hbm>>
      tpu.enqueue_dma source(%arg9 : memref<128x512xf32, #tpu.memory_space<vmem>>) target(%dma_start3A_378 : memref<128x512xf32, #tpu.memory_space<hbm>>) target_semaphore(%arg15 : memref<!tpu.dma_semaphore, #tpu.memory_space<semaphore_mem>>)
      %dma_start3A_379 = arith.constant 2560 : i32
      %dma_start3A_380 = arith.constant 0 : i32
      %dma_start3A_381 = tpu.memref_slice %arg5[%add3A_40, %dma_start3A_379, %dma_start3A_380] : memref<77x4096x512xf32, #tpu.memory_space<hbm>> -> memref<1x128x512xf32, #tpu.memory_space<hbm>>
      %dma_start3A_382 = tpu.memref_squeeze %dma_start3A_381 : memref<1x128x512xf32, #tpu.memory_space<hbm>> -> memref<128x512xf32, #tpu.memory_space<hbm>>
      %dma_start3A_383 = arith.constant 2560 : i32
      %dma_start3A_384 = arith.constant 0 : i32
      %dma_start3A_385 = tpu.memref_slice %arg5[%add3A_40, %dma_start3A_383, %dma_start3A_384] : memref<77x4096x512xf32, #tpu.memory_space<hbm>> -> memref<1x128x512xf32, #tpu.memory_space<hbm>>
      %dma_start3A_386 = tpu.memref_squeeze %dma_start3A_385 : memref<1x128x512xf32, #tpu.memory_space<hbm>> -> memref<128x512xf32, #tpu.memory_space<hbm>>
      tpu.enqueue_dma source(%arg9 : memref<128x512xf32, #tpu.memory_space<vmem>>) target(%dma_start3A_386 : memref<128x512xf32, #tpu.memory_space<hbm>>) target_semaphore(%arg15 : memref<!tpu.dma_semaphore, #tpu.memory_space<semaphore_mem>>)
      %dma_start3A_387 = arith.constant 2688 : i32
      %dma_start3A_388 = arith.constant 0 : i32
      %dma_start3A_389 = tpu.memref_slice %arg5[%add3A_40, %dma_start3A_387, %dma_start3A_388] : memref<77x4096x512xf32, #tpu.memory_space<hbm>> -> memref<1x128x512xf32, #tpu.memory_space<hbm>>
      %dma_start3A_390 = tpu.memref_squeeze %dma_start3A_389 : memref<1x128x512xf32, #tpu.memory_space<hbm>> -> memref<128x512xf32, #tpu.memory_space<hbm>>
      %dma_start3A_391 = arith.constant 2688 : i32
      %dma_start3A_392 = arith.constant 0 : i32
      %dma_start3A_393 = tpu.memref_slice %arg5[%add3A_40, %dma_start3A_391, %dma_start3A_392] : memref<77x4096x512xf32, #tpu.memory_space<hbm>> -> memref<1x128x512xf32, #tpu.memory_space<hbm>>
      %dma_start3A_394 = tpu.memref_squeeze %dma_start3A_393 : memref<1x128x512xf32, #tpu.memory_space<hbm>> -> memref<128x512xf32, #tpu.memory_space<hbm>>
      tpu.enqueue_dma source(%arg9 : memref<128x512xf32, #tpu.memory_space<vmem>>) target(%dma_start3A_394 : memref<128x512xf32, #tpu.memory_space<hbm>>) target_semaphore(%arg15 : memref<!tpu.dma_semaphore, #tpu.memory_space<semaphore_mem>>)
      %dma_start3A_395 = arith.constant 2816 : i32
      %dma_start3A_396 = arith.constant 0 : i32
      %dma_start3A_397 = tpu.memref_slice %arg5[%add3A_40, %dma_start3A_395, %dma_start3A_396] : memref<77x4096x512xf32, #tpu.memory_space<hbm>> -> memref<1x128x512xf32, #tpu.memory_space<hbm>>
      %dma_start3A_398 = tpu.memref_squeeze %dma_start3A_397 : memref<1x128x512xf32, #tpu.memory_space<hbm>> -> memref<128x512xf32, #tpu.memory_space<hbm>>
      %dma_start3A_399 = arith.constant 2816 : i32
      %dma_start3A_400 = arith.constant 0 : i32
      %dma_start3A_401 = tpu.memref_slice %arg5[%add3A_40, %dma_start3A_399, %dma_start3A_400] : memref<77x4096x512xf32, #tpu.memory_space<hbm>> -> memref<1x128x512xf32, #tpu.memory_space<hbm>>
      %dma_start3A_402 = tpu.memref_squeeze %dma_start3A_401 : memref<1x128x512xf32, #tpu.memory_space<hbm>> -> memref<128x512xf32, #tpu.memory_space<hbm>>
      tpu.enqueue_dma source(%arg9 : memref<128x512xf32, #tpu.memory_space<vmem>>) target(%dma_start3A_402 : memref<128x512xf32, #tpu.memory_space<hbm>>) target_semaphore(%arg15 : memref<!tpu.dma_semaphore, #tpu.memory_space<semaphore_mem>>)
      %dma_start3A_403 = arith.constant 2944 : i32
      %dma_start3A_404 = arith.constant 0 : i32
      %dma_start3A_405 = tpu.memref_slice %arg5[%add3A_40, %dma_start3A_403, %dma_start3A_404] : memref<77x4096x512xf32, #tpu.memory_space<hbm>> -> memref<1x128x512xf32, #tpu.memory_space<hbm>>
      %dma_start3A_406 = tpu.memref_squeeze %dma_start3A_405 : memref<1x128x512xf32, #tpu.memory_space<hbm>> -> memref<128x512xf32, #tpu.memory_space<hbm>>
      %dma_start3A_407 = arith.constant 2944 : i32
      %dma_start3A_408 = arith.constant 0 : i32
      %dma_start3A_409 = tpu.memref_slice %arg5[%add3A_40, %dma_start3A_407, %dma_start3A_408] : memref<77x4096x512xf32, #tpu.memory_space<hbm>> -> memref<1x128x512xf32, #tpu.memory_space<hbm>>
      %dma_start3A_410 = tpu.memref_squeeze %dma_start3A_409 : memref<1x128x512xf32, #tpu.memory_space<hbm>> -> memref<128x512xf32, #tpu.memory_space<hbm>>
      tpu.enqueue_dma source(%arg9 : memref<128x512xf32, #tpu.memory_space<vmem>>) target(%dma_start3A_410 : memref<128x512xf32, #tpu.memory_space<hbm>>) target_semaphore(%arg15 : memref<!tpu.dma_semaphore, #tpu.memory_space<semaphore_mem>>)
      %dma_start3A_411 = arith.constant 3072 : i32
      %dma_start3A_412 = arith.constant 0 : i32
      %dma_start3A_413 = tpu.memref_slice %arg5[%add3A_40, %dma_start3A_411, %dma_start3A_412] : memref<77x4096x512xf32, #tpu.memory_space<hbm>> -> memref<1x128x512xf32, #tpu.memory_space<hbm>>
      %dma_start3A_414 = tpu.memref_squeeze %dma_start3A_413 : memref<1x128x512xf32, #tpu.memory_space<hbm>> -> memref<128x512xf32, #tpu.memory_space<hbm>>
      %dma_start3A_415 = arith.constant 3072 : i32
      %dma_start3A_416 = arith.constant 0 : i32
      %dma_start3A_417 = tpu.memref_slice %arg5[%add3A_40, %dma_start3A_415, %dma_start3A_416] : memref<77x4096x512xf32, #tpu.memory_space<hbm>> -> memref<1x128x512xf32, #tpu.memory_space<hbm>>
      %dma_start3A_418 = tpu.memref_squeeze %dma_start3A_417 : memref<1x128x512xf32, #tpu.memory_space<hbm>> -> memref<128x512xf32, #tpu.memory_space<hbm>>
      tpu.enqueue_dma source(%arg9 : memref<128x512xf32, #tpu.memory_space<vmem>>) target(%dma_start3A_418 : memref<128x512xf32, #tpu.memory_space<hbm>>) target_semaphore(%arg15 : memref<!tpu.dma_semaphore, #tpu.memory_space<semaphore_mem>>)
      %dma_start3A_419 = arith.constant 3200 : i32
      %dma_start3A_420 = arith.constant 0 : i32
      %dma_start3A_421 = tpu.memref_slice %arg5[%add3A_40, %dma_start3A_419, %dma_start3A_420] : memref<77x4096x512xf32, #tpu.memory_space<hbm>> -> memref<1x128x512xf32, #tpu.memory_space<hbm>>
      %dma_start3A_422 = tpu.memref_squeeze %dma_start3A_421 : memref<1x128x512xf32, #tpu.memory_space<hbm>> -> memref<128x512xf32, #tpu.memory_space<hbm>>
      %dma_start3A_423 = arith.constant 3200 : i32
      %dma_start3A_424 = arith.constant 0 : i32
      %dma_start3A_425 = tpu.memref_slice %arg5[%add3A_40, %dma_start3A_423, %dma_start3A_424] : memref<77x4096x512xf32, #tpu.memory_space<hbm>> -> memref<1x128x512xf32, #tpu.memory_space<hbm>>
      %dma_start3A_426 = tpu.memref_squeeze %dma_start3A_425 : memref<1x128x512xf32, #tpu.memory_space<hbm>> -> memref<128x512xf32, #tpu.memory_space<hbm>>
      tpu.enqueue_dma source(%arg9 : memref<128x512xf32, #tpu.memory_space<vmem>>) target(%dma_start3A_426 : memref<128x512xf32, #tpu.memory_space<hbm>>) target_semaphore(%arg15 : memref<!tpu.dma_semaphore, #tpu.memory_space<semaphore_mem>>)
      %dma_start3A_427 = arith.constant 3328 : i32
      %dma_start3A_428 = arith.constant 0 : i32
      %dma_start3A_429 = tpu.memref_slice %arg5[%add3A_40, %dma_start3A_427, %dma_start3A_428] : memref<77x4096x512xf32, #tpu.memory_space<hbm>> -> memref<1x128x512xf32, #tpu.memory_space<hbm>>
      %dma_start3A_430 = tpu.memref_squeeze %dma_start3A_429 : memref<1x128x512xf32, #tpu.memory_space<hbm>> -> memref<128x512xf32, #tpu.memory_space<hbm>>
      %dma_start3A_431 = arith.constant 3328 : i32
      %dma_start3A_432 = arith.constant 0 : i32
      %dma_start3A_433 = tpu.memref_slice %arg5[%add3A_40, %dma_start3A_431, %dma_start3A_432] : memref<77x4096x512xf32, #tpu.memory_space<hbm>> -> memref<1x128x512xf32, #tpu.memory_space<hbm>>
      %dma_start3A_434 = tpu.memref_squeeze %dma_start3A_433 : memref<1x128x512xf32, #tpu.memory_space<hbm>> -> memref<128x512xf32, #tpu.memory_space<hbm>>
      tpu.enqueue_dma source(%arg9 : memref<128x512xf32, #tpu.memory_space<vmem>>) target(%dma_start3A_434 : memref<128x512xf32, #tpu.memory_space<hbm>>) target_semaphore(%arg15 : memref<!tpu.dma_semaphore, #tpu.memory_space<semaphore_mem>>)
      %dma_start3A_435 = arith.constant 3456 : i32
      %dma_start3A_436 = arith.constant 0 : i32
      %dma_start3A_437 = tpu.memref_slice %arg5[%add3A_40, %dma_start3A_435, %dma_start3A_436] : memref<77x4096x512xf32, #tpu.memory_space<hbm>> -> memref<1x128x512xf32, #tpu.memory_space<hbm>>
      %dma_start3A_438 = tpu.memref_squeeze %dma_start3A_437 : memref<1x128x512xf32, #tpu.memory_space<hbm>> -> memref<128x512xf32, #tpu.memory_space<hbm>>
      %dma_start3A_439 = arith.constant 3456 : i32
      %dma_start3A_440 = arith.constant 0 : i32
      %dma_start3A_441 = tpu.memref_slice %arg5[%add3A_40, %dma_start3A_439, %dma_start3A_440] : memref<77x4096x512xf32, #tpu.memory_space<hbm>> -> memref<1x128x512xf32, #tpu.memory_space<hbm>>
      %dma_start3A_442 = tpu.memref_squeeze %dma_start3A_441 : memref<1x128x512xf32, #tpu.memory_space<hbm>> -> memref<128x512xf32, #tpu.memory_space<hbm>>
      tpu.enqueue_dma source(%arg9 : memref<128x512xf32, #tpu.memory_space<vmem>>) target(%dma_start3A_442 : memref<128x512xf32, #tpu.memory_space<hbm>>) target_semaphore(%arg15 : memref<!tpu.dma_semaphore, #tpu.memory_space<semaphore_mem>>)
      %dma_start3A_443 = arith.constant 3584 : i32
      %dma_start3A_444 = arith.constant 0 : i32
      %dma_start3A_445 = tpu.memref_slice %arg5[%add3A_40, %dma_start3A_443, %dma_start3A_444] : memref<77x4096x512xf32, #tpu.memory_space<hbm>> -> memref<1x128x512xf32, #tpu.memory_space<hbm>>
      %dma_start3A_446 = tpu.memref_squeeze %dma_start3A_445 : memref<1x128x512xf32, #tpu.memory_space<hbm>> -> memref<128x512xf32, #tpu.memory_space<hbm>>
      %dma_start3A_447 = arith.constant 3584 : i32
      %dma_start3A_448 = arith.constant 0 : i32
      %dma_start3A_449 = tpu.memref_slice %arg5[%add3A_40, %dma_start3A_447, %dma_start3A_448] : memref<77x4096x512xf32, #tpu.memory_space<hbm>> -> memref<1x128x512xf32, #tpu.memory_space<hbm>>
      %dma_start3A_450 = tpu.memref_squeeze %dma_start3A_449 : memref<1x128x512xf32, #tpu.memory_space<hbm>> -> memref<128x512xf32, #tpu.memory_space<hbm>>
      tpu.enqueue_dma source(%arg9 : memref<128x512xf32, #tpu.memory_space<vmem>>) target(%dma_start3A_450 : memref<128x512xf32, #tpu.memory_space<hbm>>) target_semaphore(%arg15 : memref<!tpu.dma_semaphore, #tpu.memory_space<semaphore_mem>>)
      %dma_start3A_451 = arith.constant 3712 : i32
      %dma_start3A_452 = arith.constant 0 : i32
      %dma_start3A_453 = tpu.memref_slice %arg5[%add3A_40, %dma_start3A_451, %dma_start3A_452] : memref<77x4096x512xf32, #tpu.memory_space<hbm>> -> memref<1x128x512xf32, #tpu.memory_space<hbm>>
      %dma_start3A_454 = tpu.memref_squeeze %dma_start3A_453 : memref<1x128x512xf32, #tpu.memory_space<hbm>> -> memref<128x512xf32, #tpu.memory_space<hbm>>
      %dma_start3A_455 = arith.constant 3712 : i32
      %dma_start3A_456 = arith.constant 0 : i32
      %dma_start3A_457 = tpu.memref_slice %arg5[%add3A_40, %dma_start3A_455, %dma_start3A_456] : memref<77x4096x512xf32, #tpu.memory_space<hbm>> -> memref<1x128x512xf32, #tpu.memory_space<hbm>>
      %dma_start3A_458 = tpu.memref_squeeze %dma_start3A_457 : memref<1x128x512xf32, #tpu.memory_space<hbm>> -> memref<128x512xf32, #tpu.memory_space<hbm>>
      tpu.enqueue_dma source(%arg9 : memref<128x512xf32, #tpu.memory_space<vmem>>) target(%dma_start3A_458 : memref<128x512xf32, #tpu.memory_space<hbm>>) target_semaphore(%arg15 : memref<!tpu.dma_semaphore, #tpu.memory_space<semaphore_mem>>)
      %dma_start3A_459 = arith.constant 3840 : i32
      %dma_start3A_460 = arith.constant 0 : i32
      %dma_start3A_461 = tpu.memref_slice %arg5[%add3A_40, %dma_start3A_459, %dma_start3A_460] : memref<77x4096x512xf32, #tpu.memory_space<hbm>> -> memref<1x128x512xf32, #tpu.memory_space<hbm>>
      %dma_start3A_462 = tpu.memref_squeeze %dma_start3A_461 : memref<1x128x512xf32, #tpu.memory_space<hbm>> -> memref<128x512xf32, #tpu.memory_space<hbm>>
      %dma_start3A_463 = arith.constant 3840 : i32
      %dma_start3A_464 = arith.constant 0 : i32
      %dma_start3A_465 = tpu.memref_slice %arg5[%add3A_40, %dma_start3A_463, %dma_start3A_464] : memref<77x4096x512xf32, #tpu.memory_space<hbm>> -> memref<1x128x512xf32, #tpu.memory_space<hbm>>
      %dma_start3A_466 = tpu.memref_squeeze %dma_start3A_465 : memref<1x128x512xf32, #tpu.memory_space<hbm>> -> memref<128x512xf32, #tpu.memory_space<hbm>>
      tpu.enqueue_dma source(%arg9 : memref<128x512xf32, #tpu.memory_space<vmem>>) target(%dma_start3A_466 : memref<128x512xf32, #tpu.memory_space<hbm>>) target_semaphore(%arg15 : memref<!tpu.dma_semaphore, #tpu.memory_space<semaphore_mem>>)
      %dma_start3A_467 = arith.constant 3968 : i32
      %dma_start3A_468 = arith.constant 0 : i32
      %dma_start3A_469 = tpu.memref_slice %arg5[%add3A_40, %dma_start3A_467, %dma_start3A_468] : memref<77x4096x512xf32, #tpu.memory_space<hbm>> -> memref<1x128x512xf32, #tpu.memory_space<hbm>>
      %dma_start3A_470 = tpu.memref_squeeze %dma_start3A_469 : memref<1x128x512xf32, #tpu.memory_space<hbm>> -> memref<128x512xf32, #tpu.memory_space<hbm>>
      %dma_start3A_471 = arith.constant 3968 : i32
      %dma_start3A_472 = arith.constant 0 : i32
      %dma_start3A_473 = tpu.memref_slice %arg5[%add3A_40, %dma_start3A_471, %dma_start3A_472] : memref<77x4096x512xf32, #tpu.memory_space<hbm>> -> memref<1x128x512xf32, #tpu.memory_space<hbm>>
      %dma_start3A_474 = tpu.memref_squeeze %dma_start3A_473 : memref<1x128x512xf32, #tpu.memory_space<hbm>> -> memref<128x512xf32, #tpu.memory_space<hbm>>
      tpu.enqueue_dma source(%arg9 : memref<128x512xf32, #tpu.memory_space<vmem>>) target(%dma_start3A_474 : memref<128x512xf32, #tpu.memory_space<hbm>>) target_semaphore(%arg15 : memref<!tpu.dma_semaphore, #tpu.memory_space<semaphore_mem>>)
    } else {
    }
    %lt3A_52 = arith.constant 77 : i32
    %lt3A_53 = arith.cmpi slt, %add3A_40, %lt3A_52 : i32
    %convert_element_type3A_54 = arith.extui %lt3A_53 : i1 to i32
    %cond3A_55 = arith.constant 0 : i32
    %cond3A_56 = arith.cmpi ne, %convert_element_type3A_54, %cond3A_55 : i32
    scf.if %cond3A_56 {
      %get3A = arith.index_cast %add3A_40 : i32 to index
      %get3A_87 = tpu.vector_load %arg7[%get3A] {strides = array<i32>} : memref<96xi32, #tpu.memory_space<vmem>>, vector<16xi32>,
      %get3A_88 = vector.shape_cast %get3A_87 : vector<16xi32> to vector<16xi32>
      %slice3A = vector.extract_strided_slice %get3A_88 {offsets = [0], sizes = [1], strides = [1]} : vector<16xi32> to vector<1xi32>
      %squeeze3A = vector.extract %slice3A[0] : i32 from vector<1xi32>
      %broadcast_in_dim3A = vector.broadcast %squeeze3A : i32 to vector<16xi32>
      %scan3A = arith.constant 0 : i32
      %scan3A_89 = arith.constant 0 : i32
      %scan3A_90 = arith.constant 256 : i32
      %scan3A_91 = arith.addi %scan3A_89, %scan3A_90 : i32
      %scan3A_92 = arith.constant 1 : i32
      scf.for %scan3A_100 = %scan3A_89 to %scan3A_91 step %scan3A_92  : i32 {
        %mul3A_101 = arith.constant 16 : i32
        %mul3A_102 = arith.muli %mul3A_101, %scan3A_100 : i32
        %swap3A = arith.index_cast %mul3A_102 : i32 to index
        %swap3A_103 = tpu.vector_load %arg11[%swap3A] {strides = array<i32>} : memref<4096xi32, #tpu.memory_space<vmem>>, vector<16xi32>,
        %swap3A_104 = vector.shape_cast %swap3A_103 : vector<16xi32> to vector<16xi32>
        %swap3A_105 = vector.shape_cast %broadcast_in_dim3A : vector<16xi32> to vector<16xi32>
        tpu.vector_store %arg11[%swap3A], %swap3A_105 {strides = array<i32>} : memref<4096xi32, #tpu.memory_space<vmem>>, vector<16xi32>,
      }
      %scan3A_93 = arith.constant 256 : i32
      %dma_start3A_94 = arith.constant 0 : i32
      %dma_start3A_95 = tpu.memref_slice %arg6[%add3A_40, %dma_start3A_94] : memref<77x4096xi32, #tpu.memory_space<hbm>> -> memref<1x4096xi32, #tpu.memory_space<hbm>>
      %dma_start3A_96 = tpu.memref_squeeze %dma_start3A_95 : memref<1x4096xi32, #tpu.memory_space<hbm>> -> memref<4096xi32, #tpu.memory_space<hbm>>
      %dma_start3A_97 = arith.constant 0 : i32
      %dma_start3A_98 = tpu.memref_slice %arg6[%add3A_40, %dma_start3A_97] : memref<77x4096xi32, #tpu.memory_space<hbm>> -> memref<1x4096xi32, #tpu.memory_space<hbm>>
      %dma_start3A_99 = tpu.memref_squeeze %dma_start3A_98 : memref<1x4096xi32, #tpu.memory_space<hbm>> -> memref<4096xi32, #tpu.memory_space<hbm>>
      tpu.enqueue_dma source(%arg11 : memref<4096xi32, #tpu.memory_space<vmem>>) target(%dma_start3A_99 : memref<4096xi32, #tpu.memory_space<hbm>>) target_semaphore(%arg16 : memref<!tpu.dma_semaphore, #tpu.memory_space<semaphore_mem>>)
    } else {
    }
    %add3A_57 = arith.constant 64 : i32
    %add3A_58 = arith.addi %add3A, %add3A_57 : i32
    %lt3A_59 = arith.constant 77 : i32
    %lt3A_60 = arith.cmpi slt, %add3A_58, %lt3A_59 : i32
    %ne3A_61 = arith.constant 5 : i32
    %ne3A_62 = arith.cmpi ne, %add3A_58, %ne3A_61 : i32
    %and3A_63 = arith.andi %lt3A_60, %ne3A_62 : i1
    %convert_element_type3A_64 = arith.extui %and3A_45 : i1 to i32
    %cond3A_65 = arith.constant 0 : i32
    %cond3A_66 = arith.cmpi ne, %convert_element_type3A_64, %cond3A_65 : i32
    scf.if %cond3A_66 {
      %dma_wait3A_87 = arith.constant 0 : i32
      %dma_wait3A_88 = arith.constant 0 : i32
      %dma_wait3A_89 = tpu.memref_slice %arg5[%add3A_40, %dma_wait3A_87, %dma_wait3A_88] : memref<77x4096x512xf32, #tpu.memory_space<hbm>> -> memref<1x128x512xf32, #tpu.memory_space<hbm>>
      %dma_wait3A_90 = tpu.memref_squeeze %dma_wait3A_89 : memref<1x128x512xf32, #tpu.memory_space<hbm>> -> memref<128x512xf32, #tpu.memory_space<hbm>>
      %dma_wait3A_91 = arith.constant 0 : i32
      %dma_wait3A_92 = arith.constant 0 : i32
      %dma_wait3A_93 = tpu.memref_slice %arg5[%add3A_40, %dma_wait3A_91, %dma_wait3A_92] : memref<77x4096x512xf32, #tpu.memory_space<hbm>> -> memref<1x128x512xf32, #tpu.memory_space<hbm>>
      %dma_wait3A_94 = tpu.memref_squeeze %dma_wait3A_93 : memref<1x128x512xf32, #tpu.memory_space<hbm>> -> memref<128x512xf32, #tpu.memory_space<hbm>>
      tpu.wait_dma2 semaphore(%arg15 : memref<!tpu.dma_semaphore, #tpu.memory_space<semaphore_mem>>) src(%arg9 : memref<128x512xf32, #tpu.memory_space<vmem>>) dst(%dma_wait3A_94 : memref<128x512xf32, #tpu.memory_space<hbm>>)
      %dma_wait3A_95 = arith.constant 128 : i32
      %dma_wait3A_96 = arith.constant 0 : i32
      %dma_wait3A_97 = tpu.memref_slice %arg5[%add3A_40, %dma_wait3A_95, %dma_wait3A_96] : memref<77x4096x512xf32, #tpu.memory_space<hbm>> -> memref<1x128x512xf32, #tpu.memory_space<hbm>>
      %dma_wait3A_98 = tpu.memref_squeeze %dma_wait3A_97 : memref<1x128x512xf32, #tpu.memory_space<hbm>> -> memref<128x512xf32, #tpu.memory_space<hbm>>
      %dma_wait3A_99 = arith.constant 128 : i32
      %dma_wait3A_100 = arith.constant 0 : i32
      %dma_wait3A_101 = tpu.memref_slice %arg5[%add3A_40, %dma_wait3A_99, %dma_wait3A_100] : memref<77x4096x512xf32, #tpu.memory_space<hbm>> -> memref<1x128x512xf32, #tpu.memory_space<hbm>>
      %dma_wait3A_102 = tpu.memref_squeeze %dma_wait3A_101 : memref<1x128x512xf32, #tpu.memory_space<hbm>> -> memref<128x512xf32, #tpu.memory_space<hbm>>
      tpu.wait_dma2 semaphore(%arg15 : memref<!tpu.dma_semaphore, #tpu.memory_space<semaphore_mem>>) src(%arg9 : memref<128x512xf32, #tpu.memory_space<vmem>>) dst(%dma_wait3A_102 : memref<128x512xf32, #tpu.memory_space<hbm>>)
      %dma_wait3A_103 = arith.constant 256 : i32
      %dma_wait3A_104 = arith.constant 0 : i32
      %dma_wait3A_105 = tpu.memref_slice %arg5[%add3A_40, %dma_wait3A_103, %dma_wait3A_104] : memref<77x4096x512xf32, #tpu.memory_space<hbm>> -> memref<1x128x512xf32, #tpu.memory_space<hbm>>
      %dma_wait3A_106 = tpu.memref_squeeze %dma_wait3A_105 : memref<1x128x512xf32, #tpu.memory_space<hbm>> -> memref<128x512xf32, #tpu.memory_space<hbm>>
      %dma_wait3A_107 = arith.constant 256 : i32
      %dma_wait3A_108 = arith.constant 0 : i32
      %dma_wait3A_109 = tpu.memref_slice %arg5[%add3A_40, %dma_wait3A_107, %dma_wait3A_108] : memref<77x4096x512xf32, #tpu.memory_space<hbm>> -> memref<1x128x512xf32, #tpu.memory_space<hbm>>
      %dma_wait3A_110 = tpu.memref_squeeze %dma_wait3A_109 : memref<1x128x512xf32, #tpu.memory_space<hbm>> -> memref<128x512xf32, #tpu.memory_space<hbm>>
      tpu.wait_dma2 semaphore(%arg15 : memref<!tpu.dma_semaphore, #tpu.memory_space<semaphore_mem>>) src(%arg9 : memref<128x512xf32, #tpu.memory_space<vmem>>) dst(%dma_wait3A_110 : memref<128x512xf32, #tpu.memory_space<hbm>>)
      %dma_wait3A_111 = arith.constant 384 : i32
      %dma_wait3A_112 = arith.constant 0 : i32
      %dma_wait3A_113 = tpu.memref_slice %arg5[%add3A_40, %dma_wait3A_111, %dma_wait3A_112] : memref<77x4096x512xf32, #tpu.memory_space<hbm>> -> memref<1x128x512xf32, #tpu.memory_space<hbm>>
      %dma_wait3A_114 = tpu.memref_squeeze %dma_wait3A_113 : memref<1x128x512xf32, #tpu.memory_space<hbm>> -> memref<128x512xf32, #tpu.memory_space<hbm>>
      %dma_wait3A_115 = arith.constant 384 : i32
      %dma_wait3A_116 = arith.constant 0 : i32
      %dma_wait3A_117 = tpu.memref_slice %arg5[%add3A_40, %dma_wait3A_115, %dma_wait3A_116] : memref<77x4096x512xf32, #tpu.memory_space<hbm>> -> memref<1x128x512xf32, #tpu.memory_space<hbm>>
      %dma_wait3A_118 = tpu.memref_squeeze %dma_wait3A_117 : memref<1x128x512xf32, #tpu.memory_space<hbm>> -> memref<128x512xf32, #tpu.memory_space<hbm>>
      tpu.wait_dma2 semaphore(%arg15 : memref<!tpu.dma_semaphore, #tpu.memory_space<semaphore_mem>>) src(%arg9 : memref<128x512xf32, #tpu.memory_space<vmem>>) dst(%dma_wait3A_118 : memref<128x512xf32, #tpu.memory_space<hbm>>)
      %dma_wait3A_119 = arith.constant 512 : i32
      %dma_wait3A_120 = arith.constant 0 : i32
      %dma_wait3A_121 = tpu.memref_slice %arg5[%add3A_40, %dma_wait3A_119, %dma_wait3A_120] : memref<77x4096x512xf32, #tpu.memory_space<hbm>> -> memref<1x128x512xf32, #tpu.memory_space<hbm>>
      %dma_wait3A_122 = tpu.memref_squeeze %dma_wait3A_121 : memref<1x128x512xf32, #tpu.memory_space<hbm>> -> memref<128x512xf32, #tpu.memory_space<hbm>>
      %dma_wait3A_123 = arith.constant 512 : i32
      %dma_wait3A_124 = arith.constant 0 : i32
      %dma_wait3A_125 = tpu.memref_slice %arg5[%add3A_40, %dma_wait3A_123, %dma_wait3A_124] : memref<77x4096x512xf32, #tpu.memory_space<hbm>> -> memref<1x128x512xf32, #tpu.memory_space<hbm>>
      %dma_wait3A_126 = tpu.memref_squeeze %dma_wait3A_125 : memref<1x128x512xf32, #tpu.memory_space<hbm>> -> memref<128x512xf32, #tpu.memory_space<hbm>>
      tpu.wait_dma2 semaphore(%arg15 : memref<!tpu.dma_semaphore, #tpu.memory_space<semaphore_mem>>) src(%arg9 : memref<128x512xf32, #tpu.memory_space<vmem>>) dst(%dma_wait3A_126 : memref<128x512xf32, #tpu.memory_space<hbm>>)
      %dma_wait3A_127 = arith.constant 640 : i32
      %dma_wait3A_128 = arith.constant 0 : i32
      %dma_wait3A_129 = tpu.memref_slice %arg5[%add3A_40, %dma_wait3A_127, %dma_wait3A_128] : memref<77x4096x512xf32, #tpu.memory_space<hbm>> -> memref<1x128x512xf32, #tpu.memory_space<hbm>>
      %dma_wait3A_130 = tpu.memref_squeeze %dma_wait3A_129 : memref<1x128x512xf32, #tpu.memory_space<hbm>> -> memref<128x512xf32, #tpu.memory_space<hbm>>
      %dma_wait3A_131 = arith.constant 640 : i32
      %dma_wait3A_132 = arith.constant 0 : i32
      %dma_wait3A_133 = tpu.memref_slice %arg5[%add3A_40, %dma_wait3A_131, %dma_wait3A_132] : memref<77x4096x512xf32, #tpu.memory_space<hbm>> -> memref<1x128x512xf32, #tpu.memory_space<hbm>>
      %dma_wait3A_134 = tpu.memref_squeeze %dma_wait3A_133 : memref<1x128x512xf32, #tpu.memory_space<hbm>> -> memref<128x512xf32, #tpu.memory_space<hbm>>
      tpu.wait_dma2 semaphore(%arg15 : memref<!tpu.dma_semaphore, #tpu.memory_space<semaphore_mem>>) src(%arg9 : memref<128x512xf32, #tpu.memory_space<vmem>>) dst(%dma_wait3A_134 : memref<128x512xf32, #tpu.memory_space<hbm>>)
      %dma_wait3A_135 = arith.constant 768 : i32
      %dma_wait3A_136 = arith.constant 0 : i32
      %dma_wait3A_137 = tpu.memref_slice %arg5[%add3A_40, %dma_wait3A_135, %dma_wait3A_136] : memref<77x4096x512xf32, #tpu.memory_space<hbm>> -> memref<1x128x512xf32, #tpu.memory_space<hbm>>
      %dma_wait3A_138 = tpu.memref_squeeze %dma_wait3A_137 : memref<1x128x512xf32, #tpu.memory_space<hbm>> -> memref<128x512xf32, #tpu.memory_space<hbm>>
      %dma_wait3A_139 = arith.constant 768 : i32
      %dma_wait3A_140 = arith.constant 0 : i32
      %dma_wait3A_141 = tpu.memref_slice %arg5[%add3A_40, %dma_wait3A_139, %dma_wait3A_140] : memref<77x4096x512xf32, #tpu.memory_space<hbm>> -> memref<1x128x512xf32, #tpu.memory_space<hbm>>
      %dma_wait3A_142 = tpu.memref_squeeze %dma_wait3A_141 : memref<1x128x512xf32, #tpu.memory_space<hbm>> -> memref<128x512xf32, #tpu.memory_space<hbm>>
      tpu.wait_dma2 semaphore(%arg15 : memref<!tpu.dma_semaphore, #tpu.memory_space<semaphore_mem>>) src(%arg9 : memref<128x512xf32, #tpu.memory_space<vmem>>) dst(%dma_wait3A_142 : memref<128x512xf32, #tpu.memory_space<hbm>>)
      %dma_wait3A_143 = arith.constant 896 : i32
      %dma_wait3A_144 = arith.constant 0 : i32
      %dma_wait3A_145 = tpu.memref_slice %arg5[%add3A_40, %dma_wait3A_143, %dma_wait3A_144] : memref<77x4096x512xf32, #tpu.memory_space<hbm>> -> memref<1x128x512xf32, #tpu.memory_space<hbm>>
      %dma_wait3A_146 = tpu.memref_squeeze %dma_wait3A_145 : memref<1x128x512xf32, #tpu.memory_space<hbm>> -> memref<128x512xf32, #tpu.memory_space<hbm>>
      %dma_wait3A_147 = arith.constant 896 : i32
      %dma_wait3A_148 = arith.constant 0 : i32
      %dma_wait3A_149 = tpu.memref_slice %arg5[%add3A_40, %dma_wait3A_147, %dma_wait3A_148] : memref<77x4096x512xf32, #tpu.memory_space<hbm>> -> memref<1x128x512xf32, #tpu.memory_space<hbm>>
      %dma_wait3A_150 = tpu.memref_squeeze %dma_wait3A_149 : memref<1x128x512xf32, #tpu.memory_space<hbm>> -> memref<128x512xf32, #tpu.memory_space<hbm>>
      tpu.wait_dma2 semaphore(%arg15 : memref<!tpu.dma_semaphore, #tpu.memory_space<semaphore_mem>>) src(%arg9 : memref<128x512xf32, #tpu.memory_space<vmem>>) dst(%dma_wait3A_150 : memref<128x512xf32, #tpu.memory_space<hbm>>)
      %dma_wait3A_151 = arith.constant 1024 : i32
      %dma_wait3A_152 = arith.constant 0 : i32
      %dma_wait3A_153 = tpu.memref_slice %arg5[%add3A_40, %dma_wait3A_151, %dma_wait3A_152] : memref<77x4096x512xf32, #tpu.memory_space<hbm>> -> memref<1x128x512xf32, #tpu.memory_space<hbm>>
      %dma_wait3A_154 = tpu.memref_squeeze %dma_wait3A_153 : memref<1x128x512xf32, #tpu.memory_space<hbm>> -> memref<128x512xf32, #tpu.memory_space<hbm>>
      %dma_wait3A_155 = arith.constant 1024 : i32
      %dma_wait3A_156 = arith.constant 0 : i32
      %dma_wait3A_157 = tpu.memref_slice %arg5[%add3A_40, %dma_wait3A_155, %dma_wait3A_156] : memref<77x4096x512xf32, #tpu.memory_space<hbm>> -> memref<1x128x512xf32, #tpu.memory_space<hbm>>
      %dma_wait3A_158 = tpu.memref_squeeze %dma_wait3A_157 : memref<1x128x512xf32, #tpu.memory_space<hbm>> -> memref<128x512xf32, #tpu.memory_space<hbm>>
      tpu.wait_dma2 semaphore(%arg15 : memref<!tpu.dma_semaphore, #tpu.memory_space<semaphore_mem>>) src(%arg9 : memref<128x512xf32, #tpu.memory_space<vmem>>) dst(%dma_wait3A_158 : memref<128x512xf32, #tpu.memory_space<hbm>>)
      %dma_wait3A_159 = arith.constant 1152 : i32
      %dma_wait3A_160 = arith.constant 0 : i32
      %dma_wait3A_161 = tpu.memref_slice %arg5[%add3A_40, %dma_wait3A_159, %dma_wait3A_160] : memref<77x4096x512xf32, #tpu.memory_space<hbm>> -> memref<1x128x512xf32, #tpu.memory_space<hbm>>
      %dma_wait3A_162 = tpu.memref_squeeze %dma_wait3A_161 : memref<1x128x512xf32, #tpu.memory_space<hbm>> -> memref<128x512xf32, #tpu.memory_space<hbm>>
      %dma_wait3A_163 = arith.constant 1152 : i32
      %dma_wait3A_164 = arith.constant 0 : i32
      %dma_wait3A_165 = tpu.memref_slice %arg5[%add3A_40, %dma_wait3A_163, %dma_wait3A_164] : memref<77x4096x512xf32, #tpu.memory_space<hbm>> -> memref<1x128x512xf32, #tpu.memory_space<hbm>>
      %dma_wait3A_166 = tpu.memref_squeeze %dma_wait3A_165 : memref<1x128x512xf32, #tpu.memory_space<hbm>> -> memref<128x512xf32, #tpu.memory_space<hbm>>
      tpu.wait_dma2 semaphore(%arg15 : memref<!tpu.dma_semaphore, #tpu.memory_space<semaphore_mem>>) src(%arg9 : memref<128x512xf32, #tpu.memory_space<vmem>>) dst(%dma_wait3A_166 : memref<128x512xf32, #tpu.memory_space<hbm>>)
      %dma_wait3A_167 = arith.constant 1280 : i32
      %dma_wait3A_168 = arith.constant 0 : i32
      %dma_wait3A_169 = tpu.memref_slice %arg5[%add3A_40, %dma_wait3A_167, %dma_wait3A_168] : memref<77x4096x512xf32, #tpu.memory_space<hbm>> -> memref<1x128x512xf32, #tpu.memory_space<hbm>>
      %dma_wait3A_170 = tpu.memref_squeeze %dma_wait3A_169 : memref<1x128x512xf32, #tpu.memory_space<hbm>> -> memref<128x512xf32, #tpu.memory_space<hbm>>
      %dma_wait3A_171 = arith.constant 1280 : i32
      %dma_wait3A_172 = arith.constant 0 : i32
      %dma_wait3A_173 = tpu.memref_slice %arg5[%add3A_40, %dma_wait3A_171, %dma_wait3A_172] : memref<77x4096x512xf32, #tpu.memory_space<hbm>> -> memref<1x128x512xf32, #tpu.memory_space<hbm>>
      %dma_wait3A_174 = tpu.memref_squeeze %dma_wait3A_173 : memref<1x128x512xf32, #tpu.memory_space<hbm>> -> memref<128x512xf32, #tpu.memory_space<hbm>>
      tpu.wait_dma2 semaphore(%arg15 : memref<!tpu.dma_semaphore, #tpu.memory_space<semaphore_mem>>) src(%arg9 : memref<128x512xf32, #tpu.memory_space<vmem>>) dst(%dma_wait3A_174 : memref<128x512xf32, #tpu.memory_space<hbm>>)
      %dma_wait3A_175 = arith.constant 1408 : i32
      %dma_wait3A_176 = arith.constant 0 : i32
      %dma_wait3A_177 = tpu.memref_slice %arg5[%add3A_40, %dma_wait3A_175, %dma_wait3A_176] : memref<77x4096x512xf32, #tpu.memory_space<hbm>> -> memref<1x128x512xf32, #tpu.memory_space<hbm>>
      %dma_wait3A_178 = tpu.memref_squeeze %dma_wait3A_177 : memref<1x128x512xf32, #tpu.memory_space<hbm>> -> memref<128x512xf32, #tpu.memory_space<hbm>>
      %dma_wait3A_179 = arith.constant 1408 : i32
      %dma_wait3A_180 = arith.constant 0 : i32
      %dma_wait3A_181 = tpu.memref_slice %arg5[%add3A_40, %dma_wait3A_179, %dma_wait3A_180] : memref<77x4096x512xf32, #tpu.memory_space<hbm>> -> memref<1x128x512xf32, #tpu.memory_space<hbm>>
      %dma_wait3A_182 = tpu.memref_squeeze %dma_wait3A_181 : memref<1x128x512xf32, #tpu.memory_space<hbm>> -> memref<128x512xf32, #tpu.memory_space<hbm>>
      tpu.wait_dma2 semaphore(%arg15 : memref<!tpu.dma_semaphore, #tpu.memory_space<semaphore_mem>>) src(%arg9 : memref<128x512xf32, #tpu.memory_space<vmem>>) dst(%dma_wait3A_182 : memref<128x512xf32, #tpu.memory_space<hbm>>)
      %dma_wait3A_183 = arith.constant 1536 : i32
      %dma_wait3A_184 = arith.constant 0 : i32
      %dma_wait3A_185 = tpu.memref_slice %arg5[%add3A_40, %dma_wait3A_183, %dma_wait3A_184] : memref<77x4096x512xf32, #tpu.memory_space<hbm>> -> memref<1x128x512xf32, #tpu.memory_space<hbm>>
      %dma_wait3A_186 = tpu.memref_squeeze %dma_wait3A_185 : memref<1x128x512xf32, #tpu.memory_space<hbm>> -> memref<128x512xf32, #tpu.memory_space<hbm>>
      %dma_wait3A_187 = arith.constant 1536 : i32
      %dma_wait3A_188 = arith.constant 0 : i32
      %dma_wait3A_189 = tpu.memref_slice %arg5[%add3A_40, %dma_wait3A_187, %dma_wait3A_188] : memref<77x4096x512xf32, #tpu.memory_space<hbm>> -> memref<1x128x512xf32, #tpu.memory_space<hbm>>
      %dma_wait3A_190 = tpu.memref_squeeze %dma_wait3A_189 : memref<1x128x512xf32, #tpu.memory_space<hbm>> -> memref<128x512xf32, #tpu.memory_space<hbm>>
      tpu.wait_dma2 semaphore(%arg15 : memref<!tpu.dma_semaphore, #tpu.memory_space<semaphore_mem>>) src(%arg9 : memref<128x512xf32, #tpu.memory_space<vmem>>) dst(%dma_wait3A_190 : memref<128x512xf32, #tpu.memory_space<hbm>>)
      %dma_wait3A_191 = arith.constant 1664 : i32
      %dma_wait3A_192 = arith.constant 0 : i32
      %dma_wait3A_193 = tpu.memref_slice %arg5[%add3A_40, %dma_wait3A_191, %dma_wait3A_192] : memref<77x4096x512xf32, #tpu.memory_space<hbm>> -> memref<1x128x512xf32, #tpu.memory_space<hbm>>
      %dma_wait3A_194 = tpu.memref_squeeze %dma_wait3A_193 : memref<1x128x512xf32, #tpu.memory_space<hbm>> -> memref<128x512xf32, #tpu.memory_space<hbm>>
      %dma_wait3A_195 = arith.constant 1664 : i32
      %dma_wait3A_196 = arith.constant 0 : i32
      %dma_wait3A_197 = tpu.memref_slice %arg5[%add3A_40, %dma_wait3A_195, %dma_wait3A_196] : memref<77x4096x512xf32, #tpu.memory_space<hbm>> -> memref<1x128x512xf32, #tpu.memory_space<hbm>>
      %dma_wait3A_198 = tpu.memref_squeeze %dma_wait3A_197 : memref<1x128x512xf32, #tpu.memory_space<hbm>> -> memref<128x512xf32, #tpu.memory_space<hbm>>
      tpu.wait_dma2 semaphore(%arg15 : memref<!tpu.dma_semaphore, #tpu.memory_space<semaphore_mem>>) src(%arg9 : memref<128x512xf32, #tpu.memory_space<vmem>>) dst(%dma_wait3A_198 : memref<128x512xf32, #tpu.memory_space<hbm>>)
      %dma_wait3A_199 = arith.constant 1792 : i32
      %dma_wait3A_200 = arith.constant 0 : i32
      %dma_wait3A_201 = tpu.memref_slice %arg5[%add3A_40, %dma_wait3A_199, %dma_wait3A_200] : memref<77x4096x512xf32, #tpu.memory_space<hbm>> -> memref<1x128x512xf32, #tpu.memory_space<hbm>>
      %dma_wait3A_202 = tpu.memref_squeeze %dma_wait3A_201 : memref<1x128x512xf32, #tpu.memory_space<hbm>> -> memref<128x512xf32, #tpu.memory_space<hbm>>
      %dma_wait3A_203 = arith.constant 1792 : i32
      %dma_wait3A_204 = arith.constant 0 : i32
      %dma_wait3A_205 = tpu.memref_slice %arg5[%add3A_40, %dma_wait3A_203, %dma_wait3A_204] : memref<77x4096x512xf32, #tpu.memory_space<hbm>> -> memref<1x128x512xf32, #tpu.memory_space<hbm>>
      %dma_wait3A_206 = tpu.memref_squeeze %dma_wait3A_205 : memref<1x128x512xf32, #tpu.memory_space<hbm>> -> memref<128x512xf32, #tpu.memory_space<hbm>>
      tpu.wait_dma2 semaphore(%arg15 : memref<!tpu.dma_semaphore, #tpu.memory_space<semaphore_mem>>) src(%arg9 : memref<128x512xf32, #tpu.memory_space<vmem>>) dst(%dma_wait3A_206 : memref<128x512xf32, #tpu.memory_space<hbm>>)
      %dma_wait3A_207 = arith.constant 1920 : i32
      %dma_wait3A_208 = arith.constant 0 : i32
      %dma_wait3A_209 = tpu.memref_slice %arg5[%add3A_40, %dma_wait3A_207, %dma_wait3A_208] : memref<77x4096x512xf32, #tpu.memory_space<hbm>> -> memref<1x128x512xf32, #tpu.memory_space<hbm>>
      %dma_wait3A_210 = tpu.memref_squeeze %dma_wait3A_209 : memref<1x128x512xf32, #tpu.memory_space<hbm>> -> memref<128x512xf32, #tpu.memory_space<hbm>>
      %dma_wait3A_211 = arith.constant 1920 : i32
      %dma_wait3A_212 = arith.constant 0 : i32
      %dma_wait3A_213 = tpu.memref_slice %arg5[%add3A_40, %dma_wait3A_211, %dma_wait3A_212] : memref<77x4096x512xf32, #tpu.memory_space<hbm>> -> memref<1x128x512xf32, #tpu.memory_space<hbm>>
      %dma_wait3A_214 = tpu.memref_squeeze %dma_wait3A_213 : memref<1x128x512xf32, #tpu.memory_space<hbm>> -> memref<128x512xf32, #tpu.memory_space<hbm>>
      tpu.wait_dma2 semaphore(%arg15 : memref<!tpu.dma_semaphore, #tpu.memory_space<semaphore_mem>>) src(%arg9 : memref<128x512xf32, #tpu.memory_space<vmem>>) dst(%dma_wait3A_214 : memref<128x512xf32, #tpu.memory_space<hbm>>)
      %dma_wait3A_215 = arith.constant 2048 : i32
      %dma_wait3A_216 = arith.constant 0 : i32
      %dma_wait3A_217 = tpu.memref_slice %arg5[%add3A_40, %dma_wait3A_215, %dma_wait3A_216] : memref<77x4096x512xf32, #tpu.memory_space<hbm>> -> memref<1x128x512xf32, #tpu.memory_space<hbm>>
      %dma_wait3A_218 = tpu.memref_squeeze %dma_wait3A_217 : memref<1x128x512xf32, #tpu.memory_space<hbm>> -> memref<128x512xf32, #tpu.memory_space<hbm>>
      %dma_wait3A_219 = arith.constant 2048 : i32
      %dma_wait3A_220 = arith.constant 0 : i32
      %dma_wait3A_221 = tpu.memref_slice %arg5[%add3A_40, %dma_wait3A_219, %dma_wait3A_220] : memref<77x4096x512xf32, #tpu.memory_space<hbm>> -> memref<1x128x512xf32, #tpu.memory_space<hbm>>
      %dma_wait3A_222 = tpu.memref_squeeze %dma_wait3A_221 : memref<1x128x512xf32, #tpu.memory_space<hbm>> -> memref<128x512xf32, #tpu.memory_space<hbm>>
      tpu.wait_dma2 semaphore(%arg15 : memref<!tpu.dma_semaphore, #tpu.memory_space<semaphore_mem>>) src(%arg9 : memref<128x512xf32, #tpu.memory_space<vmem>>) dst(%dma_wait3A_222 : memref<128x512xf32, #tpu.memory_space<hbm>>)
      %dma_wait3A_223 = arith.constant 2176 : i32
      %dma_wait3A_224 = arith.constant 0 : i32
      %dma_wait3A_225 = tpu.memref_slice %arg5[%add3A_40, %dma_wait3A_223, %dma_wait3A_224] : memref<77x4096x512xf32, #tpu.memory_space<hbm>> -> memref<1x128x512xf32, #tpu.memory_space<hbm>>
      %dma_wait3A_226 = tpu.memref_squeeze %dma_wait3A_225 : memref<1x128x512xf32, #tpu.memory_space<hbm>> -> memref<128x512xf32, #tpu.memory_space<hbm>>
      %dma_wait3A_227 = arith.constant 2176 : i32
      %dma_wait3A_228 = arith.constant 0 : i32
      %dma_wait3A_229 = tpu.memref_slice %arg5[%add3A_40, %dma_wait3A_227, %dma_wait3A_228] : memref<77x4096x512xf32, #tpu.memory_space<hbm>> -> memref<1x128x512xf32, #tpu.memory_space<hbm>>
      %dma_wait3A_230 = tpu.memref_squeeze %dma_wait3A_229 : memref<1x128x512xf32, #tpu.memory_space<hbm>> -> memref<128x512xf32, #tpu.memory_space<hbm>>
      tpu.wait_dma2 semaphore(%arg15 : memref<!tpu.dma_semaphore, #tpu.memory_space<semaphore_mem>>) src(%arg9 : memref<128x512xf32, #tpu.memory_space<vmem>>) dst(%dma_wait3A_230 : memref<128x512xf32, #tpu.memory_space<hbm>>)
      %dma_wait3A_231 = arith.constant 2304 : i32
      %dma_wait3A_232 = arith.constant 0 : i32
      %dma_wait3A_233 = tpu.memref_slice %arg5[%add3A_40, %dma_wait3A_231, %dma_wait3A_232] : memref<77x4096x512xf32, #tpu.memory_space<hbm>> -> memref<1x128x512xf32, #tpu.memory_space<hbm>>
      %dma_wait3A_234 = tpu.memref_squeeze %dma_wait3A_233 : memref<1x128x512xf32, #tpu.memory_space<hbm>> -> memref<128x512xf32, #tpu.memory_space<hbm>>
      %dma_wait3A_235 = arith.constant 2304 : i32
      %dma_wait3A_236 = arith.constant 0 : i32
      %dma_wait3A_237 = tpu.memref_slice %arg5[%add3A_40, %dma_wait3A_235, %dma_wait3A_236] : memref<77x4096x512xf32, #tpu.memory_space<hbm>> -> memref<1x128x512xf32, #tpu.memory_space<hbm>>
      %dma_wait3A_238 = tpu.memref_squeeze %dma_wait3A_237 : memref<1x128x512xf32, #tpu.memory_space<hbm>> -> memref<128x512xf32, #tpu.memory_space<hbm>>
      tpu.wait_dma2 semaphore(%arg15 : memref<!tpu.dma_semaphore, #tpu.memory_space<semaphore_mem>>) src(%arg9 : memref<128x512xf32, #tpu.memory_space<vmem>>) dst(%dma_wait3A_238 : memref<128x512xf32, #tpu.memory_space<hbm>>)
      %dma_wait3A_239 = arith.constant 2432 : i32
      %dma_wait3A_240 = arith.constant 0 : i32
      %dma_wait3A_241 = tpu.memref_slice %arg5[%add3A_40, %dma_wait3A_239, %dma_wait3A_240] : memref<77x4096x512xf32, #tpu.memory_space<hbm>> -> memref<1x128x512xf32, #tpu.memory_space<hbm>>
      %dma_wait3A_242 = tpu.memref_squeeze %dma_wait3A_241 : memref<1x128x512xf32, #tpu.memory_space<hbm>> -> memref<128x512xf32, #tpu.memory_space<hbm>>
      %dma_wait3A_243 = arith.constant 2432 : i32
      %dma_wait3A_244 = arith.constant 0 : i32
      %dma_wait3A_245 = tpu.memref_slice %arg5[%add3A_40, %dma_wait3A_243, %dma_wait3A_244] : memref<77x4096x512xf32, #tpu.memory_space<hbm>> -> memref<1x128x512xf32, #tpu.memory_space<hbm>>
      %dma_wait3A_246 = tpu.memref_squeeze %dma_wait3A_245 : memref<1x128x512xf32, #tpu.memory_space<hbm>> -> memref<128x512xf32, #tpu.memory_space<hbm>>
      tpu.wait_dma2 semaphore(%arg15 : memref<!tpu.dma_semaphore, #tpu.memory_space<semaphore_mem>>) src(%arg9 : memref<128x512xf32, #tpu.memory_space<vmem>>) dst(%dma_wait3A_246 : memref<128x512xf32, #tpu.memory_space<hbm>>)
      %dma_wait3A_247 = arith.constant 2560 : i32
      %dma_wait3A_248 = arith.constant 0 : i32
      %dma_wait3A_249 = tpu.memref_slice %arg5[%add3A_40, %dma_wait3A_247, %dma_wait3A_248] : memref<77x4096x512xf32, #tpu.memory_space<hbm>> -> memref<1x128x512xf32, #tpu.memory_space<hbm>>
      %dma_wait3A_250 = tpu.memref_squeeze %dma_wait3A_249 : memref<1x128x512xf32, #tpu.memory_space<hbm>> -> memref<128x512xf32, #tpu.memory_space<hbm>>
      %dma_wait3A_251 = arith.constant 2560 : i32
      %dma_wait3A_252 = arith.constant 0 : i32
      %dma_wait3A_253 = tpu.memref_slice %arg5[%add3A_40, %dma_wait3A_251, %dma_wait3A_252] : memref<77x4096x512xf32, #tpu.memory_space<hbm>> -> memref<1x128x512xf32, #tpu.memory_space<hbm>>
      %dma_wait3A_254 = tpu.memref_squeeze %dma_wait3A_253 : memref<1x128x512xf32, #tpu.memory_space<hbm>> -> memref<128x512xf32, #tpu.memory_space<hbm>>
      tpu.wait_dma2 semaphore(%arg15 : memref<!tpu.dma_semaphore, #tpu.memory_space<semaphore_mem>>) src(%arg9 : memref<128x512xf32, #tpu.memory_space<vmem>>) dst(%dma_wait3A_254 : memref<128x512xf32, #tpu.memory_space<hbm>>)
      %dma_wait3A_255 = arith.constant 2688 : i32
      %dma_wait3A_256 = arith.constant 0 : i32
      %dma_wait3A_257 = tpu.memref_slice %arg5[%add3A_40, %dma_wait3A_255, %dma_wait3A_256] : memref<77x4096x512xf32, #tpu.memory_space<hbm>> -> memref<1x128x512xf32, #tpu.memory_space<hbm>>
      %dma_wait3A_258 = tpu.memref_squeeze %dma_wait3A_257 : memref<1x128x512xf32, #tpu.memory_space<hbm>> -> memref<128x512xf32, #tpu.memory_space<hbm>>
      %dma_wait3A_259 = arith.constant 2688 : i32
      %dma_wait3A_260 = arith.constant 0 : i32
      %dma_wait3A_261 = tpu.memref_slice %arg5[%add3A_40, %dma_wait3A_259, %dma_wait3A_260] : memref<77x4096x512xf32, #tpu.memory_space<hbm>> -> memref<1x128x512xf32, #tpu.memory_space<hbm>>
      %dma_wait3A_262 = tpu.memref_squeeze %dma_wait3A_261 : memref<1x128x512xf32, #tpu.memory_space<hbm>> -> memref<128x512xf32, #tpu.memory_space<hbm>>
      tpu.wait_dma2 semaphore(%arg15 : memref<!tpu.dma_semaphore, #tpu.memory_space<semaphore_mem>>) src(%arg9 : memref<128x512xf32, #tpu.memory_space<vmem>>) dst(%dma_wait3A_262 : memref<128x512xf32, #tpu.memory_space<hbm>>)
      %dma_wait3A_263 = arith.constant 2816 : i32
      %dma_wait3A_264 = arith.constant 0 : i32
      %dma_wait3A_265 = tpu.memref_slice %arg5[%add3A_40, %dma_wait3A_263, %dma_wait3A_264] : memref<77x4096x512xf32, #tpu.memory_space<hbm>> -> memref<1x128x512xf32, #tpu.memory_space<hbm>>
      %dma_wait3A_266 = tpu.memref_squeeze %dma_wait3A_265 : memref<1x128x512xf32, #tpu.memory_space<hbm>> -> memref<128x512xf32, #tpu.memory_space<hbm>>
      %dma_wait3A_267 = arith.constant 2816 : i32
      %dma_wait3A_268 = arith.constant 0 : i32
      %dma_wait3A_269 = tpu.memref_slice %arg5[%add3A_40, %dma_wait3A_267, %dma_wait3A_268] : memref<77x4096x512xf32, #tpu.memory_space<hbm>> -> memref<1x128x512xf32, #tpu.memory_space<hbm>>
      %dma_wait3A_270 = tpu.memref_squeeze %dma_wait3A_269 : memref<1x128x512xf32, #tpu.memory_space<hbm>> -> memref<128x512xf32, #tpu.memory_space<hbm>>
      tpu.wait_dma2 semaphore(%arg15 : memref<!tpu.dma_semaphore, #tpu.memory_space<semaphore_mem>>) src(%arg9 : memref<128x512xf32, #tpu.memory_space<vmem>>) dst(%dma_wait3A_270 : memref<128x512xf32, #tpu.memory_space<hbm>>)
      %dma_wait3A_271 = arith.constant 2944 : i32
      %dma_wait3A_272 = arith.constant 0 : i32
      %dma_wait3A_273 = tpu.memref_slice %arg5[%add3A_40, %dma_wait3A_271, %dma_wait3A_272] : memref<77x4096x512xf32, #tpu.memory_space<hbm>> -> memref<1x128x512xf32, #tpu.memory_space<hbm>>
      %dma_wait3A_274 = tpu.memref_squeeze %dma_wait3A_273 : memref<1x128x512xf32, #tpu.memory_space<hbm>> -> memref<128x512xf32, #tpu.memory_space<hbm>>
      %dma_wait3A_275 = arith.constant 2944 : i32
      %dma_wait3A_276 = arith.constant 0 : i32
      %dma_wait3A_277 = tpu.memref_slice %arg5[%add3A_40, %dma_wait3A_275, %dma_wait3A_276] : memref<77x4096x512xf32, #tpu.memory_space<hbm>> -> memref<1x128x512xf32, #tpu.memory_space<hbm>>
      %dma_wait3A_278 = tpu.memref_squeeze %dma_wait3A_277 : memref<1x128x512xf32, #tpu.memory_space<hbm>> -> memref<128x512xf32, #tpu.memory_space<hbm>>
      tpu.wait_dma2 semaphore(%arg15 : memref<!tpu.dma_semaphore, #tpu.memory_space<semaphore_mem>>) src(%arg9 : memref<128x512xf32, #tpu.memory_space<vmem>>) dst(%dma_wait3A_278 : memref<128x512xf32, #tpu.memory_space<hbm>>)
      %dma_wait3A_279 = arith.constant 3072 : i32
      %dma_wait3A_280 = arith.constant 0 : i32
      %dma_wait3A_281 = tpu.memref_slice %arg5[%add3A_40, %dma_wait3A_279, %dma_wait3A_280] : memref<77x4096x512xf32, #tpu.memory_space<hbm>> -> memref<1x128x512xf32, #tpu.memory_space<hbm>>
      %dma_wait3A_282 = tpu.memref_squeeze %dma_wait3A_281 : memref<1x128x512xf32, #tpu.memory_space<hbm>> -> memref<128x512xf32, #tpu.memory_space<hbm>>
      %dma_wait3A_283 = arith.constant 3072 : i32
      %dma_wait3A_284 = arith.constant 0 : i32
      %dma_wait3A_285 = tpu.memref_slice %arg5[%add3A_40, %dma_wait3A_283, %dma_wait3A_284] : memref<77x4096x512xf32, #tpu.memory_space<hbm>> -> memref<1x128x512xf32, #tpu.memory_space<hbm>>
      %dma_wait3A_286 = tpu.memref_squeeze %dma_wait3A_285 : memref<1x128x512xf32, #tpu.memory_space<hbm>> -> memref<128x512xf32, #tpu.memory_space<hbm>>
      tpu.wait_dma2 semaphore(%arg15 : memref<!tpu.dma_semaphore, #tpu.memory_space<semaphore_mem>>) src(%arg9 : memref<128x512xf32, #tpu.memory_space<vmem>>) dst(%dma_wait3A_286 : memref<128x512xf32, #tpu.memory_space<hbm>>)
      %dma_wait3A_287 = arith.constant 3200 : i32
      %dma_wait3A_288 = arith.constant 0 : i32
      %dma_wait3A_289 = tpu.memref_slice %arg5[%add3A_40, %dma_wait3A_287, %dma_wait3A_288] : memref<77x4096x512xf32, #tpu.memory_space<hbm>> -> memref<1x128x512xf32, #tpu.memory_space<hbm>>
      %dma_wait3A_290 = tpu.memref_squeeze %dma_wait3A_289 : memref<1x128x512xf32, #tpu.memory_space<hbm>> -> memref<128x512xf32, #tpu.memory_space<hbm>>
      %dma_wait3A_291 = arith.constant 3200 : i32
      %dma_wait3A_292 = arith.constant 0 : i32
      %dma_wait3A_293 = tpu.memref_slice %arg5[%add3A_40, %dma_wait3A_291, %dma_wait3A_292] : memref<77x4096x512xf32, #tpu.memory_space<hbm>> -> memref<1x128x512xf32, #tpu.memory_space<hbm>>
      %dma_wait3A_294 = tpu.memref_squeeze %dma_wait3A_293 : memref<1x128x512xf32, #tpu.memory_space<hbm>> -> memref<128x512xf32, #tpu.memory_space<hbm>>
      tpu.wait_dma2 semaphore(%arg15 : memref<!tpu.dma_semaphore, #tpu.memory_space<semaphore_mem>>) src(%arg9 : memref<128x512xf32, #tpu.memory_space<vmem>>) dst(%dma_wait3A_294 : memref<128x512xf32, #tpu.memory_space<hbm>>)
      %dma_wait3A_295 = arith.constant 3328 : i32
      %dma_wait3A_296 = arith.constant 0 : i32
      %dma_wait3A_297 = tpu.memref_slice %arg5[%add3A_40, %dma_wait3A_295, %dma_wait3A_296] : memref<77x4096x512xf32, #tpu.memory_space<hbm>> -> memref<1x128x512xf32, #tpu.memory_space<hbm>>
      %dma_wait3A_298 = tpu.memref_squeeze %dma_wait3A_297 : memref<1x128x512xf32, #tpu.memory_space<hbm>> -> memref<128x512xf32, #tpu.memory_space<hbm>>
      %dma_wait3A_299 = arith.constant 3328 : i32
      %dma_wait3A_300 = arith.constant 0 : i32
      %dma_wait3A_301 = tpu.memref_slice %arg5[%add3A_40, %dma_wait3A_299, %dma_wait3A_300] : memref<77x4096x512xf32, #tpu.memory_space<hbm>> -> memref<1x128x512xf32, #tpu.memory_space<hbm>>
      %dma_wait3A_302 = tpu.memref_squeeze %dma_wait3A_301 : memref<1x128x512xf32, #tpu.memory_space<hbm>> -> memref<128x512xf32, #tpu.memory_space<hbm>>
      tpu.wait_dma2 semaphore(%arg15 : memref<!tpu.dma_semaphore, #tpu.memory_space<semaphore_mem>>) src(%arg9 : memref<128x512xf32, #tpu.memory_space<vmem>>) dst(%dma_wait3A_302 : memref<128x512xf32, #tpu.memory_space<hbm>>)
      %dma_wait3A_303 = arith.constant 3456 : i32
      %dma_wait3A_304 = arith.constant 0 : i32
      %dma_wait3A_305 = tpu.memref_slice %arg5[%add3A_40, %dma_wait3A_303, %dma_wait3A_304] : memref<77x4096x512xf32, #tpu.memory_space<hbm>> -> memref<1x128x512xf32, #tpu.memory_space<hbm>>
      %dma_wait3A_306 = tpu.memref_squeeze %dma_wait3A_305 : memref<1x128x512xf32, #tpu.memory_space<hbm>> -> memref<128x512xf32, #tpu.memory_space<hbm>>
      %dma_wait3A_307 = arith.constant 3456 : i32
      %dma_wait3A_308 = arith.constant 0 : i32
      %dma_wait3A_309 = tpu.memref_slice %arg5[%add3A_40, %dma_wait3A_307, %dma_wait3A_308] : memref<77x4096x512xf32, #tpu.memory_space<hbm>> -> memref<1x128x512xf32, #tpu.memory_space<hbm>>
      %dma_wait3A_310 = tpu.memref_squeeze %dma_wait3A_309 : memref<1x128x512xf32, #tpu.memory_space<hbm>> -> memref<128x512xf32, #tpu.memory_space<hbm>>
      tpu.wait_dma2 semaphore(%arg15 : memref<!tpu.dma_semaphore, #tpu.memory_space<semaphore_mem>>) src(%arg9 : memref<128x512xf32, #tpu.memory_space<vmem>>) dst(%dma_wait3A_310 : memref<128x512xf32, #tpu.memory_space<hbm>>)
      %dma_wait3A_311 = arith.constant 3584 : i32
      %dma_wait3A_312 = arith.constant 0 : i32
      %dma_wait3A_313 = tpu.memref_slice %arg5[%add3A_40, %dma_wait3A_311, %dma_wait3A_312] : memref<77x4096x512xf32, #tpu.memory_space<hbm>> -> memref<1x128x512xf32, #tpu.memory_space<hbm>>
      %dma_wait3A_314 = tpu.memref_squeeze %dma_wait3A_313 : memref<1x128x512xf32, #tpu.memory_space<hbm>> -> memref<128x512xf32, #tpu.memory_space<hbm>>
      %dma_wait3A_315 = arith.constant 3584 : i32
      %dma_wait3A_316 = arith.constant 0 : i32
      %dma_wait3A_317 = tpu.memref_slice %arg5[%add3A_40, %dma_wait3A_315, %dma_wait3A_316] : memref<77x4096x512xf32, #tpu.memory_space<hbm>> -> memref<1x128x512xf32, #tpu.memory_space<hbm>>
      %dma_wait3A_318 = tpu.memref_squeeze %dma_wait3A_317 : memref<1x128x512xf32, #tpu.memory_space<hbm>> -> memref<128x512xf32, #tpu.memory_space<hbm>>
      tpu.wait_dma2 semaphore(%arg15 : memref<!tpu.dma_semaphore, #tpu.memory_space<semaphore_mem>>) src(%arg9 : memref<128x512xf32, #tpu.memory_space<vmem>>) dst(%dma_wait3A_318 : memref<128x512xf32, #tpu.memory_space<hbm>>)
      %dma_wait3A_319 = arith.constant 3712 : i32
      %dma_wait3A_320 = arith.constant 0 : i32
      %dma_wait3A_321 = tpu.memref_slice %arg5[%add3A_40, %dma_wait3A_319, %dma_wait3A_320] : memref<77x4096x512xf32, #tpu.memory_space<hbm>> -> memref<1x128x512xf32, #tpu.memory_space<hbm>>
      %dma_wait3A_322 = tpu.memref_squeeze %dma_wait3A_321 : memref<1x128x512xf32, #tpu.memory_space<hbm>> -> memref<128x512xf32, #tpu.memory_space<hbm>>
      %dma_wait3A_323 = arith.constant 3712 : i32
      %dma_wait3A_324 = arith.constant 0 : i32
      %dma_wait3A_325 = tpu.memref_slice %arg5[%add3A_40, %dma_wait3A_323, %dma_wait3A_324] : memref<77x4096x512xf32, #tpu.memory_space<hbm>> -> memref<1x128x512xf32, #tpu.memory_space<hbm>>
      %dma_wait3A_326 = tpu.memref_squeeze %dma_wait3A_325 : memref<1x128x512xf32, #tpu.memory_space<hbm>> -> memref<128x512xf32, #tpu.memory_space<hbm>>
      tpu.wait_dma2 semaphore(%arg15 : memref<!tpu.dma_semaphore, #tpu.memory_space<semaphore_mem>>) src(%arg9 : memref<128x512xf32, #tpu.memory_space<vmem>>) dst(%dma_wait3A_326 : memref<128x512xf32, #tpu.memory_space<hbm>>)
      %dma_wait3A_327 = arith.constant 3840 : i32
      %dma_wait3A_328 = arith.constant 0 : i32
      %dma_wait3A_329 = tpu.memref_slice %arg5[%add3A_40, %dma_wait3A_327, %dma_wait3A_328] : memref<77x4096x512xf32, #tpu.memory_space<hbm>> -> memref<1x128x512xf32, #tpu.memory_space<hbm>>
      %dma_wait3A_330 = tpu.memref_squeeze %dma_wait3A_329 : memref<1x128x512xf32, #tpu.memory_space<hbm>> -> memref<128x512xf32, #tpu.memory_space<hbm>>
      %dma_wait3A_331 = arith.constant 3840 : i32
      %dma_wait3A_332 = arith.constant 0 : i32
      %dma_wait3A_333 = tpu.memref_slice %arg5[%add3A_40, %dma_wait3A_331, %dma_wait3A_332] : memref<77x4096x512xf32, #tpu.memory_space<hbm>> -> memref<1x128x512xf32, #tpu.memory_space<hbm>>
      %dma_wait3A_334 = tpu.memref_squeeze %dma_wait3A_333 : memref<1x128x512xf32, #tpu.memory_space<hbm>> -> memref<128x512xf32, #tpu.memory_space<hbm>>
      tpu.wait_dma2 semaphore(%arg15 : memref<!tpu.dma_semaphore, #tpu.memory_space<semaphore_mem>>) src(%arg9 : memref<128x512xf32, #tpu.memory_space<vmem>>) dst(%dma_wait3A_334 : memref<128x512xf32, #tpu.memory_space<hbm>>)
      %dma_wait3A_335 = arith.constant 3968 : i32
      %dma_wait3A_336 = arith.constant 0 : i32
      %dma_wait3A_337 = tpu.memref_slice %arg5[%add3A_40, %dma_wait3A_335, %dma_wait3A_336] : memref<77x4096x512xf32, #tpu.memory_space<hbm>> -> memref<1x128x512xf32, #tpu.memory_space<hbm>>
      %dma_wait3A_338 = tpu.memref_squeeze %dma_wait3A_337 : memref<1x128x512xf32, #tpu.memory_space<hbm>> -> memref<128x512xf32, #tpu.memory_space<hbm>>
      %dma_wait3A_339 = arith.constant 3968 : i32
      %dma_wait3A_340 = arith.constant 0 : i32
      %dma_wait3A_341 = tpu.memref_slice %arg5[%add3A_40, %dma_wait3A_339, %dma_wait3A_340] : memref<77x4096x512xf32, #tpu.memory_space<hbm>> -> memref<1x128x512xf32, #tpu.memory_space<hbm>>
      %dma_wait3A_342 = tpu.memref_squeeze %dma_wait3A_341 : memref<1x128x512xf32, #tpu.memory_space<hbm>> -> memref<128x512xf32, #tpu.memory_space<hbm>>
      tpu.wait_dma2 semaphore(%arg15 : memref<!tpu.dma_semaphore, #tpu.memory_space<semaphore_mem>>) src(%arg9 : memref<128x512xf32, #tpu.memory_space<vmem>>) dst(%dma_wait3A_342 : memref<128x512xf32, #tpu.memory_space<hbm>>)
    } else {
    }
    %convert_element_type3A_67 = arith.extui %and3A_63 : i1 to i32
    %cond3A_68 = arith.constant 0 : i32
    %cond3A_69 = arith.cmpi ne, %convert_element_type3A_67, %cond3A_68 : i32
    scf.if %cond3A_69 {
      %get3A = arith.index_cast %add3A_58 : i32 to index
      %get3A_87 = arith.constant 0 : index
      %get3A_88 = tpu.vector_load %arg8[%get3A, %get3A_87] {strides = array<i32>} : memref<96x512xf32, #tpu.memory_space<vmem>>, vector<1x16xf32>,
      %get3A_89 = vector.shape_cast %get3A_88 : vector<1x16xf32> to vector<16xf32>
      %get3A_90 = arith.index_cast %add3A_58 : i32 to index
      %get3A_91 = arith.constant 16 : index
      %get3A_92 = tpu.vector_load %arg8[%get3A_90, %get3A_91] {strides = array<i32>} : memref<96x512xf32, #tpu.memory_space<vmem>>, vector<1x16xf32>,
      %get3A_93 = vector.shape_cast %get3A_92 : vector<1x16xf32> to vector<16xf32>
      %get3A_94 = arith.index_cast %add3A_58 : i32 to index
      %get3A_95 = arith.constant 32 : index
      %get3A_96 = tpu.vector_load %arg8[%get3A_94, %get3A_95] {strides = array<i32>} : memref<96x512xf32, #tpu.memory_space<vmem>>, vector<1x16xf32>,
      %get3A_97 = vector.shape_cast %get3A_96 : vector<1x16xf32> to vector<16xf32>
      %get3A_98 = arith.index_cast %add3A_58 : i32 to index
      %get3A_99 = arith.constant 48 : index
      %get3A_100 = tpu.vector_load %arg8[%get3A_98, %get3A_99] {strides = array<i32>} : memref<96x512xf32, #tpu.memory_space<vmem>>, vector<1x16xf32>,
      %get3A_101 = vector.shape_cast %get3A_100 : vector<1x16xf32> to vector<16xf32>
      %get3A_102 = arith.index_cast %add3A_58 : i32 to index
      %get3A_103 = arith.constant 64 : index
      %get3A_104 = tpu.vector_load %arg8[%get3A_102, %get3A_103] {strides = array<i32>} : memref<96x512xf32, #tpu.memory_space<vmem>>, vector<1x16xf32>,
      %get3A_105 = vector.shape_cast %get3A_104 : vector<1x16xf32> to vector<16xf32>
      %get3A_106 = arith.index_cast %add3A_58 : i32 to index
      %get3A_107 = arith.constant 80 : index
      %get3A_108 = tpu.vector_load %arg8[%get3A_106, %get3A_107] {strides = array<i32>} : memref<96x512xf32, #tpu.memory_space<vmem>>, vector<1x16xf32>,
      %get3A_109 = vector.shape_cast %get3A_108 : vector<1x16xf32> to vector<16xf32>
      %get3A_110 = arith.index_cast %add3A_58 : i32 to index
      %get3A_111 = arith.constant 96 : index
      %get3A_112 = tpu.vector_load %arg8[%get3A_110, %get3A_111] {strides = array<i32>} : memref<96x512xf32, #tpu.memory_space<vmem>>, vector<1x16xf32>,
      %get3A_113 = vector.shape_cast %get3A_112 : vector<1x16xf32> to vector<16xf32>
      %get3A_114 = arith.index_cast %add3A_58 : i32 to index
      %get3A_115 = arith.constant 112 : index
      %get3A_116 = tpu.vector_load %arg8[%get3A_114, %get3A_115] {strides = array<i32>} : memref<96x512xf32, #tpu.memory_space<vmem>>, vector<1x16xf32>,
      %get3A_117 = vector.shape_cast %get3A_116 : vector<1x16xf32> to vector<16xf32>
      %get3A_118 = arith.index_cast %add3A_58 : i32 to index
      %get3A_119 = arith.constant 128 : index
      %get3A_120 = tpu.vector_load %arg8[%get3A_118, %get3A_119] {strides = array<i32>} : memref<96x512xf32, #tpu.memory_space<vmem>>, vector<1x16xf32>,
      %get3A_121 = vector.shape_cast %get3A_120 : vector<1x16xf32> to vector<16xf32>
      %get3A_122 = arith.index_cast %add3A_58 : i32 to index
      %get3A_123 = arith.constant 144 : index
      %get3A_124 = tpu.vector_load %arg8[%get3A_122, %get3A_123] {strides = array<i32>} : memref<96x512xf32, #tpu.memory_space<vmem>>, vector<1x16xf32>,
      %get3A_125 = vector.shape_cast %get3A_124 : vector<1x16xf32> to vector<16xf32>
      %get3A_126 = arith.index_cast %add3A_58 : i32 to index
      %get3A_127 = arith.constant 160 : index
      %get3A_128 = tpu.vector_load %arg8[%get3A_126, %get3A_127] {strides = array<i32>} : memref<96x512xf32, #tpu.memory_space<vmem>>, vector<1x16xf32>,
      %get3A_129 = vector.shape_cast %get3A_128 : vector<1x16xf32> to vector<16xf32>
      %get3A_130 = arith.index_cast %add3A_58 : i32 to index
      %get3A_131 = arith.constant 176 : index
      %get3A_132 = tpu.vector_load %arg8[%get3A_130, %get3A_131] {strides = array<i32>} : memref<96x512xf32, #tpu.memory_space<vmem>>, vector<1x16xf32>,
      %get3A_133 = vector.shape_cast %get3A_132 : vector<1x16xf32> to vector<16xf32>
      %get3A_134 = arith.index_cast %add3A_58 : i32 to index
      %get3A_135 = arith.constant 192 : index
      %get3A_136 = tpu.vector_load %arg8[%get3A_134, %get3A_135] {strides = array<i32>} : memref<96x512xf32, #tpu.memory_space<vmem>>, vector<1x16xf32>,
      %get3A_137 = vector.shape_cast %get3A_136 : vector<1x16xf32> to vector<16xf32>
      %get3A_138 = arith.index_cast %add3A_58 : i32 to index
      %get3A_139 = arith.constant 208 : index
      %get3A_140 = tpu.vector_load %arg8[%get3A_138, %get3A_139] {strides = array<i32>} : memref<96x512xf32, #tpu.memory_space<vmem>>, vector<1x16xf32>,
      %get3A_141 = vector.shape_cast %get3A_140 : vector<1x16xf32> to vector<16xf32>
      %get3A_142 = arith.index_cast %add3A_58 : i32 to index
      %get3A_143 = arith.constant 224 : index
      %get3A_144 = tpu.vector_load %arg8[%get3A_142, %get3A_143] {strides = array<i32>} : memref<96x512xf32, #tpu.memory_space<vmem>>, vector<1x16xf32>,
      %get3A_145 = vector.shape_cast %get3A_144 : vector<1x16xf32> to vector<16xf32>
      %get3A_146 = arith.index_cast %add3A_58 : i32 to index
      %get3A_147 = arith.constant 240 : index
      %get3A_148 = tpu.vector_load %arg8[%get3A_146, %get3A_147] {strides = array<i32>} : memref<96x512xf32, #tpu.memory_space<vmem>>, vector<1x16xf32>,
      %get3A_149 = vector.shape_cast %get3A_148 : vector<1x16xf32> to vector<16xf32>
      %get3A_150 = arith.index_cast %add3A_58 : i32 to index
      %get3A_151 = arith.constant 256 : index
      %get3A_152 = tpu.vector_load %arg8[%get3A_150, %get3A_151] {strides = array<i32>} : memref<96x512xf32, #tpu.memory_space<vmem>>, vector<1x16xf32>,
      %get3A_153 = vector.shape_cast %get3A_152 : vector<1x16xf32> to vector<16xf32>
      %get3A_154 = arith.index_cast %add3A_58 : i32 to index
      %get3A_155 = arith.constant 272 : index
      %get3A_156 = tpu.vector_load %arg8[%get3A_154, %get3A_155] {strides = array<i32>} : memref<96x512xf32, #tpu.memory_space<vmem>>, vector<1x16xf32>,
      %get3A_157 = vector.shape_cast %get3A_156 : vector<1x16xf32> to vector<16xf32>
      %get3A_158 = arith.index_cast %add3A_58 : i32 to index
      %get3A_159 = arith.constant 288 : index
      %get3A_160 = tpu.vector_load %arg8[%get3A_158, %get3A_159] {strides = array<i32>} : memref<96x512xf32, #tpu.memory_space<vmem>>, vector<1x16xf32>,
      %get3A_161 = vector.shape_cast %get3A_160 : vector<1x16xf32> to vector<16xf32>
      %get3A_162 = arith.index_cast %add3A_58 : i32 to index
      %get3A_163 = arith.constant 304 : index
      %get3A_164 = tpu.vector_load %arg8[%get3A_162, %get3A_163] {strides = array<i32>} : memref<96x512xf32, #tpu.memory_space<vmem>>, vector<1x16xf32>,
      %get3A_165 = vector.shape_cast %get3A_164 : vector<1x16xf32> to vector<16xf32>
      %get3A_166 = arith.index_cast %add3A_58 : i32 to index
      %get3A_167 = arith.constant 320 : index
      %get3A_168 = tpu.vector_load %arg8[%get3A_166, %get3A_167] {strides = array<i32>} : memref<96x512xf32, #tpu.memory_space<vmem>>, vector<1x16xf32>,
      %get3A_169 = vector.shape_cast %get3A_168 : vector<1x16xf32> to vector<16xf32>
      %get3A_170 = arith.index_cast %add3A_58 : i32 to index
      %get3A_171 = arith.constant 336 : index
      %get3A_172 = tpu.vector_load %arg8[%get3A_170, %get3A_171] {strides = array<i32>} : memref<96x512xf32, #tpu.memory_space<vmem>>, vector<1x16xf32>,
      %get3A_173 = vector.shape_cast %get3A_172 : vector<1x16xf32> to vector<16xf32>
      %get3A_174 = arith.index_cast %add3A_58 : i32 to index
      %get3A_175 = arith.constant 352 : index
      %get3A_176 = tpu.vector_load %arg8[%get3A_174, %get3A_175] {strides = array<i32>} : memref<96x512xf32, #tpu.memory_space<vmem>>, vector<1x16xf32>,
      %get3A_177 = vector.shape_cast %get3A_176 : vector<1x16xf32> to vector<16xf32>
      %get3A_178 = arith.index_cast %add3A_58 : i32 to index
      %get3A_179 = arith.constant 368 : index
      %get3A_180 = tpu.vector_load %arg8[%get3A_178, %get3A_179] {strides = array<i32>} : memref<96x512xf32, #tpu.memory_space<vmem>>, vector<1x16xf32>,
      %get3A_181 = vector.shape_cast %get3A_180 : vector<1x16xf32> to vector<16xf32>
      %get3A_182 = arith.index_cast %add3A_58 : i32 to index
      %get3A_183 = arith.constant 384 : index
      %get3A_184 = tpu.vector_load %arg8[%get3A_182, %get3A_183] {strides = array<i32>} : memref<96x512xf32, #tpu.memory_space<vmem>>, vector<1x16xf32>,
      %get3A_185 = vector.shape_cast %get3A_184 : vector<1x16xf32> to vector<16xf32>
      %get3A_186 = arith.index_cast %add3A_58 : i32 to index
      %get3A_187 = arith.constant 400 : index
      %get3A_188 = tpu.vector_load %arg8[%get3A_186, %get3A_187] {strides = array<i32>} : memref<96x512xf32, #tpu.memory_space<vmem>>, vector<1x16xf32>,
      %get3A_189 = vector.shape_cast %get3A_188 : vector<1x16xf32> to vector<16xf32>
      %get3A_190 = arith.index_cast %add3A_58 : i32 to index
      %get3A_191 = arith.constant 416 : index
      %get3A_192 = tpu.vector_load %arg8[%get3A_190, %get3A_191] {strides = array<i32>} : memref<96x512xf32, #tpu.memory_space<vmem>>, vector<1x16xf32>,
      %get3A_193 = vector.shape_cast %get3A_192 : vector<1x16xf32> to vector<16xf32>
      %get3A_194 = arith.index_cast %add3A_58 : i32 to index
      %get3A_195 = arith.constant 432 : index
      %get3A_196 = tpu.vector_load %arg8[%get3A_194, %get3A_195] {strides = array<i32>} : memref<96x512xf32, #tpu.memory_space<vmem>>, vector<1x16xf32>,
      %get3A_197 = vector.shape_cast %get3A_196 : vector<1x16xf32> to vector<16xf32>
      %get3A_198 = arith.index_cast %add3A_58 : i32 to index
      %get3A_199 = arith.constant 448 : index
      %get3A_200 = tpu.vector_load %arg8[%get3A_198, %get3A_199] {strides = array<i32>} : memref<96x512xf32, #tpu.memory_space<vmem>>, vector<1x16xf32>,
      %get3A_201 = vector.shape_cast %get3A_200 : vector<1x16xf32> to vector<16xf32>
      %get3A_202 = arith.index_cast %add3A_58 : i32 to index
      %get3A_203 = arith.constant 464 : index
      %get3A_204 = tpu.vector_load %arg8[%get3A_202, %get3A_203] {strides = array<i32>} : memref<96x512xf32, #tpu.memory_space<vmem>>, vector<1x16xf32>,
      %get3A_205 = vector.shape_cast %get3A_204 : vector<1x16xf32> to vector<16xf32>
      %get3A_206 = arith.index_cast %add3A_58 : i32 to index
      %get3A_207 = arith.constant 480 : index
      %get3A_208 = tpu.vector_load %arg8[%get3A_206, %get3A_207] {strides = array<i32>} : memref<96x512xf32, #tpu.memory_space<vmem>>, vector<1x16xf32>,
      %get3A_209 = vector.shape_cast %get3A_208 : vector<1x16xf32> to vector<16xf32>
      %get3A_210 = arith.index_cast %add3A_58 : i32 to index
      %get3A_211 = arith.constant 496 : index
      %get3A_212 = tpu.vector_load %arg8[%get3A_210, %get3A_211] {strides = array<i32>} : memref<96x512xf32, #tpu.memory_space<vmem>>, vector<1x16xf32>,
      %get3A_213 = vector.shape_cast %get3A_212 : vector<1x16xf32> to vector<16xf32>
      %scan3A = arith.constant 0 : i32
      %scan3A_214 = arith.constant 0 : i32
      %scan3A_215 = arith.constant 128 : i32
      %scan3A_216 = arith.addi %scan3A_214, %scan3A_215 : i32
      %scan3A_217 = arith.constant 1 : i32
      scf.for %scan3A_475 = %scan3A_214 to %scan3A_216 step %scan3A_217  : i32 {
        %swap3A = arith.index_cast %scan3A_475 : i32 to index
        %swap3A_476 = arith.constant 0 : index
        %swap3A_477 = tpu.vector_load %arg9[%swap3A, %swap3A_476] {strides = array<i32>} : memref<128x512xf32, #tpu.memory_space<vmem>>, vector<1x16xf32>,
        %swap3A_478 = vector.shape_cast %swap3A_477 : vector<1x16xf32> to vector<16xf32>
        %swap3A_479 = vector.shape_cast %get3A_89 : vector<16xf32> to vector<1x16xf32>
        tpu.vector_store %arg9[%swap3A, %swap3A_476], %swap3A_479 {strides = array<i32>} : memref<128x512xf32, #tpu.memory_space<vmem>>, vector<1x16xf32>,
        %swap3A_480 = arith.index_cast %scan3A_475 : i32 to index
        %swap3A_481 = arith.constant 16 : index
        %swap3A_482 = tpu.vector_load %arg9[%swap3A_480, %swap3A_481] {strides = array<i32>} : memref<128x512xf32, #tpu.memory_space<vmem>>, vector<1x16xf32>,
        %swap3A_483 = vector.shape_cast %swap3A_482 : vector<1x16xf32> to vector<16xf32>
        %swap3A_484 = vector.shape_cast %get3A_93 : vector<16xf32> to vector<1x16xf32>
        tpu.vector_store %arg9[%swap3A_480, %swap3A_481], %swap3A_484 {strides = array<i32>} : memref<128x512xf32, #tpu.memory_space<vmem>>, vector<1x16xf32>,
        %swap3A_485 = arith.index_cast %scan3A_475 : i32 to index
        %swap3A_486 = arith.constant 32 : index
        %swap3A_487 = tpu.vector_load %arg9[%swap3A_485, %swap3A_486] {strides = array<i32>} : memref<128x512xf32, #tpu.memory_space<vmem>>, vector<1x16xf32>,
        %swap3A_488 = vector.shape_cast %swap3A_487 : vector<1x16xf32> to vector<16xf32>
        %swap3A_489 = vector.shape_cast %get3A_97 : vector<16xf32> to vector<1x16xf32>
        tpu.vector_store %arg9[%swap3A_485, %swap3A_486], %swap3A_489 {strides = array<i32>} : memref<128x512xf32, #tpu.memory_space<vmem>>, vector<1x16xf32>,
        %swap3A_490 = arith.index_cast %scan3A_475 : i32 to index
        %swap3A_491 = arith.constant 48 : index
        %swap3A_492 = tpu.vector_load %arg9[%swap3A_490, %swap3A_491] {strides = array<i32>} : memref<128x512xf32, #tpu.memory_space<vmem>>, vector<1x16xf32>,
        %swap3A_493 = vector.shape_cast %swap3A_492 : vector<1x16xf32> to vector<16xf32>
        %swap3A_494 = vector.shape_cast %get3A_101 : vector<16xf32> to vector<1x16xf32>
        tpu.vector_store %arg9[%swap3A_490, %swap3A_491], %swap3A_494 {strides = array<i32>} : memref<128x512xf32, #tpu.memory_space<vmem>>, vector<1x16xf32>,
        %swap3A_495 = arith.index_cast %scan3A_475 : i32 to index
        %swap3A_496 = arith.constant 64 : index
        %swap3A_497 = tpu.vector_load %arg9[%swap3A_495, %swap3A_496] {strides = array<i32>} : memref<128x512xf32, #tpu.memory_space<vmem>>, vector<1x16xf32>,
        %swap3A_498 = vector.shape_cast %swap3A_497 : vector<1x16xf32> to vector<16xf32>
        %swap3A_499 = vector.shape_cast %get3A_105 : vector<16xf32> to vector<1x16xf32>
        tpu.vector_store %arg9[%swap3A_495, %swap3A_496], %swap3A_499 {strides = array<i32>} : memref<128x512xf32, #tpu.memory_space<vmem>>, vector<1x16xf32>,
        %swap3A_500 = arith.index_cast %scan3A_475 : i32 to index
        %swap3A_501 = arith.constant 80 : index
        %swap3A_502 = tpu.vector_load %arg9[%swap3A_500, %swap3A_501] {strides = array<i32>} : memref<128x512xf32, #tpu.memory_space<vmem>>, vector<1x16xf32>,
        %swap3A_503 = vector.shape_cast %swap3A_502 : vector<1x16xf32> to vector<16xf32>
        %swap3A_504 = vector.shape_cast %get3A_109 : vector<16xf32> to vector<1x16xf32>
        tpu.vector_store %arg9[%swap3A_500, %swap3A_501], %swap3A_504 {strides = array<i32>} : memref<128x512xf32, #tpu.memory_space<vmem>>, vector<1x16xf32>,
        %swap3A_505 = arith.index_cast %scan3A_475 : i32 to index
        %swap3A_506 = arith.constant 96 : index
        %swap3A_507 = tpu.vector_load %arg9[%swap3A_505, %swap3A_506] {strides = array<i32>} : memref<128x512xf32, #tpu.memory_space<vmem>>, vector<1x16xf32>,
        %swap3A_508 = vector.shape_cast %swap3A_507 : vector<1x16xf32> to vector<16xf32>
        %swap3A_509 = vector.shape_cast %get3A_113 : vector<16xf32> to vector<1x16xf32>
        tpu.vector_store %arg9[%swap3A_505, %swap3A_506], %swap3A_509 {strides = array<i32>} : memref<128x512xf32, #tpu.memory_space<vmem>>, vector<1x16xf32>,
        %swap3A_510 = arith.index_cast %scan3A_475 : i32 to index
        %swap3A_511 = arith.constant 112 : index
        %swap3A_512 = tpu.vector_load %arg9[%swap3A_510, %swap3A_511] {strides = array<i32>} : memref<128x512xf32, #tpu.memory_space<vmem>>, vector<1x16xf32>,
        %swap3A_513 = vector.shape_cast %swap3A_512 : vector<1x16xf32> to vector<16xf32>
        %swap3A_514 = vector.shape_cast %get3A_117 : vector<16xf32> to vector<1x16xf32>
        tpu.vector_store %arg9[%swap3A_510, %swap3A_511], %swap3A_514 {strides = array<i32>} : memref<128x512xf32, #tpu.memory_space<vmem>>, vector<1x16xf32>,
        %swap3A_515 = arith.index_cast %scan3A_475 : i32 to index
        %swap3A_516 = arith.constant 128 : index
        %swap3A_517 = tpu.vector_load %arg9[%swap3A_515, %swap3A_516] {strides = array<i32>} : memref<128x512xf32, #tpu.memory_space<vmem>>, vector<1x16xf32>,
        %swap3A_518 = vector.shape_cast %swap3A_517 : vector<1x16xf32> to vector<16xf32>
        %swap3A_519 = vector.shape_cast %get3A_121 : vector<16xf32> to vector<1x16xf32>
        tpu.vector_store %arg9[%swap3A_515, %swap3A_516], %swap3A_519 {strides = array<i32>} : memref<128x512xf32, #tpu.memory_space<vmem>>, vector<1x16xf32>,
        %swap3A_520 = arith.index_cast %scan3A_475 : i32 to index
        %swap3A_521 = arith.constant 144 : index
        %swap3A_522 = tpu.vector_load %arg9[%swap3A_520, %swap3A_521] {strides = array<i32>} : memref<128x512xf32, #tpu.memory_space<vmem>>, vector<1x16xf32>,
        %swap3A_523 = vector.shape_cast %swap3A_522 : vector<1x16xf32> to vector<16xf32>
        %swap3A_524 = vector.shape_cast %get3A_125 : vector<16xf32> to vector<1x16xf32>
        tpu.vector_store %arg9[%swap3A_520, %swap3A_521], %swap3A_524 {strides = array<i32>} : memref<128x512xf32, #tpu.memory_space<vmem>>, vector<1x16xf32>,
        %swap3A_525 = arith.index_cast %scan3A_475 : i32 to index
        %swap3A_526 = arith.constant 160 : index
        %swap3A_527 = tpu.vector_load %arg9[%swap3A_525, %swap3A_526] {strides = array<i32>} : memref<128x512xf32, #tpu.memory_space<vmem>>, vector<1x16xf32>,
        %swap3A_528 = vector.shape_cast %swap3A_527 : vector<1x16xf32> to vector<16xf32>
        %swap3A_529 = vector.shape_cast %get3A_129 : vector<16xf32> to vector<1x16xf32>
        tpu.vector_store %arg9[%swap3A_525, %swap3A_526], %swap3A_529 {strides = array<i32>} : memref<128x512xf32, #tpu.memory_space<vmem>>, vector<1x16xf32>,
        %swap3A_530 = arith.index_cast %scan3A_475 : i32 to index
        %swap3A_531 = arith.constant 176 : index
        %swap3A_532 = tpu.vector_load %arg9[%swap3A_530, %swap3A_531] {strides = array<i32>} : memref<128x512xf32, #tpu.memory_space<vmem>>, vector<1x16xf32>,
        %swap3A_533 = vector.shape_cast %swap3A_532 : vector<1x16xf32> to vector<16xf32>
        %swap3A_534 = vector.shape_cast %get3A_133 : vector<16xf32> to vector<1x16xf32>
        tpu.vector_store %arg9[%swap3A_530, %swap3A_531], %swap3A_534 {strides = array<i32>} : memref<128x512xf32, #tpu.memory_space<vmem>>, vector<1x16xf32>,
        %swap3A_535 = arith.index_cast %scan3A_475 : i32 to index
        %swap3A_536 = arith.constant 192 : index
        %swap3A_537 = tpu.vector_load %arg9[%swap3A_535, %swap3A_536] {strides = array<i32>} : memref<128x512xf32, #tpu.memory_space<vmem>>, vector<1x16xf32>,
        %swap3A_538 = vector.shape_cast %swap3A_537 : vector<1x16xf32> to vector<16xf32>
        %swap3A_539 = vector.shape_cast %get3A_137 : vector<16xf32> to vector<1x16xf32>
        tpu.vector_store %arg9[%swap3A_535, %swap3A_536], %swap3A_539 {strides = array<i32>} : memref<128x512xf32, #tpu.memory_space<vmem>>, vector<1x16xf32>,
        %swap3A_540 = arith.index_cast %scan3A_475 : i32 to index
        %swap3A_541 = arith.constant 208 : index
        %swap3A_542 = tpu.vector_load %arg9[%swap3A_540, %swap3A_541] {strides = array<i32>} : memref<128x512xf32, #tpu.memory_space<vmem>>, vector<1x16xf32>,
        %swap3A_543 = vector.shape_cast %swap3A_542 : vector<1x16xf32> to vector<16xf32>
        %swap3A_544 = vector.shape_cast %get3A_141 : vector<16xf32> to vector<1x16xf32>
        tpu.vector_store %arg9[%swap3A_540, %swap3A_541], %swap3A_544 {strides = array<i32>} : memref<128x512xf32, #tpu.memory_space<vmem>>, vector<1x16xf32>,
        %swap3A_545 = arith.index_cast %scan3A_475 : i32 to index
        %swap3A_546 = arith.constant 224 : index
        %swap3A_547 = tpu.vector_load %arg9[%swap3A_545, %swap3A_546] {strides = array<i32>} : memref<128x512xf32, #tpu.memory_space<vmem>>, vector<1x16xf32>,
        %swap3A_548 = vector.shape_cast %swap3A_547 : vector<1x16xf32> to vector<16xf32>
        %swap3A_549 = vector.shape_cast %get3A_145 : vector<16xf32> to vector<1x16xf32>
        tpu.vector_store %arg9[%swap3A_545, %swap3A_546], %swap3A_549 {strides = array<i32>} : memref<128x512xf32, #tpu.memory_space<vmem>>, vector<1x16xf32>,
        %swap3A_550 = arith.index_cast %scan3A_475 : i32 to index
        %swap3A_551 = arith.constant 240 : index
        %swap3A_552 = tpu.vector_load %arg9[%swap3A_550, %swap3A_551] {strides = array<i32>} : memref<128x512xf32, #tpu.memory_space<vmem>>, vector<1x16xf32>,
        %swap3A_553 = vector.shape_cast %swap3A_552 : vector<1x16xf32> to vector<16xf32>
        %swap3A_554 = vector.shape_cast %get3A_149 : vector<16xf32> to vector<1x16xf32>
        tpu.vector_store %arg9[%swap3A_550, %swap3A_551], %swap3A_554 {strides = array<i32>} : memref<128x512xf32, #tpu.memory_space<vmem>>, vector<1x16xf32>,
        %swap3A_555 = arith.index_cast %scan3A_475 : i32 to index
        %swap3A_556 = arith.constant 256 : index
        %swap3A_557 = tpu.vector_load %arg9[%swap3A_555, %swap3A_556] {strides = array<i32>} : memref<128x512xf32, #tpu.memory_space<vmem>>, vector<1x16xf32>,
        %swap3A_558 = vector.shape_cast %swap3A_557 : vector<1x16xf32> to vector<16xf32>
        %swap3A_559 = vector.shape_cast %get3A_153 : vector<16xf32> to vector<1x16xf32>
        tpu.vector_store %arg9[%swap3A_555, %swap3A_556], %swap3A_559 {strides = array<i32>} : memref<128x512xf32, #tpu.memory_space<vmem>>, vector<1x16xf32>,
        %swap3A_560 = arith.index_cast %scan3A_475 : i32 to index
        %swap3A_561 = arith.constant 272 : index
        %swap3A_562 = tpu.vector_load %arg9[%swap3A_560, %swap3A_561] {strides = array<i32>} : memref<128x512xf32, #tpu.memory_space<vmem>>, vector<1x16xf32>,
        %swap3A_563 = vector.shape_cast %swap3A_562 : vector<1x16xf32> to vector<16xf32>
        %swap3A_564 = vector.shape_cast %get3A_157 : vector<16xf32> to vector<1x16xf32>
        tpu.vector_store %arg9[%swap3A_560, %swap3A_561], %swap3A_564 {strides = array<i32>} : memref<128x512xf32, #tpu.memory_space<vmem>>, vector<1x16xf32>,
        %swap3A_565 = arith.index_cast %scan3A_475 : i32 to index
        %swap3A_566 = arith.constant 288 : index
        %swap3A_567 = tpu.vector_load %arg9[%swap3A_565, %swap3A_566] {strides = array<i32>} : memref<128x512xf32, #tpu.memory_space<vmem>>, vector<1x16xf32>,
        %swap3A_568 = vector.shape_cast %swap3A_567 : vector<1x16xf32> to vector<16xf32>
        %swap3A_569 = vector.shape_cast %get3A_161 : vector<16xf32> to vector<1x16xf32>
        tpu.vector_store %arg9[%swap3A_565, %swap3A_566], %swap3A_569 {strides = array<i32>} : memref<128x512xf32, #tpu.memory_space<vmem>>, vector<1x16xf32>,
        %swap3A_570 = arith.index_cast %scan3A_475 : i32 to index
        %swap3A_571 = arith.constant 304 : index
        %swap3A_572 = tpu.vector_load %arg9[%swap3A_570, %swap3A_571] {strides = array<i32>} : memref<128x512xf32, #tpu.memory_space<vmem>>, vector<1x16xf32>,
        %swap3A_573 = vector.shape_cast %swap3A_572 : vector<1x16xf32> to vector<16xf32>
        %swap3A_574 = vector.shape_cast %get3A_165 : vector<16xf32> to vector<1x16xf32>
        tpu.vector_store %arg9[%swap3A_570, %swap3A_571], %swap3A_574 {strides = array<i32>} : memref<128x512xf32, #tpu.memory_space<vmem>>, vector<1x16xf32>,
        %swap3A_575 = arith.index_cast %scan3A_475 : i32 to index
        %swap3A_576 = arith.constant 320 : index
        %swap3A_577 = tpu.vector_load %arg9[%swap3A_575, %swap3A_576] {strides = array<i32>} : memref<128x512xf32, #tpu.memory_space<vmem>>, vector<1x16xf32>,
        %swap3A_578 = vector.shape_cast %swap3A_577 : vector<1x16xf32> to vector<16xf32>
        %swap3A_579 = vector.shape_cast %get3A_169 : vector<16xf32> to vector<1x16xf32>
        tpu.vector_store %arg9[%swap3A_575, %swap3A_576], %swap3A_579 {strides = array<i32>} : memref<128x512xf32, #tpu.memory_space<vmem>>, vector<1x16xf32>,
        %swap3A_580 = arith.index_cast %scan3A_475 : i32 to index
        %swap3A_581 = arith.constant 336 : index
        %swap3A_582 = tpu.vector_load %arg9[%swap3A_580, %swap3A_581] {strides = array<i32>} : memref<128x512xf32, #tpu.memory_space<vmem>>, vector<1x16xf32>,
        %swap3A_583 = vector.shape_cast %swap3A_582 : vector<1x16xf32> to vector<16xf32>
        %swap3A_584 = vector.shape_cast %get3A_173 : vector<16xf32> to vector<1x16xf32>
        tpu.vector_store %arg9[%swap3A_580, %swap3A_581], %swap3A_584 {strides = array<i32>} : memref<128x512xf32, #tpu.memory_space<vmem>>, vector<1x16xf32>,
        %swap3A_585 = arith.index_cast %scan3A_475 : i32 to index
        %swap3A_586 = arith.constant 352 : index
        %swap3A_587 = tpu.vector_load %arg9[%swap3A_585, %swap3A_586] {strides = array<i32>} : memref<128x512xf32, #tpu.memory_space<vmem>>, vector<1x16xf32>,
        %swap3A_588 = vector.shape_cast %swap3A_587 : vector<1x16xf32> to vector<16xf32>
        %swap3A_589 = vector.shape_cast %get3A_177 : vector<16xf32> to vector<1x16xf32>
        tpu.vector_store %arg9[%swap3A_585, %swap3A_586], %swap3A_589 {strides = array<i32>} : memref<128x512xf32, #tpu.memory_space<vmem>>, vector<1x16xf32>,
        %swap3A_590 = arith.index_cast %scan3A_475 : i32 to index
        %swap3A_591 = arith.constant 368 : index
        %swap3A_592 = tpu.vector_load %arg9[%swap3A_590, %swap3A_591] {strides = array<i32>} : memref<128x512xf32, #tpu.memory_space<vmem>>, vector<1x16xf32>,
        %swap3A_593 = vector.shape_cast %swap3A_592 : vector<1x16xf32> to vector<16xf32>
        %swap3A_594 = vector.shape_cast %get3A_181 : vector<16xf32> to vector<1x16xf32>
        tpu.vector_store %arg9[%swap3A_590, %swap3A_591], %swap3A_594 {strides = array<i32>} : memref<128x512xf32, #tpu.memory_space<vmem>>, vector<1x16xf32>,
        %swap3A_595 = arith.index_cast %scan3A_475 : i32 to index
        %swap3A_596 = arith.constant 384 : index
        %swap3A_597 = tpu.vector_load %arg9[%swap3A_595, %swap3A_596] {strides = array<i32>} : memref<128x512xf32, #tpu.memory_space<vmem>>, vector<1x16xf32>,
        %swap3A_598 = vector.shape_cast %swap3A_597 : vector<1x16xf32> to vector<16xf32>
        %swap3A_599 = vector.shape_cast %get3A_185 : vector<16xf32> to vector<1x16xf32>
        tpu.vector_store %arg9[%swap3A_595, %swap3A_596], %swap3A_599 {strides = array<i32>} : memref<128x512xf32, #tpu.memory_space<vmem>>, vector<1x16xf32>,
        %swap3A_600 = arith.index_cast %scan3A_475 : i32 to index
        %swap3A_601 = arith.constant 400 : index
        %swap3A_602 = tpu.vector_load %arg9[%swap3A_600, %swap3A_601] {strides = array<i32>} : memref<128x512xf32, #tpu.memory_space<vmem>>, vector<1x16xf32>,
        %swap3A_603 = vector.shape_cast %swap3A_602 : vector<1x16xf32> to vector<16xf32>
        %swap3A_604 = vector.shape_cast %get3A_189 : vector<16xf32> to vector<1x16xf32>
        tpu.vector_store %arg9[%swap3A_600, %swap3A_601], %swap3A_604 {strides = array<i32>} : memref<128x512xf32, #tpu.memory_space<vmem>>, vector<1x16xf32>,
        %swap3A_605 = arith.index_cast %scan3A_475 : i32 to index
        %swap3A_606 = arith.constant 416 : index
        %swap3A_607 = tpu.vector_load %arg9[%swap3A_605, %swap3A_606] {strides = array<i32>} : memref<128x512xf32, #tpu.memory_space<vmem>>, vector<1x16xf32>,
        %swap3A_608 = vector.shape_cast %swap3A_607 : vector<1x16xf32> to vector<16xf32>
        %swap3A_609 = vector.shape_cast %get3A_193 : vector<16xf32> to vector<1x16xf32>
        tpu.vector_store %arg9[%swap3A_605, %swap3A_606], %swap3A_609 {strides = array<i32>} : memref<128x512xf32, #tpu.memory_space<vmem>>, vector<1x16xf32>,
        %swap3A_610 = arith.index_cast %scan3A_475 : i32 to index
        %swap3A_611 = arith.constant 432 : index
        %swap3A_612 = tpu.vector_load %arg9[%swap3A_610, %swap3A_611] {strides = array<i32>} : memref<128x512xf32, #tpu.memory_space<vmem>>, vector<1x16xf32>,
        %swap3A_613 = vector.shape_cast %swap3A_612 : vector<1x16xf32> to vector<16xf32>
        %swap3A_614 = vector.shape_cast %get3A_197 : vector<16xf32> to vector<1x16xf32>
        tpu.vector_store %arg9[%swap3A_610, %swap3A_611], %swap3A_614 {strides = array<i32>} : memref<128x512xf32, #tpu.memory_space<vmem>>, vector<1x16xf32>,
        %swap3A_615 = arith.index_cast %scan3A_475 : i32 to index
        %swap3A_616 = arith.constant 448 : index
        %swap3A_617 = tpu.vector_load %arg9[%swap3A_615, %swap3A_616] {strides = array<i32>} : memref<128x512xf32, #tpu.memory_space<vmem>>, vector<1x16xf32>,
        %swap3A_618 = vector.shape_cast %swap3A_617 : vector<1x16xf32> to vector<16xf32>
        %swap3A_619 = vector.shape_cast %get3A_201 : vector<16xf32> to vector<1x16xf32>
        tpu.vector_store %arg9[%swap3A_615, %swap3A_616], %swap3A_619 {strides = array<i32>} : memref<128x512xf32, #tpu.memory_space<vmem>>, vector<1x16xf32>,
        %swap3A_620 = arith.index_cast %scan3A_475 : i32 to index
        %swap3A_621 = arith.constant 464 : index
        %swap3A_622 = tpu.vector_load %arg9[%swap3A_620, %swap3A_621] {strides = array<i32>} : memref<128x512xf32, #tpu.memory_space<vmem>>, vector<1x16xf32>,
        %swap3A_623 = vector.shape_cast %swap3A_622 : vector<1x16xf32> to vector<16xf32>
        %swap3A_624 = vector.shape_cast %get3A_205 : vector<16xf32> to vector<1x16xf32>
        tpu.vector_store %arg9[%swap3A_620, %swap3A_621], %swap3A_624 {strides = array<i32>} : memref<128x512xf32, #tpu.memory_space<vmem>>, vector<1x16xf32>,
        %swap3A_625 = arith.index_cast %scan3A_475 : i32 to index
        %swap3A_626 = arith.constant 480 : index
        %swap3A_627 = tpu.vector_load %arg9[%swap3A_625, %swap3A_626] {strides = array<i32>} : memref<128x512xf32, #tpu.memory_space<vmem>>, vector<1x16xf32>,
        %swap3A_628 = vector.shape_cast %swap3A_627 : vector<1x16xf32> to vector<16xf32>
        %swap3A_629 = vector.shape_cast %get3A_209 : vector<16xf32> to vector<1x16xf32>
        tpu.vector_store %arg9[%swap3A_625, %swap3A_626], %swap3A_629 {strides = array<i32>} : memref<128x512xf32, #tpu.memory_space<vmem>>, vector<1x16xf32>,
        %swap3A_630 = arith.index_cast %scan3A_475 : i32 to index
        %swap3A_631 = arith.constant 496 : index
        %swap3A_632 = tpu.vector_load %arg9[%swap3A_630, %swap3A_631] {strides = array<i32>} : memref<128x512xf32, #tpu.memory_space<vmem>>, vector<1x16xf32>,
        %swap3A_633 = vector.shape_cast %swap3A_632 : vector<1x16xf32> to vector<16xf32>
        %swap3A_634 = vector.shape_cast %get3A_213 : vector<16xf32> to vector<1x16xf32>
        tpu.vector_store %arg9[%swap3A_630, %swap3A_631], %swap3A_634 {strides = array<i32>} : memref<128x512xf32, #tpu.memory_space<vmem>>, vector<1x16xf32>,
      }
      %scan3A_218 = arith.constant 128 : i32
      %dma_start3A_219 = arith.constant 0 : i32
      %dma_start3A_220 = arith.constant 0 : i32
      %dma_start3A_221 = tpu.memref_slice %arg5[%add3A_58, %dma_start3A_219, %dma_start3A_220] : memref<77x4096x512xf32, #tpu.memory_space<hbm>> -> memref<1x128x512xf32, #tpu.memory_space<hbm>>
      %dma_start3A_222 = tpu.memref_squeeze %dma_start3A_221 : memref<1x128x512xf32, #tpu.memory_space<hbm>> -> memref<128x512xf32, #tpu.memory_space<hbm>>
      %dma_start3A_223 = arith.constant 0 : i32
      %dma_start3A_224 = arith.constant 0 : i32
      %dma_start3A_225 = tpu.memref_slice %arg5[%add3A_58, %dma_start3A_223, %dma_start3A_224] : memref<77x4096x512xf32, #tpu.memory_space<hbm>> -> memref<1x128x512xf32, #tpu.memory_space<hbm>>
      %dma_start3A_226 = tpu.memref_squeeze %dma_start3A_225 : memref<1x128x512xf32, #tpu.memory_space<hbm>> -> memref<128x512xf32, #tpu.memory_space<hbm>>
      tpu.enqueue_dma source(%arg9 : memref<128x512xf32, #tpu.memory_space<vmem>>) target(%dma_start3A_226 : memref<128x512xf32, #tpu.memory_space<hbm>>) target_semaphore(%arg15 : memref<!tpu.dma_semaphore, #tpu.memory_space<semaphore_mem>>)
      %dma_start3A_227 = arith.constant 128 : i32
      %dma_start3A_228 = arith.constant 0 : i32
      %dma_start3A_229 = tpu.memref_slice %arg5[%add3A_58, %dma_start3A_227, %dma_start3A_228] : memref<77x4096x512xf32, #tpu.memory_space<hbm>> -> memref<1x128x512xf32, #tpu.memory_space<hbm>>
      %dma_start3A_230 = tpu.memref_squeeze %dma_start3A_229 : memref<1x128x512xf32, #tpu.memory_space<hbm>> -> memref<128x512xf32, #tpu.memory_space<hbm>>
      %dma_start3A_231 = arith.constant 128 : i32
      %dma_start3A_232 = arith.constant 0 : i32
      %dma_start3A_233 = tpu.memref_slice %arg5[%add3A_58, %dma_start3A_231, %dma_start3A_232] : memref<77x4096x512xf32, #tpu.memory_space<hbm>> -> memref<1x128x512xf32, #tpu.memory_space<hbm>>
      %dma_start3A_234 = tpu.memref_squeeze %dma_start3A_233 : memref<1x128x512xf32, #tpu.memory_space<hbm>> -> memref<128x512xf32, #tpu.memory_space<hbm>>
      tpu.enqueue_dma source(%arg9 : memref<128x512xf32, #tpu.memory_space<vmem>>) target(%dma_start3A_234 : memref<128x512xf32, #tpu.memory_space<hbm>>) target_semaphore(%arg15 : memref<!tpu.dma_semaphore, #tpu.memory_space<semaphore_mem>>)
      %dma_start3A_235 = arith.constant 256 : i32
      %dma_start3A_236 = arith.constant 0 : i32
      %dma_start3A_237 = tpu.memref_slice %arg5[%add3A_58, %dma_start3A_235, %dma_start3A_236] : memref<77x4096x512xf32, #tpu.memory_space<hbm>> -> memref<1x128x512xf32, #tpu.memory_space<hbm>>
      %dma_start3A_238 = tpu.memref_squeeze %dma_start3A_237 : memref<1x128x512xf32, #tpu.memory_space<hbm>> -> memref<128x512xf32, #tpu.memory_space<hbm>>
      %dma_start3A_239 = arith.constant 256 : i32
      %dma_start3A_240 = arith.constant 0 : i32
      %dma_start3A_241 = tpu.memref_slice %arg5[%add3A_58, %dma_start3A_239, %dma_start3A_240] : memref<77x4096x512xf32, #tpu.memory_space<hbm>> -> memref<1x128x512xf32, #tpu.memory_space<hbm>>
      %dma_start3A_242 = tpu.memref_squeeze %dma_start3A_241 : memref<1x128x512xf32, #tpu.memory_space<hbm>> -> memref<128x512xf32, #tpu.memory_space<hbm>>
      tpu.enqueue_dma source(%arg9 : memref<128x512xf32, #tpu.memory_space<vmem>>) target(%dma_start3A_242 : memref<128x512xf32, #tpu.memory_space<hbm>>) target_semaphore(%arg15 : memref<!tpu.dma_semaphore, #tpu.memory_space<semaphore_mem>>)
      %dma_start3A_243 = arith.constant 384 : i32
      %dma_start3A_244 = arith.constant 0 : i32
      %dma_start3A_245 = tpu.memref_slice %arg5[%add3A_58, %dma_start3A_243, %dma_start3A_244] : memref<77x4096x512xf32, #tpu.memory_space<hbm>> -> memref<1x128x512xf32, #tpu.memory_space<hbm>>
      %dma_start3A_246 = tpu.memref_squeeze %dma_start3A_245 : memref<1x128x512xf32, #tpu.memory_space<hbm>> -> memref<128x512xf32, #tpu.memory_space<hbm>>
      %dma_start3A_247 = arith.constant 384 : i32
      %dma_start3A_248 = arith.constant 0 : i32
      %dma_start3A_249 = tpu.memref_slice %arg5[%add3A_58, %dma_start3A_247, %dma_start3A_248] : memref<77x4096x512xf32, #tpu.memory_space<hbm>> -> memref<1x128x512xf32, #tpu.memory_space<hbm>>
      %dma_start3A_250 = tpu.memref_squeeze %dma_start3A_249 : memref<1x128x512xf32, #tpu.memory_space<hbm>> -> memref<128x512xf32, #tpu.memory_space<hbm>>
      tpu.enqueue_dma source(%arg9 : memref<128x512xf32, #tpu.memory_space<vmem>>) target(%dma_start3A_250 : memref<128x512xf32, #tpu.memory_space<hbm>>) target_semaphore(%arg15 : memref<!tpu.dma_semaphore, #tpu.memory_space<semaphore_mem>>)
      %dma_start3A_251 = arith.constant 512 : i32
      %dma_start3A_252 = arith.constant 0 : i32
      %dma_start3A_253 = tpu.memref_slice %arg5[%add3A_58, %dma_start3A_251, %dma_start3A_252] : memref<77x4096x512xf32, #tpu.memory_space<hbm>> -> memref<1x128x512xf32, #tpu.memory_space<hbm>>
      %dma_start3A_254 = tpu.memref_squeeze %dma_start3A_253 : memref<1x128x512xf32, #tpu.memory_space<hbm>> -> memref<128x512xf32, #tpu.memory_space<hbm>>
      %dma_start3A_255 = arith.constant 512 : i32
      %dma_start3A_256 = arith.constant 0 : i32
      %dma_start3A_257 = tpu.memref_slice %arg5[%add3A_58, %dma_start3A_255, %dma_start3A_256] : memref<77x4096x512xf32, #tpu.memory_space<hbm>> -> memref<1x128x512xf32, #tpu.memory_space<hbm>>
      %dma_start3A_258 = tpu.memref_squeeze %dma_start3A_257 : memref<1x128x512xf32, #tpu.memory_space<hbm>> -> memref<128x512xf32, #tpu.memory_space<hbm>>
      tpu.enqueue_dma source(%arg9 : memref<128x512xf32, #tpu.memory_space<vmem>>) target(%dma_start3A_258 : memref<128x512xf32, #tpu.memory_space<hbm>>) target_semaphore(%arg15 : memref<!tpu.dma_semaphore, #tpu.memory_space<semaphore_mem>>)
      %dma_start3A_259 = arith.constant 640 : i32
      %dma_start3A_260 = arith.constant 0 : i32
      %dma_start3A_261 = tpu.memref_slice %arg5[%add3A_58, %dma_start3A_259, %dma_start3A_260] : memref<77x4096x512xf32, #tpu.memory_space<hbm>> -> memref<1x128x512xf32, #tpu.memory_space<hbm>>
      %dma_start3A_262 = tpu.memref_squeeze %dma_start3A_261 : memref<1x128x512xf32, #tpu.memory_space<hbm>> -> memref<128x512xf32, #tpu.memory_space<hbm>>
      %dma_start3A_263 = arith.constant 640 : i32
      %dma_start3A_264 = arith.constant 0 : i32
      %dma_start3A_265 = tpu.memref_slice %arg5[%add3A_58, %dma_start3A_263, %dma_start3A_264] : memref<77x4096x512xf32, #tpu.memory_space<hbm>> -> memref<1x128x512xf32, #tpu.memory_space<hbm>>
      %dma_start3A_266 = tpu.memref_squeeze %dma_start3A_265 : memref<1x128x512xf32, #tpu.memory_space<hbm>> -> memref<128x512xf32, #tpu.memory_space<hbm>>
      tpu.enqueue_dma source(%arg9 : memref<128x512xf32, #tpu.memory_space<vmem>>) target(%dma_start3A_266 : memref<128x512xf32, #tpu.memory_space<hbm>>) target_semaphore(%arg15 : memref<!tpu.dma_semaphore, #tpu.memory_space<semaphore_mem>>)
      %dma_start3A_267 = arith.constant 768 : i32
      %dma_start3A_268 = arith.constant 0 : i32
      %dma_start3A_269 = tpu.memref_slice %arg5[%add3A_58, %dma_start3A_267, %dma_start3A_268] : memref<77x4096x512xf32, #tpu.memory_space<hbm>> -> memref<1x128x512xf32, #tpu.memory_space<hbm>>
      %dma_start3A_270 = tpu.memref_squeeze %dma_start3A_269 : memref<1x128x512xf32, #tpu.memory_space<hbm>> -> memref<128x512xf32, #tpu.memory_space<hbm>>
      %dma_start3A_271 = arith.constant 768 : i32
      %dma_start3A_272 = arith.constant 0 : i32
      %dma_start3A_273 = tpu.memref_slice %arg5[%add3A_58, %dma_start3A_271, %dma_start3A_272] : memref<77x4096x512xf32, #tpu.memory_space<hbm>> -> memref<1x128x512xf32, #tpu.memory_space<hbm>>
      %dma_start3A_274 = tpu.memref_squeeze %dma_start3A_273 : memref<1x128x512xf32, #tpu.memory_space<hbm>> -> memref<128x512xf32, #tpu.memory_space<hbm>>
      tpu.enqueue_dma source(%arg9 : memref<128x512xf32, #tpu.memory_space<vmem>>) target(%dma_start3A_274 : memref<128x512xf32, #tpu.memory_space<hbm>>) target_semaphore(%arg15 : memref<!tpu.dma_semaphore, #tpu.memory_space<semaphore_mem>>)
      %dma_start3A_275 = arith.constant 896 : i32
      %dma_start3A_276 = arith.constant 0 : i32
      %dma_start3A_277 = tpu.memref_slice %arg5[%add3A_58, %dma_start3A_275, %dma_start3A_276] : memref<77x4096x512xf32, #tpu.memory_space<hbm>> -> memref<1x128x512xf32, #tpu.memory_space<hbm>>
      %dma_start3A_278 = tpu.memref_squeeze %dma_start3A_277 : memref<1x128x512xf32, #tpu.memory_space<hbm>> -> memref<128x512xf32, #tpu.memory_space<hbm>>
      %dma_start3A_279 = arith.constant 896 : i32
      %dma_start3A_280 = arith.constant 0 : i32
      %dma_start3A_281 = tpu.memref_slice %arg5[%add3A_58, %dma_start3A_279, %dma_start3A_280] : memref<77x4096x512xf32, #tpu.memory_space<hbm>> -> memref<1x128x512xf32, #tpu.memory_space<hbm>>
      %dma_start3A_282 = tpu.memref_squeeze %dma_start3A_281 : memref<1x128x512xf32, #tpu.memory_space<hbm>> -> memref<128x512xf32, #tpu.memory_space<hbm>>
      tpu.enqueue_dma source(%arg9 : memref<128x512xf32, #tpu.memory_space<vmem>>) target(%dma_start3A_282 : memref<128x512xf32, #tpu.memory_space<hbm>>) target_semaphore(%arg15 : memref<!tpu.dma_semaphore, #tpu.memory_space<semaphore_mem>>)
      %dma_start3A_283 = arith.constant 1024 : i32
      %dma_start3A_284 = arith.constant 0 : i32
      %dma_start3A_285 = tpu.memref_slice %arg5[%add3A_58, %dma_start3A_283, %dma_start3A_284] : memref<77x4096x512xf32, #tpu.memory_space<hbm>> -> memref<1x128x512xf32, #tpu.memory_space<hbm>>
      %dma_start3A_286 = tpu.memref_squeeze %dma_start3A_285 : memref<1x128x512xf32, #tpu.memory_space<hbm>> -> memref<128x512xf32, #tpu.memory_space<hbm>>
      %dma_start3A_287 = arith.constant 1024 : i32
      %dma_start3A_288 = arith.constant 0 : i32
      %dma_start3A_289 = tpu.memref_slice %arg5[%add3A_58, %dma_start3A_287, %dma_start3A_288] : memref<77x4096x512xf32, #tpu.memory_space<hbm>> -> memref<1x128x512xf32, #tpu.memory_space<hbm>>
      %dma_start3A_290 = tpu.memref_squeeze %dma_start3A_289 : memref<1x128x512xf32, #tpu.memory_space<hbm>> -> memref<128x512xf32, #tpu.memory_space<hbm>>
      tpu.enqueue_dma source(%arg9 : memref<128x512xf32, #tpu.memory_space<vmem>>) target(%dma_start3A_290 : memref<128x512xf32, #tpu.memory_space<hbm>>) target_semaphore(%arg15 : memref<!tpu.dma_semaphore, #tpu.memory_space<semaphore_mem>>)
      %dma_start3A_291 = arith.constant 1152 : i32
      %dma_start3A_292 = arith.constant 0 : i32
      %dma_start3A_293 = tpu.memref_slice %arg5[%add3A_58, %dma_start3A_291, %dma_start3A_292] : memref<77x4096x512xf32, #tpu.memory_space<hbm>> -> memref<1x128x512xf32, #tpu.memory_space<hbm>>
      %dma_start3A_294 = tpu.memref_squeeze %dma_start3A_293 : memref<1x128x512xf32, #tpu.memory_space<hbm>> -> memref<128x512xf32, #tpu.memory_space<hbm>>
      %dma_start3A_295 = arith.constant 1152 : i32
      %dma_start3A_296 = arith.constant 0 : i32
      %dma_start3A_297 = tpu.memref_slice %arg5[%add3A_58, %dma_start3A_295, %dma_start3A_296] : memref<77x4096x512xf32, #tpu.memory_space<hbm>> -> memref<1x128x512xf32, #tpu.memory_space<hbm>>
      %dma_start3A_298 = tpu.memref_squeeze %dma_start3A_297 : memref<1x128x512xf32, #tpu.memory_space<hbm>> -> memref<128x512xf32, #tpu.memory_space<hbm>>
      tpu.enqueue_dma source(%arg9 : memref<128x512xf32, #tpu.memory_space<vmem>>) target(%dma_start3A_298 : memref<128x512xf32, #tpu.memory_space<hbm>>) target_semaphore(%arg15 : memref<!tpu.dma_semaphore, #tpu.memory_space<semaphore_mem>>)
      %dma_start3A_299 = arith.constant 1280 : i32
      %dma_start3A_300 = arith.constant 0 : i32
      %dma_start3A_301 = tpu.memref_slice %arg5[%add3A_58, %dma_start3A_299, %dma_start3A_300] : memref<77x4096x512xf32, #tpu.memory_space<hbm>> -> memref<1x128x512xf32, #tpu.memory_space<hbm>>
      %dma_start3A_302 = tpu.memref_squeeze %dma_start3A_301 : memref<1x128x512xf32, #tpu.memory_space<hbm>> -> memref<128x512xf32, #tpu.memory_space<hbm>>
      %dma_start3A_303 = arith.constant 1280 : i32
      %dma_start3A_304 = arith.constant 0 : i32
      %dma_start3A_305 = tpu.memref_slice %arg5[%add3A_58, %dma_start3A_303, %dma_start3A_304] : memref<77x4096x512xf32, #tpu.memory_space<hbm>> -> memref<1x128x512xf32, #tpu.memory_space<hbm>>
      %dma_start3A_306 = tpu.memref_squeeze %dma_start3A_305 : memref<1x128x512xf32, #tpu.memory_space<hbm>> -> memref<128x512xf32, #tpu.memory_space<hbm>>
      tpu.enqueue_dma source(%arg9 : memref<128x512xf32, #tpu.memory_space<vmem>>) target(%dma_start3A_306 : memref<128x512xf32, #tpu.memory_space<hbm>>) target_semaphore(%arg15 : memref<!tpu.dma_semaphore, #tpu.memory_space<semaphore_mem>>)
      %dma_start3A_307 = arith.constant 1408 : i32
      %dma_start3A_308 = arith.constant 0 : i32
      %dma_start3A_309 = tpu.memref_slice %arg5[%add3A_58, %dma_start3A_307, %dma_start3A_308] : memref<77x4096x512xf32, #tpu.memory_space<hbm>> -> memref<1x128x512xf32, #tpu.memory_space<hbm>>
      %dma_start3A_310 = tpu.memref_squeeze %dma_start3A_309 : memref<1x128x512xf32, #tpu.memory_space<hbm>> -> memref<128x512xf32, #tpu.memory_space<hbm>>
      %dma_start3A_311 = arith.constant 1408 : i32
      %dma_start3A_312 = arith.constant 0 : i32
      %dma_start3A_313 = tpu.memref_slice %arg5[%add3A_58, %dma_start3A_311, %dma_start3A_312] : memref<77x4096x512xf32, #tpu.memory_space<hbm>> -> memref<1x128x512xf32, #tpu.memory_space<hbm>>
      %dma_start3A_314 = tpu.memref_squeeze %dma_start3A_313 : memref<1x128x512xf32, #tpu.memory_space<hbm>> -> memref<128x512xf32, #tpu.memory_space<hbm>>
      tpu.enqueue_dma source(%arg9 : memref<128x512xf32, #tpu.memory_space<vmem>>) target(%dma_start3A_314 : memref<128x512xf32, #tpu.memory_space<hbm>>) target_semaphore(%arg15 : memref<!tpu.dma_semaphore, #tpu.memory_space<semaphore_mem>>)
      %dma_start3A_315 = arith.constant 1536 : i32
      %dma_start3A_316 = arith.constant 0 : i32
      %dma_start3A_317 = tpu.memref_slice %arg5[%add3A_58, %dma_start3A_315, %dma_start3A_316] : memref<77x4096x512xf32, #tpu.memory_space<hbm>> -> memref<1x128x512xf32, #tpu.memory_space<hbm>>
      %dma_start3A_318 = tpu.memref_squeeze %dma_start3A_317 : memref<1x128x512xf32, #tpu.memory_space<hbm>> -> memref<128x512xf32, #tpu.memory_space<hbm>>
      %dma_start3A_319 = arith.constant 1536 : i32
      %dma_start3A_320 = arith.constant 0 : i32
      %dma_start3A_321 = tpu.memref_slice %arg5[%add3A_58, %dma_start3A_319, %dma_start3A_320] : memref<77x4096x512xf32, #tpu.memory_space<hbm>> -> memref<1x128x512xf32, #tpu.memory_space<hbm>>
      %dma_start3A_322 = tpu.memref_squeeze %dma_start3A_321 : memref<1x128x512xf32, #tpu.memory_space<hbm>> -> memref<128x512xf32, #tpu.memory_space<hbm>>
      tpu.enqueue_dma source(%arg9 : memref<128x512xf32, #tpu.memory_space<vmem>>) target(%dma_start3A_322 : memref<128x512xf32, #tpu.memory_space<hbm>>) target_semaphore(%arg15 : memref<!tpu.dma_semaphore, #tpu.memory_space<semaphore_mem>>)
      %dma_start3A_323 = arith.constant 1664 : i32
      %dma_start3A_324 = arith.constant 0 : i32
      %dma_start3A_325 = tpu.memref_slice %arg5[%add3A_58, %dma_start3A_323, %dma_start3A_324] : memref<77x4096x512xf32, #tpu.memory_space<hbm>> -> memref<1x128x512xf32, #tpu.memory_space<hbm>>
      %dma_start3A_326 = tpu.memref_squeeze %dma_start3A_325 : memref<1x128x512xf32, #tpu.memory_space<hbm>> -> memref<128x512xf32, #tpu.memory_space<hbm>>
      %dma_start3A_327 = arith.constant 1664 : i32
      %dma_start3A_328 = arith.constant 0 : i32
      %dma_start3A_329 = tpu.memref_slice %arg5[%add3A_58, %dma_start3A_327, %dma_start3A_328] : memref<77x4096x512xf32, #tpu.memory_space<hbm>> -> memref<1x128x512xf32, #tpu.memory_space<hbm>>
      %dma_start3A_330 = tpu.memref_squeeze %dma_start3A_329 : memref<1x128x512xf32, #tpu.memory_space<hbm>> -> memref<128x512xf32, #tpu.memory_space<hbm>>
      tpu.enqueue_dma source(%arg9 : memref<128x512xf32, #tpu.memory_space<vmem>>) target(%dma_start3A_330 : memref<128x512xf32, #tpu.memory_space<hbm>>) target_semaphore(%arg15 : memref<!tpu.dma_semaphore, #tpu.memory_space<semaphore_mem>>)
      %dma_start3A_331 = arith.constant 1792 : i32
      %dma_start3A_332 = arith.constant 0 : i32
      %dma_start3A_333 = tpu.memref_slice %arg5[%add3A_58, %dma_start3A_331, %dma_start3A_332] : memref<77x4096x512xf32, #tpu.memory_space<hbm>> -> memref<1x128x512xf32, #tpu.memory_space<hbm>>
      %dma_start3A_334 = tpu.memref_squeeze %dma_start3A_333 : memref<1x128x512xf32, #tpu.memory_space<hbm>> -> memref<128x512xf32, #tpu.memory_space<hbm>>
      %dma_start3A_335 = arith.constant 1792 : i32
      %dma_start3A_336 = arith.constant 0 : i32
      %dma_start3A_337 = tpu.memref_slice %arg5[%add3A_58, %dma_start3A_335, %dma_start3A_336] : memref<77x4096x512xf32, #tpu.memory_space<hbm>> -> memref<1x128x512xf32, #tpu.memory_space<hbm>>
      %dma_start3A_338 = tpu.memref_squeeze %dma_start3A_337 : memref<1x128x512xf32, #tpu.memory_space<hbm>> -> memref<128x512xf32, #tpu.memory_space<hbm>>
      tpu.enqueue_dma source(%arg9 : memref<128x512xf32, #tpu.memory_space<vmem>>) target(%dma_start3A_338 : memref<128x512xf32, #tpu.memory_space<hbm>>) target_semaphore(%arg15 : memref<!tpu.dma_semaphore, #tpu.memory_space<semaphore_mem>>)
      %dma_start3A_339 = arith.constant 1920 : i32
      %dma_start3A_340 = arith.constant 0 : i32
      %dma_start3A_341 = tpu.memref_slice %arg5[%add3A_58, %dma_start3A_339, %dma_start3A_340] : memref<77x4096x512xf32, #tpu.memory_space<hbm>> -> memref<1x128x512xf32, #tpu.memory_space<hbm>>
      %dma_start3A_342 = tpu.memref_squeeze %dma_start3A_341 : memref<1x128x512xf32, #tpu.memory_space<hbm>> -> memref<128x512xf32, #tpu.memory_space<hbm>>
      %dma_start3A_343 = arith.constant 1920 : i32
      %dma_start3A_344 = arith.constant 0 : i32
      %dma_start3A_345 = tpu.memref_slice %arg5[%add3A_58, %dma_start3A_343, %dma_start3A_344] : memref<77x4096x512xf32, #tpu.memory_space<hbm>> -> memref<1x128x512xf32, #tpu.memory_space<hbm>>
      %dma_start3A_346 = tpu.memref_squeeze %dma_start3A_345 : memref<1x128x512xf32, #tpu.memory_space<hbm>> -> memref<128x512xf32, #tpu.memory_space<hbm>>
      tpu.enqueue_dma source(%arg9 : memref<128x512xf32, #tpu.memory_space<vmem>>) target(%dma_start3A_346 : memref<128x512xf32, #tpu.memory_space<hbm>>) target_semaphore(%arg15 : memref<!tpu.dma_semaphore, #tpu.memory_space<semaphore_mem>>)
      %dma_start3A_347 = arith.constant 2048 : i32
      %dma_start3A_348 = arith.constant 0 : i32
      %dma_start3A_349 = tpu.memref_slice %arg5[%add3A_58, %dma_start3A_347, %dma_start3A_348] : memref<77x4096x512xf32, #tpu.memory_space<hbm>> -> memref<1x128x512xf32, #tpu.memory_space<hbm>>
      %dma_start3A_350 = tpu.memref_squeeze %dma_start3A_349 : memref<1x128x512xf32, #tpu.memory_space<hbm>> -> memref<128x512xf32, #tpu.memory_space<hbm>>
      %dma_start3A_351 = arith.constant 2048 : i32
      %dma_start3A_352 = arith.constant 0 : i32
      %dma_start3A_353 = tpu.memref_slice %arg5[%add3A_58, %dma_start3A_351, %dma_start3A_352] : memref<77x4096x512xf32, #tpu.memory_space<hbm>> -> memref<1x128x512xf32, #tpu.memory_space<hbm>>
      %dma_start3A_354 = tpu.memref_squeeze %dma_start3A_353 : memref<1x128x512xf32, #tpu.memory_space<hbm>> -> memref<128x512xf32, #tpu.memory_space<hbm>>
      tpu.enqueue_dma source(%arg9 : memref<128x512xf32, #tpu.memory_space<vmem>>) target(%dma_start3A_354 : memref<128x512xf32, #tpu.memory_space<hbm>>) target_semaphore(%arg15 : memref<!tpu.dma_semaphore, #tpu.memory_space<semaphore_mem>>)
      %dma_start3A_355 = arith.constant 2176 : i32
      %dma_start3A_356 = arith.constant 0 : i32
      %dma_start3A_357 = tpu.memref_slice %arg5[%add3A_58, %dma_start3A_355, %dma_start3A_356] : memref<77x4096x512xf32, #tpu.memory_space<hbm>> -> memref<1x128x512xf32, #tpu.memory_space<hbm>>
      %dma_start3A_358 = tpu.memref_squeeze %dma_start3A_357 : memref<1x128x512xf32, #tpu.memory_space<hbm>> -> memref<128x512xf32, #tpu.memory_space<hbm>>
      %dma_start3A_359 = arith.constant 2176 : i32
      %dma_start3A_360 = arith.constant 0 : i32
      %dma_start3A_361 = tpu.memref_slice %arg5[%add3A_58, %dma_start3A_359, %dma_start3A_360] : memref<77x4096x512xf32, #tpu.memory_space<hbm>> -> memref<1x128x512xf32, #tpu.memory_space<hbm>>
      %dma_start3A_362 = tpu.memref_squeeze %dma_start3A_361 : memref<1x128x512xf32, #tpu.memory_space<hbm>> -> memref<128x512xf32, #tpu.memory_space<hbm>>
      tpu.enqueue_dma source(%arg9 : memref<128x512xf32, #tpu.memory_space<vmem>>) target(%dma_start3A_362 : memref<128x512xf32, #tpu.memory_space<hbm>>) target_semaphore(%arg15 : memref<!tpu.dma_semaphore, #tpu.memory_space<semaphore_mem>>)
      %dma_start3A_363 = arith.constant 2304 : i32
      %dma_start3A_364 = arith.constant 0 : i32
      %dma_start3A_365 = tpu.memref_slice %arg5[%add3A_58, %dma_start3A_363, %dma_start3A_364] : memref<77x4096x512xf32, #tpu.memory_space<hbm>> -> memref<1x128x512xf32, #tpu.memory_space<hbm>>
      %dma_start3A_366 = tpu.memref_squeeze %dma_start3A_365 : memref<1x128x512xf32, #tpu.memory_space<hbm>> -> memref<128x512xf32, #tpu.memory_space<hbm>>
      %dma_start3A_367 = arith.constant 2304 : i32
      %dma_start3A_368 = arith.constant 0 : i32
      %dma_start3A_369 = tpu.memref_slice %arg5[%add3A_58, %dma_start3A_367, %dma_start3A_368] : memref<77x4096x512xf32, #tpu.memory_space<hbm>> -> memref<1x128x512xf32, #tpu.memory_space<hbm>>
      %dma_start3A_370 = tpu.memref_squeeze %dma_start3A_369 : memref<1x128x512xf32, #tpu.memory_space<hbm>> -> memref<128x512xf32, #tpu.memory_space<hbm>>
      tpu.enqueue_dma source(%arg9 : memref<128x512xf32, #tpu.memory_space<vmem>>) target(%dma_start3A_370 : memref<128x512xf32, #tpu.memory_space<hbm>>) target_semaphore(%arg15 : memref<!tpu.dma_semaphore, #tpu.memory_space<semaphore_mem>>)
      %dma_start3A_371 = arith.constant 2432 : i32
      %dma_start3A_372 = arith.constant 0 : i32
      %dma_start3A_373 = tpu.memref_slice %arg5[%add3A_58, %dma_start3A_371, %dma_start3A_372] : memref<77x4096x512xf32, #tpu.memory_space<hbm>> -> memref<1x128x512xf32, #tpu.memory_space<hbm>>
      %dma_start3A_374 = tpu.memref_squeeze %dma_start3A_373 : memref<1x128x512xf32, #tpu.memory_space<hbm>> -> memref<128x512xf32, #tpu.memory_space<hbm>>
      %dma_start3A_375 = arith.constant 2432 : i32
      %dma_start3A_376 = arith.constant 0 : i32
      %dma_start3A_377 = tpu.memref_slice %arg5[%add3A_58, %dma_start3A_375, %dma_start3A_376] : memref<77x4096x512xf32, #tpu.memory_space<hbm>> -> memref<1x128x512xf32, #tpu.memory_space<hbm>>
      %dma_start3A_378 = tpu.memref_squeeze %dma_start3A_377 : memref<1x128x512xf32, #tpu.memory_space<hbm>> -> memref<128x512xf32, #tpu.memory_space<hbm>>
      tpu.enqueue_dma source(%arg9 : memref<128x512xf32, #tpu.memory_space<vmem>>) target(%dma_start3A_378 : memref<128x512xf32, #tpu.memory_space<hbm>>) target_semaphore(%arg15 : memref<!tpu.dma_semaphore, #tpu.memory_space<semaphore_mem>>)
      %dma_start3A_379 = arith.constant 2560 : i32
      %dma_start3A_380 = arith.constant 0 : i32
      %dma_start3A_381 = tpu.memref_slice %arg5[%add3A_58, %dma_start3A_379, %dma_start3A_380] : memref<77x4096x512xf32, #tpu.memory_space<hbm>> -> memref<1x128x512xf32, #tpu.memory_space<hbm>>
      %dma_start3A_382 = tpu.memref_squeeze %dma_start3A_381 : memref<1x128x512xf32, #tpu.memory_space<hbm>> -> memref<128x512xf32, #tpu.memory_space<hbm>>
      %dma_start3A_383 = arith.constant 2560 : i32
      %dma_start3A_384 = arith.constant 0 : i32
      %dma_start3A_385 = tpu.memref_slice %arg5[%add3A_58, %dma_start3A_383, %dma_start3A_384] : memref<77x4096x512xf32, #tpu.memory_space<hbm>> -> memref<1x128x512xf32, #tpu.memory_space<hbm>>
      %dma_start3A_386 = tpu.memref_squeeze %dma_start3A_385 : memref<1x128x512xf32, #tpu.memory_space<hbm>> -> memref<128x512xf32, #tpu.memory_space<hbm>>
      tpu.enqueue_dma source(%arg9 : memref<128x512xf32, #tpu.memory_space<vmem>>) target(%dma_start3A_386 : memref<128x512xf32, #tpu.memory_space<hbm>>) target_semaphore(%arg15 : memref<!tpu.dma_semaphore, #tpu.memory_space<semaphore_mem>>)
      %dma_start3A_387 = arith.constant 2688 : i32
      %dma_start3A_388 = arith.constant 0 : i32
      %dma_start3A_389 = tpu.memref_slice %arg5[%add3A_58, %dma_start3A_387, %dma_start3A_388] : memref<77x4096x512xf32, #tpu.memory_space<hbm>> -> memref<1x128x512xf32, #tpu.memory_space<hbm>>
      %dma_start3A_390 = tpu.memref_squeeze %dma_start3A_389 : memref<1x128x512xf32, #tpu.memory_space<hbm>> -> memref<128x512xf32, #tpu.memory_space<hbm>>
      %dma_start3A_391 = arith.constant 2688 : i32
      %dma_start3A_392 = arith.constant 0 : i32
      %dma_start3A_393 = tpu.memref_slice %arg5[%add3A_58, %dma_start3A_391, %dma_start3A_392] : memref<77x4096x512xf32, #tpu.memory_space<hbm>> -> memref<1x128x512xf32, #tpu.memory_space<hbm>>
      %dma_start3A_394 = tpu.memref_squeeze %dma_start3A_393 : memref<1x128x512xf32, #tpu.memory_space<hbm>> -> memref<128x512xf32, #tpu.memory_space<hbm>>
      tpu.enqueue_dma source(%arg9 : memref<128x512xf32, #tpu.memory_space<vmem>>) target(%dma_start3A_394 : memref<128x512xf32, #tpu.memory_space<hbm>>) target_semaphore(%arg15 : memref<!tpu.dma_semaphore, #tpu.memory_space<semaphore_mem>>)
      %dma_start3A_395 = arith.constant 2816 : i32
      %dma_start3A_396 = arith.constant 0 : i32
      %dma_start3A_397 = tpu.memref_slice %arg5[%add3A_58, %dma_start3A_395, %dma_start3A_396] : memref<77x4096x512xf32, #tpu.memory_space<hbm>> -> memref<1x128x512xf32, #tpu.memory_space<hbm>>
      %dma_start3A_398 = tpu.memref_squeeze %dma_start3A_397 : memref<1x128x512xf32, #tpu.memory_space<hbm>> -> memref<128x512xf32, #tpu.memory_space<hbm>>
      %dma_start3A_399 = arith.constant 2816 : i32
      %dma_start3A_400 = arith.constant 0 : i32
      %dma_start3A_401 = tpu.memref_slice %arg5[%add3A_58, %dma_start3A_399, %dma_start3A_400] : memref<77x4096x512xf32, #tpu.memory_space<hbm>> -> memref<1x128x512xf32, #tpu.memory_space<hbm>>
      %dma_start3A_402 = tpu.memref_squeeze %dma_start3A_401 : memref<1x128x512xf32, #tpu.memory_space<hbm>> -> memref<128x512xf32, #tpu.memory_space<hbm>>
      tpu.enqueue_dma source(%arg9 : memref<128x512xf32, #tpu.memory_space<vmem>>) target(%dma_start3A_402 : memref<128x512xf32, #tpu.memory_space<hbm>>) target_semaphore(%arg15 : memref<!tpu.dma_semaphore, #tpu.memory_space<semaphore_mem>>)
      %dma_start3A_403 = arith.constant 2944 : i32
      %dma_start3A_404 = arith.constant 0 : i32
      %dma_start3A_405 = tpu.memref_slice %arg5[%add3A_58, %dma_start3A_403, %dma_start3A_404] : memref<77x4096x512xf32, #tpu.memory_space<hbm>> -> memref<1x128x512xf32, #tpu.memory_space<hbm>>
      %dma_start3A_406 = tpu.memref_squeeze %dma_start3A_405 : memref<1x128x512xf32, #tpu.memory_space<hbm>> -> memref<128x512xf32, #tpu.memory_space<hbm>>
      %dma_start3A_407 = arith.constant 2944 : i32
      %dma_start3A_408 = arith.constant 0 : i32
      %dma_start3A_409 = tpu.memref_slice %arg5[%add3A_58, %dma_start3A_407, %dma_start3A_408] : memref<77x4096x512xf32, #tpu.memory_space<hbm>> -> memref<1x128x512xf32, #tpu.memory_space<hbm>>
      %dma_start3A_410 = tpu.memref_squeeze %dma_start3A_409 : memref<1x128x512xf32, #tpu.memory_space<hbm>> -> memref<128x512xf32, #tpu.memory_space<hbm>>
      tpu.enqueue_dma source(%arg9 : memref<128x512xf32, #tpu.memory_space<vmem>>) target(%dma_start3A_410 : memref<128x512xf32, #tpu.memory_space<hbm>>) target_semaphore(%arg15 : memref<!tpu.dma_semaphore, #tpu.memory_space<semaphore_mem>>)
      %dma_start3A_411 = arith.constant 3072 : i32
      %dma_start3A_412 = arith.constant 0 : i32
      %dma_start3A_413 = tpu.memref_slice %arg5[%add3A_58, %dma_start3A_411, %dma_start3A_412] : memref<77x4096x512xf32, #tpu.memory_space<hbm>> -> memref<1x128x512xf32, #tpu.memory_space<hbm>>
      %dma_start3A_414 = tpu.memref_squeeze %dma_start3A_413 : memref<1x128x512xf32, #tpu.memory_space<hbm>> -> memref<128x512xf32, #tpu.memory_space<hbm>>
      %dma_start3A_415 = arith.constant 3072 : i32
      %dma_start3A_416 = arith.constant 0 : i32
      %dma_start3A_417 = tpu.memref_slice %arg5[%add3A_58, %dma_start3A_415, %dma_start3A_416] : memref<77x4096x512xf32, #tpu.memory_space<hbm>> -> memref<1x128x512xf32, #tpu.memory_space<hbm>>
      %dma_start3A_418 = tpu.memref_squeeze %dma_start3A_417 : memref<1x128x512xf32, #tpu.memory_space<hbm>> -> memref<128x512xf32, #tpu.memory_space<hbm>>
      tpu.enqueue_dma source(%arg9 : memref<128x512xf32, #tpu.memory_space<vmem>>) target(%dma_start3A_418 : memref<128x512xf32, #tpu.memory_space<hbm>>) target_semaphore(%arg15 : memref<!tpu.dma_semaphore, #tpu.memory_space<semaphore_mem>>)
      %dma_start3A_419 = arith.constant 3200 : i32
      %dma_start3A_420 = arith.constant 0 : i32
      %dma_start3A_421 = tpu.memref_slice %arg5[%add3A_58, %dma_start3A_419, %dma_start3A_420] : memref<77x4096x512xf32, #tpu.memory_space<hbm>> -> memref<1x128x512xf32, #tpu.memory_space<hbm>>
      %dma_start3A_422 = tpu.memref_squeeze %dma_start3A_421 : memref<1x128x512xf32, #tpu.memory_space<hbm>> -> memref<128x512xf32, #tpu.memory_space<hbm>>
      %dma_start3A_423 = arith.constant 3200 : i32
      %dma_start3A_424 = arith.constant 0 : i32
      %dma_start3A_425 = tpu.memref_slice %arg5[%add3A_58, %dma_start3A_423, %dma_start3A_424] : memref<77x4096x512xf32, #tpu.memory_space<hbm>> -> memref<1x128x512xf32, #tpu.memory_space<hbm>>
      %dma_start3A_426 = tpu.memref_squeeze %dma_start3A_425 : memref<1x128x512xf32, #tpu.memory_space<hbm>> -> memref<128x512xf32, #tpu.memory_space<hbm>>
      tpu.enqueue_dma source(%arg9 : memref<128x512xf32, #tpu.memory_space<vmem>>) target(%dma_start3A_426 : memref<128x512xf32, #tpu.memory_space<hbm>>) target_semaphore(%arg15 : memref<!tpu.dma_semaphore, #tpu.memory_space<semaphore_mem>>)
      %dma_start3A_427 = arith.constant 3328 : i32
      %dma_start3A_428 = arith.constant 0 : i32
      %dma_start3A_429 = tpu.memref_slice %arg5[%add3A_58, %dma_start3A_427, %dma_start3A_428] : memref<77x4096x512xf32, #tpu.memory_space<hbm>> -> memref<1x128x512xf32, #tpu.memory_space<hbm>>
      %dma_start3A_430 = tpu.memref_squeeze %dma_start3A_429 : memref<1x128x512xf32, #tpu.memory_space<hbm>> -> memref<128x512xf32, #tpu.memory_space<hbm>>
      %dma_start3A_431 = arith.constant 3328 : i32
      %dma_start3A_432 = arith.constant 0 : i32
      %dma_start3A_433 = tpu.memref_slice %arg5[%add3A_58, %dma_start3A_431, %dma_start3A_432] : memref<77x4096x512xf32, #tpu.memory_space<hbm>> -> memref<1x128x512xf32, #tpu.memory_space<hbm>>
      %dma_start3A_434 = tpu.memref_squeeze %dma_start3A_433 : memref<1x128x512xf32, #tpu.memory_space<hbm>> -> memref<128x512xf32, #tpu.memory_space<hbm>>
      tpu.enqueue_dma source(%arg9 : memref<128x512xf32, #tpu.memory_space<vmem>>) target(%dma_start3A_434 : memref<128x512xf32, #tpu.memory_space<hbm>>) target_semaphore(%arg15 : memref<!tpu.dma_semaphore, #tpu.memory_space<semaphore_mem>>)
      %dma_start3A_435 = arith.constant 3456 : i32
      %dma_start3A_436 = arith.constant 0 : i32
      %dma_start3A_437 = tpu.memref_slice %arg5[%add3A_58, %dma_start3A_435, %dma_start3A_436] : memref<77x4096x512xf32, #tpu.memory_space<hbm>> -> memref<1x128x512xf32, #tpu.memory_space<hbm>>
      %dma_start3A_438 = tpu.memref_squeeze %dma_start3A_437 : memref<1x128x512xf32, #tpu.memory_space<hbm>> -> memref<128x512xf32, #tpu.memory_space<hbm>>
      %dma_start3A_439 = arith.constant 3456 : i32
      %dma_start3A_440 = arith.constant 0 : i32
      %dma_start3A_441 = tpu.memref_slice %arg5[%add3A_58, %dma_start3A_439, %dma_start3A_440] : memref<77x4096x512xf32, #tpu.memory_space<hbm>> -> memref<1x128x512xf32, #tpu.memory_space<hbm>>
      %dma_start3A_442 = tpu.memref_squeeze %dma_start3A_441 : memref<1x128x512xf32, #tpu.memory_space<hbm>> -> memref<128x512xf32, #tpu.memory_space<hbm>>
      tpu.enqueue_dma source(%arg9 : memref<128x512xf32, #tpu.memory_space<vmem>>) target(%dma_start3A_442 : memref<128x512xf32, #tpu.memory_space<hbm>>) target_semaphore(%arg15 : memref<!tpu.dma_semaphore, #tpu.memory_space<semaphore_mem>>)
      %dma_start3A_443 = arith.constant 3584 : i32
      %dma_start3A_444 = arith.constant 0 : i32
      %dma_start3A_445 = tpu.memref_slice %arg5[%add3A_58, %dma_start3A_443, %dma_start3A_444] : memref<77x4096x512xf32, #tpu.memory_space<hbm>> -> memref<1x128x512xf32, #tpu.memory_space<hbm>>
      %dma_start3A_446 = tpu.memref_squeeze %dma_start3A_445 : memref<1x128x512xf32, #tpu.memory_space<hbm>> -> memref<128x512xf32, #tpu.memory_space<hbm>>
      %dma_start3A_447 = arith.constant 3584 : i32
      %dma_start3A_448 = arith.constant 0 : i32
      %dma_start3A_449 = tpu.memref_slice %arg5[%add3A_58, %dma_start3A_447, %dma_start3A_448] : memref<77x4096x512xf32, #tpu.memory_space<hbm>> -> memref<1x128x512xf32, #tpu.memory_space<hbm>>
      %dma_start3A_450 = tpu.memref_squeeze %dma_start3A_449 : memref<1x128x512xf32, #tpu.memory_space<hbm>> -> memref<128x512xf32, #tpu.memory_space<hbm>>
      tpu.enqueue_dma source(%arg9 : memref<128x512xf32, #tpu.memory_space<vmem>>) target(%dma_start3A_450 : memref<128x512xf32, #tpu.memory_space<hbm>>) target_semaphore(%arg15 : memref<!tpu.dma_semaphore, #tpu.memory_space<semaphore_mem>>)
      %dma_start3A_451 = arith.constant 3712 : i32
      %dma_start3A_452 = arith.constant 0 : i32
      %dma_start3A_453 = tpu.memref_slice %arg5[%add3A_58, %dma_start3A_451, %dma_start3A_452] : memref<77x4096x512xf32, #tpu.memory_space<hbm>> -> memref<1x128x512xf32, #tpu.memory_space<hbm>>
      %dma_start3A_454 = tpu.memref_squeeze %dma_start3A_453 : memref<1x128x512xf32, #tpu.memory_space<hbm>> -> memref<128x512xf32, #tpu.memory_space<hbm>>
      %dma_start3A_455 = arith.constant 3712 : i32
      %dma_start3A_456 = arith.constant 0 : i32
      %dma_start3A_457 = tpu.memref_slice %arg5[%add3A_58, %dma_start3A_455, %dma_start3A_456] : memref<77x4096x512xf32, #tpu.memory_space<hbm>> -> memref<1x128x512xf32, #tpu.memory_space<hbm>>
      %dma_start3A_458 = tpu.memref_squeeze %dma_start3A_457 : memref<1x128x512xf32, #tpu.memory_space<hbm>> -> memref<128x512xf32, #tpu.memory_space<hbm>>
      tpu.enqueue_dma source(%arg9 : memref<128x512xf32, #tpu.memory_space<vmem>>) target(%dma_start3A_458 : memref<128x512xf32, #tpu.memory_space<hbm>>) target_semaphore(%arg15 : memref<!tpu.dma_semaphore, #tpu.memory_space<semaphore_mem>>)
      %dma_start3A_459 = arith.constant 3840 : i32
      %dma_start3A_460 = arith.constant 0 : i32
      %dma_start3A_461 = tpu.memref_slice %arg5[%add3A_58, %dma_start3A_459, %dma_start3A_460] : memref<77x4096x512xf32, #tpu.memory_space<hbm>> -> memref<1x128x512xf32, #tpu.memory_space<hbm>>
      %dma_start3A_462 = tpu.memref_squeeze %dma_start3A_461 : memref<1x128x512xf32, #tpu.memory_space<hbm>> -> memref<128x512xf32, #tpu.memory_space<hbm>>
      %dma_start3A_463 = arith.constant 3840 : i32
      %dma_start3A_464 = arith.constant 0 : i32
      %dma_start3A_465 = tpu.memref_slice %arg5[%add3A_58, %dma_start3A_463, %dma_start3A_464] : memref<77x4096x512xf32, #tpu.memory_space<hbm>> -> memref<1x128x512xf32, #tpu.memory_space<hbm>>
      %dma_start3A_466 = tpu.memref_squeeze %dma_start3A_465 : memref<1x128x512xf32, #tpu.memory_space<hbm>> -> memref<128x512xf32, #tpu.memory_space<hbm>>
      tpu.enqueue_dma source(%arg9 : memref<128x512xf32, #tpu.memory_space<vmem>>) target(%dma_start3A_466 : memref<128x512xf32, #tpu.memory_space<hbm>>) target_semaphore(%arg15 : memref<!tpu.dma_semaphore, #tpu.memory_space<semaphore_mem>>)
      %dma_start3A_467 = arith.constant 3968 : i32
      %dma_start3A_468 = arith.constant 0 : i32
      %dma_start3A_469 = tpu.memref_slice %arg5[%add3A_58, %dma_start3A_467, %dma_start3A_468] : memref<77x4096x512xf32, #tpu.memory_space<hbm>> -> memref<1x128x512xf32, #tpu.memory_space<hbm>>
      %dma_start3A_470 = tpu.memref_squeeze %dma_start3A_469 : memref<1x128x512xf32, #tpu.memory_space<hbm>> -> memref<128x512xf32, #tpu.memory_space<hbm>>
      %dma_start3A_471 = arith.constant 3968 : i32
      %dma_start3A_472 = arith.constant 0 : i32
      %dma_start3A_473 = tpu.memref_slice %arg5[%add3A_58, %dma_start3A_471, %dma_start3A_472] : memref<77x4096x512xf32, #tpu.memory_space<hbm>> -> memref<1x128x512xf32, #tpu.memory_space<hbm>>
      %dma_start3A_474 = tpu.memref_squeeze %dma_start3A_473 : memref<1x128x512xf32, #tpu.memory_space<hbm>> -> memref<128x512xf32, #tpu.memory_space<hbm>>
      tpu.enqueue_dma source(%arg9 : memref<128x512xf32, #tpu.memory_space<vmem>>) target(%dma_start3A_474 : memref<128x512xf32, #tpu.memory_space<hbm>>) target_semaphore(%arg15 : memref<!tpu.dma_semaphore, #tpu.memory_space<semaphore_mem>>)
    } else {
    }
    %lt3A_70 = arith.constant 77 : i32
    %lt3A_71 = arith.cmpi slt, %add3A_58, %lt3A_70 : i32
    %convert_element_type3A_72 = arith.extui %lt3A_71 : i1 to i32
    %cond3A_73 = arith.constant 0 : i32
    %cond3A_74 = arith.cmpi ne, %convert_element_type3A_72, %cond3A_73 : i32
    scf.if %cond3A_74 {
      %get3A = arith.index_cast %add3A_58 : i32 to index
      %get3A_87 = tpu.vector_load %arg7[%get3A] {strides = array<i32>} : memref<96xi32, #tpu.memory_space<vmem>>, vector<16xi32>,
      %get3A_88 = vector.shape_cast %get3A_87 : vector<16xi32> to vector<16xi32>
      %slice3A = vector.extract_strided_slice %get3A_88 {offsets = [0], sizes = [1], strides = [1]} : vector<16xi32> to vector<1xi32>
      %squeeze3A = vector.extract %slice3A[0] : i32 from vector<1xi32>
      %broadcast_in_dim3A = vector.broadcast %squeeze3A : i32 to vector<16xi32>
      %scan3A = arith.constant 0 : i32
      %scan3A_89 = arith.constant 0 : i32
      %scan3A_90 = arith.constant 256 : i32
      %scan3A_91 = arith.addi %scan3A_89, %scan3A_90 : i32
      %scan3A_92 = arith.constant 1 : i32
      scf.for %scan3A_100 = %scan3A_89 to %scan3A_91 step %scan3A_92  : i32 {
        %mul3A_101 = arith.constant 16 : i32
        %mul3A_102 = arith.muli %mul3A_101, %scan3A_100 : i32
        %swap3A = arith.index_cast %mul3A_102 : i32 to index
        %swap3A_103 = tpu.vector_load %arg12[%swap3A] {strides = array<i32>} : memref<4096xi32, #tpu.memory_space<vmem>>, vector<16xi32>,
        %swap3A_104 = vector.shape_cast %swap3A_103 : vector<16xi32> to vector<16xi32>
        %swap3A_105 = vector.shape_cast %broadcast_in_dim3A : vector<16xi32> to vector<16xi32>
        tpu.vector_store %arg12[%swap3A], %swap3A_105 {strides = array<i32>} : memref<4096xi32, #tpu.memory_space<vmem>>, vector<16xi32>,
      }
      %scan3A_93 = arith.constant 256 : i32
      %dma_start3A_94 = arith.constant 0 : i32
      %dma_start3A_95 = tpu.memref_slice %arg6[%add3A_58, %dma_start3A_94] : memref<77x4096xi32, #tpu.memory_space<hbm>> -> memref<1x4096xi32, #tpu.memory_space<hbm>>
      %dma_start3A_96 = tpu.memref_squeeze %dma_start3A_95 : memref<1x4096xi32, #tpu.memory_space<hbm>> -> memref<4096xi32, #tpu.memory_space<hbm>>
      %dma_start3A_97 = arith.constant 0 : i32
      %dma_start3A_98 = tpu.memref_slice %arg6[%add3A_58, %dma_start3A_97] : memref<77x4096xi32, #tpu.memory_space<hbm>> -> memref<1x4096xi32, #tpu.memory_space<hbm>>
      %dma_start3A_99 = tpu.memref_squeeze %dma_start3A_98 : memref<1x4096xi32, #tpu.memory_space<hbm>> -> memref<4096xi32, #tpu.memory_space<hbm>>
      tpu.enqueue_dma source(%arg12 : memref<4096xi32, #tpu.memory_space<vmem>>) target(%dma_start3A_99 : memref<4096xi32, #tpu.memory_space<hbm>>) target_semaphore(%arg16 : memref<!tpu.dma_semaphore, #tpu.memory_space<semaphore_mem>>)
    } else {
    }
    %convert_element_type3A_75 = arith.extui %and3A_63 : i1 to i32
    %cond3A_76 = arith.constant 0 : i32
    %cond3A_77 = arith.cmpi ne, %convert_element_type3A_75, %cond3A_76 : i32
    scf.if %cond3A_77 {
      %dma_wait3A_87 = arith.constant 0 : i32
      %dma_wait3A_88 = arith.constant 0 : i32
      %dma_wait3A_89 = tpu.memref_slice %arg5[%add3A_58, %dma_wait3A_87, %dma_wait3A_88] : memref<77x4096x512xf32, #tpu.memory_space<hbm>> -> memref<1x128x512xf32, #tpu.memory_space<hbm>>
      %dma_wait3A_90 = tpu.memref_squeeze %dma_wait3A_89 : memref<1x128x512xf32, #tpu.memory_space<hbm>> -> memref<128x512xf32, #tpu.memory_space<hbm>>
      %dma_wait3A_91 = arith.constant 0 : i32
      %dma_wait3A_92 = arith.constant 0 : i32
      %dma_wait3A_93 = tpu.memref_slice %arg5[%add3A_58, %dma_wait3A_91, %dma_wait3A_92] : memref<77x4096x512xf32, #tpu.memory_space<hbm>> -> memref<1x128x512xf32, #tpu.memory_space<hbm>>
      %dma_wait3A_94 = tpu.memref_squeeze %dma_wait3A_93 : memref<1x128x512xf32, #tpu.memory_space<hbm>> -> memref<128x512xf32, #tpu.memory_space<hbm>>
      tpu.wait_dma2 semaphore(%arg15 : memref<!tpu.dma_semaphore, #tpu.memory_space<semaphore_mem>>) src(%arg9 : memref<128x512xf32, #tpu.memory_space<vmem>>) dst(%dma_wait3A_94 : memref<128x512xf32, #tpu.memory_space<hbm>>)
      %dma_wait3A_95 = arith.constant 128 : i32
      %dma_wait3A_96 = arith.constant 0 : i32
      %dma_wait3A_97 = tpu.memref_slice %arg5[%add3A_58, %dma_wait3A_95, %dma_wait3A_96] : memref<77x4096x512xf32, #tpu.memory_space<hbm>> -> memref<1x128x512xf32, #tpu.memory_space<hbm>>
      %dma_wait3A_98 = tpu.memref_squeeze %dma_wait3A_97 : memref<1x128x512xf32, #tpu.memory_space<hbm>> -> memref<128x512xf32, #tpu.memory_space<hbm>>
      %dma_wait3A_99 = arith.constant 128 : i32
      %dma_wait3A_100 = arith.constant 0 : i32
      %dma_wait3A_101 = tpu.memref_slice %arg5[%add3A_58, %dma_wait3A_99, %dma_wait3A_100] : memref<77x4096x512xf32, #tpu.memory_space<hbm>> -> memref<1x128x512xf32, #tpu.memory_space<hbm>>
      %dma_wait3A_102 = tpu.memref_squeeze %dma_wait3A_101 : memref<1x128x512xf32, #tpu.memory_space<hbm>> -> memref<128x512xf32, #tpu.memory_space<hbm>>
      tpu.wait_dma2 semaphore(%arg15 : memref<!tpu.dma_semaphore, #tpu.memory_space<semaphore_mem>>) src(%arg9 : memref<128x512xf32, #tpu.memory_space<vmem>>) dst(%dma_wait3A_102 : memref<128x512xf32, #tpu.memory_space<hbm>>)
      %dma_wait3A_103 = arith.constant 256 : i32
      %dma_wait3A_104 = arith.constant 0 : i32
      %dma_wait3A_105 = tpu.memref_slice %arg5[%add3A_58, %dma_wait3A_103, %dma_wait3A_104] : memref<77x4096x512xf32, #tpu.memory_space<hbm>> -> memref<1x128x512xf32, #tpu.memory_space<hbm>>
      %dma_wait3A_106 = tpu.memref_squeeze %dma_wait3A_105 : memref<1x128x512xf32, #tpu.memory_space<hbm>> -> memref<128x512xf32, #tpu.memory_space<hbm>>
      %dma_wait3A_107 = arith.constant 256 : i32
      %dma_wait3A_108 = arith.constant 0 : i32
      %dma_wait3A_109 = tpu.memref_slice %arg5[%add3A_58, %dma_wait3A_107, %dma_wait3A_108] : memref<77x4096x512xf32, #tpu.memory_space<hbm>> -> memref<1x128x512xf32, #tpu.memory_space<hbm>>
      %dma_wait3A_110 = tpu.memref_squeeze %dma_wait3A_109 : memref<1x128x512xf32, #tpu.memory_space<hbm>> -> memref<128x512xf32, #tpu.memory_space<hbm>>
      tpu.wait_dma2 semaphore(%arg15 : memref<!tpu.dma_semaphore, #tpu.memory_space<semaphore_mem>>) src(%arg9 : memref<128x512xf32, #tpu.memory_space<vmem>>) dst(%dma_wait3A_110 : memref<128x512xf32, #tpu.memory_space<hbm>>)
      %dma_wait3A_111 = arith.constant 384 : i32
      %dma_wait3A_112 = arith.constant 0 : i32
      %dma_wait3A_113 = tpu.memref_slice %arg5[%add3A_58, %dma_wait3A_111, %dma_wait3A_112] : memref<77x4096x512xf32, #tpu.memory_space<hbm>> -> memref<1x128x512xf32, #tpu.memory_space<hbm>>
      %dma_wait3A_114 = tpu.memref_squeeze %dma_wait3A_113 : memref<1x128x512xf32, #tpu.memory_space<hbm>> -> memref<128x512xf32, #tpu.memory_space<hbm>>
      %dma_wait3A_115 = arith.constant 384 : i32
      %dma_wait3A_116 = arith.constant 0 : i32
      %dma_wait3A_117 = tpu.memref_slice %arg5[%add3A_58, %dma_wait3A_115, %dma_wait3A_116] : memref<77x4096x512xf32, #tpu.memory_space<hbm>> -> memref<1x128x512xf32, #tpu.memory_space<hbm>>
      %dma_wait3A_118 = tpu.memref_squeeze %dma_wait3A_117 : memref<1x128x512xf32, #tpu.memory_space<hbm>> -> memref<128x512xf32, #tpu.memory_space<hbm>>
      tpu.wait_dma2 semaphore(%arg15 : memref<!tpu.dma_semaphore, #tpu.memory_space<semaphore_mem>>) src(%arg9 : memref<128x512xf32, #tpu.memory_space<vmem>>) dst(%dma_wait3A_118 : memref<128x512xf32, #tpu.memory_space<hbm>>)
      %dma_wait3A_119 = arith.constant 512 : i32
      %dma_wait3A_120 = arith.constant 0 : i32
      %dma_wait3A_121 = tpu.memref_slice %arg5[%add3A_58, %dma_wait3A_119, %dma_wait3A_120] : memref<77x4096x512xf32, #tpu.memory_space<hbm>> -> memref<1x128x512xf32, #tpu.memory_space<hbm>>
      %dma_wait3A_122 = tpu.memref_squeeze %dma_wait3A_121 : memref<1x128x512xf32, #tpu.memory_space<hbm>> -> memref<128x512xf32, #tpu.memory_space<hbm>>
      %dma_wait3A_123 = arith.constant 512 : i32
      %dma_wait3A_124 = arith.constant 0 : i32
      %dma_wait3A_125 = tpu.memref_slice %arg5[%add3A_58, %dma_wait3A_123, %dma_wait3A_124] : memref<77x4096x512xf32, #tpu.memory_space<hbm>> -> memref<1x128x512xf32, #tpu.memory_space<hbm>>
      %dma_wait3A_126 = tpu.memref_squeeze %dma_wait3A_125 : memref<1x128x512xf32, #tpu.memory_space<hbm>> -> memref<128x512xf32, #tpu.memory_space<hbm>>
      tpu.wait_dma2 semaphore(%arg15 : memref<!tpu.dma_semaphore, #tpu.memory_space<semaphore_mem>>) src(%arg9 : memref<128x512xf32, #tpu.memory_space<vmem>>) dst(%dma_wait3A_126 : memref<128x512xf32, #tpu.memory_space<hbm>>)
      %dma_wait3A_127 = arith.constant 640 : i32
      %dma_wait3A_128 = arith.constant 0 : i32
      %dma_wait3A_129 = tpu.memref_slice %arg5[%add3A_58, %dma_wait3A_127, %dma_wait3A_128] : memref<77x4096x512xf32, #tpu.memory_space<hbm>> -> memref<1x128x512xf32, #tpu.memory_space<hbm>>
      %dma_wait3A_130 = tpu.memref_squeeze %dma_wait3A_129 : memref<1x128x512xf32, #tpu.memory_space<hbm>> -> memref<128x512xf32, #tpu.memory_space<hbm>>
      %dma_wait3A_131 = arith.constant 640 : i32
      %dma_wait3A_132 = arith.constant 0 : i32
      %dma_wait3A_133 = tpu.memref_slice %arg5[%add3A_58, %dma_wait3A_131, %dma_wait3A_132] : memref<77x4096x512xf32, #tpu.memory_space<hbm>> -> memref<1x128x512xf32, #tpu.memory_space<hbm>>
      %dma_wait3A_134 = tpu.memref_squeeze %dma_wait3A_133 : memref<1x128x512xf32, #tpu.memory_space<hbm>> -> memref<128x512xf32, #tpu.memory_space<hbm>>
      tpu.wait_dma2 semaphore(%arg15 : memref<!tpu.dma_semaphore, #tpu.memory_space<semaphore_mem>>) src(%arg9 : memref<128x512xf32, #tpu.memory_space<vmem>>) dst(%dma_wait3A_134 : memref<128x512xf32, #tpu.memory_space<hbm>>)
      %dma_wait3A_135 = arith.constant 768 : i32
      %dma_wait3A_136 = arith.constant 0 : i32
      %dma_wait3A_137 = tpu.memref_slice %arg5[%add3A_58, %dma_wait3A_135, %dma_wait3A_136] : memref<77x4096x512xf32, #tpu.memory_space<hbm>> -> memref<1x128x512xf32, #tpu.memory_space<hbm>>
      %dma_wait3A_138 = tpu.memref_squeeze %dma_wait3A_137 : memref<1x128x512xf32, #tpu.memory_space<hbm>> -> memref<128x512xf32, #tpu.memory_space<hbm>>
      %dma_wait3A_139 = arith.constant 768 : i32
      %dma_wait3A_140 = arith.constant 0 : i32
      %dma_wait3A_141 = tpu.memref_slice %arg5[%add3A_58, %dma_wait3A_139, %dma_wait3A_140] : memref<77x4096x512xf32, #tpu.memory_space<hbm>> -> memref<1x128x512xf32, #tpu.memory_space<hbm>>
      %dma_wait3A_142 = tpu.memref_squeeze %dma_wait3A_141 : memref<1x128x512xf32, #tpu.memory_space<hbm>> -> memref<128x512xf32, #tpu.memory_space<hbm>>
      tpu.wait_dma2 semaphore(%arg15 : memref<!tpu.dma_semaphore, #tpu.memory_space<semaphore_mem>>) src(%arg9 : memref<128x512xf32, #tpu.memory_space<vmem>>) dst(%dma_wait3A_142 : memref<128x512xf32, #tpu.memory_space<hbm>>)
      %dma_wait3A_143 = arith.constant 896 : i32
      %dma_wait3A_144 = arith.constant 0 : i32
      %dma_wait3A_145 = tpu.memref_slice %arg5[%add3A_58, %dma_wait3A_143, %dma_wait3A_144] : memref<77x4096x512xf32, #tpu.memory_space<hbm>> -> memref<1x128x512xf32, #tpu.memory_space<hbm>>
      %dma_wait3A_146 = tpu.memref_squeeze %dma_wait3A_145 : memref<1x128x512xf32, #tpu.memory_space<hbm>> -> memref<128x512xf32, #tpu.memory_space<hbm>>
      %dma_wait3A_147 = arith.constant 896 : i32
      %dma_wait3A_148 = arith.constant 0 : i32
      %dma_wait3A_149 = tpu.memref_slice %arg5[%add3A_58, %dma_wait3A_147, %dma_wait3A_148] : memref<77x4096x512xf32, #tpu.memory_space<hbm>> -> memref<1x128x512xf32, #tpu.memory_space<hbm>>
      %dma_wait3A_150 = tpu.memref_squeeze %dma_wait3A_149 : memref<1x128x512xf32, #tpu.memory_space<hbm>> -> memref<128x512xf32, #tpu.memory_space<hbm>>
      tpu.wait_dma2 semaphore(%arg15 : memref<!tpu.dma_semaphore, #tpu.memory_space<semaphore_mem>>) src(%arg9 : memref<128x512xf32, #tpu.memory_space<vmem>>) dst(%dma_wait3A_150 : memref<128x512xf32, #tpu.memory_space<hbm>>)
      %dma_wait3A_151 = arith.constant 1024 : i32
      %dma_wait3A_152 = arith.constant 0 : i32
      %dma_wait3A_153 = tpu.memref_slice %arg5[%add3A_58, %dma_wait3A_151, %dma_wait3A_152] : memref<77x4096x512xf32, #tpu.memory_space<hbm>> -> memref<1x128x512xf32, #tpu.memory_space<hbm>>
      %dma_wait3A_154 = tpu.memref_squeeze %dma_wait3A_153 : memref<1x128x512xf32, #tpu.memory_space<hbm>> -> memref<128x512xf32, #tpu.memory_space<hbm>>
      %dma_wait3A_155 = arith.constant 1024 : i32
      %dma_wait3A_156 = arith.constant 0 : i32
      %dma_wait3A_157 = tpu.memref_slice %arg5[%add3A_58, %dma_wait3A_155, %dma_wait3A_156] : memref<77x4096x512xf32, #tpu.memory_space<hbm>> -> memref<1x128x512xf32, #tpu.memory_space<hbm>>
      %dma_wait3A_158 = tpu.memref_squeeze %dma_wait3A_157 : memref<1x128x512xf32, #tpu.memory_space<hbm>> -> memref<128x512xf32, #tpu.memory_space<hbm>>
      tpu.wait_dma2 semaphore(%arg15 : memref<!tpu.dma_semaphore, #tpu.memory_space<semaphore_mem>>) src(%arg9 : memref<128x512xf32, #tpu.memory_space<vmem>>) dst(%dma_wait3A_158 : memref<128x512xf32, #tpu.memory_space<hbm>>)
      %dma_wait3A_159 = arith.constant 1152 : i32
      %dma_wait3A_160 = arith.constant 0 : i32
      %dma_wait3A_161 = tpu.memref_slice %arg5[%add3A_58, %dma_wait3A_159, %dma_wait3A_160] : memref<77x4096x512xf32, #tpu.memory_space<hbm>> -> memref<1x128x512xf32, #tpu.memory_space<hbm>>
      %dma_wait3A_162 = tpu.memref_squeeze %dma_wait3A_161 : memref<1x128x512xf32, #tpu.memory_space<hbm>> -> memref<128x512xf32, #tpu.memory_space<hbm>>
      %dma_wait3A_163 = arith.constant 1152 : i32
      %dma_wait3A_164 = arith.constant 0 : i32
      %dma_wait3A_165 = tpu.memref_slice %arg5[%add3A_58, %dma_wait3A_163, %dma_wait3A_164] : memref<77x4096x512xf32, #tpu.memory_space<hbm>> -> memref<1x128x512xf32, #tpu.memory_space<hbm>>
      %dma_wait3A_166 = tpu.memref_squeeze %dma_wait3A_165 : memref<1x128x512xf32, #tpu.memory_space<hbm>> -> memref<128x512xf32, #tpu.memory_space<hbm>>
      tpu.wait_dma2 semaphore(%arg15 : memref<!tpu.dma_semaphore, #tpu.memory_space<semaphore_mem>>) src(%arg9 : memref<128x512xf32, #tpu.memory_space<vmem>>) dst(%dma_wait3A_166 : memref<128x512xf32, #tpu.memory_space<hbm>>)
      %dma_wait3A_167 = arith.constant 1280 : i32
      %dma_wait3A_168 = arith.constant 0 : i32
      %dma_wait3A_169 = tpu.memref_slice %arg5[%add3A_58, %dma_wait3A_167, %dma_wait3A_168] : memref<77x4096x512xf32, #tpu.memory_space<hbm>> -> memref<1x128x512xf32, #tpu.memory_space<hbm>>
      %dma_wait3A_170 = tpu.memref_squeeze %dma_wait3A_169 : memref<1x128x512xf32, #tpu.memory_space<hbm>> -> memref<128x512xf32, #tpu.memory_space<hbm>>
      %dma_wait3A_171 = arith.constant 1280 : i32
      %dma_wait3A_172 = arith.constant 0 : i32
      %dma_wait3A_173 = tpu.memref_slice %arg5[%add3A_58, %dma_wait3A_171, %dma_wait3A_172] : memref<77x4096x512xf32, #tpu.memory_space<hbm>> -> memref<1x128x512xf32, #tpu.memory_space<hbm>>
      %dma_wait3A_174 = tpu.memref_squeeze %dma_wait3A_173 : memref<1x128x512xf32, #tpu.memory_space<hbm>> -> memref<128x512xf32, #tpu.memory_space<hbm>>
      tpu.wait_dma2 semaphore(%arg15 : memref<!tpu.dma_semaphore, #tpu.memory_space<semaphore_mem>>) src(%arg9 : memref<128x512xf32, #tpu.memory_space<vmem>>) dst(%dma_wait3A_174 : memref<128x512xf32, #tpu.memory_space<hbm>>)
      %dma_wait3A_175 = arith.constant 1408 : i32
      %dma_wait3A_176 = arith.constant 0 : i32
      %dma_wait3A_177 = tpu.memref_slice %arg5[%add3A_58, %dma_wait3A_175, %dma_wait3A_176] : memref<77x4096x512xf32, #tpu.memory_space<hbm>> -> memref<1x128x512xf32, #tpu.memory_space<hbm>>
      %dma_wait3A_178 = tpu.memref_squeeze %dma_wait3A_177 : memref<1x128x512xf32, #tpu.memory_space<hbm>> -> memref<128x512xf32, #tpu.memory_space<hbm>>
      %dma_wait3A_179 = arith.constant 1408 : i32
      %dma_wait3A_180 = arith.constant 0 : i32
      %dma_wait3A_181 = tpu.memref_slice %arg5[%add3A_58, %dma_wait3A_179, %dma_wait3A_180] : memref<77x4096x512xf32, #tpu.memory_space<hbm>> -> memref<1x128x512xf32, #tpu.memory_space<hbm>>
      %dma_wait3A_182 = tpu.memref_squeeze %dma_wait3A_181 : memref<1x128x512xf32, #tpu.memory_space<hbm>> -> memref<128x512xf32, #tpu.memory_space<hbm>>
      tpu.wait_dma2 semaphore(%arg15 : memref<!tpu.dma_semaphore, #tpu.memory_space<semaphore_mem>>) src(%arg9 : memref<128x512xf32, #tpu.memory_space<vmem>>) dst(%dma_wait3A_182 : memref<128x512xf32, #tpu.memory_space<hbm>>)
      %dma_wait3A_183 = arith.constant 1536 : i32
      %dma_wait3A_184 = arith.constant 0 : i32
      %dma_wait3A_185 = tpu.memref_slice %arg5[%add3A_58, %dma_wait3A_183, %dma_wait3A_184] : memref<77x4096x512xf32, #tpu.memory_space<hbm>> -> memref<1x128x512xf32, #tpu.memory_space<hbm>>
      %dma_wait3A_186 = tpu.memref_squeeze %dma_wait3A_185 : memref<1x128x512xf32, #tpu.memory_space<hbm>> -> memref<128x512xf32, #tpu.memory_space<hbm>>
      %dma_wait3A_187 = arith.constant 1536 : i32
      %dma_wait3A_188 = arith.constant 0 : i32
      %dma_wait3A_189 = tpu.memref_slice %arg5[%add3A_58, %dma_wait3A_187, %dma_wait3A_188] : memref<77x4096x512xf32, #tpu.memory_space<hbm>> -> memref<1x128x512xf32, #tpu.memory_space<hbm>>
      %dma_wait3A_190 = tpu.memref_squeeze %dma_wait3A_189 : memref<1x128x512xf32, #tpu.memory_space<hbm>> -> memref<128x512xf32, #tpu.memory_space<hbm>>
      tpu.wait_dma2 semaphore(%arg15 : memref<!tpu.dma_semaphore, #tpu.memory_space<semaphore_mem>>) src(%arg9 : memref<128x512xf32, #tpu.memory_space<vmem>>) dst(%dma_wait3A_190 : memref<128x512xf32, #tpu.memory_space<hbm>>)
      %dma_wait3A_191 = arith.constant 1664 : i32
      %dma_wait3A_192 = arith.constant 0 : i32
      %dma_wait3A_193 = tpu.memref_slice %arg5[%add3A_58, %dma_wait3A_191, %dma_wait3A_192] : memref<77x4096x512xf32, #tpu.memory_space<hbm>> -> memref<1x128x512xf32, #tpu.memory_space<hbm>>
      %dma_wait3A_194 = tpu.memref_squeeze %dma_wait3A_193 : memref<1x128x512xf32, #tpu.memory_space<hbm>> -> memref<128x512xf32, #tpu.memory_space<hbm>>
      %dma_wait3A_195 = arith.constant 1664 : i32
      %dma_wait3A_196 = arith.constant 0 : i32
      %dma_wait3A_197 = tpu.memref_slice %arg5[%add3A_58, %dma_wait3A_195, %dma_wait3A_196] : memref<77x4096x512xf32, #tpu.memory_space<hbm>> -> memref<1x128x512xf32, #tpu.memory_space<hbm>>
      %dma_wait3A_198 = tpu.memref_squeeze %dma_wait3A_197 : memref<1x128x512xf32, #tpu.memory_space<hbm>> -> memref<128x512xf32, #tpu.memory_space<hbm>>
      tpu.wait_dma2 semaphore(%arg15 : memref<!tpu.dma_semaphore, #tpu.memory_space<semaphore_mem>>) src(%arg9 : memref<128x512xf32, #tpu.memory_space<vmem>>) dst(%dma_wait3A_198 : memref<128x512xf32, #tpu.memory_space<hbm>>)
      %dma_wait3A_199 = arith.constant 1792 : i32
      %dma_wait3A_200 = arith.constant 0 : i32
      %dma_wait3A_201 = tpu.memref_slice %arg5[%add3A_58, %dma_wait3A_199, %dma_wait3A_200] : memref<77x4096x512xf32, #tpu.memory_space<hbm>> -> memref<1x128x512xf32, #tpu.memory_space<hbm>>
      %dma_wait3A_202 = tpu.memref_squeeze %dma_wait3A_201 : memref<1x128x512xf32, #tpu.memory_space<hbm>> -> memref<128x512xf32, #tpu.memory_space<hbm>>
      %dma_wait3A_203 = arith.constant 1792 : i32
      %dma_wait3A_204 = arith.constant 0 : i32
      %dma_wait3A_205 = tpu.memref_slice %arg5[%add3A_58, %dma_wait3A_203, %dma_wait3A_204] : memref<77x4096x512xf32, #tpu.memory_space<hbm>> -> memref<1x128x512xf32, #tpu.memory_space<hbm>>
      %dma_wait3A_206 = tpu.memref_squeeze %dma_wait3A_205 : memref<1x128x512xf32, #tpu.memory_space<hbm>> -> memref<128x512xf32, #tpu.memory_space<hbm>>
      tpu.wait_dma2 semaphore(%arg15 : memref<!tpu.dma_semaphore, #tpu.memory_space<semaphore_mem>>) src(%arg9 : memref<128x512xf32, #tpu.memory_space<vmem>>) dst(%dma_wait3A_206 : memref<128x512xf32, #tpu.memory_space<hbm>>)
      %dma_wait3A_207 = arith.constant 1920 : i32
      %dma_wait3A_208 = arith.constant 0 : i32
      %dma_wait3A_209 = tpu.memref_slice %arg5[%add3A_58, %dma_wait3A_207, %dma_wait3A_208] : memref<77x4096x512xf32, #tpu.memory_space<hbm>> -> memref<1x128x512xf32, #tpu.memory_space<hbm>>
      %dma_wait3A_210 = tpu.memref_squeeze %dma_wait3A_209 : memref<1x128x512xf32, #tpu.memory_space<hbm>> -> memref<128x512xf32, #tpu.memory_space<hbm>>
      %dma_wait3A_211 = arith.constant 1920 : i32
      %dma_wait3A_212 = arith.constant 0 : i32
      %dma_wait3A_213 = tpu.memref_slice %arg5[%add3A_58, %dma_wait3A_211, %dma_wait3A_212] : memref<77x4096x512xf32, #tpu.memory_space<hbm>> -> memref<1x128x512xf32, #tpu.memory_space<hbm>>
      %dma_wait3A_214 = tpu.memref_squeeze %dma_wait3A_213 : memref<1x128x512xf32, #tpu.memory_space<hbm>> -> memref<128x512xf32, #tpu.memory_space<hbm>>
      tpu.wait_dma2 semaphore(%arg15 : memref<!tpu.dma_semaphore, #tpu.memory_space<semaphore_mem>>) src(%arg9 : memref<128x512xf32, #tpu.memory_space<vmem>>) dst(%dma_wait3A_214 : memref<128x512xf32, #tpu.memory_space<hbm>>)
      %dma_wait3A_215 = arith.constant 2048 : i32
      %dma_wait3A_216 = arith.constant 0 : i32
      %dma_wait3A_217 = tpu.memref_slice %arg5[%add3A_58, %dma_wait3A_215, %dma_wait3A_216] : memref<77x4096x512xf32, #tpu.memory_space<hbm>> -> memref<1x128x512xf32, #tpu.memory_space<hbm>>
      %dma_wait3A_218 = tpu.memref_squeeze %dma_wait3A_217 : memref<1x128x512xf32, #tpu.memory_space<hbm>> -> memref<128x512xf32, #tpu.memory_space<hbm>>
      %dma_wait3A_219 = arith.constant 2048 : i32
      %dma_wait3A_220 = arith.constant 0 : i32
      %dma_wait3A_221 = tpu.memref_slice %arg5[%add3A_58, %dma_wait3A_219, %dma_wait3A_220] : memref<77x4096x512xf32, #tpu.memory_space<hbm>> -> memref<1x128x512xf32, #tpu.memory_space<hbm>>
      %dma_wait3A_222 = tpu.memref_squeeze %dma_wait3A_221 : memref<1x128x512xf32, #tpu.memory_space<hbm>> -> memref<128x512xf32, #tpu.memory_space<hbm>>
      tpu.wait_dma2 semaphore(%arg15 : memref<!tpu.dma_semaphore, #tpu.memory_space<semaphore_mem>>) src(%arg9 : memref<128x512xf32, #tpu.memory_space<vmem>>) dst(%dma_wait3A_222 : memref<128x512xf32, #tpu.memory_space<hbm>>)
      %dma_wait3A_223 = arith.constant 2176 : i32
      %dma_wait3A_224 = arith.constant 0 : i32
      %dma_wait3A_225 = tpu.memref_slice %arg5[%add3A_58, %dma_wait3A_223, %dma_wait3A_224] : memref<77x4096x512xf32, #tpu.memory_space<hbm>> -> memref<1x128x512xf32, #tpu.memory_space<hbm>>
      %dma_wait3A_226 = tpu.memref_squeeze %dma_wait3A_225 : memref<1x128x512xf32, #tpu.memory_space<hbm>> -> memref<128x512xf32, #tpu.memory_space<hbm>>
      %dma_wait3A_227 = arith.constant 2176 : i32
      %dma_wait3A_228 = arith.constant 0 : i32
      %dma_wait3A_229 = tpu.memref_slice %arg5[%add3A_58, %dma_wait3A_227, %dma_wait3A_228] : memref<77x4096x512xf32, #tpu.memory_space<hbm>> -> memref<1x128x512xf32, #tpu.memory_space<hbm>>
      %dma_wait3A_230 = tpu.memref_squeeze %dma_wait3A_229 : memref<1x128x512xf32, #tpu.memory_space<hbm>> -> memref<128x512xf32, #tpu.memory_space<hbm>>
      tpu.wait_dma2 semaphore(%arg15 : memref<!tpu.dma_semaphore, #tpu.memory_space<semaphore_mem>>) src(%arg9 : memref<128x512xf32, #tpu.memory_space<vmem>>) dst(%dma_wait3A_230 : memref<128x512xf32, #tpu.memory_space<hbm>>)
      %dma_wait3A_231 = arith.constant 2304 : i32
      %dma_wait3A_232 = arith.constant 0 : i32
      %dma_wait3A_233 = tpu.memref_slice %arg5[%add3A_58, %dma_wait3A_231, %dma_wait3A_232] : memref<77x4096x512xf32, #tpu.memory_space<hbm>> -> memref<1x128x512xf32, #tpu.memory_space<hbm>>
      %dma_wait3A_234 = tpu.memref_squeeze %dma_wait3A_233 : memref<1x128x512xf32, #tpu.memory_space<hbm>> -> memref<128x512xf32, #tpu.memory_space<hbm>>
      %dma_wait3A_235 = arith.constant 2304 : i32
      %dma_wait3A_236 = arith.constant 0 : i32
      %dma_wait3A_237 = tpu.memref_slice %arg5[%add3A_58, %dma_wait3A_235, %dma_wait3A_236] : memref<77x4096x512xf32, #tpu.memory_space<hbm>> -> memref<1x128x512xf32, #tpu.memory_space<hbm>>
      %dma_wait3A_238 = tpu.memref_squeeze %dma_wait3A_237 : memref<1x128x512xf32, #tpu.memory_space<hbm>> -> memref<128x512xf32, #tpu.memory_space<hbm>>
      tpu.wait_dma2 semaphore(%arg15 : memref<!tpu.dma_semaphore, #tpu.memory_space<semaphore_mem>>) src(%arg9 : memref<128x512xf32, #tpu.memory_space<vmem>>) dst(%dma_wait3A_238 : memref<128x512xf32, #tpu.memory_space<hbm>>)
      %dma_wait3A_239 = arith.constant 2432 : i32
      %dma_wait3A_240 = arith.constant 0 : i32
      %dma_wait3A_241 = tpu.memref_slice %arg5[%add3A_58, %dma_wait3A_239, %dma_wait3A_240] : memref<77x4096x512xf32, #tpu.memory_space<hbm>> -> memref<1x128x512xf32, #tpu.memory_space<hbm>>
      %dma_wait3A_242 = tpu.memref_squeeze %dma_wait3A_241 : memref<1x128x512xf32, #tpu.memory_space<hbm>> -> memref<128x512xf32, #tpu.memory_space<hbm>>
      %dma_wait3A_243 = arith.constant 2432 : i32
      %dma_wait3A_244 = arith.constant 0 : i32
      %dma_wait3A_245 = tpu.memref_slice %arg5[%add3A_58, %dma_wait3A_243, %dma_wait3A_244] : memref<77x4096x512xf32, #tpu.memory_space<hbm>> -> memref<1x128x512xf32, #tpu.memory_space<hbm>>
      %dma_wait3A_246 = tpu.memref_squeeze %dma_wait3A_245 : memref<1x128x512xf32, #tpu.memory_space<hbm>> -> memref<128x512xf32, #tpu.memory_space<hbm>>
      tpu.wait_dma2 semaphore(%arg15 : memref<!tpu.dma_semaphore, #tpu.memory_space<semaphore_mem>>) src(%arg9 : memref<128x512xf32, #tpu.memory_space<vmem>>) dst(%dma_wait3A_246 : memref<128x512xf32, #tpu.memory_space<hbm>>)
      %dma_wait3A_247 = arith.constant 2560 : i32
      %dma_wait3A_248 = arith.constant 0 : i32
      %dma_wait3A_249 = tpu.memref_slice %arg5[%add3A_58, %dma_wait3A_247, %dma_wait3A_248] : memref<77x4096x512xf32, #tpu.memory_space<hbm>> -> memref<1x128x512xf32, #tpu.memory_space<hbm>>
      %dma_wait3A_250 = tpu.memref_squeeze %dma_wait3A_249 : memref<1x128x512xf32, #tpu.memory_space<hbm>> -> memref<128x512xf32, #tpu.memory_space<hbm>>
      %dma_wait3A_251 = arith.constant 2560 : i32
      %dma_wait3A_252 = arith.constant 0 : i32
      %dma_wait3A_253 = tpu.memref_slice %arg5[%add3A_58, %dma_wait3A_251, %dma_wait3A_252] : memref<77x4096x512xf32, #tpu.memory_space<hbm>> -> memref<1x128x512xf32, #tpu.memory_space<hbm>>
      %dma_wait3A_254 = tpu.memref_squeeze %dma_wait3A_253 : memref<1x128x512xf32, #tpu.memory_space<hbm>> -> memref<128x512xf32, #tpu.memory_space<hbm>>
      tpu.wait_dma2 semaphore(%arg15 : memref<!tpu.dma_semaphore, #tpu.memory_space<semaphore_mem>>) src(%arg9 : memref<128x512xf32, #tpu.memory_space<vmem>>) dst(%dma_wait3A_254 : memref<128x512xf32, #tpu.memory_space<hbm>>)
      %dma_wait3A_255 = arith.constant 2688 : i32
      %dma_wait3A_256 = arith.constant 0 : i32
      %dma_wait3A_257 = tpu.memref_slice %arg5[%add3A_58, %dma_wait3A_255, %dma_wait3A_256] : memref<77x4096x512xf32, #tpu.memory_space<hbm>> -> memref<1x128x512xf32, #tpu.memory_space<hbm>>
      %dma_wait3A_258 = tpu.memref_squeeze %dma_wait3A_257 : memref<1x128x512xf32, #tpu.memory_space<hbm>> -> memref<128x512xf32, #tpu.memory_space<hbm>>
      %dma_wait3A_259 = arith.constant 2688 : i32
      %dma_wait3A_260 = arith.constant 0 : i32
      %dma_wait3A_261 = tpu.memref_slice %arg5[%add3A_58, %dma_wait3A_259, %dma_wait3A_260] : memref<77x4096x512xf32, #tpu.memory_space<hbm>> -> memref<1x128x512xf32, #tpu.memory_space<hbm>>
      %dma_wait3A_262 = tpu.memref_squeeze %dma_wait3A_261 : memref<1x128x512xf32, #tpu.memory_space<hbm>> -> memref<128x512xf32, #tpu.memory_space<hbm>>
      tpu.wait_dma2 semaphore(%arg15 : memref<!tpu.dma_semaphore, #tpu.memory_space<semaphore_mem>>) src(%arg9 : memref<128x512xf32, #tpu.memory_space<vmem>>) dst(%dma_wait3A_262 : memref<128x512xf32, #tpu.memory_space<hbm>>)
      %dma_wait3A_263 = arith.constant 2816 : i32
      %dma_wait3A_264 = arith.constant 0 : i32
      %dma_wait3A_265 = tpu.memref_slice %arg5[%add3A_58, %dma_wait3A_263, %dma_wait3A_264] : memref<77x4096x512xf32, #tpu.memory_space<hbm>> -> memref<1x128x512xf32, #tpu.memory_space<hbm>>
      %dma_wait3A_266 = tpu.memref_squeeze %dma_wait3A_265 : memref<1x128x512xf32, #tpu.memory_space<hbm>> -> memref<128x512xf32, #tpu.memory_space<hbm>>
      %dma_wait3A_267 = arith.constant 2816 : i32
      %dma_wait3A_268 = arith.constant 0 : i32
      %dma_wait3A_269 = tpu.memref_slice %arg5[%add3A_58, %dma_wait3A_267, %dma_wait3A_268] : memref<77x4096x512xf32, #tpu.memory_space<hbm>> -> memref<1x128x512xf32, #tpu.memory_space<hbm>>
      %dma_wait3A_270 = tpu.memref_squeeze %dma_wait3A_269 : memref<1x128x512xf32, #tpu.memory_space<hbm>> -> memref<128x512xf32, #tpu.memory_space<hbm>>
      tpu.wait_dma2 semaphore(%arg15 : memref<!tpu.dma_semaphore, #tpu.memory_space<semaphore_mem>>) src(%arg9 : memref<128x512xf32, #tpu.memory_space<vmem>>) dst(%dma_wait3A_270 : memref<128x512xf32, #tpu.memory_space<hbm>>)
      %dma_wait3A_271 = arith.constant 2944 : i32
      %dma_wait3A_272 = arith.constant 0 : i32
      %dma_wait3A_273 = tpu.memref_slice %arg5[%add3A_58, %dma_wait3A_271, %dma_wait3A_272] : memref<77x4096x512xf32, #tpu.memory_space<hbm>> -> memref<1x128x512xf32, #tpu.memory_space<hbm>>
      %dma_wait3A_274 = tpu.memref_squeeze %dma_wait3A_273 : memref<1x128x512xf32, #tpu.memory_space<hbm>> -> memref<128x512xf32, #tpu.memory_space<hbm>>
      %dma_wait3A_275 = arith.constant 2944 : i32
      %dma_wait3A_276 = arith.constant 0 : i32
      %dma_wait3A_277 = tpu.memref_slice %arg5[%add3A_58, %dma_wait3A_275, %dma_wait3A_276] : memref<77x4096x512xf32, #tpu.memory_space<hbm>> -> memref<1x128x512xf32, #tpu.memory_space<hbm>>
      %dma_wait3A_278 = tpu.memref_squeeze %dma_wait3A_277 : memref<1x128x512xf32, #tpu.memory_space<hbm>> -> memref<128x512xf32, #tpu.memory_space<hbm>>
      tpu.wait_dma2 semaphore(%arg15 : memref<!tpu.dma_semaphore, #tpu.memory_space<semaphore_mem>>) src(%arg9 : memref<128x512xf32, #tpu.memory_space<vmem>>) dst(%dma_wait3A_278 : memref<128x512xf32, #tpu.memory_space<hbm>>)
      %dma_wait3A_279 = arith.constant 3072 : i32
      %dma_wait3A_280 = arith.constant 0 : i32
      %dma_wait3A_281 = tpu.memref_slice %arg5[%add3A_58, %dma_wait3A_279, %dma_wait3A_280] : memref<77x4096x512xf32, #tpu.memory_space<hbm>> -> memref<1x128x512xf32, #tpu.memory_space<hbm>>
      %dma_wait3A_282 = tpu.memref_squeeze %dma_wait3A_281 : memref<1x128x512xf32, #tpu.memory_space<hbm>> -> memref<128x512xf32, #tpu.memory_space<hbm>>
      %dma_wait3A_283 = arith.constant 3072 : i32
      %dma_wait3A_284 = arith.constant 0 : i32
      %dma_wait3A_285 = tpu.memref_slice %arg5[%add3A_58, %dma_wait3A_283, %dma_wait3A_284] : memref<77x4096x512xf32, #tpu.memory_space<hbm>> -> memref<1x128x512xf32, #tpu.memory_space<hbm>>
      %dma_wait3A_286 = tpu.memref_squeeze %dma_wait3A_285 : memref<1x128x512xf32, #tpu.memory_space<hbm>> -> memref<128x512xf32, #tpu.memory_space<hbm>>
      tpu.wait_dma2 semaphore(%arg15 : memref<!tpu.dma_semaphore, #tpu.memory_space<semaphore_mem>>) src(%arg9 : memref<128x512xf32, #tpu.memory_space<vmem>>) dst(%dma_wait3A_286 : memref<128x512xf32, #tpu.memory_space<hbm>>)
      %dma_wait3A_287 = arith.constant 3200 : i32
      %dma_wait3A_288 = arith.constant 0 : i32
      %dma_wait3A_289 = tpu.memref_slice %arg5[%add3A_58, %dma_wait3A_287, %dma_wait3A_288] : memref<77x4096x512xf32, #tpu.memory_space<hbm>> -> memref<1x128x512xf32, #tpu.memory_space<hbm>>
      %dma_wait3A_290 = tpu.memref_squeeze %dma_wait3A_289 : memref<1x128x512xf32, #tpu.memory_space<hbm>> -> memref<128x512xf32, #tpu.memory_space<hbm>>
      %dma_wait3A_291 = arith.constant 3200 : i32
      %dma_wait3A_292 = arith.constant 0 : i32
      %dma_wait3A_293 = tpu.memref_slice %arg5[%add3A_58, %dma_wait3A_291, %dma_wait3A_292] : memref<77x4096x512xf32, #tpu.memory_space<hbm>> -> memref<1x128x512xf32, #tpu.memory_space<hbm>>
      %dma_wait3A_294 = tpu.memref_squeeze %dma_wait3A_293 : memref<1x128x512xf32, #tpu.memory_space<hbm>> -> memref<128x512xf32, #tpu.memory_space<hbm>>
      tpu.wait_dma2 semaphore(%arg15 : memref<!tpu.dma_semaphore, #tpu.memory_space<semaphore_mem>>) src(%arg9 : memref<128x512xf32, #tpu.memory_space<vmem>>) dst(%dma_wait3A_294 : memref<128x512xf32, #tpu.memory_space<hbm>>)
      %dma_wait3A_295 = arith.constant 3328 : i32
      %dma_wait3A_296 = arith.constant 0 : i32
      %dma_wait3A_297 = tpu.memref_slice %arg5[%add3A_58, %dma_wait3A_295, %dma_wait3A_296] : memref<77x4096x512xf32, #tpu.memory_space<hbm>> -> memref<1x128x512xf32, #tpu.memory_space<hbm>>
      %dma_wait3A_298 = tpu.memref_squeeze %dma_wait3A_297 : memref<1x128x512xf32, #tpu.memory_space<hbm>> -> memref<128x512xf32, #tpu.memory_space<hbm>>
      %dma_wait3A_299 = arith.constant 3328 : i32
      %dma_wait3A_300 = arith.constant 0 : i32
      %dma_wait3A_301 = tpu.memref_slice %arg5[%add3A_58, %dma_wait3A_299, %dma_wait3A_300] : memref<77x4096x512xf32, #tpu.memory_space<hbm>> -> memref<1x128x512xf32, #tpu.memory_space<hbm>>
      %dma_wait3A_302 = tpu.memref_squeeze %dma_wait3A_301 : memref<1x128x512xf32, #tpu.memory_space<hbm>> -> memref<128x512xf32, #tpu.memory_space<hbm>>
      tpu.wait_dma2 semaphore(%arg15 : memref<!tpu.dma_semaphore, #tpu.memory_space<semaphore_mem>>) src(%arg9 : memref<128x512xf32, #tpu.memory_space<vmem>>) dst(%dma_wait3A_302 : memref<128x512xf32, #tpu.memory_space<hbm>>)
      %dma_wait3A_303 = arith.constant 3456 : i32
      %dma_wait3A_304 = arith.constant 0 : i32
      %dma_wait3A_305 = tpu.memref_slice %arg5[%add3A_58, %dma_wait3A_303, %dma_wait3A_304] : memref<77x4096x512xf32, #tpu.memory_space<hbm>> -> memref<1x128x512xf32, #tpu.memory_space<hbm>>
      %dma_wait3A_306 = tpu.memref_squeeze %dma_wait3A_305 : memref<1x128x512xf32, #tpu.memory_space<hbm>> -> memref<128x512xf32, #tpu.memory_space<hbm>>
      %dma_wait3A_307 = arith.constant 3456 : i32
      %dma_wait3A_308 = arith.constant 0 : i32
      %dma_wait3A_309 = tpu.memref_slice %arg5[%add3A_58, %dma_wait3A_307, %dma_wait3A_308] : memref<77x4096x512xf32, #tpu.memory_space<hbm>> -> memref<1x128x512xf32, #tpu.memory_space<hbm>>
      %dma_wait3A_310 = tpu.memref_squeeze %dma_wait3A_309 : memref<1x128x512xf32, #tpu.memory_space<hbm>> -> memref<128x512xf32, #tpu.memory_space<hbm>>
      tpu.wait_dma2 semaphore(%arg15 : memref<!tpu.dma_semaphore, #tpu.memory_space<semaphore_mem>>) src(%arg9 : memref<128x512xf32, #tpu.memory_space<vmem>>) dst(%dma_wait3A_310 : memref<128x512xf32, #tpu.memory_space<hbm>>)
      %dma_wait3A_311 = arith.constant 3584 : i32
      %dma_wait3A_312 = arith.constant 0 : i32
      %dma_wait3A_313 = tpu.memref_slice %arg5[%add3A_58, %dma_wait3A_311, %dma_wait3A_312] : memref<77x4096x512xf32, #tpu.memory_space<hbm>> -> memref<1x128x512xf32, #tpu.memory_space<hbm>>
      %dma_wait3A_314 = tpu.memref_squeeze %dma_wait3A_313 : memref<1x128x512xf32, #tpu.memory_space<hbm>> -> memref<128x512xf32, #tpu.memory_space<hbm>>
      %dma_wait3A_315 = arith.constant 3584 : i32
      %dma_wait3A_316 = arith.constant 0 : i32
      %dma_wait3A_317 = tpu.memref_slice %arg5[%add3A_58, %dma_wait3A_315, %dma_wait3A_316] : memref<77x4096x512xf32, #tpu.memory_space<hbm>> -> memref<1x128x512xf32, #tpu.memory_space<hbm>>
      %dma_wait3A_318 = tpu.memref_squeeze %dma_wait3A_317 : memref<1x128x512xf32, #tpu.memory_space<hbm>> -> memref<128x512xf32, #tpu.memory_space<hbm>>
      tpu.wait_dma2 semaphore(%arg15 : memref<!tpu.dma_semaphore, #tpu.memory_space<semaphore_mem>>) src(%arg9 : memref<128x512xf32, #tpu.memory_space<vmem>>) dst(%dma_wait3A_318 : memref<128x512xf32, #tpu.memory_space<hbm>>)
      %dma_wait3A_319 = arith.constant 3712 : i32
      %dma_wait3A_320 = arith.constant 0 : i32
      %dma_wait3A_321 = tpu.memref_slice %arg5[%add3A_58, %dma_wait3A_319, %dma_wait3A_320] : memref<77x4096x512xf32, #tpu.memory_space<hbm>> -> memref<1x128x512xf32, #tpu.memory_space<hbm>>
      %dma_wait3A_322 = tpu.memref_squeeze %dma_wait3A_321 : memref<1x128x512xf32, #tpu.memory_space<hbm>> -> memref<128x512xf32, #tpu.memory_space<hbm>>
      %dma_wait3A_323 = arith.constant 3712 : i32
      %dma_wait3A_324 = arith.constant 0 : i32
      %dma_wait3A_325 = tpu.memref_slice %arg5[%add3A_58, %dma_wait3A_323, %dma_wait3A_324] : memref<77x4096x512xf32, #tpu.memory_space<hbm>> -> memref<1x128x512xf32, #tpu.memory_space<hbm>>
      %dma_wait3A_326 = tpu.memref_squeeze %dma_wait3A_325 : memref<1x128x512xf32, #tpu.memory_space<hbm>> -> memref<128x512xf32, #tpu.memory_space<hbm>>
      tpu.wait_dma2 semaphore(%arg15 : memref<!tpu.dma_semaphore, #tpu.memory_space<semaphore_mem>>) src(%arg9 : memref<128x512xf32, #tpu.memory_space<vmem>>) dst(%dma_wait3A_326 : memref<128x512xf32, #tpu.memory_space<hbm>>)
      %dma_wait3A_327 = arith.constant 3840 : i32
      %dma_wait3A_328 = arith.constant 0 : i32
      %dma_wait3A_329 = tpu.memref_slice %arg5[%add3A_58, %dma_wait3A_327, %dma_wait3A_328] : memref<77x4096x512xf32, #tpu.memory_space<hbm>> -> memref<1x128x512xf32, #tpu.memory_space<hbm>>
      %dma_wait3A_330 = tpu.memref_squeeze %dma_wait3A_329 : memref<1x128x512xf32, #tpu.memory_space<hbm>> -> memref<128x512xf32, #tpu.memory_space<hbm>>
      %dma_wait3A_331 = arith.constant 3840 : i32
      %dma_wait3A_332 = arith.constant 0 : i32
      %dma_wait3A_333 = tpu.memref_slice %arg5[%add3A_58, %dma_wait3A_331, %dma_wait3A_332] : memref<77x4096x512xf32, #tpu.memory_space<hbm>> -> memref<1x128x512xf32, #tpu.memory_space<hbm>>
      %dma_wait3A_334 = tpu.memref_squeeze %dma_wait3A_333 : memref<1x128x512xf32, #tpu.memory_space<hbm>> -> memref<128x512xf32, #tpu.memory_space<hbm>>
      tpu.wait_dma2 semaphore(%arg15 : memref<!tpu.dma_semaphore, #tpu.memory_space<semaphore_mem>>) src(%arg9 : memref<128x512xf32, #tpu.memory_space<vmem>>) dst(%dma_wait3A_334 : memref<128x512xf32, #tpu.memory_space<hbm>>)
      %dma_wait3A_335 = arith.constant 3968 : i32
      %dma_wait3A_336 = arith.constant 0 : i32
      %dma_wait3A_337 = tpu.memref_slice %arg5[%add3A_58, %dma_wait3A_335, %dma_wait3A_336] : memref<77x4096x512xf32, #tpu.memory_space<hbm>> -> memref<1x128x512xf32, #tpu.memory_space<hbm>>
      %dma_wait3A_338 = tpu.memref_squeeze %dma_wait3A_337 : memref<1x128x512xf32, #tpu.memory_space<hbm>> -> memref<128x512xf32, #tpu.memory_space<hbm>>
      %dma_wait3A_339 = arith.constant 3968 : i32
      %dma_wait3A_340 = arith.constant 0 : i32
      %dma_wait3A_341 = tpu.memref_slice %arg5[%add3A_58, %dma_wait3A_339, %dma_wait3A_340] : memref<77x4096x512xf32, #tpu.memory_space<hbm>> -> memref<1x128x512xf32, #tpu.memory_space<hbm>>
      %dma_wait3A_342 = tpu.memref_squeeze %dma_wait3A_341 : memref<1x128x512xf32, #tpu.memory_space<hbm>> -> memref<128x512xf32, #tpu.memory_space<hbm>>
      tpu.wait_dma2 semaphore(%arg15 : memref<!tpu.dma_semaphore, #tpu.memory_space<semaphore_mem>>) src(%arg9 : memref<128x512xf32, #tpu.memory_space<vmem>>) dst(%dma_wait3A_342 : memref<128x512xf32, #tpu.memory_space<hbm>>)
    } else {
    }
    %convert_element_type3A_78 = arith.extui %lt3A_35 : i1 to i32
    %cond3A_79 = arith.constant 0 : i32
    %cond3A_80 = arith.cmpi ne, %convert_element_type3A_78, %cond3A_79 : i32
    scf.if %cond3A_80 {
      %dma_wait3A_87 = arith.constant 0 : i32
      %dma_wait3A_88 = tpu.memref_slice %arg6[%add3A_23, %dma_wait3A_87] : memref<77x4096xi32, #tpu.memory_space<hbm>> -> memref<1x4096xi32, #tpu.memory_space<hbm>>
      %dma_wait3A_89 = tpu.memref_squeeze %dma_wait3A_88 : memref<1x4096xi32, #tpu.memory_space<hbm>> -> memref<4096xi32, #tpu.memory_space<hbm>>
      %dma_wait3A_90 = arith.constant 0 : i32
      %dma_wait3A_91 = tpu.memref_slice %arg6[%add3A_23, %dma_wait3A_90] : memref<77x4096xi32, #tpu.memory_space<hbm>> -> memref<1x4096xi32, #tpu.memory_space<hbm>>
      %dma_wait3A_92 = tpu.memref_squeeze %dma_wait3A_91 : memref<1x4096xi32, #tpu.memory_space<hbm>> -> memref<4096xi32, #tpu.memory_space<hbm>>
      tpu.wait_dma2 semaphore(%arg16 : memref<!tpu.dma_semaphore, #tpu.memory_space<semaphore_mem>>) src(%arg10 : memref<4096xi32, #tpu.memory_space<vmem>>) dst(%dma_wait3A_92 : memref<4096xi32, #tpu.memory_space<hbm>>)
    } else {
    }
    %convert_element_type3A_81 = arith.extui %lt3A_53 : i1 to i32
    %cond3A_82 = arith.constant 0 : i32
    %cond3A_83 = arith.cmpi ne, %convert_element_type3A_81, %cond3A_82 : i32
    scf.if %cond3A_83 {
      %dma_wait3A_87 = arith.constant 0 : i32
      %dma_wait3A_88 = tpu.memref_slice %arg6[%add3A_40, %dma_wait3A_87] : memref<77x4096xi32, #tpu.memory_space<hbm>> -> memref<1x4096xi32, #tpu.memory_space<hbm>>
      %dma_wait3A_89 = tpu.memref_squeeze %dma_wait3A_88 : memref<1x4096xi32, #tpu.memory_space<hbm>> -> memref<4096xi32, #tpu.memory_space<hbm>>
      %dma_wait3A_90 = arith.constant 0 : i32
      %dma_wait3A_91 = tpu.memref_slice %arg6[%add3A_40, %dma_wait3A_90] : memref<77x4096xi32, #tpu.memory_space<hbm>> -> memref<1x4096xi32, #tpu.memory_space<hbm>>
      %dma_wait3A_92 = tpu.memref_squeeze %dma_wait3A_91 : memref<1x4096xi32, #tpu.memory_space<hbm>> -> memref<4096xi32, #tpu.memory_space<hbm>>
      tpu.wait_dma2 semaphore(%arg16 : memref<!tpu.dma_semaphore, #tpu.memory_space<semaphore_mem>>) src(%arg11 : memref<4096xi32, #tpu.memory_space<vmem>>) dst(%dma_wait3A_92 : memref<4096xi32, #tpu.memory_space<hbm>>)
    } else {
    }
    %convert_element_type3A_84 = arith.extui %lt3A_71 : i1 to i32
    %cond3A_85 = arith.constant 0 : i32
    %cond3A_86 = arith.cmpi ne, %convert_element_type3A_84, %cond3A_85 : i32
    scf.if %cond3A_86 {
      %dma_wait3A_87 = arith.constant 0 : i32
      %dma_wait3A_88 = tpu.memref_slice %arg6[%add3A_58, %dma_wait3A_87] : memref<77x4096xi32, #tpu.memory_space<hbm>> -> memref<1x4096xi32, #tpu.memory_space<hbm>>
      %dma_wait3A_89 = tpu.memref_squeeze %dma_wait3A_88 : memref<1x4096xi32, #tpu.memory_space<hbm>> -> memref<4096xi32, #tpu.memory_space<hbm>>
      %dma_wait3A_90 = arith.constant 0 : i32
      %dma_wait3A_91 = tpu.memref_slice %arg6[%add3A_58, %dma_wait3A_90] : memref<77x4096xi32, #tpu.memory_space<hbm>> -> memref<1x4096xi32, #tpu.memory_space<hbm>>
      %dma_wait3A_92 = tpu.memref_squeeze %dma_wait3A_91 : memref<1x4096xi32, #tpu.memory_space<hbm>> -> memref<4096xi32, #tpu.memory_space<hbm>>
      tpu.wait_dma2 semaphore(%arg16 : memref<!tpu.dma_semaphore, #tpu.memory_space<semaphore_mem>>) src(%arg12 : memref<4096xi32, #tpu.memory_space<vmem>>) dst(%dma_wait3A_92 : memref<4096xi32, #tpu.memory_space<hbm>>)
    } else {
    }
    return
  }
}

</mosaic_0001>

<sc_bundles>
// kernel: kernel.3.cloned.1.call-start
scs
__scs_entry_jumppad:
0x0: {  	(pc) =	sbr.rel $0x88, $3  }
0x1: {  	(tag) =	ssettag $0x0;
	lr =	simm.s32 $0x1  }
0x2: {  	[smem:$0x3F9E] =	sst lr;
	_ =	strace $0xD0000000  }
0x3: {  	_ = 	snop  }
0x4: {  	_ = 	snop  }
0x5: {  	_ = 	snop  }
0x6: {  	_ = 	snop  }
0x7: {  	_ = 	snop  }
__scs_overlays_trampoline_lowered:
0x8: {  	[smem:$0x3FAD] =	sst s0  }
0x9: {  	[smem:$0x3FAE] =	sst s1  }
0xa: {  	[smem:$0x3FAF] =	sst s2  }
0xb: {  	[smem:$0x3FB0] =	sst s3  }
0xc: {  	[smem:$0x3FB1] =	sst s4  }
0xd: {  	[smem:$0x3FB2] =	sst s5  }
0xe: {  	[smem:$0x3FB3] =	sst s6  }
0xf: {  	[smem:$0x3FB4] =	sst s7  }
0x10: {  	[smem:$0x3FB5] =	sst s8  }
0x11: {  	[smem:$0x3FB6] =	sst s9;
	s0 =	simm.s32 @!p0 $0x0  }
0x12: {  	s1 =	sld [smem:$0x3F9C];
	s0 =	simm.s32 @p0 $0x1  }
0x13: {  	[smem:$0x3FB7] =	sst s0;
	s0 =	simm.s32 @!p1 $0x0  }
0x14: {  	s2 =	sld [smem:$0x3F9B];
	s0 =	simm.s32 @p1 $0x1  }
0x15: {  	[smem:$0x3FB8] =	sst s0;
	s0 =	simm.s32 @!p2 $0x0  }
0x16: {  	s3 =	sld [smem:$0x3FDB];
	s0 =	simm.s32 @p2 $0x1  }
0x17: {  	s4 =	simm.s32 $0x1BF5;
	[smem:$0x3FBA] =	sst s0  }
0x18: {  	s0 =	sld [smem:$0x3F9D];
	_ =	swait.ge [sflag:s4], $0x0  }
0x19: {  	s7 =	sld [smem:$0x3F9E]  }
0x1a: {  	s8 =	sadd.s32 $0xFFFFE003, lr  }
0x1b: {  	s9 =	sadd.s32 $0xFFFFFEF7, lr;
	s5 =	simm.s32 $0xFFFFFFFF;
	p2 =	slt.u32 s8, $0xFFFFF086  }
0x1c: {  	p1 =	slt.u32 s9, $0xF7A;
	s5 =	simm.s32 @!p2 $0x0  }
0x1d: {  	s5 =	simm.s32 @p1 $0x1;
	p0 =	seq.s32 s7, s2  }
0x1e: {  	s7 =	smul.u32 @!p0 $0xF7A, s2;
	p2 =	seq.s32 @!p0 s5, $0x0  }
0x1f: {  	s9 =	smul.u32 $0xF7A, s1;
	s8 =	simm.s32 @!p0 $0x1BF5;
	p2 =	por !p2, p0  }
0x20: {  	[sflag:s8] =	ssyncset.s32 @!p0 $0xFFFFF086;
	s6 =	sadd.s32 @!p0 s3, s7;
	s7 =	simm.s32 @!p0 $0x108  }
0x21: {  	s3 =	sadd.s32 s3, s9;
	s6 =	sadd.s32 @!p0 $0x88, s6;
	s7 =	simm.s32 @p2 $0x1082  }
0x22: {  	[simem:s7], [sflag:s8] =	dma.local @!p0 [hbm:s6], $0xF7A  }
0x23: {  	s9 =	sor.u32 $0xD0000000, s2;
	s6 =	simm.s32 $0x108;
	_ =	swait.ge @!p0 [sflag:s8], $0x0  }
0x24: {  	s3 =	sadd.s32 $0x88, s3;
	s6 =	simm.s32 @!p1 $0x1082;
	[sflag:s4] =	ssyncset.s32 $0xFFFFF086  }
0x25: {  	[simem:s6], [sflag:s4] =	dma.local [hbm:s3], $0xF7A  }
0x26: {  	[smem:$0x3F9E] =	sst s1;
	(tag) =	ssettag s2;
	_ =	strace s9  }
0x27: {  	s1 =	sld [smem:$0x3FAE]  }
0x28: {  	s2 =	sld [smem:$0x3FAF]  }
0x29: {  	s4 =	sld [smem:$0x3FB1]  }
0x2a: {  	p0 =	seq.s32 s5, $0x0;
	s5 =	sld [smem:$0x3FB2]  }
0x2b: {  	s6 =	sld [smem:$0x3FB3]  }
0x2c: {  	s7 =	sld [smem:$0x3FB4]  }
0x2d: {  	s3 =	simm.s32 $0x108;
	s8 =	sld [smem:$0x3FB5]  }
0x2e: {  	s3 =	simm.s32 @!p0 $0x1082;
	s9 =	sld [smem:$0x3FB6]  }
0x2f: {  	lr =	sadd.s32 s0, s3;
	s0 =	sld [smem:$0x3FAD]  }
0x30: {  	s3 =	sld [smem:$0x3FB0]  }
0x31: {  	[smem:$0x3FB9] =	sst s10  }
0x32: {  	s10 =	sld [smem:$0x3FB7];
	_ =	sdelay $0x3  }
0x33: {  	p0 =	seq.s32 s10, $0x1;
	s10 =	sld [smem:$0x3FB9];
	_ =	sdelay $0x3  }
0x34: {  	[smem:$0x3FB9] =	sst s10  }
0x35: {  	s10 =	sld [smem:$0x3FB8];
	_ =	sdelay $0x3  }
0x36: {  	p1 =	seq.s32 s10, $0x1;
	s10 =	sld [smem:$0x3FB9];
	_ =	sdelay $0x3  }
0x37: {  	[smem:$0x3FB9] =	sst s10  }
0x38: {  	s10 =	sld [smem:$0x3FBA]  }
0x39: {  	_ = 	snop;
	(pc) =	sbr.ind lr, $3  }
0x3a: {  	_ = 	snop  }
0x3b: {  	_ = 	snop  }
0x3c: {  	p2 =	seq.s32 s10, $0x1;
	s10 =	sld [smem:$0x3FB9]  }
0x3d: {  	_ =	shalt  }
0x3e: {  	_ =	shalt  }
0x3f: {  	_ =	shalt  }
0x40: {  	_ =	shalt  }
0x41: {  	_ =	shalt  }
0x42: {  	_ =	shalt  }
0x43: {  	_ =	shalt  }
0x44: {  	_ =	shalt  }
0x45: {  	_ =	shalt  }
0x46: {  	_ =	shalt  }
0x47: {  	_ =	shalt  }
0x48: {  	_ =	shalt  }
0x49: {  	_ =	shalt  }
0x4a: {  	_ =	shalt  }
0x4b: {  	_ =	shalt  }
0x4c: {  	_ =	shalt  }
0x4d: {  	_ =	shalt  }
0x4e: {  	_ =	shalt  }
0x4f: {  	_ =	shalt  }
0x50: {  	_ =	shalt  }
0x51: {  	_ =	shalt  }
0x52: {  	_ =	shalt  }
0x53: {  	_ =	shalt  }
0x54: {  	_ =	shalt  }
0x55: {  	_ =	shalt  }
0x56: {  	_ =	shalt  }
0x57: {  	_ =	shalt  }
0x58: {  	_ =	shalt  }
0x59: {  	_ =	shalt  }
0x5a: {  	_ =	shalt  }
0x5b: {  	_ =	shalt  }
0x5c: {  	_ =	shalt  }
0x5d: {  	_ =	shalt  }
0x5e: {  	_ =	shalt  }
0x5f: {  	_ =	shalt  }
0x60: {  	_ =	shalt  }
0x61: {  	_ =	shalt  }
0x62: {  	_ =	shalt  }
0x63: {  	_ =	shalt  }
0x64: {  	_ =	shalt  }
0x65: {  	_ =	shalt  }
0x66: {  	_ =	shalt  }
0x67: {  	_ =	shalt  }
0x68: {  	_ =	shalt  }
0x69: {  	_ =	shalt  }
0x6a: {  	_ =	shalt  }
0x6b: {  	_ =	shalt  }
0x6c: {  	_ =	shalt  }
0x6d: {  	_ =	shalt  }
0x6e: {  	_ =	shalt  }
0x6f: {  	_ =	shalt  }
0x70: {  	_ =	shalt  }
0x71: {  	_ =	shalt  }
0x72: {  	_ =	shalt  }
0x73: {  	_ =	shalt  }
0x74: {  	_ =	shalt  }
0x75: {  	_ =	shalt  }
0x76: {  	_ =	shalt  }
0x77: {  	_ =	shalt  }
0x78: {  	_ =	shalt  }
0x79: {  	_ =	shalt  }
0x7a: {  	_ =	shalt  }
0x7b: {  	_ =	shalt  }
0x7c: {  	_ =	shalt  }
0x7d: {  	_ =	shalt  }
0x7e: {  	_ =	shalt  }
0x7f: {  	_ =	shalt  }
0x80: {  	_ =	shalt  }
0x81: {  	_ =	shalt  }
0x82: {  	_ =	shalt  }
0x83: {  	_ =	shalt  }
0x84: {  	_ =	shalt  }
0x85: {  	_ =	shalt  }
0x86: {  	_ =	shalt  }
0x87: {  	_ =	shalt  }
.Lfunc_end0:
.L_simem_size_0:
called_computation_lowered:
.L_overlay_start_0:
0x88: {  	s2 =	sld [smem:$0x3FD9]  }
0x89: {  	s3 =	sld [smem:$0x3FFE];
	_ =	sdelay $0x1  }
0x8a: {  	s1 =	srdreg.scid  }
0x8b: {  	s0 =	sand.u32 $0x1, s1  }
0x8c: {  	s14 =	sshll.u32 s0, $0xA;
	s2 =	sadd.s32 s3, s2  }
0x8d: {  	s2 =	sadd.s32 s2, s14  }
0x8e: {  	[smem:$0x3FC5] =	sst s2  }
0x8f: {  	_ = 	snop  }
0x90: {  	s2 =	sld [smem:$0x3FD0];
	_ =	sdelay $0x1  }
0x91: {  	s15 =	sld [smem:$0x3FC9]  }
0x92: {  	s5 =	simm.s32 $0xA;
	s6 =	simm.s32 $0x10;
	s4 =	sld [smem:$0x3FC8]  }
0x93: {  	[smem:s6], [sflag:s5] =	dma.local [hbm:s2], $0x1  }
0x94: {  	_ =	swait.eq [sflag:s5], $0x1  }
0x95: {  	[sflag:s5] =	ssyncset.done $0x0  }
0x96: {  	s16 =	sld [smem:$0x10];
	[sflag:s5] =	ssyncadd.s32 $0xFFFFFFFF  }
0x97: {  	s17 =	sld [smem:$0x11];
	(tm) =	ssettm $0x1  }
0x98: {  	s18 =	sld [smem:$0x3FFB];
	_ =	sdelay $0x3  }
0x99: {  	_ =	strace s18  }
0x9a: {  	s6 =	sld [smem:$0x3FFC];
	_ =	sdelay $0x3  }
0x9b: {  	_ =	strace s6  }
0x9c: {  	s6 =	sld [smem:$0x3FFD];
	_ =	sdelay $0x3  }
0x9d: {  	_ =	strace s6  }
0x9e: {  	_ =	strace $0x8FFFFFFF  }
0x9f: {  	s19 =	sld [smem:$0x3FDB];
	_ =	sdelay $0x1  }
0xa0: {  	s7 =	simm.s32 $_scs_section_size  }
0xa1: {  	s8 =	simm.s32 $_size__tile_overlayer_lowered;
	s9 =	simm.s32 $_tile_overlayer_lowered  }
0xa2: {  	s22 =	simm.s32 $0x1BFF;
	s21 =	sshll.u32 s9, $0x1;
	s6 =	sadd.s32 s7, s19  }
0xa3: {  	s10 =	simm.s32 $0x0;
	s20 =	sshll.u32 s8, $0x1;
	s8 =	sadd.s32 s21, s6  }
0xa4: {  	[timem:s10], [sflag:s22] =	dma.local [hbm:s8], s20  }
0xa5: {  	_ =	swait.ge [sflag:s22], s20  }
0xa6: {  	s7 =	ssub.s32 $0x0, s20;
	[sflag:s22] =	ssyncset.done $0x0  }
0xa7: {  	[sflag:s22] =	ssyncadd.s32 s7;
	_ =	sdelay $0x1  }
0xa8: {  	s23 =	simm.s32 $0x1B8B  }
0xa9: {  	_ =	swait.ge [sflag:s23], $0x1  }
0xaa: {  	[sflag:s23] =	ssyncset.done $0x0  }
0xab: {  	s25 =	simm.s32 $0x1B8E;
	s24 =	sld [smem:$0x3FFE];
	[sflag:s23] =	ssyncadd.s32 $0xFFFFFFFF  }
0xac: {  	s26 =	simm.s32 $execute0_lowered;
	[smem:$0x3FD2] =	sst s25  }
0xad: {  	s8 =	sshll.u32 s26, $0x1;
	_ =	strace $0x80000046;
	[dreg:$0x1] =	wrdreg $0xFFFFFFFF  }
0xae: {  	s28 =	simm.s32 $_size_execute0_lowered;
	s6 =	sadd.s32 s6, s8;
	[dreg:$0x0] =	wrdreg $0x0  }
0xaf: {  	s8 =	sshll.u32 s28, $0x1;
	[dreg:$0x2] =	wrdreg s6  }
0xb0: {  	[dreg:$0x3] =	wrdreg s8  }
0xb1: {  	[dreg:$0x4] =	wrdreg $0xC0  }
0xb2: {  	_ =	task [dreg:s10], $0x5FFFF  }
0xb3: {  	[dreg:$0x1] =	wrdreg $0xFFFFFFFF  }
0xb4: {  	[dreg:$0x0] =	wrdreg $0x60  }
0xb5: {  	[dreg:$0x2] =	wrdreg s24  }
0xb6: {  	[dreg:$0x3] =	wrdreg s15  }
0xb7: {  	[dreg:$0x4] =	wrdreg s4  }
0xb8: {  	[dreg:$0x5] =	wrdreg s16  }
0xb9: {  	[dreg:$0x6] =	wrdreg s17  }
0xba: {  	[dreg:$0x7] =	wrdreg $0x9  }
0xbb: {  	_ =	task.clear_ibuf [dreg:s10], $0x8FFFF;
	_ =	strace $0x90000046  }
0xbc: {  	s29 =	simm.s32 $0x9;
	_ =	strace $0x80000048  }
0xbd: {  	_ =	swait.ge [sflag:s29], $0x1  }
0xbe: {  	[sflag:s29] =	ssyncadd.s32 $0xFFFFFFFF  }
0xbf: {  	_ =	strace $0x90000048  }
0xc0: {  	_ =	sfence  }
0xc1: {  	s30 =	sld [smem:$0x0];
	_ =	sdelay $0x2  }
0xc2: {  	s31 =	sshll.u32 s1, $0xD;
	s1 =	sshrl.u32 s1, $0x2  }
0xc3: {  	s3 =	sand.u32 $0x4000, s31;
	s1 =	sadd.s32 s1, s30  }
0xc4: {  	s0 =	sor.u32 s3, s0;
	s1 =	sshll.u32 s1, $0x11  }
0xc5: {  	s0 =	sor.u32 s1, s0  }
0xc6: {  	s0 =	sadd.s32 $0x8F2B, s0  }
0xc7: {  	[sflag:s0] =	ssyncadd.remote.s32 $0x1  }
0xc8: {  	_ =	sfence.sel $0xFFFF  }
0xc9: {  	[dreg:$0x0] =	wrdreg $0xFFFFFFFF;
	(pc) =	sbr.abs _section_cstart, $3  }
0xca: {  	[dreg:$0x1] =	wrdreg $0xFFFFFFFF  }
0xcb: {  	_ =	task.clear_ibuf [dreg:s10], $0x2FFFF;
	_ =	strace $0x9FFFFFFF  }
0xcc: {  	(tm) =	ssettm $0x7FFFFFFF  }
0xcd: {  	_ =	shalt  }
tec
execute0_lowered:
.L_overlay_start_1:
0x0: {  	(tag) =	ssettag $0x1  }
0x1: {  	s0 =	srdreg.scid;
	s1 =	stileid.u32  }
0x2: {  	s5 =	rddreg [dreg:$0x3];
	s0 =	sand.u32 $0x1, s0;
	s1 =	sshll.u32 s1, $0x1  }
0x3: {  	s8 =	rddreg [dreg:$0x1];
	s4 =	sadd.s32 $0x1A000, s5;
	s26 =	sor.u32 s0, s1  }
0x4: {  	[smem:$0x7B6] =	sst s4;
	s11 =	sshll.u32 s26, $0x7  }
0x5: {  	s2 =	ssub.s32 $0x2, s0;
	s6 =	sor.u32 $0x20, s26;
	[smem:$0x7F7] =	sst s11  }
0x6: {  	s9 =	sshrl.u32 s2, $0x1;
	s20 =	sor.u32 $0x40, s26;
	[smem:$0x7F8] =	sst s6  }
0x7: {  	s3 =	sshll.u32 s26, $0xD;
	s1 =	ssub.s32 s2, s9;
	[smem:$0x7D0] =	sst s20  }
0x8: {  	s7 =	sadd.s32 $0x2000, s5;
	s0 =	sadd.s32 s8, s3;
	[smem:$0x7FB] =	sst s1  }
0x9: {  	s15 =	sshll.u32 s26, $0x12;
	s10 =	sadd.s32 s3, s5;
	[smem:$0x7A1] =	sst s0  }
0xa: {  	s12 =	sadd.s32 s5, s15;
	s13 =	sadd.s32 s15, s7;
	[smem:$0x7FA] =	sst s10  }
0xb: {  	s8 =	sadd.s32 $0x4000, s5;
	s9 =	sadd.s32 $0x6000, s5;
	[dreg:$0x9] =	wrdreg s12  }
0xc: {  	s19 =	sshll.u32 s6, $0x9;
	s3 =	sadd.s32 $0x18000, s5;
	[dreg:$0xc] =	wrdreg s13  }
0xd: {  	s0 =	sand.u32 $0x380, s11;
	s14 =	sadd.s32 s15, s8;
	[smem:$0x7B4] =	sst s3  }
0xe: {  	s16 =	sadd.s32 s15, s9;
	s10 =	sadd.s32 $0x8000, s5;
	[dreg:$0xb] =	wrdreg s14  }
0xf: {  	s1 =	sand.u32 $0x7000, s19;
	s19 =	sadd.s32 $0x1C000, s5;
	[dreg:$0x6] =	wrdreg s16  }
0x10: {  	s11 =	sadd.s32 $0xA000, s5;
	s17 =	sadd.s32 s15, s10;
	[smem:$0x7B8] =	sst s19  }
0x11: {  	s12 =	sadd.s32 $0xC000, s5;
	s18 =	sadd.s32 s15, s11;
	[dreg:$0x7] =	wrdreg s17  }
0x12: {  	s2 =	sshll.u32 s20, $0x9;
	s21 =	sadd.s32 s15, s12;
	[dreg:$0x8] =	wrdreg s18  }
0x13: {  	s22 =	sand.u32 $0x9000, s2;
	s1 =	sor.u32 s0, s1;
	[dreg:$0xa] =	wrdreg s21  }
0x14: {  	s13 =	sadd.s32 $0xE000, s5;
	s0 =	sor.u32 s0, s22;
	[smem:$0x7FC] =	sst s1  }
0x15: {  	s23 =	sadd.s32 s15, s13;
	[smem:$0x7FD] =	sst s0  }
0x16: {  	s20 =	sadd.s32 s15, s19;
	[dreg:$0xd] =	wrdreg s23  }
0x17: {  	s22 =	sadd.s32 $0x20000, s5;
	[dreg:$0x14] =	wrdreg s20  }
0x18: {  	s14 =	sadd.s32 $0x10000, s5;
	s19 =	sadd.s32 $0x22000, s5;
	[smem:$0x7BC] =	sst s22  }
0x19: {  	s16 =	sadd.s32 $0x12000, s5;
	s24 =	sadd.s32 s15, s14;
	[smem:$0x7E3] =	sst s19  }
0x1a: {  	s25 =	sadd.s32 s15, s16;
	[dreg:$0xe] =	wrdreg s24  }
0x1b: {  	s0 =	sadd.s32 s15, s3;
	[dreg:$0xf] =	wrdreg s25  }
0x1c: {  	s21 =	sadd.s32 $0x1E000, s5;
	[dreg:$0x12] =	wrdreg s0  }
0x1d: {  	s23 =	sadd.s32 s15, s19;
	[smem:$0x7BA] =	sst s21  }
0x1e: {  	s17 =	sadd.s32 $0x14000, s5;
	s20 =	sadd.s32 $0x26000, s5;
	[dreg:$0x17] =	wrdreg s23  }
0x1f: {  	s18 =	sadd.s32 $0x16000, s5;
	s1 =	sadd.s32 s15, s17;
	[smem:$0x7E6] =	sst s20  }
0x20: {  	s2 =	sadd.s32 s15, s18;
	[dreg:$0x10] =	wrdreg s1  }
0x21: {  	s0 =	sadd.s32 s15, s4;
	[dreg:$0x11] =	wrdreg s2  }
0x22: {  	s24 =	sadd.s32 $0x24000, s5;
	[dreg:$0x13] =	wrdreg s0  }
0x23: {  	s25 =	sadd.s32 $0x28000, s5;
	[smem:$0x7BF] =	sst s24  }
0x24: {  	s4 =	sadd.s32 $0x2C000, s5;
	[smem:$0x7C2] =	sst s25  }
0x25: {  	s0 =	sadd.s32 s15, s21;
	[smem:$0x7C5] =	sst s4  }
0x26: {  	s1 =	sadd.s32 s15, s20;
	[dreg:$0x15] =	wrdreg s0  }
0x27: {  	s2 =	sadd.s32 s15, s25;
	[dreg:$0x19] =	wrdreg s1  }
0x28: {  	s21 =	sadd.s32 $0x2A000, s5;
	[dreg:$0x1a] =	wrdreg s2  }
0x29: {  	s0 =	sadd.s32 s15, s22;
	[smem:$0x7E9] =	sst s21  }
0x2a: {  	s3 =	sadd.s32 s15, s21;
	[dreg:$0x16] =	wrdreg s0  }
0x2b: {  	s31 =	sadd.s32 $0x34000, s5;
	s22 =	sadd.s32 $0x2E000, s5;
	[dreg:$0x1b] =	wrdreg s3  }
0x2c: {  	s30 =	sadd.s32 $0x36000, s5;
	s1 =	sadd.s32 s15, s31;
	[smem:$0x7EC] =	sst s22  }
0x2d: {  	s2 =	sadd.s32 s15, s30;
	[smem:$0x7A2] =	sst s1  }
0x2e: {  	s0 =	sadd.s32 s15, s24;
	[smem:$0x7A3] =	sst s2  }
0x2f: {  	s23 =	sadd.s32 s15, s22;
	[dreg:$0x18] =	wrdreg s0  }
0x30: {  	s29 =	sadd.s32 $0x38000, s5;
	s24 =	sadd.s32 $0x30000, s5;
	[dreg:$0x1d] =	wrdreg s23  }
0x31: {  	s3 =	sadd.s32 s15, s29;
	[smem:$0x7C8] =	sst s24  }
0x32: {  	s0 =	sadd.s32 s15, s4;
	[smem:$0x7A4] =	sst s3  }
0x33: {  	s28 =	sadd.s32 $0x3A000, s5;
	s23 =	sadd.s32 $0x32000, s5;
	[dreg:$0x1c] =	wrdreg s0  }
0x34: {  	s4 =	sadd.s32 s15, s28;
	[smem:$0x7EF] =	sst s23  }
0x35: {  	s25 =	sadd.s32 s15, s23;
	[smem:$0x7A5] =	sst s4  }
0x36: {  	s0 =	sadd.s32 s15, s24;
	[dreg:$0x1f] =	wrdreg s25;
	s25 =	sadd.s32 $0x3C000, s5  }
0x37: {  	[dreg:$0x1e] =	wrdreg s0;
	s0 =	sshll.u32 s6, $0x12;
	s24 =	sadd.s32 s15, s25  }
0x38: {  	s1 =	sadd.s32 s5, s0;
	[smem:$0x7A6] =	sst s24  }
0x39: {  	s2 =	sadd.s32 s0, s7;
	[smem:$0x7A8] =	sst s1  }
0x3a: {  	s3 =	sadd.s32 s0, s8;
	[smem:$0x7A9] =	sst s2  }
0x3b: {  	s4 =	sadd.s32 s0, s9;
	[smem:$0x7AA] =	sst s3  }
0x3c: {  	s6 =	sadd.s32 s0, s10;
	[smem:$0x7AB] =	sst s4  }
0x3d: {  	s19 =	sadd.s32 s0, s19;
	[smem:$0x7AC] =	sst s6  }
0x3e: {  	[smem:$0x7BE] =	sst s19  }
0x3f: {  	s20 =	sadd.s32 s0, s20;
	s19 =	sld [smem:$0x7BF]  }
0x40: {  	[smem:$0x7C1] =	sst s20  }
0x41: {  	s21 =	sadd.s32 s0, s21;
	s20 =	sld [smem:$0x7C2]  }
0x42: {  	s2 =	smov.u32 s8;
	s3 =	smov.u32 s9;
	[smem:$0x7C4] =	sst s21  }
0x43: {  	s8 =	sadd.s32 s0, s12;
	s9 =	sadd.s32 s0, s13;
	s21 =	sld [smem:$0x7C5]  }
0x44: {  	[smem:$0x7AE] =	sst s8;
	s8 =	smov.u32 s13;
	s13 =	sadd.s32 s0, s18  }
0x45: {  	[smem:$0x7B3] =	sst s13  }
0x46: {  	s22 =	sadd.s32 s0, s22;
	s13 =	sld [smem:$0x7B4]  }
0x47: {  	[smem:$0x7C7] =	sst s22  }
0x48: {  	s4 =	smov.u32 s10;
	s10 =	sadd.s32 s0, s14;
	s22 =	sld [smem:$0x7C8]  }
0x49: {  	[smem:$0x7AF] =	sst s9;
	s9 =	smov.u32 s14;
	s14 =	sadd.s32 s0, s13  }
0x4a: {  	[smem:$0x7B5] =	sst s14  }
0x4b: {  	s23 =	sadd.s32 s0, s23;
	s14 =	sld [smem:$0x7B6]  }
0x4c: {  	s1 =	smov.u32 s7;
	s7 =	sadd.s32 s0, s11;
	[smem:$0x7CA] =	sst s23  }
0x4d: {  	s6 =	smov.u32 s11;
	s11 =	sadd.s32 s0, s16;
	[smem:$0x7AD] =	sst s7  }
0x4e: {  	[smem:$0x7B0] =	sst s10;
	s10 =	smov.u32 s16;
	s16 =	sadd.s32 s0, s14  }
0x4f: {  	[smem:$0x7B7] =	sst s16  }
0x50: {  	s24 =	sadd.s32 $0x3E000, s5;
	s16 =	sld [smem:$0x7B8]  }
0x51: {  	s23 =	sadd.s32 s0, s31;
	s15 =	sadd.s32 s15, s24;
	[smem:$0x7B1] =	sst s11  }
0x52: {  	s7 =	smov.u32 s12;
	s11 =	smov.u32 s17;
	[smem:$0x7CB] =	sst s23  }
0x53: {  	s12 =	sadd.s32 s0, s17;
	[smem:$0x7A7] =	sst s15;
	s17 =	sadd.s32 s0, s16  }
0x54: {  	[smem:$0x7B9] =	sst s17  }
0x55: {  	s17 =	sld [smem:$0x7BA]  }
0x56: {  	s23 =	sadd.s32 s0, s30;
	[smem:$0x7B2] =	sst s12  }
0x57: {  	[smem:$0x7CC] =	sst s23;
	s23 =	sadd.s32 s0, s29  }
0x58: {  	s12 =	smov.u32 s18;
	[smem:$0x7CD] =	sst s23;
	s18 =	sadd.s32 s0, s17  }
0x59: {  	[smem:$0x7BB] =	sst s18  }
0x5a: {  	s23 =	sadd.s32 s0, s28;
	s18 =	sld [smem:$0x7BC]  }
0x5b: {  	[smem:$0x7CE] =	sst s23;
	s23 =	sadd.s32 s0, s25  }
0x5c: {  	[smem:$0x7CF] =	sst s23  }
0x5d: {  	s23 =	sld [smem:$0x7D0];
	s15 =	sadd.s32 s0, s18  }
0x5e: {  	[smem:$0x7BD] =	sst s15;
	s15 =	sadd.s32 s0, s19  }
0x5f: {  	[smem:$0x7C0] =	sst s15;
	s15 =	sadd.s32 s0, s20  }
0x60: {  	[smem:$0x7C3] =	sst s15;
	s15 =	sadd.s32 s0, s21  }
0x61: {  	[smem:$0x7C6] =	sst s15;
	s15 =	sadd.s32 s0, s22  }
0x62: {  	s0 =	sadd.s32 s0, s24;
	[smem:$0x7C9] =	sst s15;
	s15 =	sshll.u32 s23, $0x12  }
0x63: {  	[smem:$0x7D1] =	sst s0;
	s5 =	sadd.s32 s5, s15  }
0x64: {  	s1 =	sadd.s32 s15, s1;
	[smem:$0x7D2] =	sst s5  }
0x65: {  	s2 =	sadd.s32 s15, s2;
	[smem:$0x7D3] =	sst s1  }
0x66: {  	s3 =	sadd.s32 s15, s3;
	[smem:$0x7D4] =	sst s2  }
0x67: {  	s4 =	sadd.s32 s15, s4;
	[smem:$0x7D5] =	sst s3  }
0x68: {  	s19 =	sadd.s32 s15, s19;
	[smem:$0x7D6] =	sst s4;
	s5 =	sadd.s32 s15, s6  }
0x69: {  	s6 =	sadd.s32 s15, s7;
	s7 =	sadd.s32 s15, s8;
	s8 =	sadd.s32 s15, s9  }
0x6a: {  	s9 =	sadd.s32 s15, s10;
	s10 =	sadd.s32 s15, s11;
	s11 =	sadd.s32 s15, s12  }
0x6b: {  	s12 =	sadd.s32 s15, s13;
	s13 =	sadd.s32 s15, s14;
	s14 =	sadd.s32 s15, s16  }
0x6c: {  	s16 =	sadd.s32 s15, s17;
	s17 =	sadd.s32 s15, s18;
	s18 =	sld [smem:$0x7E3]  }
0x6d: {  	[smem:$0x7E5] =	sst s19  }
0x6e: {  	s1 =	sld [smem:$0x7E6]  }
0x6f: {  	s3 =	sld [smem:$0x7E9]  }
0x70: {  	s19 =	sld [smem:$0x7F7]  }
0x71: {  	[smem:$0x7D7] =	sst s5  }
0x72: {  	[smem:$0x7D8] =	sst s6  }
0x73: {  	[smem:$0x7D9] =	sst s7  }
0x74: {  	[smem:$0x7DA] =	sst s8  }
0x75: {  	[smem:$0x7DB] =	sst s9  }
0x76: {  	[smem:$0x7DC] =	sst s10  }
0x77: {  	[smem:$0x7DD] =	sst s11  }
0x78: {  	[smem:$0x7DE] =	sst s12  }
0x79: {  	[smem:$0x7DF] =	sst s13  }
0x7a: {  	[smem:$0x7E0] =	sst s14  }
0x7b: {  	[smem:$0x7E1] =	sst s16  }
0x7c: {  	s2 =	sadd.s32 s15, s20;
	[smem:$0x7E2] =	sst s17  }
0x7d: {  	[smem:$0x7E8] =	sst s2  }
0x7e: {  	s7 =	sld [smem:$0x7EC]  }
0x7f: {  	s9 =	sld [smem:$0x7EF]  }
0x80: {  	s6 =	sadd.s32 s15, s21;
	s21 =	sld [smem:$0x7F8]  }
0x81: {  	p0 =	seq.s32 s26, $0x5;
	s5 =	rddreg [dreg:$0x0]  }
0x82: {  	p1 =	sgt.u32 s26, $0xC;
	s8 =	sadd.s32 s15, s22;
	[smem:$0x7EB] =	sst s6  }
0x83: {  	s4 =	stileid.u32;
	s11 =	sadd.s32 s15, s31;
	[smem:$0x7EE] =	sst s8  }
0x84: {  	s10 =	smov.u32 s26;
	s12 =	sadd.s32 s15, s30;
	[smem:$0x7F1] =	sst s11  }
0x85: {  	s13 =	sadd.s32 s15, s29;
	s14 =	sadd.s32 s15, s28;
	[smem:$0x7F2] =	sst s12  }
0x86: {  	s16 =	sadd.s32 s15, s25;
	s17 =	sshll.u32 s4, $0xD;
	[smem:$0x7F3] =	sst s13  }
0x87: {  	s20 =	sshll.u32 s4, $0xA;
	s25 =	sshll.u32 s23, $0xC;
	[smem:$0x7F4] =	sst s14  }
0x88: {  	s29 =	simm.s32 $0x5;
	s30 =	simm.s32 $0x80;
	[smem:$0x7F5] =	sst s16  }
0x89: {  	s0 =	sadd.s32 s15, s18;
	s18 =	sadd.s32 s15, s24;
	s24 =	rddreg [dreg:$0x4]  }
0x8a: {  	s31 =	simm.s32 $0xC080;
	s22 =	smov.u32 s19;
	[smem:$0x7E4] =	sst s0  }
0x8b: {  	s0 =	sadd.s32 s15, s1;
	[smem:$0x7F6] =	sst s18;
	s1 =	sor.u32 s19, s20  }
0x8c: {  	s12 =	smov.u32 s21;
	s2 =	sshll.u32 s21, $0xC;
	s4 =	sor.u32 s22, s25  }
0x8d: {  	s21 =	sadd.s32 $0x800, s5;
	s5 =	simm.s32 $0x400;
	[smem:$0x7E7] =	sst s0  }
0x8e: {  	s0 =	sadd.s32 s15, s3;
	s2 =	sor.u32 s19, s2;
	s4 =	sand.u32 $0x48380, s4  }
0x8f: {  	s8 =	sand.u32 $0x3380, s1;
	[smem:$0x7EA] =	sst s0;
	s0 =	sadd.s32 s15, s7  }
0x90: {  	s4 =	sshrl.u32 s4, $0x3;
	[smem:$0x7ED] =	sst s0;
	s0 =	sadd.s32 s15, s9  }
0x91: {  	s3 =	simm.s32 $0x1;
	s6 =	sadd.s32 s24, s4;
	[smem:$0x7F0] =	sst s0  }
0x92: {  	s0 =	sor.u32 s17, s19;
	s17 =	simm.s32 $0x0;
	[smem:$0x7F9] =	sst s6  }
0x93: {  	s2 =	sand.u32 $0x38380, s2;
	s14 =	smov.u32 s8;
	[smem:$0x7FF] =	sst s17  }
0x94: {  	s25 =	sadd.s32 $0x80, s8;
	s19 =	rddreg [dreg:$0x2];
	_ =	strace $0x80000047  }
0x95: {  	s2 =	sshrl.u32 s2, $0x3;
	s4 =	simm.s32 $0x2;
	s7 =	sld [smem:$0x7FA]  }
0x96: {  	s20 =	sadd.s32 s24, s2;
	s0 =	sand.u32 $0x18380, s0;
	s9 =	sld [smem:$0x7FB]  }
.Ltmp0:
0x97: {  	s0 =	sshrl.u32 s0, $0x3;
	s11 =	sld [smem:$0x7FC];
	(pc) =	sbr.rel .LBB2_1-.Ltmp0, $4  }
0x98: {  	s6 =	simm.s32 $0x3;
	s18 =	sadd.s32 s24, s0;
	s13 =	sld [smem:$0x7FD]  }
0x99: {  	v2 =	vlaneseq.u32;
	s24 =	sadd.s32 $0x100, s19;
	s0 =	simm.s32 $0x4;
	s22 =	sadd.s32 $0x140000, s7  }
0x9a: {  	vm0 =	vmmov $0xffff;
	v1 =	vshrl.u32 v2, $0x3;
	s23 =	smax.u32 s9, $0x1;
	s16 =	smov.u32 s11;
	s26 =	sadd.s32 $0x80, s11  }
0x9b: {  	v0 =	vand.u32 $0x7, v2;
	v2 =	vor.u32 $0x8, v2;
	v1 =	vmul.u32 $0x8, v1;
	s15 =	smov.u32 s13;
	s28 =	sadd.s32 $0x80, s13;
	s7 =	simm.s32 $0x0  }
.LBB2_18:
0x9c: {  	s1 =	sld [smem:$0x7F9];
	_ =	sdelay $0x1  }
0x9d: {  	[tilespmem:s2+$0x1E080] =	vst v3;
	s13 =	simm.s32 $0x1E080  }
0x9e: {  	[hbm4b:s1+s30] =	stream.strided.scatter [tilespmem:s13], [sflag:$0x4], $0x1000, s5, s30, $0x38;
	[tilespmem:$0x1F080] =	vst v63  }
0x9f: {  	_ =	swait.ge [sflag:s6], $0x10000  }
0xa0: {  	[sflag:s6] =	ssyncset.done $0x0  }
0xa1: {  	[sflag:s6] =	ssyncadd.s32 $0xFFFF0000  }
0xa2: {  	_ =	swait.ge [sflag:s6], $0x10000  }
0xa3: {  	[sflag:s6] =	ssyncset.done $0x0  }
0xa4: {  	[sflag:s6] =	ssyncadd.s32 $0xFFFF0000  }
0xa5: {  	_ =	swait.ge [sflag:s6], $0x10000  }
0xa6: {  	[sflag:s6] =	ssyncset.done $0x0  }
0xa7: {  	[sflag:s6] =	ssyncadd.s32 $0xFFFF0000  }
0xa8: {  	_ =	swait.ge [sflag:s6], $0x10000  }
0xa9: {  	[sflag:s6] =	ssyncset.done $0x0  }
0xaa: {  	[sflag:s6] =	ssyncadd.s32 $0xFFFF0000  }
0xab: {  	_ =	swait.ge [sflag:s6], $0x10000  }
0xac: {  	[sflag:s6] =	ssyncset.done $0x0  }
0xad: {  	[sflag:s6] =	ssyncadd.s32 $0xFFFF0000  }
0xae: {  	_ =	swait.ge [sflag:s6], $0x10000  }
0xaf: {  	[sflag:s6] =	ssyncset.done $0x0  }
0xb0: {  	[sflag:s6] =	ssyncadd.s32 $0xFFFF0000  }
0xb1: {  	_ =	swait.ge [sflag:s6], $0x10000  }
0xb2: {  	[sflag:s6] =	ssyncset.done $0x0  }
0xb3: {  	[sflag:s6] =	ssyncadd.s32 $0xFFFF0000  }
0xb4: {  	_ =	swait.ge [sflag:s6], $0x10000  }
0xb5: {  	[sflag:s6] =	ssyncset.done $0x0  }
0xb6: {  	[sflag:s6] =	ssyncadd.s32 $0xFFFF0000  }
0xb7: {  	_ =	swait.ge [sflag:s6], $0x10000  }
0xb8: {  	[sflag:s6] =	ssyncset.done $0x0  }
0xb9: {  	[sflag:s6] =	ssyncadd.s32 $0xFFFF0000  }
0xba: {  	_ =	swait.ge [sflag:s6], $0x10000  }
0xbb: {  	[sflag:s6] =	ssyncset.done $0x0  }
0xbc: {  	[sflag:s6] =	ssyncadd.s32 $0xFFFF0000  }
0xbd: {  	_ =	swait.ge [sflag:s6], $0x10000  }
0xbe: {  	[sflag:s6] =	ssyncset.done $0x0  }
0xbf: {  	[sflag:s6] =	ssyncadd.s32 $0xFFFF0000  }
0xc0: {  	_ =	swait.ge [sflag:s6], $0x10000  }
0xc1: {  	[sflag:s6] =	ssyncset.done $0x0  }
0xc2: {  	[sflag:s6] =	ssyncadd.s32 $0xFFFF0000  }
0xc3: {  	_ =	swait.ge [sflag:s6], $0x10000  }
0xc4: {  	[sflag:s6] =	ssyncset.done $0x0  }
0xc5: {  	[sflag:s6] =	ssyncadd.s32 $0xFFFF0000  }
0xc6: {  	_ =	swait.ge [sflag:s6], $0x10000  }
0xc7: {  	[sflag:s6] =	ssyncset.done $0x0  }
0xc8: {  	[sflag:s6] =	ssyncadd.s32 $0xFFFF0000  }
0xc9: {  	_ =	swait.ge [sflag:s6], $0x10000  }
0xca: {  	[sflag:s6] =	ssyncset.done $0x0  }
0xcb: {  	[sflag:s6] =	ssyncadd.s32 $0xFFFF0000  }
0xcc: {  	_ =	swait.ge [sflag:s6], $0x10000  }
0xcd: {  	[sflag:s6] =	ssyncset.done $0x0  }
0xce: {  	[sflag:s6] =	ssyncadd.s32 $0xFFFF0000  }
0xcf: {  	_ =	swait.ge [sflag:s6], $0x10000  }
0xd0: {  	[sflag:s6] =	ssyncset.done $0x0  }
0xd1: {  	[sflag:s6] =	ssyncadd.s32 $0xFFFF0000  }
0xd2: {  	_ =	swait.ge [sflag:s6], $0x10000  }
0xd3: {  	[sflag:s6] =	ssyncset.done $0x0  }
0xd4: {  	[sflag:s6] =	ssyncadd.s32 $0xFFFF0000  }
0xd5: {  	_ =	swait.ge [sflag:s6], $0x10000  }
0xd6: {  	[sflag:s6] =	ssyncset.done $0x0  }
0xd7: {  	[sflag:s6] =	ssyncadd.s32 $0xFFFF0000  }
0xd8: {  	_ =	swait.ge [sflag:s6], $0x10000  }
0xd9: {  	[sflag:s6] =	ssyncset.done $0x0  }
0xda: {  	[sflag:s6] =	ssyncadd.s32 $0xFFFF0000  }
0xdb: {  	_ =	swait.ge [sflag:s6], $0x10000  }
0xdc: {  	[sflag:s6] =	ssyncset.done $0x0  }
0xdd: {  	[sflag:s6] =	ssyncadd.s32 $0xFFFF0000  }
0xde: {  	_ =	swait.ge [sflag:s6], $0x10000  }
0xdf: {  	[sflag:s6] =	ssyncset.done $0x0  }
0xe0: {  	[sflag:s6] =	ssyncadd.s32 $0xFFFF0000  }
0xe1: {  	_ =	swait.ge [sflag:s6], $0x10000  }
0xe2: {  	[sflag:s6] =	ssyncset.done $0x0  }
0xe3: {  	[sflag:s6] =	ssyncadd.s32 $0xFFFF0000  }
0xe4: {  	_ =	swait.ge [sflag:s6], $0x10000  }
0xe5: {  	[sflag:s6] =	ssyncset.done $0x0  }
0xe6: {  	[sflag:s6] =	ssyncadd.s32 $0xFFFF0000  }
0xe7: {  	_ =	swait.ge [sflag:s6], $0x10000  }
0xe8: {  	[sflag:s6] =	ssyncset.done $0x0  }
0xe9: {  	[sflag:s6] =	ssyncadd.s32 $0xFFFF0000  }
0xea: {  	_ =	swait.ge [sflag:s6], $0x10000  }
0xeb: {  	[sflag:s6] =	ssyncset.done $0x0  }
0xec: {  	[sflag:s6] =	ssyncadd.s32 $0xFFFF0000  }
0xed: {  	_ =	swait.ge [sflag:s6], $0x10000  }
0xee: {  	[sflag:s6] =	ssyncset.done $0x0  }
0xef: {  	[sflag:s6] =	ssyncadd.s32 $0xFFFF0000  }
0xf0: {  	_ =	swait.ge [sflag:s6], $0x10000  }
0xf1: {  	[sflag:s6] =	ssyncset.done $0x0  }
0xf2: {  	[sflag:s6] =	ssyncadd.s32 $0xFFFF0000  }
0xf3: {  	_ =	swait.ge [sflag:s6], $0x10000  }
0xf4: {  	[sflag:s6] =	ssyncset.done $0x0  }
0xf5: {  	[sflag:s6] =	ssyncadd.s32 $0xFFFF0000  }
0xf6: {  	_ =	swait.ge [sflag:s6], $0x10000  }
0xf7: {  	[sflag:s6] =	ssyncset.done $0x0  }
0xf8: {  	[sflag:s6] =	ssyncadd.s32 $0xFFFF0000  }
0xf9: {  	_ =	swait.ge [sflag:s6], $0x10000  }
0xfa: {  	[sflag:s6] =	ssyncset.done $0x0  }
0xfb: {  	[sflag:s6] =	ssyncadd.s32 $0xFFFF0000  }
0xfc: {  	_ =	swait.ge [sflag:s6], $0x10000  }
0xfd: {  	[sflag:s6] =	ssyncset.done $0x0  }
0xfe: {  	[sflag:s6] =	ssyncadd.s32 $0xFFFF0000  }
0xff: {  	_ =	swait.ge [sflag:s0], $0x1000  }
0x100: {  	[sflag:s0] =	ssyncset.done $0x0  }
0x101: {  	[sflag:s0] =	ssyncadd.s32 $0xFFFFF000  }
.LBB2_19:
0x102: {  	s7 =	sadd.s32 $0x1, s7  }
0x103: {  	_ =	swait.ge [sflag:s0], $0x1000;
	p2 =	sne.s32 s7, s23  }
.Ltmp1:
0x104: {  	[sflag:s0] =	ssyncset.done $0x0;
	(pc) =	sbr.rel @!p2 .LBB2_20-.Ltmp1, $4  }
0x105: {  	[sflag:s0] =	ssyncadd.s32 $0xFFFFF000  }
0x106: {  	_ =	swait.ge [sflag:s0], $0x1000  }
0x107: {  	[sflag:s0] =	ssyncset.done $0x0  }
0x108: {  	[sflag:s0] =	ssyncadd.s32 $0xFFFFF000  }
.LBB2_1:
0x109: {  	[tilespmem:s17], [sflag:$0x5] =	stream.linear.gather [hbm4b:s21+s17], $0x80, $0x38;
	[tilespmem:$0x1F080] =	vst v63  }
0x10a: {  	_ =	swait.ge [sflag:s29], $0x80  }
0x10b: {  	[sflag:s29] =	ssyncset.done $0x0  }
0x10c: {  	[sflag:s29] =	ssyncadd.s32 $0xFFFFFF80  }
0x10d: {  	v3 =	vld [tilespmem:$0x0];
	_ =	sdelay $0x4  }
0x10e: {  	v4 =	vshll.u32 v3, $0x2  }
0x10f: {  	v3 =	vand.u32 $0x7, v3;
	v4 =	vand.u32 $0xFFFFFFE0, v4  }
0x110: {  	v3 =	vor.u32 v3, v4  }
0x111: {  	v4 =	vperm.xlane v3, v0;
	_ =	sdelay $0x1  }
0x112: {  	v4 =	vadd.s32 v1, v4;
	_ =	sdelay $0x1  }
0x113: {  	v3 =	vperm.xlane v3, v2;
	_ =	sdelay $0x1  }
0x114: {  	v3 =	vadd.s32 v1, v3  }
0x115: {  	[tilespmem:s30], [sflag:$0x1] =	stream.indirect_vreg.gather [hbm4b:s19+s17], $0x80, v4, vm0, $0xb8;
	[tilespmem:$0x1F080] =	vst v63  }
0x116: {  	s1 =	simm.s32 $0x880  }
0x117: {  	[tilespmem:s1], [sflag:$0x1] =	stream.indirect_vreg.gather [hbm4b:s24+s17], $0x80, v4, vm0, $0xb8;
	[tilespmem:$0x1F080] =	vst v63  }
0x118: {  	s9 =	simm.s32 $0x1080  }
0x119: {  	[tilespmem:s9], [sflag:$0x1] =	stream.indirect_vreg.gather [hbm4b:s19+s17], $0x80, v3, vm0, $0xb8;
	[tilespmem:$0x1F080] =	vst v63  }
0x11a: {  	s11 =	simm.s32 $0x1880  }
0x11b: {  	[tilespmem:s11], [sflag:$0x1] =	stream.indirect_vreg.gather [hbm4b:s24+s17], $0x80, v3, vm0, $0xb8;
	[tilespmem:$0x1F080] =	vst v63  }
0x11c: {  	v3 =	vld [tilespmem:$0x10];
	_ =	sdelay $0x4  }
0x11d: {  	v59 =	vshll.u32 v3, $0x2  }
0x11e: {  	v3 =	vand.u32 $0x7, v3;
	v4 =	vand.u32 $0xFFFFFFE0, v59  }
0x11f: {  	v3 =	vor.u32 v3, v4  }
0x120: {  	v4 =	vperm.xlane v3, v0;
	_ =	sdelay $0x1  }
0x121: {  	v4 =	vadd.s32 v1, v4;
	_ =	sdelay $0x1  }
0x122: {  	v3 =	vperm.xlane v3, v2;
	_ =	sdelay $0x1  }
0x123: {  	s13 =	simm.s32 $0x2080;
	v3 =	vadd.s32 v1, v3  }
0x124: {  	[tilespmem:s13], [sflag:$0x1] =	stream.indirect_vreg.gather [hbm4b:s19+s17], $0x80, v4, vm0, $0xb8;
	[tilespmem:$0x1F080] =	vst v63  }
0x125: {  	s2 =	simm.s32 $0x2880  }
0x126: {  	[tilespmem:s2], [sflag:$0x1] =	stream.indirect_vreg.gather [hbm4b:s24+s17], $0x80, v4, vm0, $0xb8;
	[tilespmem:$0x1F080] =	vst v63  }
0x127: {  	s8 =	simm.s32 $0x3080  }
0x128: {  	[tilespmem:s8], [sflag:$0x1] =	stream.indirect_vreg.gather [hbm4b:s19+s17], $0x80, v3, vm0, $0xb8;
	[tilespmem:$0x1F080] =	vst v63  }
0x129: {  	s9 =	simm.s32 $0x3880  }
0x12a: {  	[tilespmem:s9], [sflag:$0x1] =	stream.indirect_vreg.gather [hbm4b:s24+s17], $0x80, v3, vm0, $0xb8;
	[tilespmem:$0x1F080] =	vst v63  }
0x12b: {  	v3 =	vld [tilespmem:$0x20];
	_ =	sdelay $0x4  }
0x12c: {  	v60 =	vshll.u32 v3, $0x2  }
0x12d: {  	v3 =	vand.u32 $0x7, v3;
	v4 =	vand.u32 $0xFFFFFFE0, v60  }
0x12e: {  	v3 =	vor.u32 v3, v4  }
0x12f: {  	v4 =	vperm.xlane v3, v0;
	_ =	sdelay $0x1  }
0x130: {  	v4 =	vadd.s32 v1, v4;
	_ =	sdelay $0x1  }
0x131: {  	v3 =	vperm.xlane v3, v2;
	_ =	sdelay $0x1  }
0x132: {  	s11 =	simm.s32 $0x4080;
	v3 =	vadd.s32 v1, v3  }
0x133: {  	[tilespmem:s11], [sflag:$0x1] =	stream.indirect_vreg.gather [hbm4b:s19+s17], $0x80, v4, vm0, $0xb8;
	[tilespmem:$0x1F080] =	vst v63  }
0x134: {  	s13 =	simm.s32 $0x4880  }
0x135: {  	[tilespmem:s13], [sflag:$0x1] =	stream.indirect_vreg.gather [hbm4b:s24+s17], $0x80, v4, vm0, $0xb8;
	[tilespmem:$0x1F080] =	vst v63  }
0x136: {  	s2 =	simm.s32 $0x5080  }
0x137: {  	[tilespmem:s2], [sflag:$0x1] =	stream.indirect_vreg.gather [hbm4b:s19+s17], $0x80, v3, vm0, $0xb8;
	[tilespmem:$0x1F080] =	vst v63  }
0x138: {  	s8 =	simm.s32 $0x5880  }
0x139: {  	[tilespmem:s8], [sflag:$0x1] =	stream.indirect_vreg.gather [hbm4b:s24+s17], $0x80, v3, vm0, $0xb8;
	[tilespmem:$0x1F080] =	vst v63  }
0x13a: {  	v3 =	vld [tilespmem:$0x30];
	_ =	sdelay $0x4  }
0x13b: {  	v61 =	vshll.u32 v3, $0x2  }
0x13c: {  	v3 =	vand.u32 $0x7, v3;
	v4 =	vand.u32 $0xFFFFFFE0, v61  }
0x13d: {  	v3 =	vor.u32 v3, v4  }
0x13e: {  	v4 =	vperm.xlane v3, v0;
	_ =	sdelay $0x1  }
0x13f: {  	v4 =	vadd.s32 v1, v4;
	_ =	sdelay $0x1  }
0x140: {  	v3 =	vperm.xlane v3, v2;
	_ =	sdelay $0x1  }
0x141: {  	s9 =	simm.s32 $0x6080;
	v3 =	vadd.s32 v1, v3  }
0x142: {  	[tilespmem:s9], [sflag:$0x1] =	stream.indirect_vreg.gather [hbm4b:s19+s17], $0x80, v4, vm0, $0xb8;
	[tilespmem:$0x1F080] =	vst v63  }
0x143: {  	s11 =	simm.s32 $0x6880  }
0x144: {  	[tilespmem:s11], [sflag:$0x1] =	stream.indirect_vreg.gather [hbm4b:s24+s17], $0x80, v4, vm0, $0xb8;
	[tilespmem:$0x1F080] =	vst v63  }
0x145: {  	s13 =	simm.s32 $0x7080  }
0x146: {  	[tilespmem:s13], [sflag:$0x1] =	stream.indirect_vreg.gather [hbm4b:s19+s17], $0x80, v3, vm0, $0xb8;
	[tilespmem:$0x1F080] =	vst v63  }
0x147: {  	s2 =	simm.s32 $0x7880  }
0x148: {  	[tilespmem:s2], [sflag:$0x1] =	stream.indirect_vreg.gather [hbm4b:s24+s17], $0x80, v3, vm0, $0xb8;
	[tilespmem:$0x1F080] =	vst v63  }
0x149: {  	v3 =	vld [tilespmem:$0x40];
	_ =	sdelay $0x4  }
0x14a: {  	v62 =	vshll.u32 v3, $0x2  }
0x14b: {  	v3 =	vand.u32 $0x7, v3;
	v4 =	vand.u32 $0xFFFFFFE0, v62  }
0x14c: {  	v3 =	vor.u32 v3, v4  }
0x14d: {  	v4 =	vperm.xlane v3, v0;
	_ =	sdelay $0x1  }
0x14e: {  	v4 =	vadd.s32 v1, v4;
	_ =	sdelay $0x1  }
0x14f: {  	v3 =	vperm.xlane v3, v2;
	_ =	sdelay $0x1  }
0x150: {  	s8 =	simm.s32 $0x8080;
	v3 =	vadd.s32 v1, v3  }
0x151: {  	[tilespmem:s8], [sflag:$0x1] =	stream.indirect_vreg.gather [hbm4b:s19+s17], $0x80, v4, vm0, $0xb8;
	[tilespmem:$0x1F080] =	vst v63  }
0x152: {  	s9 =	simm.s32 $0x8880  }
0x153: {  	[tilespmem:s9], [sflag:$0x1] =	stream.indirect_vreg.gather [hbm4b:s24+s17], $0x80, v4, vm0, $0xb8;
	[tilespmem:$0x1F080] =	vst v63  }
0x154: {  	s11 =	simm.s32 $0x9080  }
0x155: {  	[tilespmem:s11], [sflag:$0x1] =	stream.indirect_vreg.gather [hbm4b:s19+s17], $0x80, v3, vm0, $0xb8;
	[tilespmem:$0x1F080] =	vst v63  }
0x156: {  	s13 =	simm.s32 $0x9880  }
0x157: {  	[tilespmem:s13], [sflag:$0x1] =	stream.indirect_vreg.gather [hbm4b:s24+s17], $0x80, v3, vm0, $0xb8;
	[tilespmem:$0x1F080] =	vst v63  }
0x158: {  	v3 =	vld [tilespmem:$0x50];
	_ =	sdelay $0x4  }
0x159: {  	v63 =	vshll.u32 v3, $0x2  }
0x15a: {  	v3 =	vand.u32 $0x7, v3;
	v4 =	vand.u32 $0xFFFFFFE0, v63  }
0x15b: {  	v3 =	vor.u32 v3, v4  }
0x15c: {  	v4 =	vperm.xlane v3, v0;
	_ =	sdelay $0x1  }
0x15d: {  	v4 =	vadd.s32 v1, v4;
	_ =	sdelay $0x1  }
0x15e: {  	v3 =	vperm.xlane v3, v2;
	_ =	sdelay $0x1  }
0x15f: {  	s2 =	simm.s32 $0xA080;
	v3 =	vadd.s32 v1, v3  }
0x160: {  	[tilespmem:s2], [sflag:$0x1] =	stream.indirect_vreg.gather [hbm4b:s19+s17], $0x80, v4, vm0, $0xb8;
	[tilespmem:$0x1F080] =	vst v63  }
0x161: {  	s8 =	simm.s32 $0xA880  }
0x162: {  	[tilespmem:s8], [sflag:$0x1] =	stream.indirect_vreg.gather [hbm4b:s24+s17], $0x80, v4, vm0, $0xb8;
	[tilespmem:$0x1F080] =	vst v63  }
0x163: {  	s9 =	simm.s32 $0xB080  }
0x164: {  	[tilespmem:s9], [sflag:$0x1] =	stream.indirect_vreg.gather [hbm4b:s19+s17], $0x80, v3, vm0, $0xb8;
	[tilespmem:$0x1F080] =	vst v63  }
0x165: {  	s11 =	simm.s32 $0xB880;
	s13 =	sld [smem:$0x7A1]  }
0x166: {  	[tilespmem:s11], [sflag:$0x1] =	stream.indirect_vreg.gather [hbm4b:s24+s17], $0x80, v3, vm0, $0xb8;
	[tilespmem:$0x1F080] =	vst v63  }
0x167: {  	_ = 	snop  }
0x168: {  	[tilespmem:s31], [sflag:$0x4] =	stream.linear.gather [hbm4b:s13+s17], $0x10000, $0x38;
	[tilespmem:$0x1F080] =	vst v63  }
0x169: {  	_ =	swait.ge [sflag:s0], $0x10000  }
0x16a: {  	[sflag:s0] =	ssyncset.done $0x0  }
0x16b: {  	[sflag:s0] =	ssyncadd.s32 $0xFFFF0000  }
0x16c: {  	[hbm4b:s22+s17] =	stream.linear.scatter [tilespmem:s31], [sflag:$0x2], $0x10000, $0x38;
	[tilespmem:$0x1F080] =	vst v63  }
0x16d: {  	_ =	swait.ge [sflag:s3], $0xC000  }
.Ltmp2:
0x16e: {  	[sflag:s3] =	ssyncset.done $0x0;
	(pc) =	sbr.rel @p0 .LBB2_5-.Ltmp2, $4  }
0x16f: {  	[sflag:s3] =	ssyncadd.s32 $0xFFFF4000  }
0x170: {  	_ =	swait.ge [sflag:s4], $0x10000  }
0x171: {  	[sflag:s4] =	ssyncset.done $0x0  }
0x172: {  	[sflag:s4] =	ssyncadd.s32 $0xFFFF0000  }
0x173: {  	v3 =	vld [tilespmem:s14+$0x80]  }
0x174: {  	v4 =	vld [tilespmem:s25+$0x10]  }
0x175: {  	v5 =	vld [tilespmem:s25+$0x20]  }
0x176: {  	v6 =	vld [tilespmem:s25+$0x30]  }
0x177: {  	v7 =	vld [tilespmem:s25+$0x40]  }
0x178: {  	v8 =	vld [tilespmem:s25+$0x50]  }
0x179: {  	v9 =	vld [tilespmem:s25+$0x60]  }
0x17a: {  	v10 =	vld [tilespmem:s25+$0x70]  }
0x17b: {  	v11 =	vld [tilespmem:s25+$0x400]  }
0x17c: {  	v12 =	vld [tilespmem:s25+$0x410]  }
0x17d: {  	v13 =	vld [tilespmem:s25+$0x420]  }
0x17e: {  	v14 =	vld [tilespmem:s25+$0x430]  }
0x17f: {  	v15 =	vld [tilespmem:s25+$0x440]  }
0x180: {  	v16 =	vld [tilespmem:s25+$0x450]  }
0x181: {  	v17 =	vld [tilespmem:s25+$0x460]  }
0x182: {  	v18 =	vld [tilespmem:s25+$0x470]  }
0x183: {  	v19 =	vld [tilespmem:s25+$0x800]  }
0x184: {  	v20 =	vld [tilespmem:s25+$0x810]  }
0x185: {  	v21 =	vld [tilespmem:s25+$0x820]  }
0x186: {  	v22 =	vld [tilespmem:s25+$0x830]  }
0x187: {  	v23 =	vld [tilespmem:s25+$0x840]  }
0x188: {  	v24 =	vld [tilespmem:s25+$0x850]  }
0x189: {  	v25 =	vld [tilespmem:s25+$0x860]  }
0x18a: {  	v26 =	vld [tilespmem:s25+$0x870]  }
0x18b: {  	v27 =	vld [tilespmem:s25+$0xC00]  }
0x18c: {  	v28 =	vld [tilespmem:s25+$0xC10]  }
0x18d: {  	v34 =	vld [tilespmem:s25+$0xC70]  }
0x18e: {  	v29 =	vld [tilespmem:s25+$0xC20]  }
0x18f: {  	v30 =	vld [tilespmem:s25+$0xC30];
	s1 =	simm.s32 $0x0  }
0x190: {  	v31 =	vld [tilespmem:s25+$0xC40];
	s2 =	sand.u32 $0xF000, s1;
	s1 =	sand.u32 $0x380, s1  }
0x191: {  	v32 =	vld [tilespmem:s25+$0xC50];
	s9 =	sor.u32 s1, s2  }
0x192: {  	v33 =	vld [tilespmem:s25+$0xC60];
	[tilespmem:s9+$0xCCF0] =	vst v34  }
0x193: {  	[tilespmem:s9+$0xC080] =	vst v3  }
0x194: {  	[tilespmem:s9+$0xC090] =	vst v4  }
0x195: {  	[tilespmem:s9+$0xC0A0] =	vst v5  }
0x196: {  	[tilespmem:s9+$0xC0B0] =	vst v6  }
0x197: {  	[tilespmem:s9+$0xC0C0] =	vst v7  }
0x198: {  	[tilespmem:s9+$0xC0D0] =	vst v8  }
0x199: {  	[tilespmem:s9+$0xC0E0] =	vst v9  }
0x19a: {  	[tilespmem:s9+$0xC0F0] =	vst v10  }
0x19b: {  	[tilespmem:s9+$0xC480] =	vst v11  }
0x19c: {  	[tilespmem:s9+$0xC490] =	vst v12  }
0x19d: {  	[tilespmem:s9+$0xC4A0] =	vst v13  }
0x19e: {  	[tilespmem:s9+$0xC4B0] =	vst v14  }
0x19f: {  	[tilespmem:s9+$0xC4C0] =	vst v15  }
0x1a0: {  	[tilespmem:s9+$0xC4D0] =	vst v16  }
0x1a1: {  	[tilespmem:s9+$0xC4E0] =	vst v17  }
0x1a2: {  	[tilespmem:s9+$0xC4F0] =	vst v18  }
0x1a3: {  	[tilespmem:s9+$0xC880] =	vst v19  }
0x1a4: {  	[tilespmem:s9+$0xC890] =	vst v20  }
0x1a5: {  	[tilespmem:s9+$0xC8A0] =	vst v21  }
0x1a6: {  	[tilespmem:s9+$0xC8B0] =	vst v22  }
0x1a7: {  	[tilespmem:s9+$0xC8C0] =	vst v23  }
0x1a8: {  	[tilespmem:s9+$0xC8D0] =	vst v24  }
0x1a9: {  	[tilespmem:s9+$0xC8E0] =	vst v25  }
0x1aa: {  	[tilespmem:s9+$0xC8F0] =	vst v26  }
0x1ab: {  	[tilespmem:s9+$0xCC80] =	vst v27  }
0x1ac: {  	[tilespmem:s9+$0xCC90] =	vst v28  }
0x1ad: {  	[tilespmem:s9+$0xCCA0] =	vst v29  }
0x1ae: {  	[tilespmem:s9+$0xCCB0] =	vst v30  }
0x1af: {  	s13 =	simm.s32 $0x200;
	s11 =	simm.s32 $0x80;
	[tilespmem:s9+$0xCCC0] =	vst v31  }
0x1b0: {  	s8 =	sand.u32 $0x380, s11;
	s1 =	sand.u32 $0xF000, s13;
	s2 =	simm.s32 $0x400;
	[tilespmem:s9+$0xCCD0] =	vst v32  }
.LBB2_3:
0x1b1: {  	p2 =	sne.s32 s2, $0xFE00;
	[tilespmem:s9+$0xCCE0] =	vst v33;
	s9 =	sor.u32 s8, s1  }
0x1b2: {  	[tilespmem:s9+$0xCCF0] =	vst v34  }
0x1b3: {  	[tilespmem:s9+$0xC080] =	vst v3  }
0x1b4: {  	[tilespmem:s9+$0xC090] =	vst v4  }
0x1b5: {  	[tilespmem:s9+$0xC0A0] =	vst v5  }
0x1b6: {  	[tilespmem:s9+$0xC0B0] =	vst v6  }
0x1b7: {  	[tilespmem:s9+$0xC0C0] =	vst v7  }
0x1b8: {  	[tilespmem:s9+$0xC0D0] =	vst v8  }
0x1b9: {  	[tilespmem:s9+$0xC0E0] =	vst v9  }
0x1ba: {  	[tilespmem:s9+$0xC0F0] =	vst v10  }
0x1bb: {  	[tilespmem:s9+$0xC480] =	vst v11  }
0x1bc: {  	[tilespmem:s9+$0xC490] =	vst v12  }
0x1bd: {  	[tilespmem:s9+$0xC4A0] =	vst v13  }
0x1be: {  	[tilespmem:s9+$0xC4B0] =	vst v14  }
0x1bf: {  	[tilespmem:s9+$0xC4C0] =	vst v15  }
0x1c0: {  	[tilespmem:s9+$0xC4D0] =	vst v16  }
0x1c1: {  	[tilespmem:s9+$0xC4E0] =	vst v17  }
0x1c2: {  	[tilespmem:s9+$0xC4F0] =	vst v18  }
0x1c3: {  	[tilespmem:s9+$0xC880] =	vst v19  }
0x1c4: {  	[tilespmem:s9+$0xC890] =	vst v20  }
0x1c5: {  	[tilespmem:s9+$0xC8A0] =	vst v21  }
0x1c6: {  	[tilespmem:s9+$0xC8B0] =	vst v22  }
0x1c7: {  	[tilespmem:s9+$0xC8C0] =	vst v23  }
0x1c8: {  	[tilespmem:s9+$0xC8D0] =	vst v24  }
0x1c9: {  	[tilespmem:s9+$0xC8E0] =	vst v25  }
0x1ca: {  	[tilespmem:s9+$0xC8F0] =	vst v26  }
0x1cb: {  	[tilespmem:s9+$0xCC80] =	vst v27  }
.Ltmp3:
0x1cc: {  	[tilespmem:s9+$0xCC90] =	vst v28;
	(pc) =	sbr.rel @p2 .LBB2_3-.Ltmp3, $4  }
0x1cd: {  	[tilespmem:s9+$0xCCA0] =	vst v29  }
0x1ce: {  	[tilespmem:s9+$0xCCB0] =	vst v30  }
0x1cf: {  	s11 =	sadd.s32 $0x80, s11;
	[tilespmem:s9+$0xCCC0] =	vst v31  }
0x1d0: {  	s1 =	sand.u32 $0xF000, s2;
	s2 =	sadd.s32 $0x200, s2;
	s8 =	sand.u32 $0x380, s11;
	[tilespmem:s9+$0xCCD0] =	vst v32  }
0x1d1: {  	s1 =	sor.u32 s8, s1;
	[tilespmem:s9+$0xCCE0] =	vst v33  }
0x1d2: {  	[tilespmem:s1+$0xCCF0] =	vst v34  }
0x1d3: {  	[tilespmem:s1+$0xC080] =	vst v3  }
0x1d4: {  	[tilespmem:s1+$0xC090] =	vst v4  }
0x1d5: {  	[tilespmem:s1+$0xC0A0] =	vst v5  }
0x1d6: {  	[tilespmem:s1+$0xC0B0] =	vst v6  }
0x1d7: {  	[tilespmem:s1+$0xC0C0] =	vst v7  }
0x1d8: {  	[tilespmem:s1+$0xC0D0] =	vst v8  }
0x1d9: {  	[tilespmem:s1+$0xC0E0] =	vst v9  }
0x1da: {  	[tilespmem:s1+$0xC0F0] =	vst v10  }
0x1db: {  	[tilespmem:s1+$0xC480] =	vst v11  }
0x1dc: {  	[tilespmem:s1+$0xC490] =	vst v12  }
0x1dd: {  	[tilespmem:s1+$0xC4A0] =	vst v13  }
0x1de: {  	[tilespmem:s1+$0xC4B0] =	vst v14  }
0x1df: {  	[tilespmem:s1+$0xC4C0] =	vst v15  }
0x1e0: {  	[tilespmem:s1+$0xC4D0] =	vst v16  }
0x1e1: {  	[tilespmem:s1+$0xC4E0] =	vst v17  }
0x1e2: {  	[tilespmem:s1+$0xC4F0] =	vst v18  }
0x1e3: {  	[tilespmem:s1+$0xC880] =	vst v19  }
0x1e4: {  	[tilespmem:s1+$0xC890] =	vst v20  }
0x1e5: {  	[tilespmem:s1+$0xC8A0] =	vst v21  }
0x1e6: {  	[tilespmem:s1+$0xC8B0] =	vst v22  }
0x1e7: {  	[tilespmem:s1+$0xC8C0] =	vst v23  }
0x1e8: {  	[tilespmem:s1+$0xC8D0] =	vst v24  }
0x1e9: {  	[tilespmem:s1+$0xC8E0] =	vst v25  }
0x1ea: {  	[tilespmem:s1+$0xC8F0] =	vst v26  }
0x1eb: {  	[tilespmem:s1+$0xCC80] =	vst v27  }
0x1ec: {  	[tilespmem:s1+$0xCC90] =	vst v28  }
0x1ed: {  	[tilespmem:s1+$0xCCA0] =	vst v29  }
0x1ee: {  	[tilespmem:s1+$0xCCB0] =	vst v30  }
0x1ef: {  	[tilespmem:s1+$0xCCC0] =	vst v31  }
0x1f0: {  	s11 =	rddreg [dreg:$0x9];
	[tilespmem:s1+$0xCCD0] =	vst v32  }
0x1f1: {  	s13 =	rddreg [dreg:$0xc];
	[tilespmem:s1+$0xCCE0] =	vst v33  }
0x1f2: {  	[hbm4b:s11+s17] =	stream.linear.scatter [tilespmem:s31], [sflag:$0x3], $0x10000, $0x38;
	[tilespmem:$0x1F080] =	vst v63  }
0x1f3: {  	s2 =	rddreg [dreg:$0xb]  }
0x1f4: {  	[hbm4b:s13+s17] =	stream.linear.scatter [tilespmem:s31], [sflag:$0x3], $0x10000, $0x38;
	[tilespmem:$0x1F080] =	vst v63  }
0x1f5: {  	s8 =	rddreg [dreg:$0x6]  }
0x1f6: {  	[hbm4b:s2+s17] =	stream.linear.scatter [tilespmem:s31], [sflag:$0x3], $0x10000, $0x38;
	[tilespmem:$0x1F080] =	vst v63  }
0x1f7: {  	s9 =	rddreg [dreg:$0x7]  }
0x1f8: {  	[hbm4b:s8+s17] =	stream.linear.scatter [tilespmem:s31], [sflag:$0x3], $0x10000, $0x38;
	[tilespmem:$0x1F080] =	vst v63  }
0x1f9: {  	s11 =	rddreg [dreg:$0x8]  }
0x1fa: {  	[hbm4b:s9+s17] =	stream.linear.scatter [tilespmem:s31], [sflag:$0x3], $0x10000, $0x38;
	[tilespmem:$0x1F080] =	vst v63  }
0x1fb: {  	s13 =	rddreg [dreg:$0xa]  }
0x1fc: {  	[hbm4b:s11+s17] =	stream.linear.scatter [tilespmem:s31], [sflag:$0x3], $0x10000, $0x38;
	[tilespmem:$0x1F080] =	vst v63  }
0x1fd: {  	s2 =	rddreg [dreg:$0xd]  }
0x1fe: {  	[hbm4b:s13+s17] =	stream.linear.scatter [tilespmem:s31], [sflag:$0x3], $0x10000, $0x38;
	[tilespmem:$0x1F080] =	vst v63  }
0x1ff: {  	s8 =	rddreg [dreg:$0xe]  }
0x200: {  	[hbm4b:s2+s17] =	stream.linear.scatter [tilespmem:s31], [sflag:$0x3], $0x10000, $0x38;
	[tilespmem:$0x1F080] =	vst v63  }
0x201: {  	s9 =	rddreg [dreg:$0xf]  }
0x202: {  	[hbm4b:s8+s17] =	stream.linear.scatter [tilespmem:s31], [sflag:$0x3], $0x10000, $0x38;
	[tilespmem:$0x1F080] =	vst v63  }
0x203: {  	s11 =	rddreg [dreg:$0x10]  }
0x204: {  	[hbm4b:s9+s17] =	stream.linear.scatter [tilespmem:s31], [sflag:$0x3], $0x10000, $0x38;
	[tilespmem:$0x1F080] =	vst v63  }
0x205: {  	s13 =	rddreg [dreg:$0x11]  }
0x206: {  	[hbm4b:s11+s17] =	stream.linear.scatter [tilespmem:s31], [sflag:$0x3], $0x10000, $0x38;
	[tilespmem:$0x1F080] =	vst v63  }
0x207: {  	s2 =	rddreg [dreg:$0x12]  }
0x208: {  	[hbm4b:s13+s17] =	stream.linear.scatter [tilespmem:s31], [sflag:$0x3], $0x10000, $0x38;
	[tilespmem:$0x1F080] =	vst v63  }
0x209: {  	s8 =	rddreg [dreg:$0x13]  }
0x20a: {  	[hbm4b:s2+s17] =	stream.linear.scatter [tilespmem:s31], [sflag:$0x3], $0x10000, $0x38;
	[tilespmem:$0x1F080] =	vst v63  }
0x20b: {  	s9 =	rddreg [dreg:$0x14]  }
0x20c: {  	[hbm4b:s8+s17] =	stream.linear.scatter [tilespmem:s31], [sflag:$0x3], $0x10000, $0x38;
	[tilespmem:$0x1F080] =	vst v63  }
0x20d: {  	s11 =	rddreg [dreg:$0x15]  }
0x20e: {  	[hbm4b:s9+s17] =	stream.linear.scatter [tilespmem:s31], [sflag:$0x3], $0x10000, $0x38;
	[tilespmem:$0x1F080] =	vst v63  }
0x20f: {  	s13 =	rddreg [dreg:$0x16]  }
0x210: {  	[hbm4b:s11+s17] =	stream.linear.scatter [tilespmem:s31], [sflag:$0x3], $0x10000, $0x38;
	[tilespmem:$0x1F080] =	vst v63  }
0x211: {  	s2 =	rddreg [dreg:$0x17]  }
0x212: {  	[hbm4b:s13+s17] =	stream.linear.scatter [tilespmem:s31], [sflag:$0x3], $0x10000, $0x38;
	[tilespmem:$0x1F080] =	vst v63  }
0x213: {  	s8 =	rddreg [dreg:$0x18]  }
0x214: {  	[hbm4b:s2+s17] =	stream.linear.scatter [tilespmem:s31], [sflag:$0x3], $0x10000, $0x38;
	[tilespmem:$0x1F080] =	vst v63  }
0x215: {  	s9 =	rddreg [dreg:$0x19]  }
0x216: {  	[hbm4b:s8+s17] =	stream.linear.scatter [tilespmem:s31], [sflag:$0x3], $0x10000, $0x38;
	[tilespmem:$0x1F080] =	vst v63  }
0x217: {  	s11 =	rddreg [dreg:$0x1a]  }
0x218: {  	[hbm4b:s9+s17] =	stream.linear.scatter [tilespmem:s31], [sflag:$0x3], $0x10000, $0x38;
	[tilespmem:$0x1F080] =	vst v63  }
0x219: {  	s13 =	rddreg [dreg:$0x1b]  }
0x21a: {  	[hbm4b:s11+s17] =	stream.linear.scatter [tilespmem:s31], [sflag:$0x3], $0x10000, $0x38;
	[tilespmem:$0x1F080] =	vst v63  }
0x21b: {  	s2 =	rddreg [dreg:$0x1c]  }
0x21c: {  	[hbm4b:s13+s17] =	stream.linear.scatter [tilespmem:s31], [sflag:$0x3], $0x10000, $0x38;
	[tilespmem:$0x1F080] =	vst v63  }
0x21d: {  	s8 =	rddreg [dreg:$0x1d]  }
0x21e: {  	[hbm4b:s2+s17] =	stream.linear.scatter [tilespmem:s31], [sflag:$0x3], $0x10000, $0x38;
	[tilespmem:$0x1F080] =	vst v63  }
0x21f: {  	s9 =	rddreg [dreg:$0x1e]  }
0x220: {  	[hbm4b:s8+s17] =	stream.linear.scatter [tilespmem:s31], [sflag:$0x3], $0x10000, $0x38;
	[tilespmem:$0x1F080] =	vst v63  }
0x221: {  	s11 =	rddreg [dreg:$0x1f]  }
0x222: {  	[hbm4b:s9+s17] =	stream.linear.scatter [tilespmem:s31], [sflag:$0x3], $0x10000, $0x38;
	[tilespmem:$0x1F080] =	vst v63  }
0x223: {  	s13 =	sld [smem:$0x7A2]  }
0x224: {  	[hbm4b:s11+s17] =	stream.linear.scatter [tilespmem:s31], [sflag:$0x3], $0x10000, $0x38;
	[tilespmem:$0x1F080] =	vst v63  }
0x225: {  	s2 =	sld [smem:$0x7A3]  }
0x226: {  	[hbm4b:s13+s17] =	stream.linear.scatter [tilespmem:s31], [sflag:$0x3], $0x10000, $0x38;
	[tilespmem:$0x1F080] =	vst v63  }
0x227: {  	s8 =	sld [smem:$0x7A4]  }
0x228: {  	[hbm4b:s2+s17] =	stream.linear.scatter [tilespmem:s31], [sflag:$0x3], $0x10000, $0x38;
	[tilespmem:$0x1F080] =	vst v63  }
0x229: {  	s9 =	sld [smem:$0x7A5]  }
0x22a: {  	[hbm4b:s8+s17] =	stream.linear.scatter [tilespmem:s31], [sflag:$0x3], $0x10000, $0x38;
	[tilespmem:$0x1F080] =	vst v63  }
0x22b: {  	s11 =	sld [smem:$0x7A6]  }
0x22c: {  	[hbm4b:s9+s17] =	stream.linear.scatter [tilespmem:s31], [sflag:$0x3], $0x10000, $0x38;
	[tilespmem:$0x1F080] =	vst v63  }
0x22d: {  	s13 =	sld [smem:$0x7A7]  }
0x22e: {  	[hbm4b:s11+s17] =	stream.linear.scatter [tilespmem:s31], [sflag:$0x3], $0x10000, $0x38;
	[tilespmem:$0x1F080] =	vst v63  }
0x22f: {  	_ = 	snop  }
0x230: {  	[hbm4b:s13+s17] =	stream.linear.scatter [tilespmem:s31], [sflag:$0x3], $0x10000, $0x38;
	[tilespmem:$0x1F080] =	vst v63  }
.LBB2_5:
0x231: {  	v3 =	vld.msk [tilespmem:s10+$0x0 ss:$0x0], $0xffff;
	_ =	sdelay $0x3  }
0x232: {  	s1 =	simm.s32 $0x40;
	s2 =	simm.s32 $0x0  }
.LBB2_6:
0x233: {  	p2 =	sne.s32 s1, $0x3FC0;
	[tilespmem:s2+$0x1C080] =	vst v3;
	s2 =	smov.u32 s1;
	s1 =	sadd.s32 $0x40, s1  }
.Ltmp4:
0x234: {  	(pc) =	sbr.rel @p2 .LBB2_6-.Ltmp4, $2  }
0x235: {  	_ =	sdelay $0x2  }
0x236: {  	s2 =	sshra.s32 s2, $0x2  }
.Ltmp5:
0x237: {  	(pc) =	sbr.rel @p0 .LBB2_9-.Ltmp5, $3  }
0x238: {  	_ =	sdelay $0x1  }
0x239: {  	[tilespmem:s2+$0x1C080] =	vst v3;
	s1 =	simm.s32 $0x1C080  }
0x23a: {  	[hbm4b:s18+s30] =	stream.strided.scatter [tilespmem:s1], [sflag:$0x4], $0x1000, s5, s30, $0x38;
	[tilespmem:$0x1F080] =	vst v63  }
0x23b: {  	_ =	swait.ge [sflag:s6], $0x10000  }
0x23c: {  	[sflag:s6] =	ssyncset.done $0x0  }
0x23d: {  	[sflag:s6] =	ssyncadd.s32 $0xFFFF0000  }
0x23e: {  	_ =	swait.ge [sflag:s6], $0x10000  }
0x23f: {  	[sflag:s6] =	ssyncset.done $0x0  }
0x240: {  	[sflag:s6] =	ssyncadd.s32 $0xFFFF0000  }
0x241: {  	_ =	swait.ge [sflag:s6], $0x10000  }
0x242: {  	[sflag:s6] =	ssyncset.done $0x0  }
0x243: {  	[sflag:s6] =	ssyncadd.s32 $0xFFFF0000  }
0x244: {  	_ =	swait.ge [sflag:s6], $0x10000  }
0x245: {  	[sflag:s6] =	ssyncset.done $0x0  }
0x246: {  	[sflag:s6] =	ssyncadd.s32 $0xFFFF0000  }
0x247: {  	_ =	swait.ge [sflag:s6], $0x10000  }
0x248: {  	[sflag:s6] =	ssyncset.done $0x0  }
0x249: {  	[sflag:s6] =	ssyncadd.s32 $0xFFFF0000  }
0x24a: {  	_ =	swait.ge [sflag:s6], $0x10000  }
0x24b: {  	[sflag:s6] =	ssyncset.done $0x0  }
0x24c: {  	[sflag:s6] =	ssyncadd.s32 $0xFFFF0000  }
0x24d: {  	_ =	swait.ge [sflag:s6], $0x10000  }
0x24e: {  	[sflag:s6] =	ssyncset.done $0x0  }
0x24f: {  	[sflag:s6] =	ssyncadd.s32 $0xFFFF0000  }
0x250: {  	_ =	swait.ge [sflag:s6], $0x10000  }
0x251: {  	[sflag:s6] =	ssyncset.done $0x0  }
0x252: {  	[sflag:s6] =	ssyncadd.s32 $0xFFFF0000  }
0x253: {  	_ =	swait.ge [sflag:s6], $0x10000  }
0x254: {  	[sflag:s6] =	ssyncset.done $0x0  }
0x255: {  	[sflag:s6] =	ssyncadd.s32 $0xFFFF0000  }
0x256: {  	_ =	swait.ge [sflag:s6], $0x10000  }
0x257: {  	[sflag:s6] =	ssyncset.done $0x0  }
0x258: {  	[sflag:s6] =	ssyncadd.s32 $0xFFFF0000  }
0x259: {  	_ =	swait.ge [sflag:s6], $0x10000  }
0x25a: {  	[sflag:s6] =	ssyncset.done $0x0  }
0x25b: {  	[sflag:s6] =	ssyncadd.s32 $0xFFFF0000  }
0x25c: {  	_ =	swait.ge [sflag:s6], $0x10000  }
0x25d: {  	[sflag:s6] =	ssyncset.done $0x0  }
0x25e: {  	[sflag:s6] =	ssyncadd.s32 $0xFFFF0000  }
0x25f: {  	_ =	swait.ge [sflag:s6], $0x10000  }
0x260: {  	[sflag:s6] =	ssyncset.done $0x0  }
0x261: {  	[sflag:s6] =	ssyncadd.s32 $0xFFFF0000  }
0x262: {  	_ =	swait.ge [sflag:s6], $0x10000  }
0x263: {  	[sflag:s6] =	ssyncset.done $0x0  }
0x264: {  	[sflag:s6] =	ssyncadd.s32 $0xFFFF0000  }
0x265: {  	_ =	swait.ge [sflag:s6], $0x10000  }
0x266: {  	[sflag:s6] =	ssyncset.done $0x0  }
0x267: {  	[sflag:s6] =	ssyncadd.s32 $0xFFFF0000  }
0x268: {  	_ =	swait.ge [sflag:s6], $0x10000  }
0x269: {  	[sflag:s6] =	ssyncset.done $0x0  }
0x26a: {  	[sflag:s6] =	ssyncadd.s32 $0xFFFF0000  }
0x26b: {  	_ =	swait.ge [sflag:s6], $0x10000  }
0x26c: {  	[sflag:s6] =	ssyncset.done $0x0  }
0x26d: {  	[sflag:s6] =	ssyncadd.s32 $0xFFFF0000  }
0x26e: {  	_ =	swait.ge [sflag:s6], $0x10000  }
0x26f: {  	[sflag:s6] =	ssyncset.done $0x0  }
0x270: {  	[sflag:s6] =	ssyncadd.s32 $0xFFFF0000  }
0x271: {  	_ =	swait.ge [sflag:s6], $0x10000  }
0x272: {  	[sflag:s6] =	ssyncset.done $0x0  }
0x273: {  	[sflag:s6] =	ssyncadd.s32 $0xFFFF0000  }
0x274: {  	_ =	swait.ge [sflag:s6], $0x10000  }
0x275: {  	[sflag:s6] =	ssyncset.done $0x0  }
0x276: {  	[sflag:s6] =	ssyncadd.s32 $0xFFFF0000  }
0x277: {  	_ =	swait.ge [sflag:s6], $0x10000  }
0x278: {  	[sflag:s6] =	ssyncset.done $0x0  }
0x279: {  	[sflag:s6] =	ssyncadd.s32 $0xFFFF0000  }
0x27a: {  	_ =	swait.ge [sflag:s6], $0x10000  }
0x27b: {  	[sflag:s6] =	ssyncset.done $0x0  }
0x27c: {  	[sflag:s6] =	ssyncadd.s32 $0xFFFF0000  }
0x27d: {  	_ =	swait.ge [sflag:s6], $0x10000  }
0x27e: {  	[sflag:s6] =	ssyncset.done $0x0  }
0x27f: {  	[sflag:s6] =	ssyncadd.s32 $0xFFFF0000  }
0x280: {  	_ =	swait.ge [sflag:s6], $0x10000  }
0x281: {  	[sflag:s6] =	ssyncset.done $0x0  }
0x282: {  	[sflag:s6] =	ssyncadd.s32 $0xFFFF0000  }
0x283: {  	_ =	swait.ge [sflag:s6], $0x10000  }
0x284: {  	[sflag:s6] =	ssyncset.done $0x0  }
0x285: {  	[sflag:s6] =	ssyncadd.s32 $0xFFFF0000  }
0x286: {  	_ =	swait.ge [sflag:s6], $0x10000  }
0x287: {  	[sflag:s6] =	ssyncset.done $0x0  }
0x288: {  	[sflag:s6] =	ssyncadd.s32 $0xFFFF0000  }
0x289: {  	_ =	swait.ge [sflag:s6], $0x10000  }
0x28a: {  	[sflag:s6] =	ssyncset.done $0x0  }
0x28b: {  	[sflag:s6] =	ssyncadd.s32 $0xFFFF0000  }
0x28c: {  	_ =	swait.ge [sflag:s6], $0x10000  }
0x28d: {  	[sflag:s6] =	ssyncset.done $0x0  }
0x28e: {  	[sflag:s6] =	ssyncadd.s32 $0xFFFF0000  }
0x28f: {  	_ =	swait.ge [sflag:s6], $0x10000  }
0x290: {  	[sflag:s6] =	ssyncset.done $0x0  }
0x291: {  	[sflag:s6] =	ssyncadd.s32 $0xFFFF0000  }
0x292: {  	_ =	swait.ge [sflag:s6], $0x10000  }
0x293: {  	[sflag:s6] =	ssyncset.done $0x0  }
0x294: {  	[sflag:s6] =	ssyncadd.s32 $0xFFFF0000  }
0x295: {  	_ =	swait.ge [sflag:s6], $0x10000  }
0x296: {  	[sflag:s6] =	ssyncset.done $0x0  }
0x297: {  	[sflag:s6] =	ssyncadd.s32 $0xFFFF0000  }
0x298: {  	_ =	swait.ge [sflag:s6], $0x10000  }
0x299: {  	[sflag:s6] =	ssyncset.done $0x0  }
0x29a: {  	[sflag:s6] =	ssyncadd.s32 $0xFFFF0000  }
.LBB2_9:
0x29b: {  	v3 =	vld [tilespmem:s16+$0x80]  }
0x29c: {  	v4 =	vld [tilespmem:s26+$0x10]  }
0x29d: {  	v5 =	vld [tilespmem:s26+$0x20]  }
0x29e: {  	v6 =	vld [tilespmem:s26+$0x30]  }
0x29f: {  	v7 =	vld [tilespmem:s26+$0x40]  }
0x2a0: {  	v8 =	vld [tilespmem:s26+$0x50]  }
0x2a1: {  	v9 =	vld [tilespmem:s26+$0x60]  }
0x2a2: {  	v10 =	vld [tilespmem:s26+$0x70]  }
0x2a3: {  	v11 =	vld [tilespmem:s26+$0x400]  }
0x2a4: {  	v12 =	vld [tilespmem:s26+$0x410]  }
0x2a5: {  	v13 =	vld [tilespmem:s26+$0x420]  }
0x2a6: {  	v14 =	vld [tilespmem:s26+$0x430]  }
0x2a7: {  	v15 =	vld [tilespmem:s26+$0x440]  }
0x2a8: {  	v16 =	vld [tilespmem:s26+$0x450]  }
0x2a9: {  	v17 =	vld [tilespmem:s26+$0x460]  }
0x2aa: {  	v18 =	vld [tilespmem:s26+$0x470]  }
0x2ab: {  	v19 =	vld [tilespmem:s26+$0x800]  }
0x2ac: {  	v20 =	vld [tilespmem:s26+$0x810]  }
0x2ad: {  	v21 =	vld [tilespmem:s26+$0x820]  }
0x2ae: {  	v22 =	vld [tilespmem:s26+$0x830]  }
0x2af: {  	v23 =	vld [tilespmem:s26+$0x840]  }
0x2b0: {  	v24 =	vld [tilespmem:s26+$0x850]  }
0x2b1: {  	v25 =	vld [tilespmem:s26+$0x860]  }
0x2b2: {  	v26 =	vld [tilespmem:s26+$0x870]  }
0x2b3: {  	v27 =	vld [tilespmem:s26+$0xC00]  }
0x2b4: {  	v28 =	vld [tilespmem:s26+$0xC10]  }
0x2b5: {  	v34 =	vld [tilespmem:s26+$0xC70]  }
0x2b6: {  	v29 =	vld [tilespmem:s26+$0xC20]  }
0x2b7: {  	v30 =	vld [tilespmem:s26+$0xC30];
	s1 =	simm.s32 $0x0  }
0x2b8: {  	v31 =	vld [tilespmem:s26+$0xC40];
	s2 =	sand.u32 $0xF000, s1;
	s1 =	sand.u32 $0x380, s1  }
0x2b9: {  	v32 =	vld [tilespmem:s26+$0xC50];
	s9 =	sor.u32 s1, s2  }
0x2ba: {  	v33 =	vld [tilespmem:s26+$0xC60];
	[tilespmem:s9+$0xCCF0] =	vst v34  }
0x2bb: {  	[tilespmem:s9+$0xC080] =	vst v3  }
0x2bc: {  	[tilespmem:s9+$0xC090] =	vst v4  }
0x2bd: {  	[tilespmem:s9+$0xC0A0] =	vst v5  }
0x2be: {  	[tilespmem:s9+$0xC0B0] =	vst v6  }
0x2bf: {  	[tilespmem:s9+$0xC0C0] =	vst v7  }
0x2c0: {  	[tilespmem:s9+$0xC0D0] =	vst v8  }
0x2c1: {  	[tilespmem:s9+$0xC0E0] =	vst v9  }
0x2c2: {  	[tilespmem:s9+$0xC0F0] =	vst v10  }
0x2c3: {  	[tilespmem:s9+$0xC480] =	vst v11  }
0x2c4: {  	[tilespmem:s9+$0xC490] =	vst v12  }
0x2c5: {  	[tilespmem:s9+$0xC4A0] =	vst v13  }
0x2c6: {  	[tilespmem:s9+$0xC4B0] =	vst v14  }
0x2c7: {  	[tilespmem:s9+$0xC4C0] =	vst v15  }
0x2c8: {  	[tilespmem:s9+$0xC4D0] =	vst v16  }
0x2c9: {  	[tilespmem:s9+$0xC4E0] =	vst v17  }
0x2ca: {  	[tilespmem:s9+$0xC4F0] =	vst v18  }
0x2cb: {  	[tilespmem:s9+$0xC880] =	vst v19  }
0x2cc: {  	[tilespmem:s9+$0xC890] =	vst v20  }
0x2cd: {  	[tilespmem:s9+$0xC8A0] =	vst v21  }
0x2ce: {  	[tilespmem:s9+$0xC8B0] =	vst v22  }
0x2cf: {  	[tilespmem:s9+$0xC8C0] =	vst v23  }
0x2d0: {  	[tilespmem:s9+$0xC8D0] =	vst v24  }
0x2d1: {  	[tilespmem:s9+$0xC8E0] =	vst v25  }
0x2d2: {  	[tilespmem:s9+$0xC8F0] =	vst v26  }
0x2d3: {  	[tilespmem:s9+$0xCC80] =	vst v27  }
0x2d4: {  	[tilespmem:s9+$0xCC90] =	vst v28  }
0x2d5: {  	[tilespmem:s9+$0xCCA0] =	vst v29  }
0x2d6: {  	[tilespmem:s9+$0xCCB0] =	vst v30  }
0x2d7: {  	s13 =	simm.s32 $0x200;
	s11 =	simm.s32 $0x80;
	[tilespmem:s9+$0xCCC0] =	vst v31  }
0x2d8: {  	s8 =	sand.u32 $0x380, s11;
	s1 =	sand.u32 $0xF000, s13;
	s2 =	simm.s32 $0x400;
	[tilespmem:s9+$0xCCD0] =	vst v32  }
.LBB2_10:
0x2d9: {  	p2 =	sne.s32 s2, $0xFE00;
	[tilespmem:s9+$0xCCE0] =	vst v33;
	s9 =	sor.u32 s8, s1  }
0x2da: {  	[tilespmem:s9+$0xCCF0] =	vst v34  }
0x2db: {  	[tilespmem:s9+$0xC080] =	vst v3  }
0x2dc: {  	[tilespmem:s9+$0xC090] =	vst v4  }
0x2dd: {  	[tilespmem:s9+$0xC0A0] =	vst v5  }
0x2de: {  	[tilespmem:s9+$0xC0B0] =	vst v6  }
0x2df: {  	[tilespmem:s9+$0xC0C0] =	vst v7  }
0x2e0: {  	[tilespmem:s9+$0xC0D0] =	vst v8  }
0x2e1: {  	[tilespmem:s9+$0xC0E0] =	vst v9  }
0x2e2: {  	[tilespmem:s9+$0xC0F0] =	vst v10  }
0x2e3: {  	[tilespmem:s9+$0xC480] =	vst v11  }
0x2e4: {  	[tilespmem:s9+$0xC490] =	vst v12  }
0x2e5: {  	[tilespmem:s9+$0xC4A0] =	vst v13  }
0x2e6: {  	[tilespmem:s9+$0xC4B0] =	vst v14  }
0x2e7: {  	[tilespmem:s9+$0xC4C0] =	vst v15  }
0x2e8: {  	[tilespmem:s9+$0xC4D0] =	vst v16  }
0x2e9: {  	[tilespmem:s9+$0xC4E0] =	vst v17  }
0x2ea: {  	[tilespmem:s9+$0xC4F0] =	vst v18  }
0x2eb: {  	[tilespmem:s9+$0xC880] =	vst v19  }
0x2ec: {  	[tilespmem:s9+$0xC890] =	vst v20  }
0x2ed: {  	[tilespmem:s9+$0xC8A0] =	vst v21  }
0x2ee: {  	[tilespmem:s9+$0xC8B0] =	vst v22  }
0x2ef: {  	[tilespmem:s9+$0xC8C0] =	vst v23  }
0x2f0: {  	[tilespmem:s9+$0xC8D0] =	vst v24  }
0x2f1: {  	[tilespmem:s9+$0xC8E0] =	vst v25  }
0x2f2: {  	[tilespmem:s9+$0xC8F0] =	vst v26  }
0x2f3: {  	[tilespmem:s9+$0xCC80] =	vst v27  }
.Ltmp6:
0x2f4: {  	[tilespmem:s9+$0xCC90] =	vst v28;
	(pc) =	sbr.rel @p2 .LBB2_10-.Ltmp6, $4  }
0x2f5: {  	[tilespmem:s9+$0xCCA0] =	vst v29  }
0x2f6: {  	[tilespmem:s9+$0xCCB0] =	vst v30  }
0x2f7: {  	s11 =	sadd.s32 $0x80, s11;
	[tilespmem:s9+$0xCCC0] =	vst v31  }
0x2f8: {  	s1 =	sand.u32 $0xF000, s2;
	s2 =	sadd.s32 $0x200, s2;
	s8 =	sand.u32 $0x380, s11;
	[tilespmem:s9+$0xCCD0] =	vst v32  }
0x2f9: {  	s1 =	sor.u32 s8, s1;
	[tilespmem:s9+$0xCCE0] =	vst v33  }
0x2fa: {  	[tilespmem:s1+$0xCCF0] =	vst v34  }
0x2fb: {  	[tilespmem:s1+$0xC080] =	vst v3  }
0x2fc: {  	[tilespmem:s1+$0xC090] =	vst v4  }
0x2fd: {  	[tilespmem:s1+$0xC0A0] =	vst v5  }
0x2fe: {  	[tilespmem:s1+$0xC0B0] =	vst v6  }
0x2ff: {  	[tilespmem:s1+$0xC0C0] =	vst v7  }
0x300: {  	[tilespmem:s1+$0xC0D0] =	vst v8  }
0x301: {  	[tilespmem:s1+$0xC0E0] =	vst v9  }
0x302: {  	[tilespmem:s1+$0xC0F0] =	vst v10  }
0x303: {  	[tilespmem:s1+$0xC480] =	vst v11  }
0x304: {  	[tilespmem:s1+$0xC490] =	vst v12  }
0x305: {  	[tilespmem:s1+$0xC4A0] =	vst v13  }
0x306: {  	[tilespmem:s1+$0xC4B0] =	vst v14  }
0x307: {  	[tilespmem:s1+$0xC4C0] =	vst v15  }
0x308: {  	[tilespmem:s1+$0xC4D0] =	vst v16  }
0x309: {  	[tilespmem:s1+$0xC4E0] =	vst v17  }
0x30a: {  	[tilespmem:s1+$0xC4F0] =	vst v18  }
0x30b: {  	[tilespmem:s1+$0xC880] =	vst v19  }
0x30c: {  	[tilespmem:s1+$0xC890] =	vst v20  }
0x30d: {  	[tilespmem:s1+$0xC8A0] =	vst v21  }
0x30e: {  	[tilespmem:s1+$0xC8B0] =	vst v22  }
0x30f: {  	[tilespmem:s1+$0xC8C0] =	vst v23  }
0x310: {  	[tilespmem:s1+$0xC8D0] =	vst v24  }
0x311: {  	[tilespmem:s1+$0xC8E0] =	vst v25  }
0x312: {  	[tilespmem:s1+$0xC8F0] =	vst v26  }
0x313: {  	[tilespmem:s1+$0xCC80] =	vst v27  }
0x314: {  	[tilespmem:s1+$0xCC90] =	vst v28  }
0x315: {  	[tilespmem:s1+$0xCCA0] =	vst v29  }
0x316: {  	[tilespmem:s1+$0xCCB0] =	vst v30  }
0x317: {  	s2 =	sld [smem:$0x7A8];
	[tilespmem:s1+$0xCCC0] =	vst v31  }
0x318: {  	[tilespmem:s1+$0xCCD0] =	vst v32  }
0x319: {  	s9 =	sld [smem:$0x7A9];
	[tilespmem:s1+$0xCCE0] =	vst v33;
	s1 =	simm.s32 $0x0  }
0x31a: {  	[hbm4b:s2+s1] =	stream.linear.scatter [tilespmem:s31], [sflag:$0x3], $0x10000, $0x38;
	[tilespmem:$0x1F080] =	vst v63  }
0x31b: {  	s11 =	sld [smem:$0x7AA]  }
0x31c: {  	[hbm4b:s9+s1] =	stream.linear.scatter [tilespmem:s31], [sflag:$0x3], $0x10000, $0x38;
	[tilespmem:$0x1F080] =	vst v63  }
0x31d: {  	s13 =	sld [smem:$0x7AB]  }
0x31e: {  	[hbm4b:s11+s1] =	stream.linear.scatter [tilespmem:s31], [sflag:$0x3], $0x10000, $0x38;
	[tilespmem:$0x1F080] =	vst v63  }
0x31f: {  	s8 =	sld [smem:$0x7AC]  }
0x320: {  	[hbm4b:s13+s1] =	stream.linear.scatter [tilespmem:s31], [sflag:$0x3], $0x10000, $0x38;
	[tilespmem:$0x1F080] =	vst v63  }
0x321: {  	s9 =	sld [smem:$0x7AD]  }
0x322: {  	[hbm4b:s8+s1] =	stream.linear.scatter [tilespmem:s31], [sflag:$0x3], $0x10000, $0x38;
	[tilespmem:$0x1F080] =	vst v63  }
0x323: {  	s11 =	sld [smem:$0x7AE]  }
0x324: {  	[hbm4b:s9+s1] =	stream.linear.scatter [tilespmem:s31], [sflag:$0x3], $0x10000, $0x38;
	[tilespmem:$0x1F080] =	vst v63  }
0x325: {  	s13 =	sld [smem:$0x7AF]  }
0x326: {  	[hbm4b:s11+s1] =	stream.linear.scatter [tilespmem:s31], [sflag:$0x3], $0x10000, $0x38;
	[tilespmem:$0x1F080] =	vst v63  }
0x327: {  	s8 =	sld [smem:$0x7B0]  }
0x328: {  	[hbm4b:s13+s1] =	stream.linear.scatter [tilespmem:s31], [sflag:$0x3], $0x10000, $0x38;
	[tilespmem:$0x1F080] =	vst v63  }
0x329: {  	s9 =	sld [smem:$0x7B1]  }
0x32a: {  	[hbm4b:s8+s1] =	stream.linear.scatter [tilespmem:s31], [sflag:$0x3], $0x10000, $0x38;
	[tilespmem:$0x1F080] =	vst v63  }
0x32b: {  	s11 =	sld [smem:$0x7B2]  }
0x32c: {  	[hbm4b:s9+s1] =	stream.linear.scatter [tilespmem:s31], [sflag:$0x3], $0x10000, $0x38;
	[tilespmem:$0x1F080] =	vst v63  }
0x32d: {  	s13 =	sld [smem:$0x7B3]  }
0x32e: {  	[hbm4b:s11+s1] =	stream.linear.scatter [tilespmem:s31], [sflag:$0x3], $0x10000, $0x38;
	[tilespmem:$0x1F080] =	vst v63  }
0x32f: {  	s8 =	sld [smem:$0x7B5]  }
0x330: {  	[hbm4b:s13+s1] =	stream.linear.scatter [tilespmem:s31], [sflag:$0x3], $0x10000, $0x38;
	[tilespmem:$0x1F080] =	vst v63  }
0x331: {  	s9 =	sld [smem:$0x7B7]  }
0x332: {  	[hbm4b:s8+s1] =	stream.linear.scatter [tilespmem:s31], [sflag:$0x3], $0x10000, $0x38;
	[tilespmem:$0x1F080] =	vst v63  }
0x333: {  	s11 =	sld [smem:$0x7B9]  }
0x334: {  	[hbm4b:s9+s1] =	stream.linear.scatter [tilespmem:s31], [sflag:$0x3], $0x10000, $0x38;
	[tilespmem:$0x1F080] =	vst v63  }
0x335: {  	s13 =	sld [smem:$0x7BB]  }
0x336: {  	[hbm4b:s11+s1] =	stream.linear.scatter [tilespmem:s31], [sflag:$0x3], $0x10000, $0x38;
	[tilespmem:$0x1F080] =	vst v63  }
0x337: {  	s8 =	sld [smem:$0x7BD]  }
0x338: {  	[hbm4b:s13+s1] =	stream.linear.scatter [tilespmem:s31], [sflag:$0x3], $0x10000, $0x38;
	[tilespmem:$0x1F080] =	vst v63  }
0x339: {  	s9 =	sld [smem:$0x7BE]  }
0x33a: {  	[hbm4b:s8+s1] =	stream.linear.scatter [tilespmem:s31], [sflag:$0x3], $0x10000, $0x38;
	[tilespmem:$0x1F080] =	vst v63  }
0x33b: {  	s11 =	sld [smem:$0x7C0]  }
0x33c: {  	[hbm4b:s9+s1] =	stream.linear.scatter [tilespmem:s31], [sflag:$0x3], $0x10000, $0x38;
	[tilespmem:$0x1F080] =	vst v63  }
0x33d: {  	s13 =	sld [smem:$0x7C1]  }
0x33e: {  	[hbm4b:s11+s1] =	stream.linear.scatter [tilespmem:s31], [sflag:$0x3], $0x10000, $0x38;
	[tilespmem:$0x1F080] =	vst v63  }
0x33f: {  	s8 =	sld [smem:$0x7C3]  }
0x340: {  	[hbm4b:s13+s1] =	stream.linear.scatter [tilespmem:s31], [sflag:$0x3], $0x10000, $0x38;
	[tilespmem:$0x1F080] =	vst v63  }
0x341: {  	s9 =	sld [smem:$0x7C4]  }
0x342: {  	[hbm4b:s8+s1] =	stream.linear.scatter [tilespmem:s31], [sflag:$0x3], $0x10000, $0x38;
	[tilespmem:$0x1F080] =	vst v63  }
0x343: {  	s11 =	sld [smem:$0x7C6]  }
0x344: {  	[hbm4b:s9+s1] =	stream.linear.scatter [tilespmem:s31], [sflag:$0x3], $0x10000, $0x38;
	[tilespmem:$0x1F080] =	vst v63  }
0x345: {  	s13 =	sld [smem:$0x7C7]  }
0x346: {  	[hbm4b:s11+s1] =	stream.linear.scatter [tilespmem:s31], [sflag:$0x3], $0x10000, $0x38;
	[tilespmem:$0x1F080] =	vst v63  }
0x347: {  	s8 =	sld [smem:$0x7C9]  }
0x348: {  	[hbm4b:s13+s1] =	stream.linear.scatter [tilespmem:s31], [sflag:$0x3], $0x10000, $0x38;
	[tilespmem:$0x1F080] =	vst v63  }
0x349: {  	s9 =	sld [smem:$0x7CA]  }
0x34a: {  	[hbm4b:s8+s1] =	stream.linear.scatter [tilespmem:s31], [sflag:$0x3], $0x10000, $0x38;
	[tilespmem:$0x1F080] =	vst v63  }
0x34b: {  	s11 =	sld [smem:$0x7CB]  }
0x34c: {  	[hbm4b:s9+s1] =	stream.linear.scatter [tilespmem:s31], [sflag:$0x3], $0x10000, $0x38;
	[tilespmem:$0x1F080] =	vst v63  }
0x34d: {  	s13 =	sld [smem:$0x7CC]  }
0x34e: {  	[hbm4b:s11+s1] =	stream.linear.scatter [tilespmem:s31], [sflag:$0x3], $0x10000, $0x38;
	[tilespmem:$0x1F080] =	vst v63  }
0x34f: {  	s8 =	sld [smem:$0x7CD]  }
0x350: {  	[hbm4b:s13+s1] =	stream.linear.scatter [tilespmem:s31], [sflag:$0x3], $0x10000, $0x38;
	[tilespmem:$0x1F080] =	vst v63  }
0x351: {  	s9 =	sld [smem:$0x7CE]  }
0x352: {  	[hbm4b:s8+s1] =	stream.linear.scatter [tilespmem:s31], [sflag:$0x3], $0x10000, $0x38;
	[tilespmem:$0x1F080] =	vst v63  }
0x353: {  	s11 =	sld [smem:$0x7CF]  }
0x354: {  	[hbm4b:s9+s1] =	stream.linear.scatter [tilespmem:s31], [sflag:$0x3], $0x10000, $0x38;
	[tilespmem:$0x1F080] =	vst v63  }
0x355: {  	s13 =	sld [smem:$0x7D1]  }
0x356: {  	[hbm4b:s11+s1] =	stream.linear.scatter [tilespmem:s31], [sflag:$0x3], $0x10000, $0x38;
	[tilespmem:$0x1F080] =	vst v63  }
0x357: {  	_ = 	snop  }
0x358: {  	[hbm4b:s13+s1] =	stream.linear.scatter [tilespmem:s31], [sflag:$0x3], $0x10000, $0x38;
	[tilespmem:$0x1F080] =	vst v63  }
0x359: {  	v3 =	vld.msk [tilespmem:s12+$0x0 ss:$0x0], $0xffff;
	_ =	sdelay $0x3  }
0x35a: {  	s2 =	simm.s32 $0x0;
	s1 =	simm.s32 $0x40  }
.LBB2_12:
0x35b: {  	p2 =	sne.s32 s1, $0x3FC0;
	[tilespmem:s2+$0x1D080] =	vst v3;
	s2 =	smov.u32 s1;
	s1 =	sadd.s32 $0x40, s1  }
.Ltmp7:
0x35c: {  	(pc) =	sbr.rel @p2 .LBB2_12-.Ltmp7, $2  }
0x35d: {  	_ =	sdelay $0x2  }
0x35e: {  	s2 =	sshra.s32 s2, $0x2  }
0x35f: {  	[tilespmem:s2+$0x1D080] =	vst v3;
	s1 =	simm.s32 $0x1D080  }
0x360: {  	[hbm4b:s20+s30] =	stream.strided.scatter [tilespmem:s1], [sflag:$0x4], $0x1000, s5, s30, $0x38;
	[tilespmem:$0x1F080] =	vst v63  }
0x361: {  	_ =	swait.ge [sflag:s6], $0x10000  }
0x362: {  	[sflag:s6] =	ssyncset.done $0x0  }
0x363: {  	[sflag:s6] =	ssyncadd.s32 $0xFFFF0000  }
0x364: {  	_ =	swait.ge [sflag:s6], $0x10000  }
0x365: {  	[sflag:s6] =	ssyncset.done $0x0  }
0x366: {  	[sflag:s6] =	ssyncadd.s32 $0xFFFF0000  }
0x367: {  	_ =	swait.ge [sflag:s6], $0x10000  }
0x368: {  	[sflag:s6] =	ssyncset.done $0x0  }
0x369: {  	[sflag:s6] =	ssyncadd.s32 $0xFFFF0000  }
0x36a: {  	_ =	swait.ge [sflag:s6], $0x10000  }
0x36b: {  	[sflag:s6] =	ssyncset.done $0x0  }
0x36c: {  	[sflag:s6] =	ssyncadd.s32 $0xFFFF0000  }
0x36d: {  	_ =	swait.ge [sflag:s6], $0x10000  }
0x36e: {  	[sflag:s6] =	ssyncset.done $0x0  }
0x36f: {  	[sflag:s6] =	ssyncadd.s32 $0xFFFF0000  }
0x370: {  	_ =	swait.ge [sflag:s6], $0x10000  }
0x371: {  	[sflag:s6] =	ssyncset.done $0x0  }
0x372: {  	[sflag:s6] =	ssyncadd.s32 $0xFFFF0000  }
0x373: {  	_ =	swait.ge [sflag:s6], $0x10000  }
0x374: {  	[sflag:s6] =	ssyncset.done $0x0  }
0x375: {  	[sflag:s6] =	ssyncadd.s32 $0xFFFF0000  }
0x376: {  	_ =	swait.ge [sflag:s6], $0x10000  }
0x377: {  	[sflag:s6] =	ssyncset.done $0x0  }
0x378: {  	[sflag:s6] =	ssyncadd.s32 $0xFFFF0000  }
0x379: {  	_ =	swait.ge [sflag:s6], $0x10000  }
0x37a: {  	[sflag:s6] =	ssyncset.done $0x0  }
0x37b: {  	[sflag:s6] =	ssyncadd.s32 $0xFFFF0000  }
0x37c: {  	_ =	swait.ge [sflag:s6], $0x10000  }
0x37d: {  	[sflag:s6] =	ssyncset.done $0x0  }
0x37e: {  	[sflag:s6] =	ssyncadd.s32 $0xFFFF0000  }
0x37f: {  	_ =	swait.ge [sflag:s6], $0x10000  }
0x380: {  	[sflag:s6] =	ssyncset.done $0x0  }
0x381: {  	[sflag:s6] =	ssyncadd.s32 $0xFFFF0000  }
0x382: {  	_ =	swait.ge [sflag:s6], $0x10000  }
0x383: {  	[sflag:s6] =	ssyncset.done $0x0  }
0x384: {  	[sflag:s6] =	ssyncadd.s32 $0xFFFF0000  }
0x385: {  	_ =	swait.ge [sflag:s6], $0x10000  }
0x386: {  	[sflag:s6] =	ssyncset.done $0x0  }
0x387: {  	[sflag:s6] =	ssyncadd.s32 $0xFFFF0000  }
0x388: {  	_ =	swait.ge [sflag:s6], $0x10000  }
0x389: {  	[sflag:s6] =	ssyncset.done $0x0  }
0x38a: {  	[sflag:s6] =	ssyncadd.s32 $0xFFFF0000  }
0x38b: {  	_ =	swait.ge [sflag:s6], $0x10000  }
0x38c: {  	[sflag:s6] =	ssyncset.done $0x0  }
0x38d: {  	[sflag:s6] =	ssyncadd.s32 $0xFFFF0000  }
0x38e: {  	_ =	swait.ge [sflag:s6], $0x10000  }
0x38f: {  	[sflag:s6] =	ssyncset.done $0x0  }
0x390: {  	[sflag:s6] =	ssyncadd.s32 $0xFFFF0000  }
0x391: {  	_ =	swait.ge [sflag:s6], $0x10000  }
0x392: {  	[sflag:s6] =	ssyncset.done $0x0  }
0x393: {  	[sflag:s6] =	ssyncadd.s32 $0xFFFF0000  }
0x394: {  	_ =	swait.ge [sflag:s6], $0x10000  }
0x395: {  	[sflag:s6] =	ssyncset.done $0x0  }
0x396: {  	[sflag:s6] =	ssyncadd.s32 $0xFFFF0000  }
0x397: {  	_ =	swait.ge [sflag:s6], $0x10000  }
0x398: {  	[sflag:s6] =	ssyncset.done $0x0  }
0x399: {  	[sflag:s6] =	ssyncadd.s32 $0xFFFF0000  }
0x39a: {  	_ =	swait.ge [sflag:s6], $0x10000  }
0x39b: {  	[sflag:s6] =	ssyncset.done $0x0  }
0x39c: {  	[sflag:s6] =	ssyncadd.s32 $0xFFFF0000  }
0x39d: {  	_ =	swait.ge [sflag:s6], $0x10000  }
0x39e: {  	[sflag:s6] =	ssyncset.done $0x0  }
0x39f: {  	[sflag:s6] =	ssyncadd.s32 $0xFFFF0000  }
0x3a0: {  	_ =	swait.ge [sflag:s6], $0x10000  }
0x3a1: {  	[sflag:s6] =	ssyncset.done $0x0  }
0x3a2: {  	[sflag:s6] =	ssyncadd.s32 $0xFFFF0000  }
0x3a3: {  	_ =	swait.ge [sflag:s6], $0x10000  }
0x3a4: {  	[sflag:s6] =	ssyncset.done $0x0  }
0x3a5: {  	[sflag:s6] =	ssyncadd.s32 $0xFFFF0000  }
0x3a6: {  	_ =	swait.ge [sflag:s6], $0x10000  }
0x3a7: {  	[sflag:s6] =	ssyncset.done $0x0  }
0x3a8: {  	[sflag:s6] =	ssyncadd.s32 $0xFFFF0000  }
0x3a9: {  	_ =	swait.ge [sflag:s6], $0x10000  }
0x3aa: {  	[sflag:s6] =	ssyncset.done $0x0  }
0x3ab: {  	[sflag:s6] =	ssyncadd.s32 $0xFFFF0000  }
0x3ac: {  	_ =	swait.ge [sflag:s6], $0x10000  }
0x3ad: {  	[sflag:s6] =	ssyncset.done $0x0  }
0x3ae: {  	[sflag:s6] =	ssyncadd.s32 $0xFFFF0000  }
0x3af: {  	_ =	swait.ge [sflag:s6], $0x10000  }
0x3b0: {  	[sflag:s6] =	ssyncset.done $0x0  }
0x3b1: {  	[sflag:s6] =	ssyncadd.s32 $0xFFFF0000  }
0x3b2: {  	_ =	swait.ge [sflag:s6], $0x10000  }
0x3b3: {  	[sflag:s6] =	ssyncset.done $0x0  }
0x3b4: {  	[sflag:s6] =	ssyncadd.s32 $0xFFFF0000  }
0x3b5: {  	_ =	swait.ge [sflag:s6], $0x10000  }
0x3b6: {  	[sflag:s6] =	ssyncset.done $0x0  }
0x3b7: {  	[sflag:s6] =	ssyncadd.s32 $0xFFFF0000  }
0x3b8: {  	_ =	swait.ge [sflag:s6], $0x10000  }
0x3b9: {  	[sflag:s6] =	ssyncset.done $0x0  }
0x3ba: {  	[sflag:s6] =	ssyncadd.s32 $0xFFFF0000  }
0x3bb: {  	_ =	swait.ge [sflag:s6], $0x10000  }
.Ltmp8:
0x3bc: {  	[sflag:s6] =	ssyncset.done $0x0;
	(pc) =	sbr.rel @p1 .LBB2_19-.Ltmp8, $4  }
0x3bd: {  	[sflag:s6] =	ssyncadd.s32 $0xFFFF0000  }
0x3be: {  	_ =	swait.ge [sflag:s6], $0x10000  }
0x3bf: {  	[sflag:s6] =	ssyncset.done $0x0  }
0x3c0: {  	[sflag:s6] =	ssyncadd.s32 $0xFFFF0000  }
0x3c1: {  	v3 =	vld [tilespmem:s15+$0x80]  }
0x3c2: {  	v4 =	vld [tilespmem:s28+$0x10]  }
0x3c3: {  	v5 =	vld [tilespmem:s28+$0x20]  }
0x3c4: {  	v6 =	vld [tilespmem:s28+$0x30]  }
0x3c5: {  	v7 =	vld [tilespmem:s28+$0x40]  }
0x3c6: {  	v8 =	vld [tilespmem:s28+$0x50]  }
0x3c7: {  	v9 =	vld [tilespmem:s28+$0x60]  }
0x3c8: {  	v10 =	vld [tilespmem:s28+$0x70]  }
0x3c9: {  	v11 =	vld [tilespmem:s28+$0x400]  }
0x3ca: {  	v12 =	vld [tilespmem:s28+$0x410]  }
0x3cb: {  	v13 =	vld [tilespmem:s28+$0x420]  }
0x3cc: {  	v14 =	vld [tilespmem:s28+$0x430]  }
0x3cd: {  	v15 =	vld [tilespmem:s28+$0x440]  }
0x3ce: {  	v16 =	vld [tilespmem:s28+$0x450]  }
0x3cf: {  	v17 =	vld [tilespmem:s28+$0x460]  }
0x3d0: {  	v18 =	vld [tilespmem:s28+$0x470]  }
0x3d1: {  	v19 =	vld [tilespmem:s28+$0x800]  }
0x3d2: {  	v20 =	vld [tilespmem:s28+$0x810]  }
0x3d3: {  	v21 =	vld [tilespmem:s28+$0x820]  }
0x3d4: {  	v22 =	vld [tilespmem:s28+$0x830]  }
0x3d5: {  	v23 =	vld [tilespmem:s28+$0x840]  }
0x3d6: {  	v24 =	vld [tilespmem:s28+$0x850]  }
0x3d7: {  	v25 =	vld [tilespmem:s28+$0x860]  }
0x3d8: {  	v26 =	vld [tilespmem:s28+$0x870]  }
0x3d9: {  	v27 =	vld [tilespmem:s28+$0xC00]  }
0x3da: {  	v28 =	vld [tilespmem:s28+$0xC10]  }
0x3db: {  	v34 =	vld [tilespmem:s28+$0xC70]  }
0x3dc: {  	v29 =	vld [tilespmem:s28+$0xC20]  }
0x3dd: {  	v30 =	vld [tilespmem:s28+$0xC30];
	s1 =	simm.s32 $0x0  }
0x3de: {  	v31 =	vld [tilespmem:s28+$0xC40];
	s2 =	sand.u32 $0xF000, s1;
	s1 =	sand.u32 $0x380, s1  }
0x3df: {  	v32 =	vld [tilespmem:s28+$0xC50];
	s9 =	sor.u32 s1, s2  }
0x3e0: {  	v33 =	vld [tilespmem:s28+$0xC60];
	[tilespmem:s9+$0xCCF0] =	vst v34  }
0x3e1: {  	[tilespmem:s9+$0xC080] =	vst v3  }
0x3e2: {  	[tilespmem:s9+$0xC090] =	vst v4  }
0x3e3: {  	[tilespmem:s9+$0xC0A0] =	vst v5  }
0x3e4: {  	[tilespmem:s9+$0xC0B0] =	vst v6  }
0x3e5: {  	[tilespmem:s9+$0xC0C0] =	vst v7  }
0x3e6: {  	[tilespmem:s9+$0xC0D0] =	vst v8  }
0x3e7: {  	[tilespmem:s9+$0xC0E0] =	vst v9  }
0x3e8: {  	[tilespmem:s9+$0xC0F0] =	vst v10  }
0x3e9: {  	[tilespmem:s9+$0xC480] =	vst v11  }
0x3ea: {  	[tilespmem:s9+$0xC490] =	vst v12  }
0x3eb: {  	[tilespmem:s9+$0xC4A0] =	vst v13  }
0x3ec: {  	[tilespmem:s9+$0xC4B0] =	vst v14  }
0x3ed: {  	[tilespmem:s9+$0xC4C0] =	vst v15  }
0x3ee: {  	[tilespmem:s9+$0xC4D0] =	vst v16  }
0x3ef: {  	[tilespmem:s9+$0xC4E0] =	vst v17  }
0x3f0: {  	[tilespmem:s9+$0xC4F0] =	vst v18  }
0x3f1: {  	[tilespmem:s9+$0xC880] =	vst v19  }
0x3f2: {  	[tilespmem:s9+$0xC890] =	vst v20  }
0x3f3: {  	[tilespmem:s9+$0xC8A0] =	vst v21  }
0x3f4: {  	[tilespmem:s9+$0xC8B0] =	vst v22  }
0x3f5: {  	[tilespmem:s9+$0xC8C0] =	vst v23  }
0x3f6: {  	[tilespmem:s9+$0xC8D0] =	vst v24  }
0x3f7: {  	[tilespmem:s9+$0xC8E0] =	vst v25  }
0x3f8: {  	[tilespmem:s9+$0xC8F0] =	vst v26  }
0x3f9: {  	[tilespmem:s9+$0xCC80] =	vst v27  }
0x3fa: {  	[tilespmem:s9+$0xCC90] =	vst v28  }
0x3fb: {  	[tilespmem:s9+$0xCCA0] =	vst v29  }
0x3fc: {  	[tilespmem:s9+$0xCCB0] =	vst v30  }
0x3fd: {  	s13 =	simm.s32 $0x200;
	s11 =	simm.s32 $0x80;
	[tilespmem:s9+$0xCCC0] =	vst v31  }
0x3fe: {  	s8 =	sand.u32 $0x380, s11;
	s1 =	sand.u32 $0xF000, s13;
	s2 =	simm.s32 $0x400;
	[tilespmem:s9+$0xCCD0] =	vst v32  }
.LBB2_15:
0x3ff: {  	p2 =	sne.s32 s2, $0xFE00;
	[tilespmem:s9+$0xCCE0] =	vst v33;
	s9 =	sor.u32 s8, s1  }
0x400: {  	[tilespmem:s9+$0xCCF0] =	vst v34  }
0x401: {  	[tilespmem:s9+$0xC080] =	vst v3  }
0x402: {  	[tilespmem:s9+$0xC090] =	vst v4  }
0x403: {  	[tilespmem:s9+$0xC0A0] =	vst v5  }
0x404: {  	[tilespmem:s9+$0xC0B0] =	vst v6  }
0x405: {  	[tilespmem:s9+$0xC0C0] =	vst v7  }
0x406: {  	[tilespmem:s9+$0xC0D0] =	vst v8  }
0x407: {  	[tilespmem:s9+$0xC0E0] =	vst v9  }
0x408: {  	[tilespmem:s9+$0xC0F0] =	vst v10  }
0x409: {  	[tilespmem:s9+$0xC480] =	vst v11  }
0x40a: {  	[tilespmem:s9+$0xC490] =	vst v12  }
0x40b: {  	[tilespmem:s9+$0xC4A0] =	vst v13  }
0x40c: {  	[tilespmem:s9+$0xC4B0] =	vst v14  }
0x40d: {  	[tilespmem:s9+$0xC4C0] =	vst v15  }
0x40e: {  	[tilespmem:s9+$0xC4D0] =	vst v16  }
0x40f: {  	[tilespmem:s9+$0xC4E0] =	vst v17  }
0x410: {  	[tilespmem:s9+$0xC4F0] =	vst v18  }
0x411: {  	[tilespmem:s9+$0xC880] =	vst v19  }
0x412: {  	[tilespmem:s9+$0xC890] =	vst v20  }
0x413: {  	[tilespmem:s9+$0xC8A0] =	vst v21  }
0x414: {  	[tilespmem:s9+$0xC8B0] =	vst v22  }
0x415: {  	[tilespmem:s9+$0xC8C0] =	vst v23  }
0x416: {  	[tilespmem:s9+$0xC8D0] =	vst v24  }
0x417: {  	[tilespmem:s9+$0xC8E0] =	vst v25  }
0x418: {  	[tilespmem:s9+$0xC8F0] =	vst v26  }
0x419: {  	[tilespmem:s9+$0xCC80] =	vst v27  }
.Ltmp9:
0x41a: {  	[tilespmem:s9+$0xCC90] =	vst v28;
	(pc) =	sbr.rel @p2 .LBB2_15-.Ltmp9, $4  }
0x41b: {  	[tilespmem:s9+$0xCCA0] =	vst v29  }
0x41c: {  	[tilespmem:s9+$0xCCB0] =	vst v30  }
0x41d: {  	s11 =	sadd.s32 $0x80, s11;
	[tilespmem:s9+$0xCCC0] =	vst v31  }
0x41e: {  	s1 =	sand.u32 $0xF000, s2;
	s2 =	sadd.s32 $0x200, s2;
	s8 =	sand.u32 $0x380, s11;
	[tilespmem:s9+$0xCCD0] =	vst v32  }
0x41f: {  	s1 =	sor.u32 s8, s1;
	[tilespmem:s9+$0xCCE0] =	vst v33  }
0x420: {  	[tilespmem:s1+$0xCCF0] =	vst v34  }
0x421: {  	[tilespmem:s1+$0xC080] =	vst v3  }
0x422: {  	[tilespmem:s1+$0xC090] =	vst v4  }
0x423: {  	[tilespmem:s1+$0xC0A0] =	vst v5  }
0x424: {  	[tilespmem:s1+$0xC0B0] =	vst v6  }
0x425: {  	[tilespmem:s1+$0xC0C0] =	vst v7  }
0x426: {  	[tilespmem:s1+$0xC0D0] =	vst v8  }
0x427: {  	[tilespmem:s1+$0xC0E0] =	vst v9  }
0x428: {  	[tilespmem:s1+$0xC0F0] =	vst v10  }
0x429: {  	[tilespmem:s1+$0xC480] =	vst v11  }
0x42a: {  	[tilespmem:s1+$0xC490] =	vst v12  }
0x42b: {  	[tilespmem:s1+$0xC4A0] =	vst v13  }
0x42c: {  	[tilespmem:s1+$0xC4B0] =	vst v14  }
0x42d: {  	[tilespmem:s1+$0xC4C0] =	vst v15  }
0x42e: {  	[tilespmem:s1+$0xC4D0] =	vst v16  }
0x42f: {  	[tilespmem:s1+$0xC4E0] =	vst v17  }
0x430: {  	[tilespmem:s1+$0xC4F0] =	vst v18  }
0x431: {  	[tilespmem:s1+$0xC880] =	vst v19  }
0x432: {  	[tilespmem:s1+$0xC890] =	vst v20  }
0x433: {  	[tilespmem:s1+$0xC8A0] =	vst v21  }
0x434: {  	[tilespmem:s1+$0xC8B0] =	vst v22  }
0x435: {  	[tilespmem:s1+$0xC8C0] =	vst v23  }
0x436: {  	[tilespmem:s1+$0xC8D0] =	vst v24  }
0x437: {  	[tilespmem:s1+$0xC8E0] =	vst v25  }
0x438: {  	[tilespmem:s1+$0xC8F0] =	vst v26  }
0x439: {  	[tilespmem:s1+$0xCC80] =	vst v27  }
0x43a: {  	[tilespmem:s1+$0xCC90] =	vst v28  }
0x43b: {  	[tilespmem:s1+$0xCCA0] =	vst v29  }
0x43c: {  	[tilespmem:s1+$0xCCB0] =	vst v30  }
0x43d: {  	s2 =	sld [smem:$0x7D2];
	[tilespmem:s1+$0xCCC0] =	vst v31  }
0x43e: {  	s8 =	sld [smem:$0x7D3];
	[tilespmem:s1+$0xCCD0] =	vst v32  }
0x43f: {  	s9 =	sld [smem:$0x7D4];
	[tilespmem:s1+$0xCCE0] =	vst v33;
	s1 =	simm.s32 $0x0  }
0x440: {  	[hbm4b:s2+s1] =	stream.linear.scatter [tilespmem:s31], [sflag:$0x3], $0x10000, $0x38;
	[tilespmem:$0x1F080] =	vst v63  }
0x441: {  	s11 =	sld [smem:$0x7D5]  }
0x442: {  	[hbm4b:s8+s1] =	stream.linear.scatter [tilespmem:s31], [sflag:$0x3], $0x10000, $0x38;
	[tilespmem:$0x1F080] =	vst v63  }
0x443: {  	s13 =	sld [smem:$0x7D6]  }
0x444: {  	[hbm4b:s9+s1] =	stream.linear.scatter [tilespmem:s31], [sflag:$0x3], $0x10000, $0x38;
	[tilespmem:$0x1F080] =	vst v63  }
0x445: {  	s8 =	sld [smem:$0x7D7]  }
0x446: {  	[hbm4b:s11+s1] =	stream.linear.scatter [tilespmem:s31], [sflag:$0x3], $0x10000, $0x38;
	[tilespmem:$0x1F080] =	vst v63  }
0x447: {  	s9 =	sld [smem:$0x7D8]  }
0x448: {  	[hbm4b:s13+s1] =	stream.linear.scatter [tilespmem:s31], [sflag:$0x3], $0x10000, $0x38;
	[tilespmem:$0x1F080] =	vst v63  }
0x449: {  	s11 =	sld [smem:$0x7D9]  }
0x44a: {  	[hbm4b:s8+s1] =	stream.linear.scatter [tilespmem:s31], [sflag:$0x3], $0x10000, $0x38;
	[tilespmem:$0x1F080] =	vst v63  }
0x44b: {  	s13 =	sld [smem:$0x7DA]  }
0x44c: {  	[hbm4b:s9+s1] =	stream.linear.scatter [tilespmem:s31], [sflag:$0x3], $0x10000, $0x38;
	[tilespmem:$0x1F080] =	vst v63  }
0x44d: {  	s8 =	sld [smem:$0x7DB]  }
0x44e: {  	[hbm4b:s11+s1] =	stream.linear.scatter [tilespmem:s31], [sflag:$0x3], $0x10000, $0x38;
	[tilespmem:$0x1F080] =	vst v63  }
0x44f: {  	s9 =	sld [smem:$0x7DC]  }
0x450: {  	[hbm4b:s13+s1] =	stream.linear.scatter [tilespmem:s31], [sflag:$0x3], $0x10000, $0x38;
	[tilespmem:$0x1F080] =	vst v63  }
0x451: {  	s11 =	sld [smem:$0x7DD]  }
0x452: {  	[hbm4b:s8+s1] =	stream.linear.scatter [tilespmem:s31], [sflag:$0x3], $0x10000, $0x38;
	[tilespmem:$0x1F080] =	vst v63  }
0x453: {  	s13 =	sld [smem:$0x7DE]  }
0x454: {  	[hbm4b:s9+s1] =	stream.linear.scatter [tilespmem:s31], [sflag:$0x3], $0x10000, $0x38;
	[tilespmem:$0x1F080] =	vst v63  }
0x455: {  	s8 =	sld [smem:$0x7DF]  }
0x456: {  	[hbm4b:s11+s1] =	stream.linear.scatter [tilespmem:s31], [sflag:$0x3], $0x10000, $0x38;
	[tilespmem:$0x1F080] =	vst v63  }
0x457: {  	s9 =	sld [smem:$0x7E0]  }
0x458: {  	[hbm4b:s13+s1] =	stream.linear.scatter [tilespmem:s31], [sflag:$0x3], $0x10000, $0x38;
	[tilespmem:$0x1F080] =	vst v63  }
0x459: {  	s11 =	sld [smem:$0x7E1]  }
0x45a: {  	[hbm4b:s8+s1] =	stream.linear.scatter [tilespmem:s31], [sflag:$0x3], $0x10000, $0x38;
	[tilespmem:$0x1F080] =	vst v63  }
0x45b: {  	s13 =	sld [smem:$0x7E2]  }
0x45c: {  	[hbm4b:s9+s1] =	stream.linear.scatter [tilespmem:s31], [sflag:$0x3], $0x10000, $0x38;
	[tilespmem:$0x1F080] =	vst v63  }
0x45d: {  	s8 =	sld [smem:$0x7E4]  }
0x45e: {  	[hbm4b:s11+s1] =	stream.linear.scatter [tilespmem:s31], [sflag:$0x3], $0x10000, $0x38;
	[tilespmem:$0x1F080] =	vst v63  }
0x45f: {  	s9 =	sld [smem:$0x7E5]  }
0x460: {  	[hbm4b:s13+s1] =	stream.linear.scatter [tilespmem:s31], [sflag:$0x3], $0x10000, $0x38;
	[tilespmem:$0x1F080] =	vst v63  }
0x461: {  	s11 =	sld [smem:$0x7E7]  }
0x462: {  	[hbm4b:s8+s1] =	stream.linear.scatter [tilespmem:s31], [sflag:$0x3], $0x10000, $0x38;
	[tilespmem:$0x1F080] =	vst v63  }
0x463: {  	s13 =	sld [smem:$0x7E8]  }
0x464: {  	[hbm4b:s9+s1] =	stream.linear.scatter [tilespmem:s31], [sflag:$0x3], $0x10000, $0x38;
	[tilespmem:$0x1F080] =	vst v63  }
0x465: {  	s8 =	sld [smem:$0x7EA]  }
0x466: {  	[hbm4b:s11+s1] =	stream.linear.scatter [tilespmem:s31], [sflag:$0x3], $0x10000, $0x38;
	[tilespmem:$0x1F080] =	vst v63  }
0x467: {  	s9 =	sld [smem:$0x7EB]  }
0x468: {  	[hbm4b:s13+s1] =	stream.linear.scatter [tilespmem:s31], [sflag:$0x3], $0x10000, $0x38;
	[tilespmem:$0x1F080] =	vst v63  }
0x469: {  	s11 =	sld [smem:$0x7ED]  }
0x46a: {  	[hbm4b:s8+s1] =	stream.linear.scatter [tilespmem:s31], [sflag:$0x3], $0x10000, $0x38;
	[tilespmem:$0x1F080] =	vst v63  }
0x46b: {  	s13 =	sld [smem:$0x7EE]  }
0x46c: {  	[hbm4b:s9+s1] =	stream.linear.scatter [tilespmem:s31], [sflag:$0x3], $0x10000, $0x38;
	[tilespmem:$0x1F080] =	vst v63  }
0x46d: {  	s8 =	sld [smem:$0x7F0]  }
0x46e: {  	[hbm4b:s11+s1] =	stream.linear.scatter [tilespmem:s31], [sflag:$0x3], $0x10000, $0x38;
	[tilespmem:$0x1F080] =	vst v63  }
0x46f: {  	s9 =	sld [smem:$0x7F1]  }
0x470: {  	[hbm4b:s13+s1] =	stream.linear.scatter [tilespmem:s31], [sflag:$0x3], $0x10000, $0x38;
	[tilespmem:$0x1F080] =	vst v63  }
0x471: {  	s11 =	sld [smem:$0x7F2]  }
0x472: {  	[hbm4b:s8+s1] =	stream.linear.scatter [tilespmem:s31], [sflag:$0x3], $0x10000, $0x38;
	[tilespmem:$0x1F080] =	vst v63  }
0x473: {  	s13 =	sld [smem:$0x7F3]  }
0x474: {  	[hbm4b:s9+s1] =	stream.linear.scatter [tilespmem:s31], [sflag:$0x3], $0x10000, $0x38;
	[tilespmem:$0x1F080] =	vst v63  }
0x475: {  	s8 =	sld [smem:$0x7F4]  }
0x476: {  	[hbm4b:s11+s1] =	stream.linear.scatter [tilespmem:s31], [sflag:$0x3], $0x10000, $0x38;
	[tilespmem:$0x1F080] =	vst v63  }
0x477: {  	s9 =	sld [smem:$0x7F5]  }
0x478: {  	[hbm4b:s13+s1] =	stream.linear.scatter [tilespmem:s31], [sflag:$0x3], $0x10000, $0x38;
	[tilespmem:$0x1F080] =	vst v63  }
0x479: {  	s11 =	sld [smem:$0x7F6]  }
0x47a: {  	[hbm4b:s8+s1] =	stream.linear.scatter [tilespmem:s31], [sflag:$0x3], $0x10000, $0x38;
	[tilespmem:$0x1F080] =	vst v63  }
0x47b: {  	s13 =	sld [smem:$0x7D0]  }
0x47c: {  	[hbm4b:s9+s1] =	stream.linear.scatter [tilespmem:s31], [sflag:$0x3], $0x10000, $0x38;
	[tilespmem:$0x1F080] =	vst v63  }
0x47d: {  	_ = 	snop  }
0x47e: {  	[hbm4b:s11+s1] =	stream.linear.scatter [tilespmem:s31], [sflag:$0x3], $0x10000, $0x38;
	[tilespmem:$0x1F080] =	vst v63  }
0x47f: {  	v3 =	vld.msk [tilespmem:s13+$0x0 ss:$0x0], $0xffff;
	_ =	sdelay $0x3  }
0x480: {  	s2 =	simm.s32 $0x0;
	s1 =	simm.s32 $0x40  }
.LBB2_17:
0x481: {  	p2 =	sne.s32 s1, $0x3FC0;
	[tilespmem:s2+$0x1E080] =	vst v3;
	s2 =	smov.u32 s1;
	s1 =	sadd.s32 $0x40, s1  }
.Ltmp10:
0x482: {  	(pc) =	sbr.rel @p2 .LBB2_17-.Ltmp10, $2  }
0x483: {  	_ =	sdelay $0x2  }
0x484: {  	s2 =	sshra.s32 s2, $0x2  }
.Ltmp11:
0x485: {  	_ = 	snop;
	(pc) =	sbr.rel .LBB2_18-.Ltmp11, $1  }
0x486: {  	_ =	sdelay $0x3  }
.LBB2_20:
0x487: {  	_ =	sfence.sel $0x180000  }
0x488: {  	[bflag:$0x0] =	sbarrier.arrive $0xFFFF  }
0x489: {  	_ =	strace $0x90000047  }
0x48a: {  	s0 =	stileid.u32;
	[bflag:$0x2] =	sbarrier.arrive $0xFFFF  }
0x48b: {  	p0 =	sne.s32 s0, $0x0;
	s0 =	rddreg [dreg:$0x5]  }
0x48c: {  	s0 =	sadd.s32 @!p0 $0x100000, s0  }
0x48d: {  	[sflag:s0] =	ssyncadd.tile.s32 @!p0 $0x1;
	_ =	shalt  }
.Lfunc_end2:
_tile_overlayer_lowered:
.L_overlay_start_2:
0x48e: {  	(tag) =	ssettag $0x2  }
0x48f: {  	s0 =	rddreg [dreg:$0x0];
	s2 =	stileid.u32  }
0x490: {  	s1 =	rddreg [dreg:$0x1];
	p0 =	sne.s32 s2, $0x0  }
0x491: {  	s3 =	rddreg [dreg:$0x2];
	[bflag:$0x3] =	sbarrier.arrive $0xFFFF;
	s2 =	simm.s32 @!p0 $0x1C05  }
0x492: {  	[timem:s3], [sflag:s2] =	dma.local @!p0 [hbm:s0], s1  }
0x493: {  	s0 =	simm.s32 @!p0 $0x5  }
0x494: {  	_ =	swait.ge @!p0 [sflag:s0], s1  }
0x495: {  	s1 =	ssub.s32 @!p0 $0x0, s1;
	[sflag:s0] =	ssyncset.done @!p0 $0x0  }
0x496: {  	[sflag:s0] =	ssyncadd.s32 @!p0 s1  }
0x497: {  	[bflag:$0x3] =	sbarrier.arrive $0xFFFF  }
0x498: {  	_ =	shalt  }

</sc_bundles>
